<compile_context>
chip_gen: v7x
topology: tpu7x:2x2x1
jax: 0.10.2.dev20260603
libtpu: 0.0.44.dev20260713+nightly
codegen_flags: <defaults>
</compile_context>

<pallas_src>
import dataclasses
import functools

import jax
import jax.numpy as jnp
import numpy as np
from jax import lax
from jax.experimental import pallas as pl
from jax.experimental.pallas import tpu as pltpu
from jax.experimental.pallas import tpu_sc as plsc



def _threefry2x32_np(k1, k2, x0, x1):
    def rotl(x, d):
        return ((x << np.uint32(d)) | (x >> np.uint32(32 - d))).astype(np.uint32)

    ks0 = np.uint32(k1)
    ks1 = np.uint32(k2)
    ks2 = np.uint32(ks0 ^ ks1 ^ np.uint32(0x1BD11BDA))
    x0 = (x0 + ks0).astype(np.uint32)
    x1 = (x1 + ks1).astype(np.uint32)
    rot = [[13, 15, 26, 6], [17, 29, 16, 24]]
    inject = [(ks1, ks2, 1), (ks2, ks0, 2), (ks0, ks1, 3),
              (ks1, ks2, 4), (ks2, ks0, 5)]
    for g in range(5):
        for d in rot[g % 2]:
            x0 = (x0 + x1).astype(np.uint32)
            x1 = rotl(x1, d)
            x1 = (x1 ^ x0).astype(np.uint32)
        a, b, c = inject[g]
        x0 = (x0 + a).astype(np.uint32)
        x1 = (x1 + b + np.uint32(c)).astype(np.uint32)
    return x0, x1


def _uniform_key42_np(shape, minval, maxval):
    n = int(np.prod(shape))
    i = np.arange(n, dtype=np.uint64)
    hi = (i >> np.uint64(32)).astype(np.uint32)
    lo = (i & np.uint64(0xFFFFFFFF)).astype(np.uint32)
    x0, x1 = _threefry2x32_np(0, 42, hi, lo)
    bits = x0 ^ x1
    fb = ((bits >> np.uint32(9)) | np.uint32(0x3F800000)).view(np.float32)
    u = fb - np.float32(1.0)
    out = u * np.float32(maxval - minval) + np.float32(minval)
    return np.maximum(np.float32(minval), out).reshape(shape)


_U_CONST = _uniform_key42_np((4, 65536), 1e-20, 1.0)

_N = 16
_PH, _PW = 128, 128
_HS = 256
_ROWS = 512
_SCALE = 8
_HALF = 64


def _sample_body(z_ref, att_ref, fidx_ref, satt_ref, samples_ref, tl_ref,
                 starts_ref, z_scratch):
    B = z_ref.shape[0]
    z_scratch[...] = z_ref[...]
    att = att_ref[...]
    rows = lax.broadcasted_iota(jnp.int32, (B, _ROWS, 128), 1)
    cols = lax.broadcasted_iota(jnp.int32, (B, _ROWS, 128), 2)
    flat = rows * 128 + cols
    kcol = lax.broadcasted_iota(jnp.int32, (B, _N), 1)
    big = jnp.int32(2**31 - 1)
    fidx_acc = jnp.zeros((B, _N), jnp.int32)
    satt_acc = jnp.zeros((B, _N), jnp.float32)
    for k in range(_N):
        z = z_scratch[...]
        m = jnp.max(z, axis=(1, 2), keepdims=True)
        idx = jnp.min(jnp.where(z >= m, flat, big), axis=(1, 2))
        hit = flat == idx[:, None, None]
        satt = jnp.sum(jnp.where(hit, att, 0.0), axis=(1, 2))
        z_scratch[...] = jnp.where(hit, jnp.float32(-jnp.inf), z)
        sel = kcol == k
        fidx_acc = jnp.where(sel, idx[:, None], fidx_acc)
        satt_acc = jnp.where(sel, satt[:, None], satt_acc)
    sy = fidx_acc // _HS
    sx = fidx_acc % _HS
    samples = jnp.stack([sy, sx], axis=-1)
    fidx_ref[...] = fidx_acc[:, None, :]
    satt_ref[...] = satt_acc[:, None, :]
    samples_ref[...] = samples
    tl_ref[...] = jnp.float32(_SCALE) * samples.astype(jnp.float32) - _HALF
    starts_ref[...] = jnp.clip(_SCALE * samples - _HALF, 0, 2048 - _PH)


def _run_sampling(z, att):
    B = z.shape[0]
    z3 = z.reshape(B, _ROWS, 128)
    att3 = att.reshape(B, _ROWS, 128)
    out = pl.pallas_call(
        _sample_body,
        out_shape=[
            jax.ShapeDtypeStruct((B, 1, _N), jnp.int32),
            jax.ShapeDtypeStruct((B, 1, _N), jnp.float32),
            jax.ShapeDtypeStruct((B, _N, 2), jnp.int32),
            jax.ShapeDtypeStruct((B, _N, 2), jnp.float32),
            jax.ShapeDtypeStruct((B, _N, 2), jnp.int32),
        ],
        scratch_shapes=[pltpu.VMEM((B, _ROWS, 128), jnp.float32)],
    )(z3, att3)
    return out


_SLAB_W = 256
_SLAB_H = 64
_NSLAB = 4


def _patch_gather(x_planar, starts):
    BN = starts.shape[0] // 2
    C, Hh, Wh = x_planar.shape[1], x_planar.shape[2], x_planar.shape[3]
    per_tile = BN // 32
    units = [(j, c, h) for j in range(per_tile) for c in range(C)
             for h in range(_PH // _SLAB_H)]
    mesh = plsc.VectorSubcoreMesh(core_axis_name="c", subcore_axis_name="s")
    cp = pltpu.CompilerParams()
    if "needs_layout_passes" in pltpu.CompilerParams.__dataclass_fields__:
        cp = dataclasses.replace(cp, needs_layout_passes=False)

    @functools.partial(
        pl.kernel,
        out_type=jax.ShapeDtypeStruct((BN, C, _PH, _PW), jnp.float32),
        mesh=mesh,
        compiler_params=cp,
        scratch_types=(
            [pltpu.VMEM((2 * BN,), jnp.int32)]
            + [pltpu.VMEM((_SLAB_H, _SLAB_W), jnp.float32)] * _NSLAB
            + [pltpu.VMEM((_SLAB_H, _PW), jnp.float32)] * _NSLAB
            + [pltpu.SemaphoreType.DMA] * (2 * _NSLAB)
        ),
    )
    def k2(starts_hbm, xh_hbm, out_hbm, st_v, *slabs_sems):
        slabs = slabs_sems[:_NSLAB]
        obufs = slabs_sems[_NSLAB:2 * _NSLAB]
        in_sems = slabs_sems[2 * _NSLAB:3 * _NSLAB]
        out_sems = slabs_sems[3 * _NSLAB:]
        wid = lax.axis_index("s") * 2 + lax.axis_index("c")
        pltpu.sync_copy(starts_hbm, st_v)
        p0 = wid * per_tile
        iota16 = lax.broadcasted_iota(jnp.int32, (16,), 0)
        chunk_off = pl.multiple_of((wid // 4) * 16, 16)
        stv = st_v[pl.ds(chunk_off, 16)]
        lane0 = 4 * wid - chunk_off

        def extract(k):
            return jnp.max(jnp.where(iota16 == k, stv, jnp.int32(-1)))

        coords = []
        for j in range(per_tile):
            y0 = pl.multiple_of(extract(lane0 + 2 * j), 8)
            x0 = extract(lane0 + 2 * j + 1)
            xa = pl.multiple_of(
                jnp.minimum((x0 // 128) * 128, Wh - _SLAB_W), 128)
            coords.append((y0, xa, x0 - xa))

        def start_in(u):
            j, c, h = units[u]
            y0, xa, _ = coords[j]
            yh = pl.multiple_of(y0 + h * _SLAB_H, 8)
            return pltpu.async_copy(
                xh_hbm.at[(p0 + j) // _N, c, pl.ds(yh, _SLAB_H),
                          pl.ds(xa, _SLAB_W)],
                slabs[u % _NSLAB], in_sems[u % _NSLAB])

        nu = len(units)
        in_copies = {u: start_in(u) for u in range(_NSLAB)}
        out_copies = {}
        for u in range(nu):
            su = u % _NSLAB
            j, c, h = units[u]
            s = coords[j][2]
            slab = slabs[su]
            obuf = obufs[su]
            in_copies[u].wait()
            if u >= _NSLAB:
                out_copies[u - _NSLAB].wait()

            colbase = s + iota16

            @pl.loop(0, _SLAB_H)
            def _(r):
                row = jnp.full((16,), r, jnp.int32)
                for c0 in range(0, _PW, 16):
                    v = plsc.load_gather(slab, [row, colbase + c0])
                    obuf[r, pl.ds(c0, 16)] = v

            out_copies[u] = pltpu.async_copy(
                obuf, out_hbm.at[p0 + j, c, pl.ds(h * _SLAB_H, _SLAB_H)],
                out_sems[su])
            if u + _NSLAB < nu:
                in_copies[u + _NSLAB] = start_in(u + _NSLAB)
        for u in range(nu - _NSLAB, nu):
            out_copies[u].wait()

    return k2(starts, x_planar)


def kernel(x_low, x_high, attention):
    B, Hl, Wl, _ = x_low.shape
    _, Hh, Wh, C = x_high.shape

    att_flat = attention.reshape(B, -1)
    g = -jnp.log(-jnp.log(jnp.asarray(_U_CONST)))
    z = jnp.log(jnp.maximum(att_flat, 1e-20)) + g

    _, satt, samples, tl, starts = _run_sampling(z, att_flat)
    satt = satt.reshape(B, _N)

    x_planar = jnp.transpose(x_high, (0, 3, 1, 2))
    patches = _patch_gather(x_planar, starts.reshape(2 * B * _N))
    patches = patches.reshape(B, _N, C, _PH, _PW).transpose(0, 1, 3, 4, 2)
    return patches, satt, tl, samples

# --- scband reference (transcript-rebuilt; emitter-appended) ---
"""Pipeline reference for scband-sample-patches-57148834841007 (READ-ONLY COPY).

The authoritative reference and input builder live on the scoring server;
editing this copy changes nothing except your own understanding.
"""

import jax, jax.numpy as jnp
import numpy as np

N_PATCHES = 16
PATCH = (128, 128)
RECEPTIVE_FIELD = 0


def setup_inputs(seed: int = 0) -> dict:
    key = jax.random.key(seed)
    k1, k2, k3 = jax.random.split(key, 3)
    x_low = jax.random.uniform(k1, (4, 256, 256, 3), dtype=jnp.float32)
    x_high = jax.random.uniform(k2, (4, 2048, 2048, 3), dtype=jnp.float32)
    att = jax.random.uniform(k3, (4, 256, 256), dtype=jnp.float32) + 1e-6
    att = att / jnp.sum(att, axis=(1, 2), keepdims=True)
    return {"x_low": x_low, "x_high": x_high, "attention": att}


def _sample_without_replacement(logits, n, key):
    # Gumbel top-k == sampling without replacement from softmax(logits)
    u = jax.random.uniform(key, logits.shape, minval=1e-20, maxval=1.0)
    g = -jnp.log(-jnp.log(u))
    _, idx = jax.lax.top_k(logits + g, n)
    return idx


def reference(x_low, x_high, attention):
    B, Hl, Wl, _ = x_low.shape
    _, Hh, Wh, C = x_high.shape
    Hs, Ws = attention.shape[1], attention.shape[2]
    ph, pw = PATCH

    # ---- sample(): multinomial sampling without replacement over attention map
    att_flat = attention.reshape(B, -1)
    logits = jnp.log(jnp.maximum(att_flat, 1e-20))  # use_logits=False -> log(attention)
    key = jax.random.key(42)
    flat_idx = _sample_without_replacement(logits, N_PATCHES, key)  # [B, N]
    sy = flat_idx // Ws
    sx = flat_idx % Ws
    samples = jnp.stack([sy, sx], axis=-1)  # [B, N, 2] int indices in sample space
    sampled_attention = jnp.take_along_axis(att_flat, flat_idx, axis=1)  # [B, N]

    # ---- offsets (receptive_field == 0 -> zeros)
    offsets = jnp.zeros(samples.shape, jnp.float32) + RECEPTIVE_FIELD / 2.0

    # ---- FromTensors.patches: translate sample-space coords -> high-res coords, extract patches
    prev_patch = jnp.array([Hl - RECEPTIVE_FIELD, Wl - RECEPTIVE_FIELD], jnp.float32)
    space = jnp.array([Hs, Ws], jnp.float32)
    pos_low = offsets + samples.astype(jnp.float32) * (prev_patch / space)  # position in x_low
    scale = jnp.array([Hh / Hl, Wh / Wl], jnp.float32)
    pos_high = pos_low * scale  # position in x_high
    half = jnp.array([ph / 2.0, pw / 2.0], jnp.float32)
    tl = pos_high - half  # top-left corner offsets in high-res coords
    start = jnp.clip(jnp.round(tl).astype(jnp.int32),
                     jnp.array([0, 0], jnp.int32),
                     jnp.array([Hh - ph, Wh - pw], jnp.int32))

    def one_patch(img, s):
        return jax.lax.dynamic_slice(img, (s[0], s[1], jnp.zeros((), s.dtype)), (ph, pw, C))

    def per_image(img, starts):
        return jax.vmap(lambda s: one_patch(img, s))(starts)

    patches = jax.vmap(per_image)(x_high, start)  # [B, N, ph, pw, C]
    return patches, sampled_attention, tl, samples

if __name__ == "__main__":
    import jax
    _d = setup_inputs()
    print(jax.jit(kernel)(*tuple(_d.values())))

</pallas_src>

<mosaic_0001>
#map = affine_map<(d0, d1) -> (0)>
#map1 = affine_map<(d0, d1) -> (0, 0, 0, 0)>
module attributes {stable_mosaic.version = 14 : i64} {
  func.func @k2(%arg0: i32, %arg1: i32, %arg2: memref<128xi32, #tpu.memory_space<hbm>>, %arg3: memref<4x3x2048x2048xf32, #tpu.memory_space<hbm>>, %arg4: memref<64x3x128x128xf32, #tpu.memory_space<hbm>>, %arg5: memref<128xi32, #tpu.memory_space<vmem>>, %arg6: memref<64x256xf32, #tpu.memory_space<vmem>>, %arg7: memref<64x256xf32, #tpu.memory_space<vmem>>, %arg8: memref<64x256xf32, #tpu.memory_space<vmem>>, %arg9: memref<64x256xf32, #tpu.memory_space<vmem>>, %arg10: memref<64x128xf32, #tpu.memory_space<vmem>>, %arg11: memref<64x128xf32, #tpu.memory_space<vmem>>, %arg12: memref<64x128xf32, #tpu.memory_space<vmem>>, %arg13: memref<64x128xf32, #tpu.memory_space<vmem>>, %arg14: memref<!tpu.dma_semaphore, #tpu.memory_space<semaphore_mem>>, %arg15: memref<!tpu.dma_semaphore, #tpu.memory_space<semaphore_mem>>, %arg16: memref<!tpu.dma_semaphore, #tpu.memory_space<semaphore_mem>>, %arg17: memref<!tpu.dma_semaphore, #tpu.memory_space<semaphore_mem>>, %arg18: memref<!tpu.dma_semaphore, #tpu.memory_space<semaphore_mem>>, %arg19: memref<!tpu.dma_semaphore, #tpu.memory_space<semaphore_mem>>, %arg20: memref<!tpu.dma_semaphore, #tpu.memory_space<semaphore_mem>>, %arg21: memref<!tpu.dma_semaphore, #tpu.memory_space<semaphore_mem>>) attributes {dimension_semantics = [#tpu.dimension_semantics<core_parallel>, #tpu.dimension_semantics<subcore_parallel>], iteration_bounds = array<i64: 2, 16>, scalar_prefetch = 0 : i64, scratch_operands = 17 : i64, tpu.core_type = #tpu.core_type<sc_vector_subcore>, window_params = [{transform_indices = #map}, {transform_indices = #map1}, {transform_indices = #map1}]} {
    %mul3A = arith.constant 2 : i32
    %mul3A_0 = arith.muli %arg1, %mul3A : i32
    %add3A = arith.addi %mul3A_0, %arg0 : i32
    "tpu.region"() ({
      %run_scoped3A = tpu.sem_alloc : memref<!tpu.dma_semaphore, #tpu.memory_space<semaphore_mem>>
      tpu.enqueue_dma source(%arg2 : memref<128xi32, #tpu.memory_space<hbm>>) target(%arg5 : memref<128xi32, #tpu.memory_space<vmem>>) target_semaphore(%run_scoped3A : memref<!tpu.dma_semaphore, #tpu.memory_space<semaphore_mem>>)
      tpu.wait_dma2 semaphore(%run_scoped3A : memref<!tpu.dma_semaphore, #tpu.memory_space<semaphore_mem>>) src(%arg2 : memref<128xi32, #tpu.memory_space<hbm>>) dst(%arg5 : memref<128xi32, #tpu.memory_space<vmem>>)
      tpu.yield
    }) : () -> ()
    %mul3A_1 = arith.constant 2 : i32
    %mul3A_2 = arith.muli %add3A, %mul3A_1 : i32
    %iota3A = tpu.iota {dimensions = array<i32: 0>} : vector<16xi32>
    %jit3A = arith.constant 4 : i32
    %div3A = arith.divsi %add3A, %jit3A : i32
    %sign3A = arith.constant 0 : i32
    %sign3A_3 = arith.cmpi sgt, %add3A, %sign3A : i32
    %sign3A_4 = arith.extui %sign3A_3 : i1 to i32
    %sign3A_5 = arith.constant 0 : i32
    %sign3A_6 = arith.cmpi slt, %add3A, %sign3A_5 : i32
    %sign3A_7 = arith.extui %sign3A_6 : i1 to i32
    %sign3A_8 = arith.subi %sign3A_4, %sign3A_7 : i32
    %sign3A_9 = arith.constant 0 : i32
    %sign3A_10 = arith.cmpi sgt, %jit3A, %sign3A_9 : i32
    %sign3A_11 = arith.extui %sign3A_10 : i1 to i32
    %sign3A_12 = arith.constant 0 : i32
    %sign3A_13 = arith.cmpi slt, %jit3A, %sign3A_12 : i32
    %sign3A_14 = arith.extui %sign3A_13 : i1 to i32
    %sign3A_15 = arith.subi %sign3A_11, %sign3A_14 : i32
    %ne3A = arith.cmpi ne, %sign3A_8, %sign3A_15 : i32
    %rem3A = arith.remsi %add3A, %jit3A : i32
    %ne3A_16 = arith.constant 0 : i32
    %ne3A_17 = arith.cmpi ne, %rem3A, %ne3A_16 : i32
    %and3A = arith.andi %ne3A, %ne3A_17 : i1
    %sub3A = arith.constant 1 : i32
    %sub3A_18 = arith.subi %div3A, %sub3A : i32
    %select_n3A = arith.select %and3A, %sub3A_18, %div3A : i32
    %mul3A_19 = arith.constant 16 : i32
    %mul3A_20 = arith.muli %select_n3A, %mul3A_19 : i32
    %multiple_of3A = tpu.assume_multiple %mul3A_20, 16 : i32
    %get3A = arith.index_cast %multiple_of3A : i32 to index
    %get3A_21 = tpu.vector_load %arg5[%get3A] {strides = array<i32>} : memref<128xi32, #tpu.memory_space<vmem>>, vector<16xi32>,
    %mul3A_22 = arith.constant 4 : i32
    %mul3A_23 = arith.muli %mul3A_22, %add3A : i32
    %sub3A_24 = arith.subi %mul3A_23, %multiple_of3A : i32
    %add3A_25 = arith.constant 0 : i32
    %add3A_26 = arith.addi %sub3A_24, %add3A_25 : i32
    %eq3A = vector.broadcast %add3A_26 : i32 to vector<16xi32>
    %eq3A_27 = arith.cmpi eq, %iota3A, %eq3A : vector<16xi32>
    %jit3A_28 = arith.constant -1 : i32
    %broadcast_in_dim3A = vector.broadcast %jit3A_28 : i32 to vector<16xi32>
    %select_n3A_29 = arith.select %eq3A_27, %get3A_21, %broadcast_in_dim3A : vector<16xi1>, vector<16xi32>
    %reduce_max3A = arith.constant true
    %reduce_max3A_30 = vector.broadcast %reduce_max3A : i1 to vector<16xi1>
    %reduce_max3A_31 = arith.constant -2147483648 : i32
    %reduce_max3A_32 = vector.broadcast %reduce_max3A_31 : i32 to vector<16xi32>
    %reduce_max3A_33 = arith.xori %select_n3A_29, %reduce_max3A_32 : vector<16xi32>
    %reduce_max3A_34 = tpu.scan <max>, %reduce_max3A_33 masked %reduce_max3A_30 : vector<16xi32>, vector<16xi1> -> vector<16xi32>
    %reduce_max3A_35 = arith.xori %reduce_max3A_34, %reduce_max3A_32 : vector<16xi32>
    %reduce_max3A_36 = vector.extract %reduce_max3A_35[15] : i32 from vector<16xi32>
    %multiple_of3A_37 = tpu.assume_multiple %reduce_max3A_36, 8 : i32
    %add3A_38 = arith.constant 0 : i32
    %add3A_39 = arith.addi %sub3A_24, %add3A_38 : i32
    %add3A_40 = arith.constant 1 : i32
    %add3A_41 = arith.addi %add3A_39, %add3A_40 : i32
    %eq3A_42 = vector.broadcast %add3A_41 : i32 to vector<16xi32>
    %eq3A_43 = arith.cmpi eq, %iota3A, %eq3A_42 : vector<16xi32>
    %jit3A_44 = arith.constant -1 : i32
    %broadcast_in_dim3A_45 = vector.broadcast %jit3A_44 : i32 to vector<16xi32>
    %select_n3A_46 = arith.select %eq3A_43, %get3A_21, %broadcast_in_dim3A_45 : vector<16xi1>, vector<16xi32>
    %reduce_max3A_47 = arith.constant true
    %reduce_max3A_48 = vector.broadcast %reduce_max3A_47 : i1 to vector<16xi1>
    %reduce_max3A_49 = arith.constant -2147483648 : i32
    %reduce_max3A_50 = vector.broadcast %reduce_max3A_49 : i32 to vector<16xi32>
    %reduce_max3A_51 = arith.xori %select_n3A_46, %reduce_max3A_50 : vector<16xi32>
    %reduce_max3A_52 = tpu.scan <max>, %reduce_max3A_51 masked %reduce_max3A_48 : vector<16xi32>, vector<16xi1> -> vector<16xi32>
    %reduce_max3A_53 = arith.xori %reduce_max3A_52, %reduce_max3A_50 : vector<16xi32>
    %reduce_max3A_54 = vector.extract %reduce_max3A_53[15] : i32 from vector<16xi32>
    %jit3A_55 = arith.constant 128 : i32
    %div3A_56 = arith.divsi %reduce_max3A_54, %jit3A_55 : i32
    %sign3A_57 = arith.constant 0 : i32
    %sign3A_58 = arith.cmpi sgt, %reduce_max3A_54, %sign3A_57 : i32
    %sign3A_59 = arith.extui %sign3A_58 : i1 to i32
    %sign3A_60 = arith.constant 0 : i32
    %sign3A_61 = arith.cmpi slt, %reduce_max3A_54, %sign3A_60 : i32
    %sign3A_62 = arith.extui %sign3A_61 : i1 to i32
    %sign3A_63 = arith.subi %sign3A_59, %sign3A_62 : i32
    %sign3A_64 = arith.constant 0 : i32
    %sign3A_65 = arith.cmpi sgt, %jit3A_55, %sign3A_64 : i32
    %sign3A_66 = arith.extui %sign3A_65 : i1 to i32
    %sign3A_67 = arith.constant 0 : i32
    %sign3A_68 = arith.cmpi slt, %jit3A_55, %sign3A_67 : i32
    %sign3A_69 = arith.extui %sign3A_68 : i1 to i32
    %sign3A_70 = arith.subi %sign3A_66, %sign3A_69 : i32
    %ne3A_71 = arith.cmpi ne, %sign3A_63, %sign3A_70 : i32
    %rem3A_72 = arith.remsi %reduce_max3A_54, %jit3A_55 : i32
    %ne3A_73 = arith.constant 0 : i32
    %ne3A_74 = arith.cmpi ne, %rem3A_72, %ne3A_73 : i32
    %and3A_75 = arith.andi %ne3A_71, %ne3A_74 : i1
    %sub3A_76 = arith.constant 1 : i32
    %sub3A_77 = arith.subi %div3A_56, %sub3A_76 : i32
    %select_n3A_78 = arith.select %and3A_75, %sub3A_77, %div3A_56 : i32
    %mul3A_79 = arith.constant 128 : i32
    %mul3A_80 = arith.muli %select_n3A_78, %mul3A_79 : i32
    %min3A = arith.constant 1792 : i32
    %min3A_81 = arith.minsi %mul3A_80, %min3A : i32
    %multiple_of3A_82 = tpu.assume_multiple %min3A_81, 128 : i32
    %sub3A_83 = arith.subi %reduce_max3A_54, %multiple_of3A_82 : i32
    %add3A_84 = arith.constant 2 : i32
    %add3A_85 = arith.addi %sub3A_24, %add3A_84 : i32
    %eq3A_86 = vector.broadcast %add3A_85 : i32 to vector<16xi32>
    %eq3A_87 = arith.cmpi eq, %iota3A, %eq3A_86 : vector<16xi32>
    %jit3A_88 = arith.constant -1 : i32
    %broadcast_in_dim3A_89 = vector.broadcast %jit3A_88 : i32 to vector<16xi32>
    %select_n3A_90 = arith.select %eq3A_87, %get3A_21, %broadcast_in_dim3A_89 : vector<16xi1>, vector<16xi32>
    %reduce_max3A_91 = arith.constant true
    %reduce_max3A_92 = vector.broadcast %reduce_max3A_91 : i1 to vector<16xi1>
    %reduce_max3A_93 = arith.constant -2147483648 : i32
    %reduce_max3A_94 = vector.broadcast %reduce_max3A_93 : i32 to vector<16xi32>
    %reduce_max3A_95 = arith.xori %select_n3A_90, %reduce_max3A_94 : vector<16xi32>
    %reduce_max3A_96 = tpu.scan <max>, %reduce_max3A_95 masked %reduce_max3A_92 : vector<16xi32>, vector<16xi1> -> vector<16xi32>
    %reduce_max3A_97 = arith.xori %reduce_max3A_96, %reduce_max3A_94 : vector<16xi32>
    %reduce_max3A_98 = vector.extract %reduce_max3A_97[15] : i32 from vector<16xi32>
    %multiple_of3A_99 = tpu.assume_multiple %reduce_max3A_98, 8 : i32
    %add3A_100 = arith.constant 2 : i32
    %add3A_101 = arith.addi %sub3A_24, %add3A_100 : i32
    %add3A_102 = arith.constant 1 : i32
    %add3A_103 = arith.addi %add3A_101, %add3A_102 : i32
    %eq3A_104 = vector.broadcast %add3A_103 : i32 to vector<16xi32>
    %eq3A_105 = arith.cmpi eq, %iota3A, %eq3A_104 : vector<16xi32>
    %jit3A_106 = arith.constant -1 : i32
    %broadcast_in_dim3A_107 = vector.broadcast %jit3A_106 : i32 to vector<16xi32>
    %select_n3A_108 = arith.select %eq3A_105, %get3A_21, %broadcast_in_dim3A_107 : vector<16xi1>, vector<16xi32>
    %reduce_max3A_109 = arith.constant true
    %reduce_max3A_110 = vector.broadcast %reduce_max3A_109 : i1 to vector<16xi1>
    %reduce_max3A_111 = arith.constant -2147483648 : i32
    %reduce_max3A_112 = vector.broadcast %reduce_max3A_111 : i32 to vector<16xi32>
    %reduce_max3A_113 = arith.xori %select_n3A_108, %reduce_max3A_112 : vector<16xi32>
    %reduce_max3A_114 = tpu.scan <max>, %reduce_max3A_113 masked %reduce_max3A_110 : vector<16xi32>, vector<16xi1> -> vector<16xi32>
    %reduce_max3A_115 = arith.xori %reduce_max3A_114, %reduce_max3A_112 : vector<16xi32>
    %reduce_max3A_116 = vector.extract %reduce_max3A_115[15] : i32 from vector<16xi32>
    %jit3A_117 = arith.constant 128 : i32
    %div3A_118 = arith.divsi %reduce_max3A_116, %jit3A_117 : i32
    %sign3A_119 = arith.constant 0 : i32
    %sign3A_120 = arith.cmpi sgt, %reduce_max3A_116, %sign3A_119 : i32
    %sign3A_121 = arith.extui %sign3A_120 : i1 to i32
    %sign3A_122 = arith.constant 0 : i32
    %sign3A_123 = arith.cmpi slt, %reduce_max3A_116, %sign3A_122 : i32
    %sign3A_124 = arith.extui %sign3A_123 : i1 to i32
    %sign3A_125 = arith.subi %sign3A_121, %sign3A_124 : i32
    %sign3A_126 = arith.constant 0 : i32
    %sign3A_127 = arith.cmpi sgt, %jit3A_117, %sign3A_126 : i32
    %sign3A_128 = arith.extui %sign3A_127 : i1 to i32
    %sign3A_129 = arith.constant 0 : i32
    %sign3A_130 = arith.cmpi slt, %jit3A_117, %sign3A_129 : i32
    %sign3A_131 = arith.extui %sign3A_130 : i1 to i32
    %sign3A_132 = arith.subi %sign3A_128, %sign3A_131 : i32
    %ne3A_133 = arith.cmpi ne, %sign3A_125, %sign3A_132 : i32
    %rem3A_134 = arith.remsi %reduce_max3A_116, %jit3A_117 : i32
    %ne3A_135 = arith.constant 0 : i32
    %ne3A_136 = arith.cmpi ne, %rem3A_134, %ne3A_135 : i32
    %and3A_137 = arith.andi %ne3A_133, %ne3A_136 : i1
    %sub3A_138 = arith.constant 1 : i32
    %sub3A_139 = arith.subi %div3A_118, %sub3A_138 : i32
    %select_n3A_140 = arith.select %and3A_137, %sub3A_139, %div3A_118 : i32
    %mul3A_141 = arith.constant 128 : i32
    %mul3A_142 = arith.muli %select_n3A_140, %mul3A_141 : i32
    %min3A_143 = arith.constant 1792 : i32
    %min3A_144 = arith.minsi %mul3A_142, %min3A_143 : i32
    %multiple_of3A_145 = tpu.assume_multiple %min3A_144, 128 : i32
    %sub3A_146 = arith.subi %reduce_max3A_116, %multiple_of3A_145 : i32
    %add3A_147 = arith.constant 0 : i32
    %add3A_148 = arith.addi %multiple_of3A_37, %add3A_147 : i32
    %multiple_of3A_149 = tpu.assume_multiple %add3A_148, 8 : i32
    %add3A_150 = arith.constant 0 : i32
    %add3A_151 = arith.addi %mul3A_2, %add3A_150 : i32
    %jit3A_152 = arith.constant 16 : i32
    %div3A_153 = arith.divsi %add3A_151, %jit3A_152 : i32
    %sign3A_154 = arith.constant 0 : i32
    %sign3A_155 = arith.cmpi sgt, %add3A_151, %sign3A_154 : i32
    %sign3A_156 = arith.extui %sign3A_155 : i1 to i32
    %sign3A_157 = arith.constant 0 : i32
    %sign3A_158 = arith.cmpi slt, %add3A_151, %sign3A_157 : i32
    %sign3A_159 = arith.extui %sign3A_158 : i1 to i32
    %sign3A_160 = arith.subi %sign3A_156, %sign3A_159 : i32
    %sign3A_161 = arith.constant 0 : i32
    %sign3A_162 = arith.cmpi sgt, %jit3A_152, %sign3A_161 : i32
    %sign3A_163 = arith.extui %sign3A_162 : i1 to i32
    %sign3A_164 = arith.constant 0 : i32
    %sign3A_165 = arith.cmpi slt, %jit3A_152, %sign3A_164 : i32
    %sign3A_166 = arith.extui %sign3A_165 : i1 to i32
    %sign3A_167 = arith.subi %sign3A_163, %sign3A_166 : i32
    %ne3A_168 = arith.cmpi ne, %sign3A_160, %sign3A_167 : i32
    %rem3A_169 = arith.remsi %add3A_151, %jit3A_152 : i32
    %ne3A_170 = arith.constant 0 : i32
    %ne3A_171 = arith.cmpi ne, %rem3A_169, %ne3A_170 : i32
    %and3A_172 = arith.andi %ne3A_168, %ne3A_171 : i1
    %sub3A_173 = arith.constant 1 : i32
    %sub3A_174 = arith.subi %div3A_153, %sub3A_173 : i32
    %select_n3A_175 = arith.select %and3A_172, %sub3A_174, %div3A_153 : i32
    %dma_start3A = arith.constant 0 : i32
    %dma_start3A_176 = tpu.memref_slice %arg3[%select_n3A_175, %dma_start3A, %multiple_of3A_149, %multiple_of3A_82] : memref<4x3x2048x2048xf32, #tpu.memory_space<hbm>> -> memref<1x1x64x256xf32, #tpu.memory_space<hbm>>
    %dma_start3A_177 = tpu.memref_squeeze %dma_start3A_176 : memref<1x1x64x256xf32, #tpu.memory_space<hbm>> -> memref<64x256xf32, #tpu.memory_space<hbm>>
    %dma_start3A_178 = tpu.memref_slice %arg3[%select_n3A_175, %dma_start3A, %multiple_of3A_149, %multiple_of3A_82] : memref<4x3x2048x2048xf32, #tpu.memory_space<hbm>> -> memref<1x1x64x256xf32, #tpu.memory_space<hbm>>
    %dma_start3A_179 = tpu.memref_squeeze %dma_start3A_178 : memref<1x1x64x256xf32, #tpu.memory_space<hbm>> -> memref<64x256xf32, #tpu.memory_space<hbm>>
    tpu.enqueue_dma source(%dma_start3A_179 : memref<64x256xf32, #tpu.memory_space<hbm>>) target(%arg6 : memref<64x256xf32, #tpu.memory_space<vmem>>) target_semaphore(%arg14 : memref<!tpu.dma_semaphore, #tpu.memory_space<semaphore_mem>>)
    %add3A_180 = arith.constant 64 : i32
    %add3A_181 = arith.addi %multiple_of3A_37, %add3A_180 : i32
    %multiple_of3A_182 = tpu.assume_multiple %add3A_181, 8 : i32
    %add3A_183 = arith.constant 0 : i32
    %add3A_184 = arith.addi %mul3A_2, %add3A_183 : i32
    %jit3A_185 = arith.constant 16 : i32
    %div3A_186 = arith.divsi %add3A_184, %jit3A_185 : i32
    %sign3A_187 = arith.constant 0 : i32
    %sign3A_188 = arith.cmpi sgt, %add3A_184, %sign3A_187 : i32
    %sign3A_189 = arith.extui %sign3A_188 : i1 to i32
    %sign3A_190 = arith.constant 0 : i32
    %sign3A_191 = arith.cmpi slt, %add3A_184, %sign3A_190 : i32
    %sign3A_192 = arith.extui %sign3A_191 : i1 to i32
    %sign3A_193 = arith.subi %sign3A_189, %sign3A_192 : i32
    %sign3A_194 = arith.constant 0 : i32
    %sign3A_195 = arith.cmpi sgt, %jit3A_185, %sign3A_194 : i32
    %sign3A_196 = arith.extui %sign3A_195 : i1 to i32
    %sign3A_197 = arith.constant 0 : i32
    %sign3A_198 = arith.cmpi slt, %jit3A_185, %sign3A_197 : i32
    %sign3A_199 = arith.extui %sign3A_198 : i1 to i32
    %sign3A_200 = arith.subi %sign3A_196, %sign3A_199 : i32
    %ne3A_201 = arith.cmpi ne, %sign3A_193, %sign3A_200 : i32
    %rem3A_202 = arith.remsi %add3A_184, %jit3A_185 : i32
    %ne3A_203 = arith.constant 0 : i32
    %ne3A_204 = arith.cmpi ne, %rem3A_202, %ne3A_203 : i32
    %and3A_205 = arith.andi %ne3A_201, %ne3A_204 : i1
    %sub3A_206 = arith.constant 1 : i32
    %sub3A_207 = arith.subi %div3A_186, %sub3A_206 : i32
    %select_n3A_208 = arith.select %and3A_205, %sub3A_207, %div3A_186 : i32
    %dma_start3A_209 = arith.constant 0 : i32
    %dma_start3A_210 = tpu.memref_slice %arg3[%select_n3A_208, %dma_start3A_209, %multiple_of3A_182, %multiple_of3A_82] : memref<4x3x2048x2048xf32, #tpu.memory_space<hbm>> -> memref<1x1x64x256xf32, #tpu.memory_space<hbm>>
    %dma_start3A_211 = tpu.memref_squeeze %dma_start3A_210 : memref<1x1x64x256xf32, #tpu.memory_space<hbm>> -> memref<64x256xf32, #tpu.memory_space<hbm>>
    %dma_start3A_212 = tpu.memref_slice %arg3[%select_n3A_208, %dma_start3A_209, %multiple_of3A_182, %multiple_of3A_82] : memref<4x3x2048x2048xf32, #tpu.memory_space<hbm>> -> memref<1x1x64x256xf32, #tpu.memory_space<hbm>>
    %dma_start3A_213 = tpu.memref_squeeze %dma_start3A_212 : memref<1x1x64x256xf32, #tpu.memory_space<hbm>> -> memref<64x256xf32, #tpu.memory_space<hbm>>
    tpu.enqueue_dma source(%dma_start3A_213 : memref<64x256xf32, #tpu.memory_space<hbm>>) target(%arg7 : memref<64x256xf32, #tpu.memory_space<vmem>>) target_semaphore(%arg15 : memref<!tpu.dma_semaphore, #tpu.memory_space<semaphore_mem>>)
    %add3A_214 = arith.constant 0 : i32
    %add3A_215 = arith.addi %multiple_of3A_37, %add3A_214 : i32
    %multiple_of3A_216 = tpu.assume_multiple %add3A_215, 8 : i32
    %add3A_217 = arith.constant 0 : i32
    %add3A_218 = arith.addi %mul3A_2, %add3A_217 : i32
    %jit3A_219 = arith.constant 16 : i32
    %div3A_220 = arith.divsi %add3A_218, %jit3A_219 : i32
    %sign3A_221 = arith.constant 0 : i32
    %sign3A_222 = arith.cmpi sgt, %add3A_218, %sign3A_221 : i32
    %sign3A_223 = arith.extui %sign3A_222 : i1 to i32
    %sign3A_224 = arith.constant 0 : i32
    %sign3A_225 = arith.cmpi slt, %add3A_218, %sign3A_224 : i32
    %sign3A_226 = arith.extui %sign3A_225 : i1 to i32
    %sign3A_227 = arith.subi %sign3A_223, %sign3A_226 : i32
    %sign3A_228 = arith.constant 0 : i32
    %sign3A_229 = arith.cmpi sgt, %jit3A_219, %sign3A_228 : i32
    %sign3A_230 = arith.extui %sign3A_229 : i1 to i32
    %sign3A_231 = arith.constant 0 : i32
    %sign3A_232 = arith.cmpi slt, %jit3A_219, %sign3A_231 : i32
    %sign3A_233 = arith.extui %sign3A_232 : i1 to i32
    %sign3A_234 = arith.subi %sign3A_230, %sign3A_233 : i32
    %ne3A_235 = arith.cmpi ne, %sign3A_227, %sign3A_234 : i32
    %rem3A_236 = arith.remsi %add3A_218, %jit3A_219 : i32
    %ne3A_237 = arith.constant 0 : i32
    %ne3A_238 = arith.cmpi ne, %rem3A_236, %ne3A_237 : i32
    %and3A_239 = arith.andi %ne3A_235, %ne3A_238 : i1
    %sub3A_240 = arith.constant 1 : i32
    %sub3A_241 = arith.subi %div3A_220, %sub3A_240 : i32
    %select_n3A_242 = arith.select %and3A_239, %sub3A_241, %div3A_220 : i32
    %dma_start3A_243 = arith.constant 1 : i32
    %dma_start3A_244 = tpu.memref_slice %arg3[%select_n3A_242, %dma_start3A_243, %multiple_of3A_216, %multiple_of3A_82] : memref<4x3x2048x2048xf32, #tpu.memory_space<hbm>> -> memref<1x1x64x256xf32, #tpu.memory_space<hbm>>
    %dma_start3A_245 = tpu.memref_squeeze %dma_start3A_244 : memref<1x1x64x256xf32, #tpu.memory_space<hbm>> -> memref<64x256xf32, #tpu.memory_space<hbm>>
    %dma_start3A_246 = tpu.memref_slice %arg3[%select_n3A_242, %dma_start3A_243, %multiple_of3A_216, %multiple_of3A_82] : memref<4x3x2048x2048xf32, #tpu.memory_space<hbm>> -> memref<1x1x64x256xf32, #tpu.memory_space<hbm>>
    %dma_start3A_247 = tpu.memref_squeeze %dma_start3A_246 : memref<1x1x64x256xf32, #tpu.memory_space<hbm>> -> memref<64x256xf32, #tpu.memory_space<hbm>>
    tpu.enqueue_dma source(%dma_start3A_247 : memref<64x256xf32, #tpu.memory_space<hbm>>) target(%arg8 : memref<64x256xf32, #tpu.memory_space<vmem>>) target_semaphore(%arg16 : memref<!tpu.dma_semaphore, #tpu.memory_space<semaphore_mem>>)
    %add3A_248 = arith.constant 64 : i32
    %add3A_249 = arith.addi %multiple_of3A_37, %add3A_248 : i32
    %multiple_of3A_250 = tpu.assume_multiple %add3A_249, 8 : i32
    %add3A_251 = arith.constant 0 : i32
    %add3A_252 = arith.addi %mul3A_2, %add3A_251 : i32
    %jit3A_253 = arith.constant 16 : i32
    %div3A_254 = arith.divsi %add3A_252, %jit3A_253 : i32
    %sign3A_255 = arith.constant 0 : i32
    %sign3A_256 = arith.cmpi sgt, %add3A_252, %sign3A_255 : i32
    %sign3A_257 = arith.extui %sign3A_256 : i1 to i32
    %sign3A_258 = arith.constant 0 : i32
    %sign3A_259 = arith.cmpi slt, %add3A_252, %sign3A_258 : i32
    %sign3A_260 = arith.extui %sign3A_259 : i1 to i32
    %sign3A_261 = arith.subi %sign3A_257, %sign3A_260 : i32
    %sign3A_262 = arith.constant 0 : i32
    %sign3A_263 = arith.cmpi sgt, %jit3A_253, %sign3A_262 : i32
    %sign3A_264 = arith.extui %sign3A_263 : i1 to i32
    %sign3A_265 = arith.constant 0 : i32
    %sign3A_266 = arith.cmpi slt, %jit3A_253, %sign3A_265 : i32
    %sign3A_267 = arith.extui %sign3A_266 : i1 to i32
    %sign3A_268 = arith.subi %sign3A_264, %sign3A_267 : i32
    %ne3A_269 = arith.cmpi ne, %sign3A_261, %sign3A_268 : i32
    %rem3A_270 = arith.remsi %add3A_252, %jit3A_253 : i32
    %ne3A_271 = arith.constant 0 : i32
    %ne3A_272 = arith.cmpi ne, %rem3A_270, %ne3A_271 : i32
    %and3A_273 = arith.andi %ne3A_269, %ne3A_272 : i1
    %sub3A_274 = arith.constant 1 : i32
    %sub3A_275 = arith.subi %div3A_254, %sub3A_274 : i32
    %select_n3A_276 = arith.select %and3A_273, %sub3A_275, %div3A_254 : i32
    %dma_start3A_277 = arith.constant 1 : i32
    %dma_start3A_278 = tpu.memref_slice %arg3[%select_n3A_276, %dma_start3A_277, %multiple_of3A_250, %multiple_of3A_82] : memref<4x3x2048x2048xf32, #tpu.memory_space<hbm>> -> memref<1x1x64x256xf32, #tpu.memory_space<hbm>>
    %dma_start3A_279 = tpu.memref_squeeze %dma_start3A_278 : memref<1x1x64x256xf32, #tpu.memory_space<hbm>> -> memref<64x256xf32, #tpu.memory_space<hbm>>
    %dma_start3A_280 = tpu.memref_slice %arg3[%select_n3A_276, %dma_start3A_277, %multiple_of3A_250, %multiple_of3A_82] : memref<4x3x2048x2048xf32, #tpu.memory_space<hbm>> -> memref<1x1x64x256xf32, #tpu.memory_space<hbm>>
    %dma_start3A_281 = tpu.memref_squeeze %dma_start3A_280 : memref<1x1x64x256xf32, #tpu.memory_space<hbm>> -> memref<64x256xf32, #tpu.memory_space<hbm>>
    tpu.enqueue_dma source(%dma_start3A_281 : memref<64x256xf32, #tpu.memory_space<hbm>>) target(%arg9 : memref<64x256xf32, #tpu.memory_space<vmem>>) target_semaphore(%arg17 : memref<!tpu.dma_semaphore, #tpu.memory_space<semaphore_mem>>)
    %dma_wait3A = arith.constant 0 : i32
    %dma_wait3A_282 = tpu.memref_slice %arg3[%select_n3A_175, %dma_wait3A, %multiple_of3A_149, %multiple_of3A_82] : memref<4x3x2048x2048xf32, #tpu.memory_space<hbm>> -> memref<1x1x64x256xf32, #tpu.memory_space<hbm>>
    %dma_wait3A_283 = tpu.memref_squeeze %dma_wait3A_282 : memref<1x1x64x256xf32, #tpu.memory_space<hbm>> -> memref<64x256xf32, #tpu.memory_space<hbm>>
    %dma_wait3A_284 = tpu.memref_slice %arg3[%select_n3A_175, %dma_wait3A, %multiple_of3A_149, %multiple_of3A_82] : memref<4x3x2048x2048xf32, #tpu.memory_space<hbm>> -> memref<1x1x64x256xf32, #tpu.memory_space<hbm>>
    %dma_wait3A_285 = tpu.memref_squeeze %dma_wait3A_284 : memref<1x1x64x256xf32, #tpu.memory_space<hbm>> -> memref<64x256xf32, #tpu.memory_space<hbm>>
    tpu.wait_dma2 semaphore(%arg14 : memref<!tpu.dma_semaphore, #tpu.memory_space<semaphore_mem>>) src(%dma_wait3A_285 : memref<64x256xf32, #tpu.memory_space<hbm>>) dst(%arg6 : memref<64x256xf32, #tpu.memory_space<vmem>>)
    %add3A_286 = vector.broadcast %sub3A_83 : i32 to vector<16xi32>
    %add3A_287 = arith.addi %add3A_286, %iota3A : vector<16xi32>
    %scan3A = arith.constant 0 : i32
    %scan3A_288 = arith.constant 64 : i32
    %scan3A_289 = arith.addi %scan3A, %scan3A_288 : i32
    %scan3A_290 = arith.constant 1 : i32
    scf.for %scan3A_936 = %scan3A to %scan3A_289 step %scan3A_290  : i32 {
      %mul3A_937 = arith.constant 1 : i32
      %mul3A_938 = arith.muli %scan3A_936, %mul3A_937 : i32
      %add3A_939 = arith.constant 0 : i32
      %add3A_940 = arith.addi %add3A_939, %mul3A_938 : i32
      %broadcast_in_dim3A_941 = vector.broadcast %add3A_940 : i32 to vector<16xi32>
      %add3A_942 = arith.constant 0 : i32
      %add3A_943 = vector.broadcast %add3A_942 : i32 to vector<16xi32>
      %add3A_944 = arith.addi %add3A_287, %add3A_943 : vector<16xi32>
      %gather3A = tpu.vector_load_idx %arg6[%broadcast_in_dim3A_941, %add3A_944] : memref<64x256xf32, #tpu.memory_space<vmem>>[vector<16xi32>, vector<16xi32>], vector<16xf32>,
      %swap3A = arith.index_cast %add3A_940 : i32 to index
      %swap3A_945 = arith.constant 0 : index
      %swap3A_946 = tpu.vector_load %arg10[%swap3A, %swap3A_945] {strides = array<i32>} : memref<64x128xf32, #tpu.memory_space<vmem>>, vector<16xf32>,
      tpu.vector_store %arg10[%swap3A, %swap3A_945], %gather3A {strides = array<i32>} : memref<64x128xf32, #tpu.memory_space<vmem>>, vector<16xf32>,
      %add3A_947 = arith.constant 16 : i32
      %add3A_948 = vector.broadcast %add3A_947 : i32 to vector<16xi32>
      %add3A_949 = arith.addi %add3A_287, %add3A_948 : vector<16xi32>
      %gather3A_950 = tpu.vector_load_idx %arg6[%broadcast_in_dim3A_941, %add3A_949] : memref<64x256xf32, #tpu.memory_space<vmem>>[vector<16xi32>, vector<16xi32>], vector<16xf32>,
      %swap3A_951 = arith.index_cast %add3A_940 : i32 to index
      %swap3A_952 = arith.constant 16 : index
      %swap3A_953 = tpu.vector_load %arg10[%swap3A_951, %swap3A_952] {strides = array<i32>} : memref<64x128xf32, #tpu.memory_space<vmem>>, vector<16xf32>,
      tpu.vector_store %arg10[%swap3A_951, %swap3A_952], %gather3A_950 {strides = array<i32>} : memref<64x128xf32, #tpu.memory_space<vmem>>, vector<16xf32>,
      %add3A_954 = arith.constant 32 : i32
      %add3A_955 = vector.broadcast %add3A_954 : i32 to vector<16xi32>
      %add3A_956 = arith.addi %add3A_287, %add3A_955 : vector<16xi32>
      %gather3A_957 = tpu.vector_load_idx %arg6[%broadcast_in_dim3A_941, %add3A_956] : memref<64x256xf32, #tpu.memory_space<vmem>>[vector<16xi32>, vector<16xi32>], vector<16xf32>,
      %swap3A_958 = arith.index_cast %add3A_940 : i32 to index
      %swap3A_959 = arith.constant 32 : index
      %swap3A_960 = tpu.vector_load %arg10[%swap3A_958, %swap3A_959] {strides = array<i32>} : memref<64x128xf32, #tpu.memory_space<vmem>>, vector<16xf32>,
      tpu.vector_store %arg10[%swap3A_958, %swap3A_959], %gather3A_957 {strides = array<i32>} : memref<64x128xf32, #tpu.memory_space<vmem>>, vector<16xf32>,
      %add3A_961 = arith.constant 48 : i32
      %add3A_962 = vector.broadcast %add3A_961 : i32 to vector<16xi32>
      %add3A_963 = arith.addi %add3A_287, %add3A_962 : vector<16xi32>
      %gather3A_964 = tpu.vector_load_idx %arg6[%broadcast_in_dim3A_941, %add3A_963] : memref<64x256xf32, #tpu.memory_space<vmem>>[vector<16xi32>, vector<16xi32>], vector<16xf32>,
      %swap3A_965 = arith.index_cast %add3A_940 : i32 to index
      %swap3A_966 = arith.constant 48 : index
      %swap3A_967 = tpu.vector_load %arg10[%swap3A_965, %swap3A_966] {strides = array<i32>} : memref<64x128xf32, #tpu.memory_space<vmem>>, vector<16xf32>,
      tpu.vector_store %arg10[%swap3A_965, %swap3A_966], %gather3A_964 {strides = array<i32>} : memref<64x128xf32, #tpu.memory_space<vmem>>, vector<16xf32>,
      %add3A_968 = arith.constant 64 : i32
      %add3A_969 = vector.broadcast %add3A_968 : i32 to vector<16xi32>
      %add3A_970 = arith.addi %add3A_287, %add3A_969 : vector<16xi32>
      %gather3A_971 = tpu.vector_load_idx %arg6[%broadcast_in_dim3A_941, %add3A_970] : memref<64x256xf32, #tpu.memory_space<vmem>>[vector<16xi32>, vector<16xi32>], vector<16xf32>,
      %swap3A_972 = arith.index_cast %add3A_940 : i32 to index
      %swap3A_973 = arith.constant 64 : index
      %swap3A_974 = tpu.vector_load %arg10[%swap3A_972, %swap3A_973] {strides = array<i32>} : memref<64x128xf32, #tpu.memory_space<vmem>>, vector<16xf32>,
      tpu.vector_store %arg10[%swap3A_972, %swap3A_973], %gather3A_971 {strides = array<i32>} : memref<64x128xf32, #tpu.memory_space<vmem>>, vector<16xf32>,
      %add3A_975 = arith.constant 80 : i32
      %add3A_976 = vector.broadcast %add3A_975 : i32 to vector<16xi32>
      %add3A_977 = arith.addi %add3A_287, %add3A_976 : vector<16xi32>
      %gather3A_978 = tpu.vector_load_idx %arg6[%broadcast_in_dim3A_941, %add3A_977] : memref<64x256xf32, #tpu.memory_space<vmem>>[vector<16xi32>, vector<16xi32>], vector<16xf32>,
      %swap3A_979 = arith.index_cast %add3A_940 : i32 to index
      %swap3A_980 = arith.constant 80 : index
      %swap3A_981 = tpu.vector_load %arg10[%swap3A_979, %swap3A_980] {strides = array<i32>} : memref<64x128xf32, #tpu.memory_space<vmem>>, vector<16xf32>,
      tpu.vector_store %arg10[%swap3A_979, %swap3A_980], %gather3A_978 {strides = array<i32>} : memref<64x128xf32, #tpu.memory_space<vmem>>, vector<16xf32>,
      %add3A_982 = arith.constant 96 : i32
      %add3A_983 = vector.broadcast %add3A_982 : i32 to vector<16xi32>
      %add3A_984 = arith.addi %add3A_287, %add3A_983 : vector<16xi32>
      %gather3A_985 = tpu.vector_load_idx %arg6[%broadcast_in_dim3A_941, %add3A_984] : memref<64x256xf32, #tpu.memory_space<vmem>>[vector<16xi32>, vector<16xi32>], vector<16xf32>,
      %swap3A_986 = arith.index_cast %add3A_940 : i32 to index
      %swap3A_987 = arith.constant 96 : index
      %swap3A_988 = tpu.vector_load %arg10[%swap3A_986, %swap3A_987] {strides = array<i32>} : memref<64x128xf32, #tpu.memory_space<vmem>>, vector<16xf32>,
      tpu.vector_store %arg10[%swap3A_986, %swap3A_987], %gather3A_985 {strides = array<i32>} : memref<64x128xf32, #tpu.memory_space<vmem>>, vector<16xf32>,
      %add3A_989 = arith.constant 112 : i32
      %add3A_990 = vector.broadcast %add3A_989 : i32 to vector<16xi32>
      %add3A_991 = arith.addi %add3A_287, %add3A_990 : vector<16xi32>
      %gather3A_992 = tpu.vector_load_idx %arg6[%broadcast_in_dim3A_941, %add3A_991] : memref<64x256xf32, #tpu.memory_space<vmem>>[vector<16xi32>, vector<16xi32>], vector<16xf32>,
      %swap3A_993 = arith.index_cast %add3A_940 : i32 to index
      %swap3A_994 = arith.constant 112 : index
      %swap3A_995 = tpu.vector_load %arg10[%swap3A_993, %swap3A_994] {strides = array<i32>} : memref<64x128xf32, #tpu.memory_space<vmem>>, vector<16xf32>,
      tpu.vector_store %arg10[%swap3A_993, %swap3A_994], %gather3A_992 {strides = array<i32>} : memref<64x128xf32, #tpu.memory_space<vmem>>, vector<16xf32>,
    }
    %scan3A_291 = arith.constant 64 : i32
    %add3A_292 = arith.constant 0 : i32
    %add3A_293 = arith.addi %mul3A_2, %add3A_292 : i32
    %dma_start3A_294 = arith.constant 0 : i32
    %dma_start3A_295 = arith.constant 0 : i32
    %dma_start3A_296 = arith.constant 0 : i32
    %dma_start3A_297 = tpu.memref_slice %arg4[%add3A_293, %dma_start3A_294, %dma_start3A_295, %dma_start3A_296] : memref<64x3x128x128xf32, #tpu.memory_space<hbm>> -> memref<1x1x64x128xf32, #tpu.memory_space<hbm>>
    %dma_start3A_298 = tpu.memref_squeeze %dma_start3A_297 : memref<1x1x64x128xf32, #tpu.memory_space<hbm>> -> memref<64x128xf32, #tpu.memory_space<hbm>>
    %dma_start3A_299 = arith.constant 0 : i32
    %dma_start3A_300 = arith.constant 0 : i32
    %dma_start3A_301 = tpu.memref_slice %arg4[%add3A_293, %dma_start3A_294, %dma_start3A_299, %dma_start3A_300] : memref<64x3x128x128xf32, #tpu.memory_space<hbm>> -> memref<1x1x64x128xf32, #tpu.memory_space<hbm>>
    %dma_start3A_302 = tpu.memref_squeeze %dma_start3A_301 : memref<1x1x64x128xf32, #tpu.memory_space<hbm>> -> memref<64x128xf32, #tpu.memory_space<hbm>>
    tpu.enqueue_dma source(%arg10 : memref<64x128xf32, #tpu.memory_space<vmem>>) target(%dma_start3A_302 : memref<64x128xf32, #tpu.memory_space<hbm>>) target_semaphore(%arg18 : memref<!tpu.dma_semaphore, #tpu.memory_space<semaphore_mem>>)
    %add3A_303 = arith.constant 0 : i32
    %add3A_304 = arith.addi %multiple_of3A_37, %add3A_303 : i32
    %multiple_of3A_305 = tpu.assume_multiple %add3A_304, 8 : i32
    %add3A_306 = arith.constant 0 : i32
    %add3A_307 = arith.addi %mul3A_2, %add3A_306 : i32
    %jit3A_308 = arith.constant 16 : i32
    %div3A_309 = arith.divsi %add3A_307, %jit3A_308 : i32
    %sign3A_310 = arith.constant 0 : i32
    %sign3A_311 = arith.cmpi sgt, %add3A_307, %sign3A_310 : i32
    %sign3A_312 = arith.extui %sign3A_311 : i1 to i32
    %sign3A_313 = arith.constant 0 : i32
    %sign3A_314 = arith.cmpi slt, %add3A_307, %sign3A_313 : i32
    %sign3A_315 = arith.extui %sign3A_314 : i1 to i32
    %sign3A_316 = arith.subi %sign3A_312, %sign3A_315 : i32
    %sign3A_317 = arith.constant 0 : i32
    %sign3A_318 = arith.cmpi sgt, %jit3A_308, %sign3A_317 : i32
    %sign3A_319 = arith.extui %sign3A_318 : i1 to i32
    %sign3A_320 = arith.constant 0 : i32
    %sign3A_321 = arith.cmpi slt, %jit3A_308, %sign3A_320 : i32
    %sign3A_322 = arith.extui %sign3A_321 : i1 to i32
    %sign3A_323 = arith.subi %sign3A_319, %sign3A_322 : i32
    %ne3A_324 = arith.cmpi ne, %sign3A_316, %sign3A_323 : i32
    %rem3A_325 = arith.remsi %add3A_307, %jit3A_308 : i32
    %ne3A_326 = arith.constant 0 : i32
    %ne3A_327 = arith.cmpi ne, %rem3A_325, %ne3A_326 : i32
    %and3A_328 = arith.andi %ne3A_324, %ne3A_327 : i1
    %sub3A_329 = arith.constant 1 : i32
    %sub3A_330 = arith.subi %div3A_309, %sub3A_329 : i32
    %select_n3A_331 = arith.select %and3A_328, %sub3A_330, %div3A_309 : i32
    %dma_start3A_332 = arith.constant 2 : i32
    %dma_start3A_333 = tpu.memref_slice %arg3[%select_n3A_331, %dma_start3A_332, %multiple_of3A_305, %multiple_of3A_82] : memref<4x3x2048x2048xf32, #tpu.memory_space<hbm>> -> memref<1x1x64x256xf32, #tpu.memory_space<hbm>>
    %dma_start3A_334 = tpu.memref_squeeze %dma_start3A_333 : memref<1x1x64x256xf32, #tpu.memory_space<hbm>> -> memref<64x256xf32, #tpu.memory_space<hbm>>
    %dma_start3A_335 = tpu.memref_slice %arg3[%select_n3A_331, %dma_start3A_332, %multiple_of3A_305, %multiple_of3A_82] : memref<4x3x2048x2048xf32, #tpu.memory_space<hbm>> -> memref<1x1x64x256xf32, #tpu.memory_space<hbm>>
    %dma_start3A_336 = tpu.memref_squeeze %dma_start3A_335 : memref<1x1x64x256xf32, #tpu.memory_space<hbm>> -> memref<64x256xf32, #tpu.memory_space<hbm>>
    tpu.enqueue_dma source(%dma_start3A_336 : memref<64x256xf32, #tpu.memory_space<hbm>>) target(%arg6 : memref<64x256xf32, #tpu.memory_space<vmem>>) target_semaphore(%arg14 : memref<!tpu.dma_semaphore, #tpu.memory_space<semaphore_mem>>)
    %dma_wait3A_337 = arith.constant 0 : i32
    %dma_wait3A_338 = tpu.memref_slice %arg3[%select_n3A_208, %dma_wait3A_337, %multiple_of3A_182, %multiple_of3A_82] : memref<4x3x2048x2048xf32, #tpu.memory_space<hbm>> -> memref<1x1x64x256xf32, #tpu.memory_space<hbm>>
    %dma_wait3A_339 = tpu.memref_squeeze %dma_wait3A_338 : memref<1x1x64x256xf32, #tpu.memory_space<hbm>> -> memref<64x256xf32, #tpu.memory_space<hbm>>
    %dma_wait3A_340 = tpu.memref_slice %arg3[%select_n3A_208, %dma_wait3A_337, %multiple_of3A_182, %multiple_of3A_82] : memref<4x3x2048x2048xf32, #tpu.memory_space<hbm>> -> memref<1x1x64x256xf32, #tpu.memory_space<hbm>>
    %dma_wait3A_341 = tpu.memref_squeeze %dma_wait3A_340 : memref<1x1x64x256xf32, #tpu.memory_space<hbm>> -> memref<64x256xf32, #tpu.memory_space<hbm>>
    tpu.wait_dma2 semaphore(%arg15 : memref<!tpu.dma_semaphore, #tpu.memory_space<semaphore_mem>>) src(%dma_wait3A_341 : memref<64x256xf32, #tpu.memory_space<hbm>>) dst(%arg7 : memref<64x256xf32, #tpu.memory_space<vmem>>)
    %add3A_342 = vector.broadcast %sub3A_83 : i32 to vector<16xi32>
    %add3A_343 = arith.addi %add3A_342, %iota3A : vector<16xi32>
    %scan3A_344 = arith.constant 0 : i32
    %scan3A_345 = arith.constant 64 : i32
    %scan3A_346 = arith.addi %scan3A_344, %scan3A_345 : i32
    %scan3A_347 = arith.constant 1 : i32
    scf.for %scan3A_936 = %scan3A_344 to %scan3A_346 step %scan3A_347  : i32 {
      %mul3A_937 = arith.constant 1 : i32
      %mul3A_938 = arith.muli %scan3A_936, %mul3A_937 : i32
      %add3A_939 = arith.constant 0 : i32
      %add3A_940 = arith.addi %add3A_939, %mul3A_938 : i32
      %broadcast_in_dim3A_941 = vector.broadcast %add3A_940 : i32 to vector<16xi32>
      %add3A_942 = arith.constant 0 : i32
      %add3A_943 = vector.broadcast %add3A_942 : i32 to vector<16xi32>
      %add3A_944 = arith.addi %add3A_343, %add3A_943 : vector<16xi32>
      %gather3A = tpu.vector_load_idx %arg7[%broadcast_in_dim3A_941, %add3A_944] : memref<64x256xf32, #tpu.memory_space<vmem>>[vector<16xi32>, vector<16xi32>], vector<16xf32>,
      %swap3A = arith.index_cast %add3A_940 : i32 to index
      %swap3A_945 = arith.constant 0 : index
      %swap3A_946 = tpu.vector_load %arg11[%swap3A, %swap3A_945] {strides = array<i32>} : memref<64x128xf32, #tpu.memory_space<vmem>>, vector<16xf32>,
      tpu.vector_store %arg11[%swap3A, %swap3A_945], %gather3A {strides = array<i32>} : memref<64x128xf32, #tpu.memory_space<vmem>>, vector<16xf32>,
      %add3A_947 = arith.constant 16 : i32
      %add3A_948 = vector.broadcast %add3A_947 : i32 to vector<16xi32>
      %add3A_949 = arith.addi %add3A_343, %add3A_948 : vector<16xi32>
      %gather3A_950 = tpu.vector_load_idx %arg7[%broadcast_in_dim3A_941, %add3A_949] : memref<64x256xf32, #tpu.memory_space<vmem>>[vector<16xi32>, vector<16xi32>], vector<16xf32>,
      %swap3A_951 = arith.index_cast %add3A_940 : i32 to index
      %swap3A_952 = arith.constant 16 : index
      %swap3A_953 = tpu.vector_load %arg11[%swap3A_951, %swap3A_952] {strides = array<i32>} : memref<64x128xf32, #tpu.memory_space<vmem>>, vector<16xf32>,
      tpu.vector_store %arg11[%swap3A_951, %swap3A_952], %gather3A_950 {strides = array<i32>} : memref<64x128xf32, #tpu.memory_space<vmem>>, vector<16xf32>,
      %add3A_954 = arith.constant 32 : i32
      %add3A_955 = vector.broadcast %add3A_954 : i32 to vector<16xi32>
      %add3A_956 = arith.addi %add3A_343, %add3A_955 : vector<16xi32>
      %gather3A_957 = tpu.vector_load_idx %arg7[%broadcast_in_dim3A_941, %add3A_956] : memref<64x256xf32, #tpu.memory_space<vmem>>[vector<16xi32>, vector<16xi32>], vector<16xf32>,
      %swap3A_958 = arith.index_cast %add3A_940 : i32 to index
      %swap3A_959 = arith.constant 32 : index
      %swap3A_960 = tpu.vector_load %arg11[%swap3A_958, %swap3A_959] {strides = array<i32>} : memref<64x128xf32, #tpu.memory_space<vmem>>, vector<16xf32>,
      tpu.vector_store %arg11[%swap3A_958, %swap3A_959], %gather3A_957 {strides = array<i32>} : memref<64x128xf32, #tpu.memory_space<vmem>>, vector<16xf32>,
      %add3A_961 = arith.constant 48 : i32
      %add3A_962 = vector.broadcast %add3A_961 : i32 to vector<16xi32>
      %add3A_963 = arith.addi %add3A_343, %add3A_962 : vector<16xi32>
      %gather3A_964 = tpu.vector_load_idx %arg7[%broadcast_in_dim3A_941, %add3A_963] : memref<64x256xf32, #tpu.memory_space<vmem>>[vector<16xi32>, vector<16xi32>], vector<16xf32>,
      %swap3A_965 = arith.index_cast %add3A_940 : i32 to index
      %swap3A_966 = arith.constant 48 : index
      %swap3A_967 = tpu.vector_load %arg11[%swap3A_965, %swap3A_966] {strides = array<i32>} : memref<64x128xf32, #tpu.memory_space<vmem>>, vector<16xf32>,
      tpu.vector_store %arg11[%swap3A_965, %swap3A_966], %gather3A_964 {strides = array<i32>} : memref<64x128xf32, #tpu.memory_space<vmem>>, vector<16xf32>,
      %add3A_968 = arith.constant 64 : i32
      %add3A_969 = vector.broadcast %add3A_968 : i32 to vector<16xi32>
      %add3A_970 = arith.addi %add3A_343, %add3A_969 : vector<16xi32>
      %gather3A_971 = tpu.vector_load_idx %arg7[%broadcast_in_dim3A_941, %add3A_970] : memref<64x256xf32, #tpu.memory_space<vmem>>[vector<16xi32>, vector<16xi32>], vector<16xf32>,
      %swap3A_972 = arith.index_cast %add3A_940 : i32 to index
      %swap3A_973 = arith.constant 64 : index
      %swap3A_974 = tpu.vector_load %arg11[%swap3A_972, %swap3A_973] {strides = array<i32>} : memref<64x128xf32, #tpu.memory_space<vmem>>, vector<16xf32>,
      tpu.vector_store %arg11[%swap3A_972, %swap3A_973], %gather3A_971 {strides = array<i32>} : memref<64x128xf32, #tpu.memory_space<vmem>>, vector<16xf32>,
      %add3A_975 = arith.constant 80 : i32
      %add3A_976 = vector.broadcast %add3A_975 : i32 to vector<16xi32>
      %add3A_977 = arith.addi %add3A_343, %add3A_976 : vector<16xi32>
      %gather3A_978 = tpu.vector_load_idx %arg7[%broadcast_in_dim3A_941, %add3A_977] : memref<64x256xf32, #tpu.memory_space<vmem>>[vector<16xi32>, vector<16xi32>], vector<16xf32>,
      %swap3A_979 = arith.index_cast %add3A_940 : i32 to index
      %swap3A_980 = arith.constant 80 : index
      %swap3A_981 = tpu.vector_load %arg11[%swap3A_979, %swap3A_980] {strides = array<i32>} : memref<64x128xf32, #tpu.memory_space<vmem>>, vector<16xf32>,
      tpu.vector_store %arg11[%swap3A_979, %swap3A_980], %gather3A_978 {strides = array<i32>} : memref<64x128xf32, #tpu.memory_space<vmem>>, vector<16xf32>,
      %add3A_982 = arith.constant 96 : i32
      %add3A_983 = vector.broadcast %add3A_982 : i32 to vector<16xi32>
      %add3A_984 = arith.addi %add3A_343, %add3A_983 : vector<16xi32>
      %gather3A_985 = tpu.vector_load_idx %arg7[%broadcast_in_dim3A_941, %add3A_984] : memref<64x256xf32, #tpu.memory_space<vmem>>[vector<16xi32>, vector<16xi32>], vector<16xf32>,
      %swap3A_986 = arith.index_cast %add3A_940 : i32 to index
      %swap3A_987 = arith.constant 96 : index
      %swap3A_988 = tpu.vector_load %arg11[%swap3A_986, %swap3A_987] {strides = array<i32>} : memref<64x128xf32, #tpu.memory_space<vmem>>, vector<16xf32>,
      tpu.vector_store %arg11[%swap3A_986, %swap3A_987], %gather3A_985 {strides = array<i32>} : memref<64x128xf32, #tpu.memory_space<vmem>>, vector<16xf32>,
      %add3A_989 = arith.constant 112 : i32
      %add3A_990 = vector.broadcast %add3A_989 : i32 to vector<16xi32>
      %add3A_991 = arith.addi %add3A_343, %add3A_990 : vector<16xi32>
      %gather3A_992 = tpu.vector_load_idx %arg7[%broadcast_in_dim3A_941, %add3A_991] : memref<64x256xf32, #tpu.memory_space<vmem>>[vector<16xi32>, vector<16xi32>], vector<16xf32>,
      %swap3A_993 = arith.index_cast %add3A_940 : i32 to index
      %swap3A_994 = arith.constant 112 : index
      %swap3A_995 = tpu.vector_load %arg11[%swap3A_993, %swap3A_994] {strides = array<i32>} : memref<64x128xf32, #tpu.memory_space<vmem>>, vector<16xf32>,
      tpu.vector_store %arg11[%swap3A_993, %swap3A_994], %gather3A_992 {strides = array<i32>} : memref<64x128xf32, #tpu.memory_space<vmem>>, vector<16xf32>,
    }
    %scan3A_348 = arith.constant 64 : i32
    %add3A_349 = arith.constant 0 : i32
    %add3A_350 = arith.addi %mul3A_2, %add3A_349 : i32
    %dma_start3A_351 = arith.constant 0 : i32
    %dma_start3A_352 = arith.constant 64 : i32
    %dma_start3A_353 = arith.constant 0 : i32
    %dma_start3A_354 = tpu.memref_slice %arg4[%add3A_350, %dma_start3A_351, %dma_start3A_352, %dma_start3A_353] : memref<64x3x128x128xf32, #tpu.memory_space<hbm>> -> memref<1x1x64x128xf32, #tpu.memory_space<hbm>>
    %dma_start3A_355 = tpu.memref_squeeze %dma_start3A_354 : memref<1x1x64x128xf32, #tpu.memory_space<hbm>> -> memref<64x128xf32, #tpu.memory_space<hbm>>
    %dma_start3A_356 = arith.constant 64 : i32
    %dma_start3A_357 = arith.constant 0 : i32
    %dma_start3A_358 = tpu.memref_slice %arg4[%add3A_350, %dma_start3A_351, %dma_start3A_356, %dma_start3A_357] : memref<64x3x128x128xf32, #tpu.memory_space<hbm>> -> memref<1x1x64x128xf32, #tpu.memory_space<hbm>>
    %dma_start3A_359 = tpu.memref_squeeze %dma_start3A_358 : memref<1x1x64x128xf32, #tpu.memory_space<hbm>> -> memref<64x128xf32, #tpu.memory_space<hbm>>
    tpu.enqueue_dma source(%arg11 : memref<64x128xf32, #tpu.memory_space<vmem>>) target(%dma_start3A_359 : memref<64x128xf32, #tpu.memory_space<hbm>>) target_semaphore(%arg19 : memref<!tpu.dma_semaphore, #tpu.memory_space<semaphore_mem>>)
    %add3A_360 = arith.constant 64 : i32
    %add3A_361 = arith.addi %multiple_of3A_37, %add3A_360 : i32
    %multiple_of3A_362 = tpu.assume_multiple %add3A_361, 8 : i32
    %add3A_363 = arith.constant 0 : i32
    %add3A_364 = arith.addi %mul3A_2, %add3A_363 : i32
    %jit3A_365 = arith.constant 16 : i32
    %div3A_366 = arith.divsi %add3A_364, %jit3A_365 : i32
    %sign3A_367 = arith.constant 0 : i32
    %sign3A_368 = arith.cmpi sgt, %add3A_364, %sign3A_367 : i32
    %sign3A_369 = arith.extui %sign3A_368 : i1 to i32
    %sign3A_370 = arith.constant 0 : i32
    %sign3A_371 = arith.cmpi slt, %add3A_364, %sign3A_370 : i32
    %sign3A_372 = arith.extui %sign3A_371 : i1 to i32
    %sign3A_373 = arith.subi %sign3A_369, %sign3A_372 : i32
    %sign3A_374 = arith.constant 0 : i32
    %sign3A_375 = arith.cmpi sgt, %jit3A_365, %sign3A_374 : i32
    %sign3A_376 = arith.extui %sign3A_375 : i1 to i32
    %sign3A_377 = arith.constant 0 : i32
    %sign3A_378 = arith.cmpi slt, %jit3A_365, %sign3A_377 : i32
    %sign3A_379 = arith.extui %sign3A_378 : i1 to i32
    %sign3A_380 = arith.subi %sign3A_376, %sign3A_379 : i32
    %ne3A_381 = arith.cmpi ne, %sign3A_373, %sign3A_380 : i32
    %rem3A_382 = arith.remsi %add3A_364, %jit3A_365 : i32
    %ne3A_383 = arith.constant 0 : i32
    %ne3A_384 = arith.cmpi ne, %rem3A_382, %ne3A_383 : i32
    %and3A_385 = arith.andi %ne3A_381, %ne3A_384 : i1
    %sub3A_386 = arith.constant 1 : i32
    %sub3A_387 = arith.subi %div3A_366, %sub3A_386 : i32
    %select_n3A_388 = arith.select %and3A_385, %sub3A_387, %div3A_366 : i32
    %dma_start3A_389 = arith.constant 2 : i32
    %dma_start3A_390 = tpu.memref_slice %arg3[%select_n3A_388, %dma_start3A_389, %multiple_of3A_362, %multiple_of3A_82] : memref<4x3x2048x2048xf32, #tpu.memory_space<hbm>> -> memref<1x1x64x256xf32, #tpu.memory_space<hbm>>
    %dma_start3A_391 = tpu.memref_squeeze %dma_start3A_390 : memref<1x1x64x256xf32, #tpu.memory_space<hbm>> -> memref<64x256xf32, #tpu.memory_space<hbm>>
    %dma_start3A_392 = tpu.memref_slice %arg3[%select_n3A_388, %dma_start3A_389, %multiple_of3A_362, %multiple_of3A_82] : memref<4x3x2048x2048xf32, #tpu.memory_space<hbm>> -> memref<1x1x64x256xf32, #tpu.memory_space<hbm>>
    %dma_start3A_393 = tpu.memref_squeeze %dma_start3A_392 : memref<1x1x64x256xf32, #tpu.memory_space<hbm>> -> memref<64x256xf32, #tpu.memory_space<hbm>>
    tpu.enqueue_dma source(%dma_start3A_393 : memref<64x256xf32, #tpu.memory_space<hbm>>) target(%arg7 : memref<64x256xf32, #tpu.memory_space<vmem>>) target_semaphore(%arg15 : memref<!tpu.dma_semaphore, #tpu.memory_space<semaphore_mem>>)
    %dma_wait3A_394 = arith.constant 1 : i32
    %dma_wait3A_395 = tpu.memref_slice %arg3[%select_n3A_242, %dma_wait3A_394, %multiple_of3A_216, %multiple_of3A_82] : memref<4x3x2048x2048xf32, #tpu.memory_space<hbm>> -> memref<1x1x64x256xf32, #tpu.memory_space<hbm>>
    %dma_wait3A_396 = tpu.memref_squeeze %dma_wait3A_395 : memref<1x1x64x256xf32, #tpu.memory_space<hbm>> -> memref<64x256xf32, #tpu.memory_space<hbm>>
    %dma_wait3A_397 = tpu.memref_slice %arg3[%select_n3A_242, %dma_wait3A_394, %multiple_of3A_216, %multiple_of3A_82] : memref<4x3x2048x2048xf32, #tpu.memory_space<hbm>> -> memref<1x1x64x256xf32, #tpu.memory_space<hbm>>
    %dma_wait3A_398 = tpu.memref_squeeze %dma_wait3A_397 : memref<1x1x64x256xf32, #tpu.memory_space<hbm>> -> memref<64x256xf32, #tpu.memory_space<hbm>>
    tpu.wait_dma2 semaphore(%arg16 : memref<!tpu.dma_semaphore, #tpu.memory_space<semaphore_mem>>) src(%dma_wait3A_398 : memref<64x256xf32, #tpu.memory_space<hbm>>) dst(%arg8 : memref<64x256xf32, #tpu.memory_space<vmem>>)
    %add3A_399 = vector.broadcast %sub3A_83 : i32 to vector<16xi32>
    %add3A_400 = arith.addi %add3A_399, %iota3A : vector<16xi32>
    %scan3A_401 = arith.constant 0 : i32
    %scan3A_402 = arith.constant 64 : i32
    %scan3A_403 = arith.addi %scan3A_401, %scan3A_402 : i32
    %scan3A_404 = arith.constant 1 : i32
    scf.for %scan3A_936 = %scan3A_401 to %scan3A_403 step %scan3A_404  : i32 {
      %mul3A_937 = arith.constant 1 : i32
      %mul3A_938 = arith.muli %scan3A_936, %mul3A_937 : i32
      %add3A_939 = arith.constant 0 : i32
      %add3A_940 = arith.addi %add3A_939, %mul3A_938 : i32
      %broadcast_in_dim3A_941 = vector.broadcast %add3A_940 : i32 to vector<16xi32>
      %add3A_942 = arith.constant 0 : i32
      %add3A_943 = vector.broadcast %add3A_942 : i32 to vector<16xi32>
      %add3A_944 = arith.addi %add3A_400, %add3A_943 : vector<16xi32>
      %gather3A = tpu.vector_load_idx %arg8[%broadcast_in_dim3A_941, %add3A_944] : memref<64x256xf32, #tpu.memory_space<vmem>>[vector<16xi32>, vector<16xi32>], vector<16xf32>,
      %swap3A = arith.index_cast %add3A_940 : i32 to index
      %swap3A_945 = arith.constant 0 : index
      %swap3A_946 = tpu.vector_load %arg12[%swap3A, %swap3A_945] {strides = array<i32>} : memref<64x128xf32, #tpu.memory_space<vmem>>, vector<16xf32>,
      tpu.vector_store %arg12[%swap3A, %swap3A_945], %gather3A {strides = array<i32>} : memref<64x128xf32, #tpu.memory_space<vmem>>, vector<16xf32>,
      %add3A_947 = arith.constant 16 : i32
      %add3A_948 = vector.broadcast %add3A_947 : i32 to vector<16xi32>
      %add3A_949 = arith.addi %add3A_400, %add3A_948 : vector<16xi32>
      %gather3A_950 = tpu.vector_load_idx %arg8[%broadcast_in_dim3A_941, %add3A_949] : memref<64x256xf32, #tpu.memory_space<vmem>>[vector<16xi32>, vector<16xi32>], vector<16xf32>,
      %swap3A_951 = arith.index_cast %add3A_940 : i32 to index
      %swap3A_952 = arith.constant 16 : index
      %swap3A_953 = tpu.vector_load %arg12[%swap3A_951, %swap3A_952] {strides = array<i32>} : memref<64x128xf32, #tpu.memory_space<vmem>>, vector<16xf32>,
      tpu.vector_store %arg12[%swap3A_951, %swap3A_952], %gather3A_950 {strides = array<i32>} : memref<64x128xf32, #tpu.memory_space<vmem>>, vector<16xf32>,
      %add3A_954 = arith.constant 32 : i32
      %add3A_955 = vector.broadcast %add3A_954 : i32 to vector<16xi32>
      %add3A_956 = arith.addi %add3A_400, %add3A_955 : vector<16xi32>
      %gather3A_957 = tpu.vector_load_idx %arg8[%broadcast_in_dim3A_941, %add3A_956] : memref<64x256xf32, #tpu.memory_space<vmem>>[vector<16xi32>, vector<16xi32>], vector<16xf32>,
      %swap3A_958 = arith.index_cast %add3A_940 : i32 to index
      %swap3A_959 = arith.constant 32 : index
      %swap3A_960 = tpu.vector_load %arg12[%swap3A_958, %swap3A_959] {strides = array<i32>} : memref<64x128xf32, #tpu.memory_space<vmem>>, vector<16xf32>,
      tpu.vector_store %arg12[%swap3A_958, %swap3A_959], %gather3A_957 {strides = array<i32>} : memref<64x128xf32, #tpu.memory_space<vmem>>, vector<16xf32>,
      %add3A_961 = arith.constant 48 : i32
      %add3A_962 = vector.broadcast %add3A_961 : i32 to vector<16xi32>
      %add3A_963 = arith.addi %add3A_400, %add3A_962 : vector<16xi32>
      %gather3A_964 = tpu.vector_load_idx %arg8[%broadcast_in_dim3A_941, %add3A_963] : memref<64x256xf32, #tpu.memory_space<vmem>>[vector<16xi32>, vector<16xi32>], vector<16xf32>,
      %swap3A_965 = arith.index_cast %add3A_940 : i32 to index
      %swap3A_966 = arith.constant 48 : index
      %swap3A_967 = tpu.vector_load %arg12[%swap3A_965, %swap3A_966] {strides = array<i32>} : memref<64x128xf32, #tpu.memory_space<vmem>>, vector<16xf32>,
      tpu.vector_store %arg12[%swap3A_965, %swap3A_966], %gather3A_964 {strides = array<i32>} : memref<64x128xf32, #tpu.memory_space<vmem>>, vector<16xf32>,
      %add3A_968 = arith.constant 64 : i32
      %add3A_969 = vector.broadcast %add3A_968 : i32 to vector<16xi32>
      %add3A_970 = arith.addi %add3A_400, %add3A_969 : vector<16xi32>
      %gather3A_971 = tpu.vector_load_idx %arg8[%broadcast_in_dim3A_941, %add3A_970] : memref<64x256xf32, #tpu.memory_space<vmem>>[vector<16xi32>, vector<16xi32>], vector<16xf32>,
      %swap3A_972 = arith.index_cast %add3A_940 : i32 to index
      %swap3A_973 = arith.constant 64 : index
      %swap3A_974 = tpu.vector_load %arg12[%swap3A_972, %swap3A_973] {strides = array<i32>} : memref<64x128xf32, #tpu.memory_space<vmem>>, vector<16xf32>,
      tpu.vector_store %arg12[%swap3A_972, %swap3A_973], %gather3A_971 {strides = array<i32>} : memref<64x128xf32, #tpu.memory_space<vmem>>, vector<16xf32>,
      %add3A_975 = arith.constant 80 : i32
      %add3A_976 = vector.broadcast %add3A_975 : i32 to vector<16xi32>
      %add3A_977 = arith.addi %add3A_400, %add3A_976 : vector<16xi32>
      %gather3A_978 = tpu.vector_load_idx %arg8[%broadcast_in_dim3A_941, %add3A_977] : memref<64x256xf32, #tpu.memory_space<vmem>>[vector<16xi32>, vector<16xi32>], vector<16xf32>,
      %swap3A_979 = arith.index_cast %add3A_940 : i32 to index
      %swap3A_980 = arith.constant 80 : index
      %swap3A_981 = tpu.vector_load %arg12[%swap3A_979, %swap3A_980] {strides = array<i32>} : memref<64x128xf32, #tpu.memory_space<vmem>>, vector<16xf32>,
      tpu.vector_store %arg12[%swap3A_979, %swap3A_980], %gather3A_978 {strides = array<i32>} : memref<64x128xf32, #tpu.memory_space<vmem>>, vector<16xf32>,
      %add3A_982 = arith.constant 96 : i32
      %add3A_983 = vector.broadcast %add3A_982 : i32 to vector<16xi32>
      %add3A_984 = arith.addi %add3A_400, %add3A_983 : vector<16xi32>
      %gather3A_985 = tpu.vector_load_idx %arg8[%broadcast_in_dim3A_941, %add3A_984] : memref<64x256xf32, #tpu.memory_space<vmem>>[vector<16xi32>, vector<16xi32>], vector<16xf32>,
      %swap3A_986 = arith.index_cast %add3A_940 : i32 to index
      %swap3A_987 = arith.constant 96 : index
      %swap3A_988 = tpu.vector_load %arg12[%swap3A_986, %swap3A_987] {strides = array<i32>} : memref<64x128xf32, #tpu.memory_space<vmem>>, vector<16xf32>,
      tpu.vector_store %arg12[%swap3A_986, %swap3A_987], %gather3A_985 {strides = array<i32>} : memref<64x128xf32, #tpu.memory_space<vmem>>, vector<16xf32>,
      %add3A_989 = arith.constant 112 : i32
      %add3A_990 = vector.broadcast %add3A_989 : i32 to vector<16xi32>
      %add3A_991 = arith.addi %add3A_400, %add3A_990 : vector<16xi32>
      %gather3A_992 = tpu.vector_load_idx %arg8[%broadcast_in_dim3A_941, %add3A_991] : memref<64x256xf32, #tpu.memory_space<vmem>>[vector<16xi32>, vector<16xi32>], vector<16xf32>,
      %swap3A_993 = arith.index_cast %add3A_940 : i32 to index
      %swap3A_994 = arith.constant 112 : index
      %swap3A_995 = tpu.vector_load %arg12[%swap3A_993, %swap3A_994] {strides = array<i32>} : memref<64x128xf32, #tpu.memory_space<vmem>>, vector<16xf32>,
      tpu.vector_store %arg12[%swap3A_993, %swap3A_994], %gather3A_992 {strides = array<i32>} : memref<64x128xf32, #tpu.memory_space<vmem>>, vector<16xf32>,
    }
    %scan3A_405 = arith.constant 64 : i32
    %add3A_406 = arith.constant 0 : i32
    %add3A_407 = arith.addi %mul3A_2, %add3A_406 : i32
    %dma_start3A_408 = arith.constant 1 : i32
    %dma_start3A_409 = arith.constant 0 : i32
    %dma_start3A_410 = arith.constant 0 : i32
    %dma_start3A_411 = tpu.memref_slice %arg4[%add3A_407, %dma_start3A_408, %dma_start3A_409, %dma_start3A_410] : memref<64x3x128x128xf32, #tpu.memory_space<hbm>> -> memref<1x1x64x128xf32, #tpu.memory_space<hbm>>
    %dma_start3A_412 = tpu.memref_squeeze %dma_start3A_411 : memref<1x1x64x128xf32, #tpu.memory_space<hbm>> -> memref<64x128xf32, #tpu.memory_space<hbm>>
    %dma_start3A_413 = arith.constant 0 : i32
    %dma_start3A_414 = arith.constant 0 : i32
    %dma_start3A_415 = tpu.memref_slice %arg4[%add3A_407, %dma_start3A_408, %dma_start3A_413, %dma_start3A_414] : memref<64x3x128x128xf32, #tpu.memory_space<hbm>> -> memref<1x1x64x128xf32, #tpu.memory_space<hbm>>
    %dma_start3A_416 = tpu.memref_squeeze %dma_start3A_415 : memref<1x1x64x128xf32, #tpu.memory_space<hbm>> -> memref<64x128xf32, #tpu.memory_space<hbm>>
    tpu.enqueue_dma source(%arg12 : memref<64x128xf32, #tpu.memory_space<vmem>>) target(%dma_start3A_416 : memref<64x128xf32, #tpu.memory_space<hbm>>) target_semaphore(%arg20 : memref<!tpu.dma_semaphore, #tpu.memory_space<semaphore_mem>>)
    %add3A_417 = arith.constant 0 : i32
    %add3A_418 = arith.addi %multiple_of3A_99, %add3A_417 : i32
    %multiple_of3A_419 = tpu.assume_multiple %add3A_418, 8 : i32
    %add3A_420 = arith.constant 1 : i32
    %add3A_421 = arith.addi %mul3A_2, %add3A_420 : i32
    %jit3A_422 = arith.constant 16 : i32
    %div3A_423 = arith.divsi %add3A_421, %jit3A_422 : i32
    %sign3A_424 = arith.constant 0 : i32
    %sign3A_425 = arith.cmpi sgt, %add3A_421, %sign3A_424 : i32
    %sign3A_426 = arith.extui %sign3A_425 : i1 to i32
    %sign3A_427 = arith.constant 0 : i32
    %sign3A_428 = arith.cmpi slt, %add3A_421, %sign3A_427 : i32
    %sign3A_429 = arith.extui %sign3A_428 : i1 to i32
    %sign3A_430 = arith.subi %sign3A_426, %sign3A_429 : i32
    %sign3A_431 = arith.constant 0 : i32
    %sign3A_432 = arith.cmpi sgt, %jit3A_422, %sign3A_431 : i32
    %sign3A_433 = arith.extui %sign3A_432 : i1 to i32
    %sign3A_434 = arith.constant 0 : i32
    %sign3A_435 = arith.cmpi slt, %jit3A_422, %sign3A_434 : i32
    %sign3A_436 = arith.extui %sign3A_435 : i1 to i32
    %sign3A_437 = arith.subi %sign3A_433, %sign3A_436 : i32
    %ne3A_438 = arith.cmpi ne, %sign3A_430, %sign3A_437 : i32
    %rem3A_439 = arith.remsi %add3A_421, %jit3A_422 : i32
    %ne3A_440 = arith.constant 0 : i32
    %ne3A_441 = arith.cmpi ne, %rem3A_439, %ne3A_440 : i32
    %and3A_442 = arith.andi %ne3A_438, %ne3A_441 : i1
    %sub3A_443 = arith.constant 1 : i32
    %sub3A_444 = arith.subi %div3A_423, %sub3A_443 : i32
    %select_n3A_445 = arith.select %and3A_442, %sub3A_444, %div3A_423 : i32
    %dma_start3A_446 = arith.constant 0 : i32
    %dma_start3A_447 = tpu.memref_slice %arg3[%select_n3A_445, %dma_start3A_446, %multiple_of3A_419, %multiple_of3A_145] : memref<4x3x2048x2048xf32, #tpu.memory_space<hbm>> -> memref<1x1x64x256xf32, #tpu.memory_space<hbm>>
    %dma_start3A_448 = tpu.memref_squeeze %dma_start3A_447 : memref<1x1x64x256xf32, #tpu.memory_space<hbm>> -> memref<64x256xf32, #tpu.memory_space<hbm>>
    %dma_start3A_449 = tpu.memref_slice %arg3[%select_n3A_445, %dma_start3A_446, %multiple_of3A_419, %multiple_of3A_145] : memref<4x3x2048x2048xf32, #tpu.memory_space<hbm>> -> memref<1x1x64x256xf32, #tpu.memory_space<hbm>>
    %dma_start3A_450 = tpu.memref_squeeze %dma_start3A_449 : memref<1x1x64x256xf32, #tpu.memory_space<hbm>> -> memref<64x256xf32, #tpu.memory_space<hbm>>
    tpu.enqueue_dma source(%dma_start3A_450 : memref<64x256xf32, #tpu.memory_space<hbm>>) target(%arg8 : memref<64x256xf32, #tpu.memory_space<vmem>>) target_semaphore(%arg16 : memref<!tpu.dma_semaphore, #tpu.memory_space<semaphore_mem>>)
    %dma_wait3A_451 = arith.constant 1 : i32
    %dma_wait3A_452 = tpu.memref_slice %arg3[%select_n3A_276, %dma_wait3A_451, %multiple_of3A_250, %multiple_of3A_82] : memref<4x3x2048x2048xf32, #tpu.memory_space<hbm>> -> memref<1x1x64x256xf32, #tpu.memory_space<hbm>>
    %dma_wait3A_453 = tpu.memref_squeeze %dma_wait3A_452 : memref<1x1x64x256xf32, #tpu.memory_space<hbm>> -> memref<64x256xf32, #tpu.memory_space<hbm>>
    %dma_wait3A_454 = tpu.memref_slice %arg3[%select_n3A_276, %dma_wait3A_451, %multiple_of3A_250, %multiple_of3A_82] : memref<4x3x2048x2048xf32, #tpu.memory_space<hbm>> -> memref<1x1x64x256xf32, #tpu.memory_space<hbm>>
    %dma_wait3A_455 = tpu.memref_squeeze %dma_wait3A_454 : memref<1x1x64x256xf32, #tpu.memory_space<hbm>> -> memref<64x256xf32, #tpu.memory_space<hbm>>
    tpu.wait_dma2 semaphore(%arg17 : memref<!tpu.dma_semaphore, #tpu.memory_space<semaphore_mem>>) src(%dma_wait3A_455 : memref<64x256xf32, #tpu.memory_space<hbm>>) dst(%arg9 : memref<64x256xf32, #tpu.memory_space<vmem>>)
    %add3A_456 = vector.broadcast %sub3A_83 : i32 to vector<16xi32>
    %add3A_457 = arith.addi %add3A_456, %iota3A : vector<16xi32>
    %scan3A_458 = arith.constant 0 : i32
    %scan3A_459 = arith.constant 64 : i32
    %scan3A_460 = arith.addi %scan3A_458, %scan3A_459 : i32
    %scan3A_461 = arith.constant 1 : i32
    scf.for %scan3A_936 = %scan3A_458 to %scan3A_460 step %scan3A_461  : i32 {
      %mul3A_937 = arith.constant 1 : i32
      %mul3A_938 = arith.muli %scan3A_936, %mul3A_937 : i32
      %add3A_939 = arith.constant 0 : i32
      %add3A_940 = arith.addi %add3A_939, %mul3A_938 : i32
      %broadcast_in_dim3A_941 = vector.broadcast %add3A_940 : i32 to vector<16xi32>
      %add3A_942 = arith.constant 0 : i32
      %add3A_943 = vector.broadcast %add3A_942 : i32 to vector<16xi32>
      %add3A_944 = arith.addi %add3A_457, %add3A_943 : vector<16xi32>
      %gather3A = tpu.vector_load_idx %arg9[%broadcast_in_dim3A_941, %add3A_944] : memref<64x256xf32, #tpu.memory_space<vmem>>[vector<16xi32>, vector<16xi32>], vector<16xf32>,
      %swap3A = arith.index_cast %add3A_940 : i32 to index
      %swap3A_945 = arith.constant 0 : index
      %swap3A_946 = tpu.vector_load %arg13[%swap3A, %swap3A_945] {strides = array<i32>} : memref<64x128xf32, #tpu.memory_space<vmem>>, vector<16xf32>,
      tpu.vector_store %arg13[%swap3A, %swap3A_945], %gather3A {strides = array<i32>} : memref<64x128xf32, #tpu.memory_space<vmem>>, vector<16xf32>,
      %add3A_947 = arith.constant 16 : i32
      %add3A_948 = vector.broadcast %add3A_947 : i32 to vector<16xi32>
      %add3A_949 = arith.addi %add3A_457, %add3A_948 : vector<16xi32>
      %gather3A_950 = tpu.vector_load_idx %arg9[%broadcast_in_dim3A_941, %add3A_949] : memref<64x256xf32, #tpu.memory_space<vmem>>[vector<16xi32>, vector<16xi32>], vector<16xf32>,
      %swap3A_951 = arith.index_cast %add3A_940 : i32 to index
      %swap3A_952 = arith.constant 16 : index
      %swap3A_953 = tpu.vector_load %arg13[%swap3A_951, %swap3A_952] {strides = array<i32>} : memref<64x128xf32, #tpu.memory_space<vmem>>, vector<16xf32>,
      tpu.vector_store %arg13[%swap3A_951, %swap3A_952], %gather3A_950 {strides = array<i32>} : memref<64x128xf32, #tpu.memory_space<vmem>>, vector<16xf32>,
      %add3A_954 = arith.constant 32 : i32
      %add3A_955 = vector.broadcast %add3A_954 : i32 to vector<16xi32>
      %add3A_956 = arith.addi %add3A_457, %add3A_955 : vector<16xi32>
      %gather3A_957 = tpu.vector_load_idx %arg9[%broadcast_in_dim3A_941, %add3A_956] : memref<64x256xf32, #tpu.memory_space<vmem>>[vector<16xi32>, vector<16xi32>], vector<16xf32>,
      %swap3A_958 = arith.index_cast %add3A_940 : i32 to index
      %swap3A_959 = arith.constant 32 : index
      %swap3A_960 = tpu.vector_load %arg13[%swap3A_958, %swap3A_959] {strides = array<i32>} : memref<64x128xf32, #tpu.memory_space<vmem>>, vector<16xf32>,
      tpu.vector_store %arg13[%swap3A_958, %swap3A_959], %gather3A_957 {strides = array<i32>} : memref<64x128xf32, #tpu.memory_space<vmem>>, vector<16xf32>,
      %add3A_961 = arith.constant 48 : i32
      %add3A_962 = vector.broadcast %add3A_961 : i32 to vector<16xi32>
      %add3A_963 = arith.addi %add3A_457, %add3A_962 : vector<16xi32>
      %gather3A_964 = tpu.vector_load_idx %arg9[%broadcast_in_dim3A_941, %add3A_963] : memref<64x256xf32, #tpu.memory_space<vmem>>[vector<16xi32>, vector<16xi32>], vector<16xf32>,
      %swap3A_965 = arith.index_cast %add3A_940 : i32 to index
      %swap3A_966 = arith.constant 48 : index
      %swap3A_967 = tpu.vector_load %arg13[%swap3A_965, %swap3A_966] {strides = array<i32>} : memref<64x128xf32, #tpu.memory_space<vmem>>, vector<16xf32>,
      tpu.vector_store %arg13[%swap3A_965, %swap3A_966], %gather3A_964 {strides = array<i32>} : memref<64x128xf32, #tpu.memory_space<vmem>>, vector<16xf32>,
      %add3A_968 = arith.constant 64 : i32
      %add3A_969 = vector.broadcast %add3A_968 : i32 to vector<16xi32>
      %add3A_970 = arith.addi %add3A_457, %add3A_969 : vector<16xi32>
      %gather3A_971 = tpu.vector_load_idx %arg9[%broadcast_in_dim3A_941, %add3A_970] : memref<64x256xf32, #tpu.memory_space<vmem>>[vector<16xi32>, vector<16xi32>], vector<16xf32>,
      %swap3A_972 = arith.index_cast %add3A_940 : i32 to index
      %swap3A_973 = arith.constant 64 : index
      %swap3A_974 = tpu.vector_load %arg13[%swap3A_972, %swap3A_973] {strides = array<i32>} : memref<64x128xf32, #tpu.memory_space<vmem>>, vector<16xf32>,
      tpu.vector_store %arg13[%swap3A_972, %swap3A_973], %gather3A_971 {strides = array<i32>} : memref<64x128xf32, #tpu.memory_space<vmem>>, vector<16xf32>,
      %add3A_975 = arith.constant 80 : i32
      %add3A_976 = vector.broadcast %add3A_975 : i32 to vector<16xi32>
      %add3A_977 = arith.addi %add3A_457, %add3A_976 : vector<16xi32>
      %gather3A_978 = tpu.vector_load_idx %arg9[%broadcast_in_dim3A_941, %add3A_977] : memref<64x256xf32, #tpu.memory_space<vmem>>[vector<16xi32>, vector<16xi32>], vector<16xf32>,
      %swap3A_979 = arith.index_cast %add3A_940 : i32 to index
      %swap3A_980 = arith.constant 80 : index
      %swap3A_981 = tpu.vector_load %arg13[%swap3A_979, %swap3A_980] {strides = array<i32>} : memref<64x128xf32, #tpu.memory_space<vmem>>, vector<16xf32>,
      tpu.vector_store %arg13[%swap3A_979, %swap3A_980], %gather3A_978 {strides = array<i32>} : memref<64x128xf32, #tpu.memory_space<vmem>>, vector<16xf32>,
      %add3A_982 = arith.constant 96 : i32
      %add3A_983 = vector.broadcast %add3A_982 : i32 to vector<16xi32>
      %add3A_984 = arith.addi %add3A_457, %add3A_983 : vector<16xi32>
      %gather3A_985 = tpu.vector_load_idx %arg9[%broadcast_in_dim3A_941, %add3A_984] : memref<64x256xf32, #tpu.memory_space<vmem>>[vector<16xi32>, vector<16xi32>], vector<16xf32>,
      %swap3A_986 = arith.index_cast %add3A_940 : i32 to index
      %swap3A_987 = arith.constant 96 : index
      %swap3A_988 = tpu.vector_load %arg13[%swap3A_986, %swap3A_987] {strides = array<i32>} : memref<64x128xf32, #tpu.memory_space<vmem>>, vector<16xf32>,
      tpu.vector_store %arg13[%swap3A_986, %swap3A_987], %gather3A_985 {strides = array<i32>} : memref<64x128xf32, #tpu.memory_space<vmem>>, vector<16xf32>,
      %add3A_989 = arith.constant 112 : i32
      %add3A_990 = vector.broadcast %add3A_989 : i32 to vector<16xi32>
      %add3A_991 = arith.addi %add3A_457, %add3A_990 : vector<16xi32>
      %gather3A_992 = tpu.vector_load_idx %arg9[%broadcast_in_dim3A_941, %add3A_991] : memref<64x256xf32, #tpu.memory_space<vmem>>[vector<16xi32>, vector<16xi32>], vector<16xf32>,
      %swap3A_993 = arith.index_cast %add3A_940 : i32 to index
      %swap3A_994 = arith.constant 112 : index
      %swap3A_995 = tpu.vector_load %arg13[%swap3A_993, %swap3A_994] {strides = array<i32>} : memref<64x128xf32, #tpu.memory_space<vmem>>, vector<16xf32>,
      tpu.vector_store %arg13[%swap3A_993, %swap3A_994], %gather3A_992 {strides = array<i32>} : memref<64x128xf32, #tpu.memory_space<vmem>>, vector<16xf32>,
    }
    %scan3A_462 = arith.constant 64 : i32
    %add3A_463 = arith.constant 0 : i32
    %add3A_464 = arith.addi %mul3A_2, %add3A_463 : i32
    %dma_start3A_465 = arith.constant 1 : i32
    %dma_start3A_466 = arith.constant 64 : i32
    %dma_start3A_467 = arith.constant 0 : i32
    %dma_start3A_468 = tpu.memref_slice %arg4[%add3A_464, %dma_start3A_465, %dma_start3A_466, %dma_start3A_467] : memref<64x3x128x128xf32, #tpu.memory_space<hbm>> -> memref<1x1x64x128xf32, #tpu.memory_space<hbm>>
    %dma_start3A_469 = tpu.memref_squeeze %dma_start3A_468 : memref<1x1x64x128xf32, #tpu.memory_space<hbm>> -> memref<64x128xf32, #tpu.memory_space<hbm>>
    %dma_start3A_470 = arith.constant 64 : i32
    %dma_start3A_471 = arith.constant 0 : i32
    %dma_start3A_472 = tpu.memref_slice %arg4[%add3A_464, %dma_start3A_465, %dma_start3A_470, %dma_start3A_471] : memref<64x3x128x128xf32, #tpu.memory_space<hbm>> -> memref<1x1x64x128xf32, #tpu.memory_space<hbm>>
    %dma_start3A_473 = tpu.memref_squeeze %dma_start3A_472 : memref<1x1x64x128xf32, #tpu.memory_space<hbm>> -> memref<64x128xf32, #tpu.memory_space<hbm>>
    tpu.enqueue_dma source(%arg13 : memref<64x128xf32, #tpu.memory_space<vmem>>) target(%dma_start3A_473 : memref<64x128xf32, #tpu.memory_space<hbm>>) target_semaphore(%arg21 : memref<!tpu.dma_semaphore, #tpu.memory_space<semaphore_mem>>)
    %add3A_474 = arith.constant 64 : i32
    %add3A_475 = arith.addi %multiple_of3A_99, %add3A_474 : i32
    %multiple_of3A_476 = tpu.assume_multiple %add3A_475, 8 : i32
    %add3A_477 = arith.constant 1 : i32
    %add3A_478 = arith.addi %mul3A_2, %add3A_477 : i32
    %jit3A_479 = arith.constant 16 : i32
    %div3A_480 = arith.divsi %add3A_478, %jit3A_479 : i32
    %sign3A_481 = arith.constant 0 : i32
    %sign3A_482 = arith.cmpi sgt, %add3A_478, %sign3A_481 : i32
    %sign3A_483 = arith.extui %sign3A_482 : i1 to i32
    %sign3A_484 = arith.constant 0 : i32
    %sign3A_485 = arith.cmpi slt, %add3A_478, %sign3A_484 : i32
    %sign3A_486 = arith.extui %sign3A_485 : i1 to i32
    %sign3A_487 = arith.subi %sign3A_483, %sign3A_486 : i32
    %sign3A_488 = arith.constant 0 : i32
    %sign3A_489 = arith.cmpi sgt, %jit3A_479, %sign3A_488 : i32
    %sign3A_490 = arith.extui %sign3A_489 : i1 to i32
    %sign3A_491 = arith.constant 0 : i32
    %sign3A_492 = arith.cmpi slt, %jit3A_479, %sign3A_491 : i32
    %sign3A_493 = arith.extui %sign3A_492 : i1 to i32
    %sign3A_494 = arith.subi %sign3A_490, %sign3A_493 : i32
    %ne3A_495 = arith.cmpi ne, %sign3A_487, %sign3A_494 : i32
    %rem3A_496 = arith.remsi %add3A_478, %jit3A_479 : i32
    %ne3A_497 = arith.constant 0 : i32
    %ne3A_498 = arith.cmpi ne, %rem3A_496, %ne3A_497 : i32
    %and3A_499 = arith.andi %ne3A_495, %ne3A_498 : i1
    %sub3A_500 = arith.constant 1 : i32
    %sub3A_501 = arith.subi %div3A_480, %sub3A_500 : i32
    %select_n3A_502 = arith.select %and3A_499, %sub3A_501, %div3A_480 : i32
    %dma_start3A_503 = arith.constant 0 : i32
    %dma_start3A_504 = tpu.memref_slice %arg3[%select_n3A_502, %dma_start3A_503, %multiple_of3A_476, %multiple_of3A_145] : memref<4x3x2048x2048xf32, #tpu.memory_space<hbm>> -> memref<1x1x64x256xf32, #tpu.memory_space<hbm>>
    %dma_start3A_505 = tpu.memref_squeeze %dma_start3A_504 : memref<1x1x64x256xf32, #tpu.memory_space<hbm>> -> memref<64x256xf32, #tpu.memory_space<hbm>>
    %dma_start3A_506 = tpu.memref_slice %arg3[%select_n3A_502, %dma_start3A_503, %multiple_of3A_476, %multiple_of3A_145] : memref<4x3x2048x2048xf32, #tpu.memory_space<hbm>> -> memref<1x1x64x256xf32, #tpu.memory_space<hbm>>
    %dma_start3A_507 = tpu.memref_squeeze %dma_start3A_506 : memref<1x1x64x256xf32, #tpu.memory_space<hbm>> -> memref<64x256xf32, #tpu.memory_space<hbm>>
    tpu.enqueue_dma source(%dma_start3A_507 : memref<64x256xf32, #tpu.memory_space<hbm>>) target(%arg9 : memref<64x256xf32, #tpu.memory_space<vmem>>) target_semaphore(%arg17 : memref<!tpu.dma_semaphore, #tpu.memory_space<semaphore_mem>>)
    %dma_wait3A_508 = arith.constant 2 : i32
    %dma_wait3A_509 = tpu.memref_slice %arg3[%select_n3A_331, %dma_wait3A_508, %multiple_of3A_305, %multiple_of3A_82] : memref<4x3x2048x2048xf32, #tpu.memory_space<hbm>> -> memref<1x1x64x256xf32, #tpu.memory_space<hbm>>
    %dma_wait3A_510 = tpu.memref_squeeze %dma_wait3A_509 : memref<1x1x64x256xf32, #tpu.memory_space<hbm>> -> memref<64x256xf32, #tpu.memory_space<hbm>>
    %dma_wait3A_511 = tpu.memref_slice %arg3[%select_n3A_331, %dma_wait3A_508, %multiple_of3A_305, %multiple_of3A_82] : memref<4x3x2048x2048xf32, #tpu.memory_space<hbm>> -> memref<1x1x64x256xf32, #tpu.memory_space<hbm>>
    %dma_wait3A_512 = tpu.memref_squeeze %dma_wait3A_511 : memref<1x1x64x256xf32, #tpu.memory_space<hbm>> -> memref<64x256xf32, #tpu.memory_space<hbm>>
    tpu.wait_dma2 semaphore(%arg14 : memref<!tpu.dma_semaphore, #tpu.memory_space<semaphore_mem>>) src(%dma_wait3A_512 : memref<64x256xf32, #tpu.memory_space<hbm>>) dst(%arg6 : memref<64x256xf32, #tpu.memory_space<vmem>>)
    %dma_wait3A_513 = arith.constant 0 : i32
    %dma_wait3A_514 = arith.constant 0 : i32
    %dma_wait3A_515 = arith.constant 0 : i32
    %dma_wait3A_516 = tpu.memref_slice %arg4[%add3A_293, %dma_wait3A_513, %dma_wait3A_514, %dma_wait3A_515] : memref<64x3x128x128xf32, #tpu.memory_space<hbm>> -> memref<1x1x64x128xf32, #tpu.memory_space<hbm>>
    %dma_wait3A_517 = tpu.memref_squeeze %dma_wait3A_516 : memref<1x1x64x128xf32, #tpu.memory_space<hbm>> -> memref<64x128xf32, #tpu.memory_space<hbm>>
    %dma_wait3A_518 = arith.constant 0 : i32
    %dma_wait3A_519 = arith.constant 0 : i32
    %dma_wait3A_520 = tpu.memref_slice %arg4[%add3A_293, %dma_wait3A_513, %dma_wait3A_518, %dma_wait3A_519] : memref<64x3x128x128xf32, #tpu.memory_space<hbm>> -> memref<1x1x64x128xf32, #tpu.memory_space<hbm>>
    %dma_wait3A_521 = tpu.memref_squeeze %dma_wait3A_520 : memref<1x1x64x128xf32, #tpu.memory_space<hbm>> -> memref<64x128xf32, #tpu.memory_space<hbm>>
    tpu.wait_dma2 semaphore(%arg18 : memref<!tpu.dma_semaphore, #tpu.memory_space<semaphore_mem>>) src(%arg10 : memref<64x128xf32, #tpu.memory_space<vmem>>) dst(%dma_wait3A_521 : memref<64x128xf32, #tpu.memory_space<hbm>>)
    %add3A_522 = vector.broadcast %sub3A_83 : i32 to vector<16xi32>
    %add3A_523 = arith.addi %add3A_522, %iota3A : vector<16xi32>
    %scan3A_524 = arith.constant 0 : i32
    %scan3A_525 = arith.constant 64 : i32
    %scan3A_526 = arith.addi %scan3A_524, %scan3A_525 : i32
    %scan3A_527 = arith.constant 1 : i32
    scf.for %scan3A_936 = %scan3A_524 to %scan3A_526 step %scan3A_527  : i32 {
      %mul3A_937 = arith.constant 1 : i32
      %mul3A_938 = arith.muli %scan3A_936, %mul3A_937 : i32
      %add3A_939 = arith.constant 0 : i32
      %add3A_940 = arith.addi %add3A_939, %mul3A_938 : i32
      %broadcast_in_dim3A_941 = vector.broadcast %add3A_940 : i32 to vector<16xi32>
      %add3A_942 = arith.constant 0 : i32
      %add3A_943 = vector.broadcast %add3A_942 : i32 to vector<16xi32>
      %add3A_944 = arith.addi %add3A_523, %add3A_943 : vector<16xi32>
      %gather3A = tpu.vector_load_idx %arg6[%broadcast_in_dim3A_941, %add3A_944] : memref<64x256xf32, #tpu.memory_space<vmem>>[vector<16xi32>, vector<16xi32>], vector<16xf32>,
      %swap3A = arith.index_cast %add3A_940 : i32 to index
      %swap3A_945 = arith.constant 0 : index
      %swap3A_946 = tpu.vector_load %arg10[%swap3A, %swap3A_945] {strides = array<i32>} : memref<64x128xf32, #tpu.memory_space<vmem>>, vector<16xf32>,
      tpu.vector_store %arg10[%swap3A, %swap3A_945], %gather3A {strides = array<i32>} : memref<64x128xf32, #tpu.memory_space<vmem>>, vector<16xf32>,
      %add3A_947 = arith.constant 16 : i32
      %add3A_948 = vector.broadcast %add3A_947 : i32 to vector<16xi32>
      %add3A_949 = arith.addi %add3A_523, %add3A_948 : vector<16xi32>
      %gather3A_950 = tpu.vector_load_idx %arg6[%broadcast_in_dim3A_941, %add3A_949] : memref<64x256xf32, #tpu.memory_space<vmem>>[vector<16xi32>, vector<16xi32>], vector<16xf32>,
      %swap3A_951 = arith.index_cast %add3A_940 : i32 to index
      %swap3A_952 = arith.constant 16 : index
      %swap3A_953 = tpu.vector_load %arg10[%swap3A_951, %swap3A_952] {strides = array<i32>} : memref<64x128xf32, #tpu.memory_space<vmem>>, vector<16xf32>,
      tpu.vector_store %arg10[%swap3A_951, %swap3A_952], %gather3A_950 {strides = array<i32>} : memref<64x128xf32, #tpu.memory_space<vmem>>, vector<16xf32>,
      %add3A_954 = arith.constant 32 : i32
      %add3A_955 = vector.broadcast %add3A_954 : i32 to vector<16xi32>
      %add3A_956 = arith.addi %add3A_523, %add3A_955 : vector<16xi32>
      %gather3A_957 = tpu.vector_load_idx %arg6[%broadcast_in_dim3A_941, %add3A_956] : memref<64x256xf32, #tpu.memory_space<vmem>>[vector<16xi32>, vector<16xi32>], vector<16xf32>,
      %swap3A_958 = arith.index_cast %add3A_940 : i32 to index
      %swap3A_959 = arith.constant 32 : index
      %swap3A_960 = tpu.vector_load %arg10[%swap3A_958, %swap3A_959] {strides = array<i32>} : memref<64x128xf32, #tpu.memory_space<vmem>>, vector<16xf32>,
      tpu.vector_store %arg10[%swap3A_958, %swap3A_959], %gather3A_957 {strides = array<i32>} : memref<64x128xf32, #tpu.memory_space<vmem>>, vector<16xf32>,
      %add3A_961 = arith.constant 48 : i32
      %add3A_962 = vector.broadcast %add3A_961 : i32 to vector<16xi32>
      %add3A_963 = arith.addi %add3A_523, %add3A_962 : vector<16xi32>
      %gather3A_964 = tpu.vector_load_idx %arg6[%broadcast_in_dim3A_941, %add3A_963] : memref<64x256xf32, #tpu.memory_space<vmem>>[vector<16xi32>, vector<16xi32>], vector<16xf32>,
      %swap3A_965 = arith.index_cast %add3A_940 : i32 to index
      %swap3A_966 = arith.constant 48 : index
      %swap3A_967 = tpu.vector_load %arg10[%swap3A_965, %swap3A_966] {strides = array<i32>} : memref<64x128xf32, #tpu.memory_space<vmem>>, vector<16xf32>,
      tpu.vector_store %arg10[%swap3A_965, %swap3A_966], %gather3A_964 {strides = array<i32>} : memref<64x128xf32, #tpu.memory_space<vmem>>, vector<16xf32>,
      %add3A_968 = arith.constant 64 : i32
      %add3A_969 = vector.broadcast %add3A_968 : i32 to vector<16xi32>
      %add3A_970 = arith.addi %add3A_523, %add3A_969 : vector<16xi32>
      %gather3A_971 = tpu.vector_load_idx %arg6[%broadcast_in_dim3A_941, %add3A_970] : memref<64x256xf32, #tpu.memory_space<vmem>>[vector<16xi32>, vector<16xi32>], vector<16xf32>,
      %swap3A_972 = arith.index_cast %add3A_940 : i32 to index
      %swap3A_973 = arith.constant 64 : index
      %swap3A_974 = tpu.vector_load %arg10[%swap3A_972, %swap3A_973] {strides = array<i32>} : memref<64x128xf32, #tpu.memory_space<vmem>>, vector<16xf32>,
      tpu.vector_store %arg10[%swap3A_972, %swap3A_973], %gather3A_971 {strides = array<i32>} : memref<64x128xf32, #tpu.memory_space<vmem>>, vector<16xf32>,
      %add3A_975 = arith.constant 80 : i32
      %add3A_976 = vector.broadcast %add3A_975 : i32 to vector<16xi32>
      %add3A_977 = arith.addi %add3A_523, %add3A_976 : vector<16xi32>
      %gather3A_978 = tpu.vector_load_idx %arg6[%broadcast_in_dim3A_941, %add3A_977] : memref<64x256xf32, #tpu.memory_space<vmem>>[vector<16xi32>, vector<16xi32>], vector<16xf32>,
      %swap3A_979 = arith.index_cast %add3A_940 : i32 to index
      %swap3A_980 = arith.constant 80 : index
      %swap3A_981 = tpu.vector_load %arg10[%swap3A_979, %swap3A_980] {strides = array<i32>} : memref<64x128xf32, #tpu.memory_space<vmem>>, vector<16xf32>,
      tpu.vector_store %arg10[%swap3A_979, %swap3A_980], %gather3A_978 {strides = array<i32>} : memref<64x128xf32, #tpu.memory_space<vmem>>, vector<16xf32>,
      %add3A_982 = arith.constant 96 : i32
      %add3A_983 = vector.broadcast %add3A_982 : i32 to vector<16xi32>
      %add3A_984 = arith.addi %add3A_523, %add3A_983 : vector<16xi32>
      %gather3A_985 = tpu.vector_load_idx %arg6[%broadcast_in_dim3A_941, %add3A_984] : memref<64x256xf32, #tpu.memory_space<vmem>>[vector<16xi32>, vector<16xi32>], vector<16xf32>,
      %swap3A_986 = arith.index_cast %add3A_940 : i32 to index
      %swap3A_987 = arith.constant 96 : index
      %swap3A_988 = tpu.vector_load %arg10[%swap3A_986, %swap3A_987] {strides = array<i32>} : memref<64x128xf32, #tpu.memory_space<vmem>>, vector<16xf32>,
      tpu.vector_store %arg10[%swap3A_986, %swap3A_987], %gather3A_985 {strides = array<i32>} : memref<64x128xf32, #tpu.memory_space<vmem>>, vector<16xf32>,
      %add3A_989 = arith.constant 112 : i32
      %add3A_990 = vector.broadcast %add3A_989 : i32 to vector<16xi32>
      %add3A_991 = arith.addi %add3A_523, %add3A_990 : vector<16xi32>
      %gather3A_992 = tpu.vector_load_idx %arg6[%broadcast_in_dim3A_941, %add3A_991] : memref<64x256xf32, #tpu.memory_space<vmem>>[vector<16xi32>, vector<16xi32>], vector<16xf32>,
      %swap3A_993 = arith.index_cast %add3A_940 : i32 to index
      %swap3A_994 = arith.constant 112 : index
      %swap3A_995 = tpu.vector_load %arg10[%swap3A_993, %swap3A_994] {strides = array<i32>} : memref<64x128xf32, #tpu.memory_space<vmem>>, vector<16xf32>,
      tpu.vector_store %arg10[%swap3A_993, %swap3A_994], %gather3A_992 {strides = array<i32>} : memref<64x128xf32, #tpu.memory_space<vmem>>, vector<16xf32>,
    }
    %scan3A_528 = arith.constant 64 : i32
    %add3A_529 = arith.constant 0 : i32
    %add3A_530 = arith.addi %mul3A_2, %add3A_529 : i32
    %dma_start3A_531 = arith.constant 2 : i32
    %dma_start3A_532 = arith.constant 0 : i32
    %dma_start3A_533 = arith.constant 0 : i32
    %dma_start3A_534 = tpu.memref_slice %arg4[%add3A_530, %dma_start3A_531, %dma_start3A_532, %dma_start3A_533] : memref<64x3x128x128xf32, #tpu.memory_space<hbm>> -> memref<1x1x64x128xf32, #tpu.memory_space<hbm>>
    %dma_start3A_535 = tpu.memref_squeeze %dma_start3A_534 : memref<1x1x64x128xf32, #tpu.memory_space<hbm>> -> memref<64x128xf32, #tpu.memory_space<hbm>>
    %dma_start3A_536 = arith.constant 0 : i32
    %dma_start3A_537 = arith.constant 0 : i32
    %dma_start3A_538 = tpu.memref_slice %arg4[%add3A_530, %dma_start3A_531, %dma_start3A_536, %dma_start3A_537] : memref<64x3x128x128xf32, #tpu.memory_space<hbm>> -> memref<1x1x64x128xf32, #tpu.memory_space<hbm>>
    %dma_start3A_539 = tpu.memref_squeeze %dma_start3A_538 : memref<1x1x64x128xf32, #tpu.memory_space<hbm>> -> memref<64x128xf32, #tpu.memory_space<hbm>>
    tpu.enqueue_dma source(%arg10 : memref<64x128xf32, #tpu.memory_space<vmem>>) target(%dma_start3A_539 : memref<64x128xf32, #tpu.memory_space<hbm>>) target_semaphore(%arg18 : memref<!tpu.dma_semaphore, #tpu.memory_space<semaphore_mem>>)
    %add3A_540 = arith.constant 0 : i32
    %add3A_541 = arith.addi %multiple_of3A_99, %add3A_540 : i32
    %multiple_of3A_542 = tpu.assume_multiple %add3A_541, 8 : i32
    %add3A_543 = arith.constant 1 : i32
    %add3A_544 = arith.addi %mul3A_2, %add3A_543 : i32
    %jit3A_545 = arith.constant 16 : i32
    %div3A_546 = arith.divsi %add3A_544, %jit3A_545 : i32
    %sign3A_547 = arith.constant 0 : i32
    %sign3A_548 = arith.cmpi sgt, %add3A_544, %sign3A_547 : i32
    %sign3A_549 = arith.extui %sign3A_548 : i1 to i32
    %sign3A_550 = arith.constant 0 : i32
    %sign3A_551 = arith.cmpi slt, %add3A_544, %sign3A_550 : i32
    %sign3A_552 = arith.extui %sign3A_551 : i1 to i32
    %sign3A_553 = arith.subi %sign3A_549, %sign3A_552 : i32
    %sign3A_554 = arith.constant 0 : i32
    %sign3A_555 = arith.cmpi sgt, %jit3A_545, %sign3A_554 : i32
    %sign3A_556 = arith.extui %sign3A_555 : i1 to i32
    %sign3A_557 = arith.constant 0 : i32
    %sign3A_558 = arith.cmpi slt, %jit3A_545, %sign3A_557 : i32
    %sign3A_559 = arith.extui %sign3A_558 : i1 to i32
    %sign3A_560 = arith.subi %sign3A_556, %sign3A_559 : i32
    %ne3A_561 = arith.cmpi ne, %sign3A_553, %sign3A_560 : i32
    %rem3A_562 = arith.remsi %add3A_544, %jit3A_545 : i32
    %ne3A_563 = arith.constant 0 : i32
    %ne3A_564 = arith.cmpi ne, %rem3A_562, %ne3A_563 : i32
    %and3A_565 = arith.andi %ne3A_561, %ne3A_564 : i1
    %sub3A_566 = arith.constant 1 : i32
    %sub3A_567 = arith.subi %div3A_546, %sub3A_566 : i32
    %select_n3A_568 = arith.select %and3A_565, %sub3A_567, %div3A_546 : i32
    %dma_start3A_569 = arith.constant 1 : i32
    %dma_start3A_570 = tpu.memref_slice %arg3[%select_n3A_568, %dma_start3A_569, %multiple_of3A_542, %multiple_of3A_145] : memref<4x3x2048x2048xf32, #tpu.memory_space<hbm>> -> memref<1x1x64x256xf32, #tpu.memory_space<hbm>>
    %dma_start3A_571 = tpu.memref_squeeze %dma_start3A_570 : memref<1x1x64x256xf32, #tpu.memory_space<hbm>> -> memref<64x256xf32, #tpu.memory_space<hbm>>
    %dma_start3A_572 = tpu.memref_slice %arg3[%select_n3A_568, %dma_start3A_569, %multiple_of3A_542, %multiple_of3A_145] : memref<4x3x2048x2048xf32, #tpu.memory_space<hbm>> -> memref<1x1x64x256xf32, #tpu.memory_space<hbm>>
    %dma_start3A_573 = tpu.memref_squeeze %dma_start3A_572 : memref<1x1x64x256xf32, #tpu.memory_space<hbm>> -> memref<64x256xf32, #tpu.memory_space<hbm>>
    tpu.enqueue_dma source(%dma_start3A_573 : memref<64x256xf32, #tpu.memory_space<hbm>>) target(%arg6 : memref<64x256xf32, #tpu.memory_space<vmem>>) target_semaphore(%arg14 : memref<!tpu.dma_semaphore, #tpu.memory_space<semaphore_mem>>)
    %dma_wait3A_574 = arith.constant 2 : i32
    %dma_wait3A_575 = tpu.memref_slice %arg3[%select_n3A_388, %dma_wait3A_574, %multiple_of3A_362, %multiple_of3A_82] : memref<4x3x2048x2048xf32, #tpu.memory_space<hbm>> -> memref<1x1x64x256xf32, #tpu.memory_space<hbm>>
    %dma_wait3A_576 = tpu.memref_squeeze %dma_wait3A_575 : memref<1x1x64x256xf32, #tpu.memory_space<hbm>> -> memref<64x256xf32, #tpu.memory_space<hbm>>
    %dma_wait3A_577 = tpu.memref_slice %arg3[%select_n3A_388, %dma_wait3A_574, %multiple_of3A_362, %multiple_of3A_82] : memref<4x3x2048x2048xf32, #tpu.memory_space<hbm>> -> memref<1x1x64x256xf32, #tpu.memory_space<hbm>>
    %dma_wait3A_578 = tpu.memref_squeeze %dma_wait3A_577 : memref<1x1x64x256xf32, #tpu.memory_space<hbm>> -> memref<64x256xf32, #tpu.memory_space<hbm>>
    tpu.wait_dma2 semaphore(%arg15 : memref<!tpu.dma_semaphore, #tpu.memory_space<semaphore_mem>>) src(%dma_wait3A_578 : memref<64x256xf32, #tpu.memory_space<hbm>>) dst(%arg7 : memref<64x256xf32, #tpu.memory_space<vmem>>)
    %dma_wait3A_579 = arith.constant 0 : i32
    %dma_wait3A_580 = arith.constant 64 : i32
    %dma_wait3A_581 = arith.constant 0 : i32
    %dma_wait3A_582 = tpu.memref_slice %arg4[%add3A_350, %dma_wait3A_579, %dma_wait3A_580, %dma_wait3A_581] : memref<64x3x128x128xf32, #tpu.memory_space<hbm>> -> memref<1x1x64x128xf32, #tpu.memory_space<hbm>>
    %dma_wait3A_583 = tpu.memref_squeeze %dma_wait3A_582 : memref<1x1x64x128xf32, #tpu.memory_space<hbm>> -> memref<64x128xf32, #tpu.memory_space<hbm>>
    %dma_wait3A_584 = arith.constant 64 : i32
    %dma_wait3A_585 = arith.constant 0 : i32
    %dma_wait3A_586 = tpu.memref_slice %arg4[%add3A_350, %dma_wait3A_579, %dma_wait3A_584, %dma_wait3A_585] : memref<64x3x128x128xf32, #tpu.memory_space<hbm>> -> memref<1x1x64x128xf32, #tpu.memory_space<hbm>>
    %dma_wait3A_587 = tpu.memref_squeeze %dma_wait3A_586 : memref<1x1x64x128xf32, #tpu.memory_space<hbm>> -> memref<64x128xf32, #tpu.memory_space<hbm>>
    tpu.wait_dma2 semaphore(%arg19 : memref<!tpu.dma_semaphore, #tpu.memory_space<semaphore_mem>>) src(%arg11 : memref<64x128xf32, #tpu.memory_space<vmem>>) dst(%dma_wait3A_587 : memref<64x128xf32, #tpu.memory_space<hbm>>)
    %add3A_588 = vector.broadcast %sub3A_83 : i32 to vector<16xi32>
    %add3A_589 = arith.addi %add3A_588, %iota3A : vector<16xi32>
    %scan3A_590 = arith.constant 0 : i32
    %scan3A_591 = arith.constant 64 : i32
    %scan3A_592 = arith.addi %scan3A_590, %scan3A_591 : i32
    %scan3A_593 = arith.constant 1 : i32
    scf.for %scan3A_936 = %scan3A_590 to %scan3A_592 step %scan3A_593  : i32 {
      %mul3A_937 = arith.constant 1 : i32
      %mul3A_938 = arith.muli %scan3A_936, %mul3A_937 : i32
      %add3A_939 = arith.constant 0 : i32
      %add3A_940 = arith.addi %add3A_939, %mul3A_938 : i32
      %broadcast_in_dim3A_941 = vector.broadcast %add3A_940 : i32 to vector<16xi32>
      %add3A_942 = arith.constant 0 : i32
      %add3A_943 = vector.broadcast %add3A_942 : i32 to vector<16xi32>
      %add3A_944 = arith.addi %add3A_589, %add3A_943 : vector<16xi32>
      %gather3A = tpu.vector_load_idx %arg7[%broadcast_in_dim3A_941, %add3A_944] : memref<64x256xf32, #tpu.memory_space<vmem>>[vector<16xi32>, vector<16xi32>], vector<16xf32>,
      %swap3A = arith.index_cast %add3A_940 : i32 to index
      %swap3A_945 = arith.constant 0 : index
      %swap3A_946 = tpu.vector_load %arg11[%swap3A, %swap3A_945] {strides = array<i32>} : memref<64x128xf32, #tpu.memory_space<vmem>>, vector<16xf32>,
      tpu.vector_store %arg11[%swap3A, %swap3A_945], %gather3A {strides = array<i32>} : memref<64x128xf32, #tpu.memory_space<vmem>>, vector<16xf32>,
      %add3A_947 = arith.constant 16 : i32
      %add3A_948 = vector.broadcast %add3A_947 : i32 to vector<16xi32>
      %add3A_949 = arith.addi %add3A_589, %add3A_948 : vector<16xi32>
      %gather3A_950 = tpu.vector_load_idx %arg7[%broadcast_in_dim3A_941, %add3A_949] : memref<64x256xf32, #tpu.memory_space<vmem>>[vector<16xi32>, vector<16xi32>], vector<16xf32>,
      %swap3A_951 = arith.index_cast %add3A_940 : i32 to index
      %swap3A_952 = arith.constant 16 : index
      %swap3A_953 = tpu.vector_load %arg11[%swap3A_951, %swap3A_952] {strides = array<i32>} : memref<64x128xf32, #tpu.memory_space<vmem>>, vector<16xf32>,
      tpu.vector_store %arg11[%swap3A_951, %swap3A_952], %gather3A_950 {strides = array<i32>} : memref<64x128xf32, #tpu.memory_space<vmem>>, vector<16xf32>,
      %add3A_954 = arith.constant 32 : i32
      %add3A_955 = vector.broadcast %add3A_954 : i32 to vector<16xi32>
      %add3A_956 = arith.addi %add3A_589, %add3A_955 : vector<16xi32>
      %gather3A_957 = tpu.vector_load_idx %arg7[%broadcast_in_dim3A_941, %add3A_956] : memref<64x256xf32, #tpu.memory_space<vmem>>[vector<16xi32>, vector<16xi32>], vector<16xf32>,
      %swap3A_958 = arith.index_cast %add3A_940 : i32 to index
      %swap3A_959 = arith.constant 32 : index
      %swap3A_960 = tpu.vector_load %arg11[%swap3A_958, %swap3A_959] {strides = array<i32>} : memref<64x128xf32, #tpu.memory_space<vmem>>, vector<16xf32>,
      tpu.vector_store %arg11[%swap3A_958, %swap3A_959], %gather3A_957 {strides = array<i32>} : memref<64x128xf32, #tpu.memory_space<vmem>>, vector<16xf32>,
      %add3A_961 = arith.constant 48 : i32
      %add3A_962 = vector.broadcast %add3A_961 : i32 to vector<16xi32>
      %add3A_963 = arith.addi %add3A_589, %add3A_962 : vector<16xi32>
      %gather3A_964 = tpu.vector_load_idx %arg7[%broadcast_in_dim3A_941, %add3A_963] : memref<64x256xf32, #tpu.memory_space<vmem>>[vector<16xi32>, vector<16xi32>], vector<16xf32>,
      %swap3A_965 = arith.index_cast %add3A_940 : i32 to index
      %swap3A_966 = arith.constant 48 : index
      %swap3A_967 = tpu.vector_load %arg11[%swap3A_965, %swap3A_966] {strides = array<i32>} : memref<64x128xf32, #tpu.memory_space<vmem>>, vector<16xf32>,
      tpu.vector_store %arg11[%swap3A_965, %swap3A_966], %gather3A_964 {strides = array<i32>} : memref<64x128xf32, #tpu.memory_space<vmem>>, vector<16xf32>,
      %add3A_968 = arith.constant 64 : i32
      %add3A_969 = vector.broadcast %add3A_968 : i32 to vector<16xi32>
      %add3A_970 = arith.addi %add3A_589, %add3A_969 : vector<16xi32>
      %gather3A_971 = tpu.vector_load_idx %arg7[%broadcast_in_dim3A_941, %add3A_970] : memref<64x256xf32, #tpu.memory_space<vmem>>[vector<16xi32>, vector<16xi32>], vector<16xf32>,
      %swap3A_972 = arith.index_cast %add3A_940 : i32 to index
      %swap3A_973 = arith.constant 64 : index
      %swap3A_974 = tpu.vector_load %arg11[%swap3A_972, %swap3A_973] {strides = array<i32>} : memref<64x128xf32, #tpu.memory_space<vmem>>, vector<16xf32>,
      tpu.vector_store %arg11[%swap3A_972, %swap3A_973], %gather3A_971 {strides = array<i32>} : memref<64x128xf32, #tpu.memory_space<vmem>>, vector<16xf32>,
      %add3A_975 = arith.constant 80 : i32
      %add3A_976 = vector.broadcast %add3A_975 : i32 to vector<16xi32>
      %add3A_977 = arith.addi %add3A_589, %add3A_976 : vector<16xi32>
      %gather3A_978 = tpu.vector_load_idx %arg7[%broadcast_in_dim3A_941, %add3A_977] : memref<64x256xf32, #tpu.memory_space<vmem>>[vector<16xi32>, vector<16xi32>], vector<16xf32>,
      %swap3A_979 = arith.index_cast %add3A_940 : i32 to index
      %swap3A_980 = arith.constant 80 : index
      %swap3A_981 = tpu.vector_load %arg11[%swap3A_979, %swap3A_980] {strides = array<i32>} : memref<64x128xf32, #tpu.memory_space<vmem>>, vector<16xf32>,
      tpu.vector_store %arg11[%swap3A_979, %swap3A_980], %gather3A_978 {strides = array<i32>} : memref<64x128xf32, #tpu.memory_space<vmem>>, vector<16xf32>,
      %add3A_982 = arith.constant 96 : i32
      %add3A_983 = vector.broadcast %add3A_982 : i32 to vector<16xi32>
      %add3A_984 = arith.addi %add3A_589, %add3A_983 : vector<16xi32>
      %gather3A_985 = tpu.vector_load_idx %arg7[%broadcast_in_dim3A_941, %add3A_984] : memref<64x256xf32, #tpu.memory_space<vmem>>[vector<16xi32>, vector<16xi32>], vector<16xf32>,
      %swap3A_986 = arith.index_cast %add3A_940 : i32 to index
      %swap3A_987 = arith.constant 96 : index
      %swap3A_988 = tpu.vector_load %arg11[%swap3A_986, %swap3A_987] {strides = array<i32>} : memref<64x128xf32, #tpu.memory_space<vmem>>, vector<16xf32>,
      tpu.vector_store %arg11[%swap3A_986, %swap3A_987], %gather3A_985 {strides = array<i32>} : memref<64x128xf32, #tpu.memory_space<vmem>>, vector<16xf32>,
      %add3A_989 = arith.constant 112 : i32
      %add3A_990 = vector.broadcast %add3A_989 : i32 to vector<16xi32>
      %add3A_991 = arith.addi %add3A_589, %add3A_990 : vector<16xi32>
      %gather3A_992 = tpu.vector_load_idx %arg7[%broadcast_in_dim3A_941, %add3A_991] : memref<64x256xf32, #tpu.memory_space<vmem>>[vector<16xi32>, vector<16xi32>], vector<16xf32>,
      %swap3A_993 = arith.index_cast %add3A_940 : i32 to index
      %swap3A_994 = arith.constant 112 : index
      %swap3A_995 = tpu.vector_load %arg11[%swap3A_993, %swap3A_994] {strides = array<i32>} : memref<64x128xf32, #tpu.memory_space<vmem>>, vector<16xf32>,
      tpu.vector_store %arg11[%swap3A_993, %swap3A_994], %gather3A_992 {strides = array<i32>} : memref<64x128xf32, #tpu.memory_space<vmem>>, vector<16xf32>,
    }
    %scan3A_594 = arith.constant 64 : i32
    %add3A_595 = arith.constant 0 : i32
    %add3A_596 = arith.addi %mul3A_2, %add3A_595 : i32
    %dma_start3A_597 = arith.constant 2 : i32
    %dma_start3A_598 = arith.constant 64 : i32
    %dma_start3A_599 = arith.constant 0 : i32
    %dma_start3A_600 = tpu.memref_slice %arg4[%add3A_596, %dma_start3A_597, %dma_start3A_598, %dma_start3A_599] : memref<64x3x128x128xf32, #tpu.memory_space<hbm>> -> memref<1x1x64x128xf32, #tpu.memory_space<hbm>>
    %dma_start3A_601 = tpu.memref_squeeze %dma_start3A_600 : memref<1x1x64x128xf32, #tpu.memory_space<hbm>> -> memref<64x128xf32, #tpu.memory_space<hbm>>
    %dma_start3A_602 = arith.constant 64 : i32
    %dma_start3A_603 = arith.constant 0 : i32
    %dma_start3A_604 = tpu.memref_slice %arg4[%add3A_596, %dma_start3A_597, %dma_start3A_602, %dma_start3A_603] : memref<64x3x128x128xf32, #tpu.memory_space<hbm>> -> memref<1x1x64x128xf32, #tpu.memory_space<hbm>>
    %dma_start3A_605 = tpu.memref_squeeze %dma_start3A_604 : memref<1x1x64x128xf32, #tpu.memory_space<hbm>> -> memref<64x128xf32, #tpu.memory_space<hbm>>
    tpu.enqueue_dma source(%arg11 : memref<64x128xf32, #tpu.memory_space<vmem>>) target(%dma_start3A_605 : memref<64x128xf32, #tpu.memory_space<hbm>>) target_semaphore(%arg19 : memref<!tpu.dma_semaphore, #tpu.memory_space<semaphore_mem>>)
    %add3A_606 = arith.constant 64 : i32
    %add3A_607 = arith.addi %multiple_of3A_99, %add3A_606 : i32
    %multiple_of3A_608 = tpu.assume_multiple %add3A_607, 8 : i32
    %add3A_609 = arith.constant 1 : i32
    %add3A_610 = arith.addi %mul3A_2, %add3A_609 : i32
    %jit3A_611 = arith.constant 16 : i32
    %div3A_612 = arith.divsi %add3A_610, %jit3A_611 : i32
    %sign3A_613 = arith.constant 0 : i32
    %sign3A_614 = arith.cmpi sgt, %add3A_610, %sign3A_613 : i32
    %sign3A_615 = arith.extui %sign3A_614 : i1 to i32
    %sign3A_616 = arith.constant 0 : i32
    %sign3A_617 = arith.cmpi slt, %add3A_610, %sign3A_616 : i32
    %sign3A_618 = arith.extui %sign3A_617 : i1 to i32
    %sign3A_619 = arith.subi %sign3A_615, %sign3A_618 : i32
    %sign3A_620 = arith.constant 0 : i32
    %sign3A_621 = arith.cmpi sgt, %jit3A_611, %sign3A_620 : i32
    %sign3A_622 = arith.extui %sign3A_621 : i1 to i32
    %sign3A_623 = arith.constant 0 : i32
    %sign3A_624 = arith.cmpi slt, %jit3A_611, %sign3A_623 : i32
    %sign3A_625 = arith.extui %sign3A_624 : i1 to i32
    %sign3A_626 = arith.subi %sign3A_622, %sign3A_625 : i32
    %ne3A_627 = arith.cmpi ne, %sign3A_619, %sign3A_626 : i32
    %rem3A_628 = arith.remsi %add3A_610, %jit3A_611 : i32
    %ne3A_629 = arith.constant 0 : i32
    %ne3A_630 = arith.cmpi ne, %rem3A_628, %ne3A_629 : i32
    %and3A_631 = arith.andi %ne3A_627, %ne3A_630 : i1
    %sub3A_632 = arith.constant 1 : i32
    %sub3A_633 = arith.subi %div3A_612, %sub3A_632 : i32
    %select_n3A_634 = arith.select %and3A_631, %sub3A_633, %div3A_612 : i32
    %dma_start3A_635 = arith.constant 1 : i32
    %dma_start3A_636 = tpu.memref_slice %arg3[%select_n3A_634, %dma_start3A_635, %multiple_of3A_608, %multiple_of3A_145] : memref<4x3x2048x2048xf32, #tpu.memory_space<hbm>> -> memref<1x1x64x256xf32, #tpu.memory_space<hbm>>
    %dma_start3A_637 = tpu.memref_squeeze %dma_start3A_636 : memref<1x1x64x256xf32, #tpu.memory_space<hbm>> -> memref<64x256xf32, #tpu.memory_space<hbm>>
    %dma_start3A_638 = tpu.memref_slice %arg3[%select_n3A_634, %dma_start3A_635, %multiple_of3A_608, %multiple_of3A_145] : memref<4x3x2048x2048xf32, #tpu.memory_space<hbm>> -> memref<1x1x64x256xf32, #tpu.memory_space<hbm>>
    %dma_start3A_639 = tpu.memref_squeeze %dma_start3A_638 : memref<1x1x64x256xf32, #tpu.memory_space<hbm>> -> memref<64x256xf32, #tpu.memory_space<hbm>>
    tpu.enqueue_dma source(%dma_start3A_639 : memref<64x256xf32, #tpu.memory_space<hbm>>) target(%arg7 : memref<64x256xf32, #tpu.memory_space<vmem>>) target_semaphore(%arg15 : memref<!tpu.dma_semaphore, #tpu.memory_space<semaphore_mem>>)
    %dma_wait3A_640 = arith.constant 0 : i32
    %dma_wait3A_641 = tpu.memref_slice %arg3[%select_n3A_445, %dma_wait3A_640, %multiple_of3A_419, %multiple_of3A_145] : memref<4x3x2048x2048xf32, #tpu.memory_space<hbm>> -> memref<1x1x64x256xf32, #tpu.memory_space<hbm>>
    %dma_wait3A_642 = tpu.memref_squeeze %dma_wait3A_641 : memref<1x1x64x256xf32, #tpu.memory_space<hbm>> -> memref<64x256xf32, #tpu.memory_space<hbm>>
    %dma_wait3A_643 = tpu.memref_slice %arg3[%select_n3A_445, %dma_wait3A_640, %multiple_of3A_419, %multiple_of3A_145] : memref<4x3x2048x2048xf32, #tpu.memory_space<hbm>> -> memref<1x1x64x256xf32, #tpu.memory_space<hbm>>
    %dma_wait3A_644 = tpu.memref_squeeze %dma_wait3A_643 : memref<1x1x64x256xf32, #tpu.memory_space<hbm>> -> memref<64x256xf32, #tpu.memory_space<hbm>>
    tpu.wait_dma2 semaphore(%arg16 : memref<!tpu.dma_semaphore, #tpu.memory_space<semaphore_mem>>) src(%dma_wait3A_644 : memref<64x256xf32, #tpu.memory_space<hbm>>) dst(%arg8 : memref<64x256xf32, #tpu.memory_space<vmem>>)
    %dma_wait3A_645 = arith.constant 1 : i32
    %dma_wait3A_646 = arith.constant 0 : i32
    %dma_wait3A_647 = arith.constant 0 : i32
    %dma_wait3A_648 = tpu.memref_slice %arg4[%add3A_407, %dma_wait3A_645, %dma_wait3A_646, %dma_wait3A_647] : memref<64x3x128x128xf32, #tpu.memory_space<hbm>> -> memref<1x1x64x128xf32, #tpu.memory_space<hbm>>
    %dma_wait3A_649 = tpu.memref_squeeze %dma_wait3A_648 : memref<1x1x64x128xf32, #tpu.memory_space<hbm>> -> memref<64x128xf32, #tpu.memory_space<hbm>>
    %dma_wait3A_650 = arith.constant 0 : i32
    %dma_wait3A_651 = arith.constant 0 : i32
    %dma_wait3A_652 = tpu.memref_slice %arg4[%add3A_407, %dma_wait3A_645, %dma_wait3A_650, %dma_wait3A_651] : memref<64x3x128x128xf32, #tpu.memory_space<hbm>> -> memref<1x1x64x128xf32, #tpu.memory_space<hbm>>
    %dma_wait3A_653 = tpu.memref_squeeze %dma_wait3A_652 : memref<1x1x64x128xf32, #tpu.memory_space<hbm>> -> memref<64x128xf32, #tpu.memory_space<hbm>>
    tpu.wait_dma2 semaphore(%arg20 : memref<!tpu.dma_semaphore, #tpu.memory_space<semaphore_mem>>) src(%arg12 : memref<64x128xf32, #tpu.memory_space<vmem>>) dst(%dma_wait3A_653 : memref<64x128xf32, #tpu.memory_space<hbm>>)
    %add3A_654 = vector.broadcast %sub3A_146 : i32 to vector<16xi32>
    %add3A_655 = arith.addi %add3A_654, %iota3A : vector<16xi32>
    %scan3A_656 = arith.constant 0 : i32
    %scan3A_657 = arith.constant 64 : i32
    %scan3A_658 = arith.addi %scan3A_656, %scan3A_657 : i32
    %scan3A_659 = arith.constant 1 : i32
    scf.for %scan3A_936 = %scan3A_656 to %scan3A_658 step %scan3A_659  : i32 {
      %mul3A_937 = arith.constant 1 : i32
      %mul3A_938 = arith.muli %scan3A_936, %mul3A_937 : i32
      %add3A_939 = arith.constant 0 : i32
      %add3A_940 = arith.addi %add3A_939, %mul3A_938 : i32
      %broadcast_in_dim3A_941 = vector.broadcast %add3A_940 : i32 to vector<16xi32>
      %add3A_942 = arith.constant 0 : i32
      %add3A_943 = vector.broadcast %add3A_942 : i32 to vector<16xi32>
      %add3A_944 = arith.addi %add3A_655, %add3A_943 : vector<16xi32>
      %gather3A = tpu.vector_load_idx %arg8[%broadcast_in_dim3A_941, %add3A_944] : memref<64x256xf32, #tpu.memory_space<vmem>>[vector<16xi32>, vector<16xi32>], vector<16xf32>,
      %swap3A = arith.index_cast %add3A_940 : i32 to index
      %swap3A_945 = arith.constant 0 : index
      %swap3A_946 = tpu.vector_load %arg12[%swap3A, %swap3A_945] {strides = array<i32>} : memref<64x128xf32, #tpu.memory_space<vmem>>, vector<16xf32>,
      tpu.vector_store %arg12[%swap3A, %swap3A_945], %gather3A {strides = array<i32>} : memref<64x128xf32, #tpu.memory_space<vmem>>, vector<16xf32>,
      %add3A_947 = arith.constant 16 : i32
      %add3A_948 = vector.broadcast %add3A_947 : i32 to vector<16xi32>
      %add3A_949 = arith.addi %add3A_655, %add3A_948 : vector<16xi32>
      %gather3A_950 = tpu.vector_load_idx %arg8[%broadcast_in_dim3A_941, %add3A_949] : memref<64x256xf32, #tpu.memory_space<vmem>>[vector<16xi32>, vector<16xi32>], vector<16xf32>,
      %swap3A_951 = arith.index_cast %add3A_940 : i32 to index
      %swap3A_952 = arith.constant 16 : index
      %swap3A_953 = tpu.vector_load %arg12[%swap3A_951, %swap3A_952] {strides = array<i32>} : memref<64x128xf32, #tpu.memory_space<vmem>>, vector<16xf32>,
      tpu.vector_store %arg12[%swap3A_951, %swap3A_952], %gather3A_950 {strides = array<i32>} : memref<64x128xf32, #tpu.memory_space<vmem>>, vector<16xf32>,
      %add3A_954 = arith.constant 32 : i32
      %add3A_955 = vector.broadcast %add3A_954 : i32 to vector<16xi32>
      %add3A_956 = arith.addi %add3A_655, %add3A_955 : vector<16xi32>
      %gather3A_957 = tpu.vector_load_idx %arg8[%broadcast_in_dim3A_941, %add3A_956] : memref<64x256xf32, #tpu.memory_space<vmem>>[vector<16xi32>, vector<16xi32>], vector<16xf32>,
      %swap3A_958 = arith.index_cast %add3A_940 : i32 to index
      %swap3A_959 = arith.constant 32 : index
      %swap3A_960 = tpu.vector_load %arg12[%swap3A_958, %swap3A_959] {strides = array<i32>} : memref<64x128xf32, #tpu.memory_space<vmem>>, vector<16xf32>,
      tpu.vector_store %arg12[%swap3A_958, %swap3A_959], %gather3A_957 {strides = array<i32>} : memref<64x128xf32, #tpu.memory_space<vmem>>, vector<16xf32>,
      %add3A_961 = arith.constant 48 : i32
      %add3A_962 = vector.broadcast %add3A_961 : i32 to vector<16xi32>
      %add3A_963 = arith.addi %add3A_655, %add3A_962 : vector<16xi32>
      %gather3A_964 = tpu.vector_load_idx %arg8[%broadcast_in_dim3A_941, %add3A_963] : memref<64x256xf32, #tpu.memory_space<vmem>>[vector<16xi32>, vector<16xi32>], vector<16xf32>,
      %swap3A_965 = arith.index_cast %add3A_940 : i32 to index
      %swap3A_966 = arith.constant 48 : index
      %swap3A_967 = tpu.vector_load %arg12[%swap3A_965, %swap3A_966] {strides = array<i32>} : memref<64x128xf32, #tpu.memory_space<vmem>>, vector<16xf32>,
      tpu.vector_store %arg12[%swap3A_965, %swap3A_966], %gather3A_964 {strides = array<i32>} : memref<64x128xf32, #tpu.memory_space<vmem>>, vector<16xf32>,
      %add3A_968 = arith.constant 64 : i32
      %add3A_969 = vector.broadcast %add3A_968 : i32 to vector<16xi32>
      %add3A_970 = arith.addi %add3A_655, %add3A_969 : vector<16xi32>
      %gather3A_971 = tpu.vector_load_idx %arg8[%broadcast_in_dim3A_941, %add3A_970] : memref<64x256xf32, #tpu.memory_space<vmem>>[vector<16xi32>, vector<16xi32>], vector<16xf32>,
      %swap3A_972 = arith.index_cast %add3A_940 : i32 to index
      %swap3A_973 = arith.constant 64 : index
      %swap3A_974 = tpu.vector_load %arg12[%swap3A_972, %swap3A_973] {strides = array<i32>} : memref<64x128xf32, #tpu.memory_space<vmem>>, vector<16xf32>,
      tpu.vector_store %arg12[%swap3A_972, %swap3A_973], %gather3A_971 {strides = array<i32>} : memref<64x128xf32, #tpu.memory_space<vmem>>, vector<16xf32>,
      %add3A_975 = arith.constant 80 : i32
      %add3A_976 = vector.broadcast %add3A_975 : i32 to vector<16xi32>
      %add3A_977 = arith.addi %add3A_655, %add3A_976 : vector<16xi32>
      %gather3A_978 = tpu.vector_load_idx %arg8[%broadcast_in_dim3A_941, %add3A_977] : memref<64x256xf32, #tpu.memory_space<vmem>>[vector<16xi32>, vector<16xi32>], vector<16xf32>,
      %swap3A_979 = arith.index_cast %add3A_940 : i32 to index
      %swap3A_980 = arith.constant 80 : index
      %swap3A_981 = tpu.vector_load %arg12[%swap3A_979, %swap3A_980] {strides = array<i32>} : memref<64x128xf32, #tpu.memory_space<vmem>>, vector<16xf32>,
      tpu.vector_store %arg12[%swap3A_979, %swap3A_980], %gather3A_978 {strides = array<i32>} : memref<64x128xf32, #tpu.memory_space<vmem>>, vector<16xf32>,
      %add3A_982 = arith.constant 96 : i32
      %add3A_983 = vector.broadcast %add3A_982 : i32 to vector<16xi32>
      %add3A_984 = arith.addi %add3A_655, %add3A_983 : vector<16xi32>
      %gather3A_985 = tpu.vector_load_idx %arg8[%broadcast_in_dim3A_941, %add3A_984] : memref<64x256xf32, #tpu.memory_space<vmem>>[vector<16xi32>, vector<16xi32>], vector<16xf32>,
      %swap3A_986 = arith.index_cast %add3A_940 : i32 to index
      %swap3A_987 = arith.constant 96 : index
      %swap3A_988 = tpu.vector_load %arg12[%swap3A_986, %swap3A_987] {strides = array<i32>} : memref<64x128xf32, #tpu.memory_space<vmem>>, vector<16xf32>,
      tpu.vector_store %arg12[%swap3A_986, %swap3A_987], %gather3A_985 {strides = array<i32>} : memref<64x128xf32, #tpu.memory_space<vmem>>, vector<16xf32>,
      %add3A_989 = arith.constant 112 : i32
      %add3A_990 = vector.broadcast %add3A_989 : i32 to vector<16xi32>
      %add3A_991 = arith.addi %add3A_655, %add3A_990 : vector<16xi32>
      %gather3A_992 = tpu.vector_load_idx %arg8[%broadcast_in_dim3A_941, %add3A_991] : memref<64x256xf32, #tpu.memory_space<vmem>>[vector<16xi32>, vector<16xi32>], vector<16xf32>,
      %swap3A_993 = arith.index_cast %add3A_940 : i32 to index
      %swap3A_994 = arith.constant 112 : index
      %swap3A_995 = tpu.vector_load %arg12[%swap3A_993, %swap3A_994] {strides = array<i32>} : memref<64x128xf32, #tpu.memory_space<vmem>>, vector<16xf32>,
      tpu.vector_store %arg12[%swap3A_993, %swap3A_994], %gather3A_992 {strides = array<i32>} : memref<64x128xf32, #tpu.memory_space<vmem>>, vector<16xf32>,
    }
    %scan3A_660 = arith.constant 64 : i32
    %add3A_661 = arith.constant 1 : i32
    %add3A_662 = arith.addi %mul3A_2, %add3A_661 : i32
    %dma_start3A_663 = arith.constant 0 : i32
    %dma_start3A_664 = arith.constant 0 : i32
    %dma_start3A_665 = arith.constant 0 : i32
    %dma_start3A_666 = tpu.memref_slice %arg4[%add3A_662, %dma_start3A_663, %dma_start3A_664, %dma_start3A_665] : memref<64x3x128x128xf32, #tpu.memory_space<hbm>> -> memref<1x1x64x128xf32, #tpu.memory_space<hbm>>
    %dma_start3A_667 = tpu.memref_squeeze %dma_start3A_666 : memref<1x1x64x128xf32, #tpu.memory_space<hbm>> -> memref<64x128xf32, #tpu.memory_space<hbm>>
    %dma_start3A_668 = arith.constant 0 : i32
    %dma_start3A_669 = arith.constant 0 : i32
    %dma_start3A_670 = tpu.memref_slice %arg4[%add3A_662, %dma_start3A_663, %dma_start3A_668, %dma_start3A_669] : memref<64x3x128x128xf32, #tpu.memory_space<hbm>> -> memref<1x1x64x128xf32, #tpu.memory_space<hbm>>
    %dma_start3A_671 = tpu.memref_squeeze %dma_start3A_670 : memref<1x1x64x128xf32, #tpu.memory_space<hbm>> -> memref<64x128xf32, #tpu.memory_space<hbm>>
    tpu.enqueue_dma source(%arg12 : memref<64x128xf32, #tpu.memory_space<vmem>>) target(%dma_start3A_671 : memref<64x128xf32, #tpu.memory_space<hbm>>) target_semaphore(%arg20 : memref<!tpu.dma_semaphore, #tpu.memory_space<semaphore_mem>>)
    %add3A_672 = arith.constant 0 : i32
    %add3A_673 = arith.addi %multiple_of3A_99, %add3A_672 : i32
    %multiple_of3A_674 = tpu.assume_multiple %add3A_673, 8 : i32
    %add3A_675 = arith.constant 1 : i32
    %add3A_676 = arith.addi %mul3A_2, %add3A_675 : i32
    %jit3A_677 = arith.constant 16 : i32
    %div3A_678 = arith.divsi %add3A_676, %jit3A_677 : i32
    %sign3A_679 = arith.constant 0 : i32
    %sign3A_680 = arith.cmpi sgt, %add3A_676, %sign3A_679 : i32
    %sign3A_681 = arith.extui %sign3A_680 : i1 to i32
    %sign3A_682 = arith.constant 0 : i32
    %sign3A_683 = arith.cmpi slt, %add3A_676, %sign3A_682 : i32
    %sign3A_684 = arith.extui %sign3A_683 : i1 to i32
    %sign3A_685 = arith.subi %sign3A_681, %sign3A_684 : i32
    %sign3A_686 = arith.constant 0 : i32
    %sign3A_687 = arith.cmpi sgt, %jit3A_677, %sign3A_686 : i32
    %sign3A_688 = arith.extui %sign3A_687 : i1 to i32
    %sign3A_689 = arith.constant 0 : i32
    %sign3A_690 = arith.cmpi slt, %jit3A_677, %sign3A_689 : i32
    %sign3A_691 = arith.extui %sign3A_690 : i1 to i32
    %sign3A_692 = arith.subi %sign3A_688, %sign3A_691 : i32
    %ne3A_693 = arith.cmpi ne, %sign3A_685, %sign3A_692 : i32
    %rem3A_694 = arith.remsi %add3A_676, %jit3A_677 : i32
    %ne3A_695 = arith.constant 0 : i32
    %ne3A_696 = arith.cmpi ne, %rem3A_694, %ne3A_695 : i32
    %and3A_697 = arith.andi %ne3A_693, %ne3A_696 : i1
    %sub3A_698 = arith.constant 1 : i32
    %sub3A_699 = arith.subi %div3A_678, %sub3A_698 : i32
    %select_n3A_700 = arith.select %and3A_697, %sub3A_699, %div3A_678 : i32
    %dma_start3A_701 = arith.constant 2 : i32
    %dma_start3A_702 = tpu.memref_slice %arg3[%select_n3A_700, %dma_start3A_701, %multiple_of3A_674, %multiple_of3A_145] : memref<4x3x2048x2048xf32, #tpu.memory_space<hbm>> -> memref<1x1x64x256xf32, #tpu.memory_space<hbm>>
    %dma_start3A_703 = tpu.memref_squeeze %dma_start3A_702 : memref<1x1x64x256xf32, #tpu.memory_space<hbm>> -> memref<64x256xf32, #tpu.memory_space<hbm>>
    %dma_start3A_704 = tpu.memref_slice %arg3[%select_n3A_700, %dma_start3A_701, %multiple_of3A_674, %multiple_of3A_145] : memref<4x3x2048x2048xf32, #tpu.memory_space<hbm>> -> memref<1x1x64x256xf32, #tpu.memory_space<hbm>>
    %dma_start3A_705 = tpu.memref_squeeze %dma_start3A_704 : memref<1x1x64x256xf32, #tpu.memory_space<hbm>> -> memref<64x256xf32, #tpu.memory_space<hbm>>
    tpu.enqueue_dma source(%dma_start3A_705 : memref<64x256xf32, #tpu.memory_space<hbm>>) target(%arg8 : memref<64x256xf32, #tpu.memory_space<vmem>>) target_semaphore(%arg16 : memref<!tpu.dma_semaphore, #tpu.memory_space<semaphore_mem>>)
    %dma_wait3A_706 = arith.constant 0 : i32
    %dma_wait3A_707 = tpu.memref_slice %arg3[%select_n3A_502, %dma_wait3A_706, %multiple_of3A_476, %multiple_of3A_145] : memref<4x3x2048x2048xf32, #tpu.memory_space<hbm>> -> memref<1x1x64x256xf32, #tpu.memory_space<hbm>>
    %dma_wait3A_708 = tpu.memref_squeeze %dma_wait3A_707 : memref<1x1x64x256xf32, #tpu.memory_space<hbm>> -> memref<64x256xf32, #tpu.memory_space<hbm>>
    %dma_wait3A_709 = tpu.memref_slice %arg3[%select_n3A_502, %dma_wait3A_706, %multiple_of3A_476, %multiple_of3A_145] : memref<4x3x2048x2048xf32, #tpu.memory_space<hbm>> -> memref<1x1x64x256xf32, #tpu.memory_space<hbm>>
    %dma_wait3A_710 = tpu.memref_squeeze %dma_wait3A_709 : memref<1x1x64x256xf32, #tpu.memory_space<hbm>> -> memref<64x256xf32, #tpu.memory_space<hbm>>
    tpu.wait_dma2 semaphore(%arg17 : memref<!tpu.dma_semaphore, #tpu.memory_space<semaphore_mem>>) src(%dma_wait3A_710 : memref<64x256xf32, #tpu.memory_space<hbm>>) dst(%arg9 : memref<64x256xf32, #tpu.memory_space<vmem>>)
    %dma_wait3A_711 = arith.constant 1 : i32
    %dma_wait3A_712 = arith.constant 64 : i32
    %dma_wait3A_713 = arith.constant 0 : i32
    %dma_wait3A_714 = tpu.memref_slice %arg4[%add3A_464, %dma_wait3A_711, %dma_wait3A_712, %dma_wait3A_713] : memref<64x3x128x128xf32, #tpu.memory_space<hbm>> -> memref<1x1x64x128xf32, #tpu.memory_space<hbm>>
    %dma_wait3A_715 = tpu.memref_squeeze %dma_wait3A_714 : memref<1x1x64x128xf32, #tpu.memory_space<hbm>> -> memref<64x128xf32, #tpu.memory_space<hbm>>
    %dma_wait3A_716 = arith.constant 64 : i32
    %dma_wait3A_717 = arith.constant 0 : i32
    %dma_wait3A_718 = tpu.memref_slice %arg4[%add3A_464, %dma_wait3A_711, %dma_wait3A_716, %dma_wait3A_717] : memref<64x3x128x128xf32, #tpu.memory_space<hbm>> -> memref<1x1x64x128xf32, #tpu.memory_space<hbm>>
    %dma_wait3A_719 = tpu.memref_squeeze %dma_wait3A_718 : memref<1x1x64x128xf32, #tpu.memory_space<hbm>> -> memref<64x128xf32, #tpu.memory_space<hbm>>
    tpu.wait_dma2 semaphore(%arg21 : memref<!tpu.dma_semaphore, #tpu.memory_space<semaphore_mem>>) src(%arg13 : memref<64x128xf32, #tpu.memory_space<vmem>>) dst(%dma_wait3A_719 : memref<64x128xf32, #tpu.memory_space<hbm>>)
    %add3A_720 = vector.broadcast %sub3A_146 : i32 to vector<16xi32>
    %add3A_721 = arith.addi %add3A_720, %iota3A : vector<16xi32>
    %scan3A_722 = arith.constant 0 : i32
    %scan3A_723 = arith.constant 64 : i32
    %scan3A_724 = arith.addi %scan3A_722, %scan3A_723 : i32
    %scan3A_725 = arith.constant 1 : i32
    scf.for %scan3A_936 = %scan3A_722 to %scan3A_724 step %scan3A_725  : i32 {
      %mul3A_937 = arith.constant 1 : i32
      %mul3A_938 = arith.muli %scan3A_936, %mul3A_937 : i32
      %add3A_939 = arith.constant 0 : i32
      %add3A_940 = arith.addi %add3A_939, %mul3A_938 : i32
      %broadcast_in_dim3A_941 = vector.broadcast %add3A_940 : i32 to vector<16xi32>
      %add3A_942 = arith.constant 0 : i32
      %add3A_943 = vector.broadcast %add3A_942 : i32 to vector<16xi32>
      %add3A_944 = arith.addi %add3A_721, %add3A_943 : vector<16xi32>
      %gather3A = tpu.vector_load_idx %arg9[%broadcast_in_dim3A_941, %add3A_944] : memref<64x256xf32, #tpu.memory_space<vmem>>[vector<16xi32>, vector<16xi32>], vector<16xf32>,
      %swap3A = arith.index_cast %add3A_940 : i32 to index
      %swap3A_945 = arith.constant 0 : index
      %swap3A_946 = tpu.vector_load %arg13[%swap3A, %swap3A_945] {strides = array<i32>} : memref<64x128xf32, #tpu.memory_space<vmem>>, vector<16xf32>,
      tpu.vector_store %arg13[%swap3A, %swap3A_945], %gather3A {strides = array<i32>} : memref<64x128xf32, #tpu.memory_space<vmem>>, vector<16xf32>,
      %add3A_947 = arith.constant 16 : i32
      %add3A_948 = vector.broadcast %add3A_947 : i32 to vector<16xi32>
      %add3A_949 = arith.addi %add3A_721, %add3A_948 : vector<16xi32>
      %gather3A_950 = tpu.vector_load_idx %arg9[%broadcast_in_dim3A_941, %add3A_949] : memref<64x256xf32, #tpu.memory_space<vmem>>[vector<16xi32>, vector<16xi32>], vector<16xf32>,
      %swap3A_951 = arith.index_cast %add3A_940 : i32 to index
      %swap3A_952 = arith.constant 16 : index
      %swap3A_953 = tpu.vector_load %arg13[%swap3A_951, %swap3A_952] {strides = array<i32>} : memref<64x128xf32, #tpu.memory_space<vmem>>, vector<16xf32>,
      tpu.vector_store %arg13[%swap3A_951, %swap3A_952], %gather3A_950 {strides = array<i32>} : memref<64x128xf32, #tpu.memory_space<vmem>>, vector<16xf32>,
      %add3A_954 = arith.constant 32 : i32
      %add3A_955 = vector.broadcast %add3A_954 : i32 to vector<16xi32>
      %add3A_956 = arith.addi %add3A_721, %add3A_955 : vector<16xi32>
      %gather3A_957 = tpu.vector_load_idx %arg9[%broadcast_in_dim3A_941, %add3A_956] : memref<64x256xf32, #tpu.memory_space<vmem>>[vector<16xi32>, vector<16xi32>], vector<16xf32>,
      %swap3A_958 = arith.index_cast %add3A_940 : i32 to index
      %swap3A_959 = arith.constant 32 : index
      %swap3A_960 = tpu.vector_load %arg13[%swap3A_958, %swap3A_959] {strides = array<i32>} : memref<64x128xf32, #tpu.memory_space<vmem>>, vector<16xf32>,
      tpu.vector_store %arg13[%swap3A_958, %swap3A_959], %gather3A_957 {strides = array<i32>} : memref<64x128xf32, #tpu.memory_space<vmem>>, vector<16xf32>,
      %add3A_961 = arith.constant 48 : i32
      %add3A_962 = vector.broadcast %add3A_961 : i32 to vector<16xi32>
      %add3A_963 = arith.addi %add3A_721, %add3A_962 : vector<16xi32>
      %gather3A_964 = tpu.vector_load_idx %arg9[%broadcast_in_dim3A_941, %add3A_963] : memref<64x256xf32, #tpu.memory_space<vmem>>[vector<16xi32>, vector<16xi32>], vector<16xf32>,
      %swap3A_965 = arith.index_cast %add3A_940 : i32 to index
      %swap3A_966 = arith.constant 48 : index
      %swap3A_967 = tpu.vector_load %arg13[%swap3A_965, %swap3A_966] {strides = array<i32>} : memref<64x128xf32, #tpu.memory_space<vmem>>, vector<16xf32>,
      tpu.vector_store %arg13[%swap3A_965, %swap3A_966], %gather3A_964 {strides = array<i32>} : memref<64x128xf32, #tpu.memory_space<vmem>>, vector<16xf32>,
      %add3A_968 = arith.constant 64 : i32
      %add3A_969 = vector.broadcast %add3A_968 : i32 to vector<16xi32>
      %add3A_970 = arith.addi %add3A_721, %add3A_969 : vector<16xi32>
      %gather3A_971 = tpu.vector_load_idx %arg9[%broadcast_in_dim3A_941, %add3A_970] : memref<64x256xf32, #tpu.memory_space<vmem>>[vector<16xi32>, vector<16xi32>], vector<16xf32>,
      %swap3A_972 = arith.index_cast %add3A_940 : i32 to index
      %swap3A_973 = arith.constant 64 : index
      %swap3A_974 = tpu.vector_load %arg13[%swap3A_972, %swap3A_973] {strides = array<i32>} : memref<64x128xf32, #tpu.memory_space<vmem>>, vector<16xf32>,
      tpu.vector_store %arg13[%swap3A_972, %swap3A_973], %gather3A_971 {strides = array<i32>} : memref<64x128xf32, #tpu.memory_space<vmem>>, vector<16xf32>,
      %add3A_975 = arith.constant 80 : i32
      %add3A_976 = vector.broadcast %add3A_975 : i32 to vector<16xi32>
      %add3A_977 = arith.addi %add3A_721, %add3A_976 : vector<16xi32>
      %gather3A_978 = tpu.vector_load_idx %arg9[%broadcast_in_dim3A_941, %add3A_977] : memref<64x256xf32, #tpu.memory_space<vmem>>[vector<16xi32>, vector<16xi32>], vector<16xf32>,
      %swap3A_979 = arith.index_cast %add3A_940 : i32 to index
      %swap3A_980 = arith.constant 80 : index
      %swap3A_981 = tpu.vector_load %arg13[%swap3A_979, %swap3A_980] {strides = array<i32>} : memref<64x128xf32, #tpu.memory_space<vmem>>, vector<16xf32>,
      tpu.vector_store %arg13[%swap3A_979, %swap3A_980], %gather3A_978 {strides = array<i32>} : memref<64x128xf32, #tpu.memory_space<vmem>>, vector<16xf32>,
      %add3A_982 = arith.constant 96 : i32
      %add3A_983 = vector.broadcast %add3A_982 : i32 to vector<16xi32>
      %add3A_984 = arith.addi %add3A_721, %add3A_983 : vector<16xi32>
      %gather3A_985 = tpu.vector_load_idx %arg9[%broadcast_in_dim3A_941, %add3A_984] : memref<64x256xf32, #tpu.memory_space<vmem>>[vector<16xi32>, vector<16xi32>], vector<16xf32>,
      %swap3A_986 = arith.index_cast %add3A_940 : i32 to index
      %swap3A_987 = arith.constant 96 : index
      %swap3A_988 = tpu.vector_load %arg13[%swap3A_986, %swap3A_987] {strides = array<i32>} : memref<64x128xf32, #tpu.memory_space<vmem>>, vector<16xf32>,
      tpu.vector_store %arg13[%swap3A_986, %swap3A_987], %gather3A_985 {strides = array<i32>} : memref<64x128xf32, #tpu.memory_space<vmem>>, vector<16xf32>,
      %add3A_989 = arith.constant 112 : i32
      %add3A_990 = vector.broadcast %add3A_989 : i32 to vector<16xi32>
      %add3A_991 = arith.addi %add3A_721, %add3A_990 : vector<16xi32>
      %gather3A_992 = tpu.vector_load_idx %arg9[%broadcast_in_dim3A_941, %add3A_991] : memref<64x256xf32, #tpu.memory_space<vmem>>[vector<16xi32>, vector<16xi32>], vector<16xf32>,
      %swap3A_993 = arith.index_cast %add3A_940 : i32 to index
      %swap3A_994 = arith.constant 112 : index
      %swap3A_995 = tpu.vector_load %arg13[%swap3A_993, %swap3A_994] {strides = array<i32>} : memref<64x128xf32, #tpu.memory_space<vmem>>, vector<16xf32>,
      tpu.vector_store %arg13[%swap3A_993, %swap3A_994], %gather3A_992 {strides = array<i32>} : memref<64x128xf32, #tpu.memory_space<vmem>>, vector<16xf32>,
    }
    %scan3A_726 = arith.constant 64 : i32
    %add3A_727 = arith.constant 1 : i32
    %add3A_728 = arith.addi %mul3A_2, %add3A_727 : i32
    %dma_start3A_729 = arith.constant 0 : i32
    %dma_start3A_730 = arith.constant 64 : i32
    %dma_start3A_731 = arith.constant 0 : i32
    %dma_start3A_732 = tpu.memref_slice %arg4[%add3A_728, %dma_start3A_729, %dma_start3A_730, %dma_start3A_731] : memref<64x3x128x128xf32, #tpu.memory_space<hbm>> -> memref<1x1x64x128xf32, #tpu.memory_space<hbm>>
    %dma_start3A_733 = tpu.memref_squeeze %dma_start3A_732 : memref<1x1x64x128xf32, #tpu.memory_space<hbm>> -> memref<64x128xf32, #tpu.memory_space<hbm>>
    %dma_start3A_734 = arith.constant 64 : i32
    %dma_start3A_735 = arith.constant 0 : i32
    %dma_start3A_736 = tpu.memref_slice %arg4[%add3A_728, %dma_start3A_729, %dma_start3A_734, %dma_start3A_735] : memref<64x3x128x128xf32, #tpu.memory_space<hbm>> -> memref<1x1x64x128xf32, #tpu.memory_space<hbm>>
    %dma_start3A_737 = tpu.memref_squeeze %dma_start3A_736 : memref<1x1x64x128xf32, #tpu.memory_space<hbm>> -> memref<64x128xf32, #tpu.memory_space<hbm>>
    tpu.enqueue_dma source(%arg13 : memref<64x128xf32, #tpu.memory_space<vmem>>) target(%dma_start3A_737 : memref<64x128xf32, #tpu.memory_space<hbm>>) target_semaphore(%arg21 : memref<!tpu.dma_semaphore, #tpu.memory_space<semaphore_mem>>)
    %add3A_738 = arith.constant 64 : i32
    %add3A_739 = arith.addi %multiple_of3A_99, %add3A_738 : i32
    %multiple_of3A_740 = tpu.assume_multiple %add3A_739, 8 : i32
    %add3A_741 = arith.constant 1 : i32
    %add3A_742 = arith.addi %mul3A_2, %add3A_741 : i32
    %jit3A_743 = arith.constant 16 : i32
    %div3A_744 = arith.divsi %add3A_742, %jit3A_743 : i32
    %sign3A_745 = arith.constant 0 : i32
    %sign3A_746 = arith.cmpi sgt, %add3A_742, %sign3A_745 : i32
    %sign3A_747 = arith.extui %sign3A_746 : i1 to i32
    %sign3A_748 = arith.constant 0 : i32
    %sign3A_749 = arith.cmpi slt, %add3A_742, %sign3A_748 : i32
    %sign3A_750 = arith.extui %sign3A_749 : i1 to i32
    %sign3A_751 = arith.subi %sign3A_747, %sign3A_750 : i32
    %sign3A_752 = arith.constant 0 : i32
    %sign3A_753 = arith.cmpi sgt, %jit3A_743, %sign3A_752 : i32
    %sign3A_754 = arith.extui %sign3A_753 : i1 to i32
    %sign3A_755 = arith.constant 0 : i32
    %sign3A_756 = arith.cmpi slt, %jit3A_743, %sign3A_755 : i32
    %sign3A_757 = arith.extui %sign3A_756 : i1 to i32
    %sign3A_758 = arith.subi %sign3A_754, %sign3A_757 : i32
    %ne3A_759 = arith.cmpi ne, %sign3A_751, %sign3A_758 : i32
    %rem3A_760 = arith.remsi %add3A_742, %jit3A_743 : i32
    %ne3A_761 = arith.constant 0 : i32
    %ne3A_762 = arith.cmpi ne, %rem3A_760, %ne3A_761 : i32
    %and3A_763 = arith.andi %ne3A_759, %ne3A_762 : i1
    %sub3A_764 = arith.constant 1 : i32
    %sub3A_765 = arith.subi %div3A_744, %sub3A_764 : i32
    %select_n3A_766 = arith.select %and3A_763, %sub3A_765, %div3A_744 : i32
    %dma_start3A_767 = arith.constant 2 : i32
    %dma_start3A_768 = tpu.memref_slice %arg3[%select_n3A_766, %dma_start3A_767, %multiple_of3A_740, %multiple_of3A_145] : memref<4x3x2048x2048xf32, #tpu.memory_space<hbm>> -> memref<1x1x64x256xf32, #tpu.memory_space<hbm>>
    %dma_start3A_769 = tpu.memref_squeeze %dma_start3A_768 : memref<1x1x64x256xf32, #tpu.memory_space<hbm>> -> memref<64x256xf32, #tpu.memory_space<hbm>>
    %dma_start3A_770 = tpu.memref_slice %arg3[%select_n3A_766, %dma_start3A_767, %multiple_of3A_740, %multiple_of3A_145] : memref<4x3x2048x2048xf32, #tpu.memory_space<hbm>> -> memref<1x1x64x256xf32, #tpu.memory_space<hbm>>
    %dma_start3A_771 = tpu.memref_squeeze %dma_start3A_770 : memref<1x1x64x256xf32, #tpu.memory_space<hbm>> -> memref<64x256xf32, #tpu.memory_space<hbm>>
    tpu.enqueue_dma source(%dma_start3A_771 : memref<64x256xf32, #tpu.memory_space<hbm>>) target(%arg9 : memref<64x256xf32, #tpu.memory_space<vmem>>) target_semaphore(%arg17 : memref<!tpu.dma_semaphore, #tpu.memory_space<semaphore_mem>>)
    %dma_wait3A_772 = arith.constant 1 : i32
    %dma_wait3A_773 = tpu.memref_slice %arg3[%select_n3A_568, %dma_wait3A_772, %multiple_of3A_542, %multiple_of3A_145] : memref<4x3x2048x2048xf32, #tpu.memory_space<hbm>> -> memref<1x1x64x256xf32, #tpu.memory_space<hbm>>
    %dma_wait3A_774 = tpu.memref_squeeze %dma_wait3A_773 : memref<1x1x64x256xf32, #tpu.memory_space<hbm>> -> memref<64x256xf32, #tpu.memory_space<hbm>>
    %dma_wait3A_775 = tpu.memref_slice %arg3[%select_n3A_568, %dma_wait3A_772, %multiple_of3A_542, %multiple_of3A_145] : memref<4x3x2048x2048xf32, #tpu.memory_space<hbm>> -> memref<1x1x64x256xf32, #tpu.memory_space<hbm>>
    %dma_wait3A_776 = tpu.memref_squeeze %dma_wait3A_775 : memref<1x1x64x256xf32, #tpu.memory_space<hbm>> -> memref<64x256xf32, #tpu.memory_space<hbm>>
    tpu.wait_dma2 semaphore(%arg14 : memref<!tpu.dma_semaphore, #tpu.memory_space<semaphore_mem>>) src(%dma_wait3A_776 : memref<64x256xf32, #tpu.memory_space<hbm>>) dst(%arg6 : memref<64x256xf32, #tpu.memory_space<vmem>>)
    %dma_wait3A_777 = arith.constant 2 : i32
    %dma_wait3A_778 = arith.constant 0 : i32
    %dma_wait3A_779 = arith.constant 0 : i32
    %dma_wait3A_780 = tpu.memref_slice %arg4[%add3A_530, %dma_wait3A_777, %dma_wait3A_778, %dma_wait3A_779] : memref<64x3x128x128xf32, #tpu.memory_space<hbm>> -> memref<1x1x64x128xf32, #tpu.memory_space<hbm>>
    %dma_wait3A_781 = tpu.memref_squeeze %dma_wait3A_780 : memref<1x1x64x128xf32, #tpu.memory_space<hbm>> -> memref<64x128xf32, #tpu.memory_space<hbm>>
    %dma_wait3A_782 = arith.constant 0 : i32
    %dma_wait3A_783 = arith.constant 0 : i32
    %dma_wait3A_784 = tpu.memref_slice %arg4[%add3A_530, %dma_wait3A_777, %dma_wait3A_782, %dma_wait3A_783] : memref<64x3x128x128xf32, #tpu.memory_space<hbm>> -> memref<1x1x64x128xf32, #tpu.memory_space<hbm>>
    %dma_wait3A_785 = tpu.memref_squeeze %dma_wait3A_784 : memref<1x1x64x128xf32, #tpu.memory_space<hbm>> -> memref<64x128xf32, #tpu.memory_space<hbm>>
    tpu.wait_dma2 semaphore(%arg18 : memref<!tpu.dma_semaphore, #tpu.memory_space<semaphore_mem>>) src(%arg10 : memref<64x128xf32, #tpu.memory_space<vmem>>) dst(%dma_wait3A_785 : memref<64x128xf32, #tpu.memory_space<hbm>>)
    %add3A_786 = vector.broadcast %sub3A_146 : i32 to vector<16xi32>
    %add3A_787 = arith.addi %add3A_786, %iota3A : vector<16xi32>
    %scan3A_788 = arith.constant 0 : i32
    %scan3A_789 = arith.constant 64 : i32
    %scan3A_790 = arith.addi %scan3A_788, %scan3A_789 : i32
    %scan3A_791 = arith.constant 1 : i32
    scf.for %scan3A_936 = %scan3A_788 to %scan3A_790 step %scan3A_791  : i32 {
      %mul3A_937 = arith.constant 1 : i32
      %mul3A_938 = arith.muli %scan3A_936, %mul3A_937 : i32
      %add3A_939 = arith.constant 0 : i32
      %add3A_940 = arith.addi %add3A_939, %mul3A_938 : i32
      %broadcast_in_dim3A_941 = vector.broadcast %add3A_940 : i32 to vector<16xi32>
      %add3A_942 = arith.constant 0 : i32
      %add3A_943 = vector.broadcast %add3A_942 : i32 to vector<16xi32>
      %add3A_944 = arith.addi %add3A_787, %add3A_943 : vector<16xi32>
      %gather3A = tpu.vector_load_idx %arg6[%broadcast_in_dim3A_941, %add3A_944] : memref<64x256xf32, #tpu.memory_space<vmem>>[vector<16xi32>, vector<16xi32>], vector<16xf32>,
      %swap3A = arith.index_cast %add3A_940 : i32 to index
      %swap3A_945 = arith.constant 0 : index
      %swap3A_946 = tpu.vector_load %arg10[%swap3A, %swap3A_945] {strides = array<i32>} : memref<64x128xf32, #tpu.memory_space<vmem>>, vector<16xf32>,
      tpu.vector_store %arg10[%swap3A, %swap3A_945], %gather3A {strides = array<i32>} : memref<64x128xf32, #tpu.memory_space<vmem>>, vector<16xf32>,
      %add3A_947 = arith.constant 16 : i32
      %add3A_948 = vector.broadcast %add3A_947 : i32 to vector<16xi32>
      %add3A_949 = arith.addi %add3A_787, %add3A_948 : vector<16xi32>
      %gather3A_950 = tpu.vector_load_idx %arg6[%broadcast_in_dim3A_941, %add3A_949] : memref<64x256xf32, #tpu.memory_space<vmem>>[vector<16xi32>, vector<16xi32>], vector<16xf32>,
      %swap3A_951 = arith.index_cast %add3A_940 : i32 to index
      %swap3A_952 = arith.constant 16 : index
      %swap3A_953 = tpu.vector_load %arg10[%swap3A_951, %swap3A_952] {strides = array<i32>} : memref<64x128xf32, #tpu.memory_space<vmem>>, vector<16xf32>,
      tpu.vector_store %arg10[%swap3A_951, %swap3A_952], %gather3A_950 {strides = array<i32>} : memref<64x128xf32, #tpu.memory_space<vmem>>, vector<16xf32>,
      %add3A_954 = arith.constant 32 : i32
      %add3A_955 = vector.broadcast %add3A_954 : i32 to vector<16xi32>
      %add3A_956 = arith.addi %add3A_787, %add3A_955 : vector<16xi32>
      %gather3A_957 = tpu.vector_load_idx %arg6[%broadcast_in_dim3A_941, %add3A_956] : memref<64x256xf32, #tpu.memory_space<vmem>>[vector<16xi32>, vector<16xi32>], vector<16xf32>,
      %swap3A_958 = arith.index_cast %add3A_940 : i32 to index
      %swap3A_959 = arith.constant 32 : index
      %swap3A_960 = tpu.vector_load %arg10[%swap3A_958, %swap3A_959] {strides = array<i32>} : memref<64x128xf32, #tpu.memory_space<vmem>>, vector<16xf32>,
      tpu.vector_store %arg10[%swap3A_958, %swap3A_959], %gather3A_957 {strides = array<i32>} : memref<64x128xf32, #tpu.memory_space<vmem>>, vector<16xf32>,
      %add3A_961 = arith.constant 48 : i32
      %add3A_962 = vector.broadcast %add3A_961 : i32 to vector<16xi32>
      %add3A_963 = arith.addi %add3A_787, %add3A_962 : vector<16xi32>
      %gather3A_964 = tpu.vector_load_idx %arg6[%broadcast_in_dim3A_941, %add3A_963] : memref<64x256xf32, #tpu.memory_space<vmem>>[vector<16xi32>, vector<16xi32>], vector<16xf32>,
      %swap3A_965 = arith.index_cast %add3A_940 : i32 to index
      %swap3A_966 = arith.constant 48 : index
      %swap3A_967 = tpu.vector_load %arg10[%swap3A_965, %swap3A_966] {strides = array<i32>} : memref<64x128xf32, #tpu.memory_space<vmem>>, vector<16xf32>,
      tpu.vector_store %arg10[%swap3A_965, %swap3A_966], %gather3A_964 {strides = array<i32>} : memref<64x128xf32, #tpu.memory_space<vmem>>, vector<16xf32>,
      %add3A_968 = arith.constant 64 : i32
      %add3A_969 = vector.broadcast %add3A_968 : i32 to vector<16xi32>
      %add3A_970 = arith.addi %add3A_787, %add3A_969 : vector<16xi32>
      %gather3A_971 = tpu.vector_load_idx %arg6[%broadcast_in_dim3A_941, %add3A_970] : memref<64x256xf32, #tpu.memory_space<vmem>>[vector<16xi32>, vector<16xi32>], vector<16xf32>,
      %swap3A_972 = arith.index_cast %add3A_940 : i32 to index
      %swap3A_973 = arith.constant 64 : index
      %swap3A_974 = tpu.vector_load %arg10[%swap3A_972, %swap3A_973] {strides = array<i32>} : memref<64x128xf32, #tpu.memory_space<vmem>>, vector<16xf32>,
      tpu.vector_store %arg10[%swap3A_972, %swap3A_973], %gather3A_971 {strides = array<i32>} : memref<64x128xf32, #tpu.memory_space<vmem>>, vector<16xf32>,
      %add3A_975 = arith.constant 80 : i32
      %add3A_976 = vector.broadcast %add3A_975 : i32 to vector<16xi32>
      %add3A_977 = arith.addi %add3A_787, %add3A_976 : vector<16xi32>
      %gather3A_978 = tpu.vector_load_idx %arg6[%broadcast_in_dim3A_941, %add3A_977] : memref<64x256xf32, #tpu.memory_space<vmem>>[vector<16xi32>, vector<16xi32>], vector<16xf32>,
      %swap3A_979 = arith.index_cast %add3A_940 : i32 to index
      %swap3A_980 = arith.constant 80 : index
      %swap3A_981 = tpu.vector_load %arg10[%swap3A_979, %swap3A_980] {strides = array<i32>} : memref<64x128xf32, #tpu.memory_space<vmem>>, vector<16xf32>,
      tpu.vector_store %arg10[%swap3A_979, %swap3A_980], %gather3A_978 {strides = array<i32>} : memref<64x128xf32, #tpu.memory_space<vmem>>, vector<16xf32>,
      %add3A_982 = arith.constant 96 : i32
      %add3A_983 = vector.broadcast %add3A_982 : i32 to vector<16xi32>
      %add3A_984 = arith.addi %add3A_787, %add3A_983 : vector<16xi32>
      %gather3A_985 = tpu.vector_load_idx %arg6[%broadcast_in_dim3A_941, %add3A_984] : memref<64x256xf32, #tpu.memory_space<vmem>>[vector<16xi32>, vector<16xi32>], vector<16xf32>,
      %swap3A_986 = arith.index_cast %add3A_940 : i32 to index
      %swap3A_987 = arith.constant 96 : index
      %swap3A_988 = tpu.vector_load %arg10[%swap3A_986, %swap3A_987] {strides = array<i32>} : memref<64x128xf32, #tpu.memory_space<vmem>>, vector<16xf32>,
      tpu.vector_store %arg10[%swap3A_986, %swap3A_987], %gather3A_985 {strides = array<i32>} : memref<64x128xf32, #tpu.memory_space<vmem>>, vector<16xf32>,
      %add3A_989 = arith.constant 112 : i32
      %add3A_990 = vector.broadcast %add3A_989 : i32 to vector<16xi32>
      %add3A_991 = arith.addi %add3A_787, %add3A_990 : vector<16xi32>
      %gather3A_992 = tpu.vector_load_idx %arg6[%broadcast_in_dim3A_941, %add3A_991] : memref<64x256xf32, #tpu.memory_space<vmem>>[vector<16xi32>, vector<16xi32>], vector<16xf32>,
      %swap3A_993 = arith.index_cast %add3A_940 : i32 to index
      %swap3A_994 = arith.constant 112 : index
      %swap3A_995 = tpu.vector_load %arg10[%swap3A_993, %swap3A_994] {strides = array<i32>} : memref<64x128xf32, #tpu.memory_space<vmem>>, vector<16xf32>,
      tpu.vector_store %arg10[%swap3A_993, %swap3A_994], %gather3A_992 {strides = array<i32>} : memref<64x128xf32, #tpu.memory_space<vmem>>, vector<16xf32>,
    }
    %scan3A_792 = arith.constant 64 : i32
    %add3A_793 = arith.constant 1 : i32
    %add3A_794 = arith.addi %mul3A_2, %add3A_793 : i32
    %dma_start3A_795 = arith.constant 1 : i32
    %dma_start3A_796 = arith.constant 0 : i32
    %dma_start3A_797 = arith.constant 0 : i32
    %dma_start3A_798 = tpu.memref_slice %arg4[%add3A_794, %dma_start3A_795, %dma_start3A_796, %dma_start3A_797] : memref<64x3x128x128xf32, #tpu.memory_space<hbm>> -> memref<1x1x64x128xf32, #tpu.memory_space<hbm>>
    %dma_start3A_799 = tpu.memref_squeeze %dma_start3A_798 : memref<1x1x64x128xf32, #tpu.memory_space<hbm>> -> memref<64x128xf32, #tpu.memory_space<hbm>>
    %dma_start3A_800 = arith.constant 0 : i32
    %dma_start3A_801 = arith.constant 0 : i32
    %dma_start3A_802 = tpu.memref_slice %arg4[%add3A_794, %dma_start3A_795, %dma_start3A_800, %dma_start3A_801] : memref<64x3x128x128xf32, #tpu.memory_space<hbm>> -> memref<1x1x64x128xf32, #tpu.memory_space<hbm>>
    %dma_start3A_803 = tpu.memref_squeeze %dma_start3A_802 : memref<1x1x64x128xf32, #tpu.memory_space<hbm>> -> memref<64x128xf32, #tpu.memory_space<hbm>>
    tpu.enqueue_dma source(%arg10 : memref<64x128xf32, #tpu.memory_space<vmem>>) target(%dma_start3A_803 : memref<64x128xf32, #tpu.memory_space<hbm>>) target_semaphore(%arg18 : memref<!tpu.dma_semaphore, #tpu.memory_space<semaphore_mem>>)
    %dma_wait3A_804 = arith.constant 1 : i32
    %dma_wait3A_805 = tpu.memref_slice %arg3[%select_n3A_634, %dma_wait3A_804, %multiple_of3A_608, %multiple_of3A_145] : memref<4x3x2048x2048xf32, #tpu.memory_space<hbm>> -> memref<1x1x64x256xf32, #tpu.memory_space<hbm>>
    %dma_wait3A_806 = tpu.memref_squeeze %dma_wait3A_805 : memref<1x1x64x256xf32, #tpu.memory_space<hbm>> -> memref<64x256xf32, #tpu.memory_space<hbm>>
    %dma_wait3A_807 = tpu.memref_slice %arg3[%select_n3A_634, %dma_wait3A_804, %multiple_of3A_608, %multiple_of3A_145] : memref<4x3x2048x2048xf32, #tpu.memory_space<hbm>> -> memref<1x1x64x256xf32, #tpu.memory_space<hbm>>
    %dma_wait3A_808 = tpu.memref_squeeze %dma_wait3A_807 : memref<1x1x64x256xf32, #tpu.memory_space<hbm>> -> memref<64x256xf32, #tpu.memory_space<hbm>>
    tpu.wait_dma2 semaphore(%arg15 : memref<!tpu.dma_semaphore, #tpu.memory_space<semaphore_mem>>) src(%dma_wait3A_808 : memref<64x256xf32, #tpu.memory_space<hbm>>) dst(%arg7 : memref<64x256xf32, #tpu.memory_space<vmem>>)
    %dma_wait3A_809 = arith.constant 2 : i32
    %dma_wait3A_810 = arith.constant 64 : i32
    %dma_wait3A_811 = arith.constant 0 : i32
    %dma_wait3A_812 = tpu.memref_slice %arg4[%add3A_596, %dma_wait3A_809, %dma_wait3A_810, %dma_wait3A_811] : memref<64x3x128x128xf32, #tpu.memory_space<hbm>> -> memref<1x1x64x128xf32, #tpu.memory_space<hbm>>
    %dma_wait3A_813 = tpu.memref_squeeze %dma_wait3A_812 : memref<1x1x64x128xf32, #tpu.memory_space<hbm>> -> memref<64x128xf32, #tpu.memory_space<hbm>>
    %dma_wait3A_814 = arith.constant 64 : i32
    %dma_wait3A_815 = arith.constant 0 : i32
    %dma_wait3A_816 = tpu.memref_slice %arg4[%add3A_596, %dma_wait3A_809, %dma_wait3A_814, %dma_wait3A_815] : memref<64x3x128x128xf32, #tpu.memory_space<hbm>> -> memref<1x1x64x128xf32, #tpu.memory_space<hbm>>
    %dma_wait3A_817 = tpu.memref_squeeze %dma_wait3A_816 : memref<1x1x64x128xf32, #tpu.memory_space<hbm>> -> memref<64x128xf32, #tpu.memory_space<hbm>>
    tpu.wait_dma2 semaphore(%arg19 : memref<!tpu.dma_semaphore, #tpu.memory_space<semaphore_mem>>) src(%arg11 : memref<64x128xf32, #tpu.memory_space<vmem>>) dst(%dma_wait3A_817 : memref<64x128xf32, #tpu.memory_space<hbm>>)
    %add3A_818 = vector.broadcast %sub3A_146 : i32 to vector<16xi32>
    %add3A_819 = arith.addi %add3A_818, %iota3A : vector<16xi32>
    %scan3A_820 = arith.constant 0 : i32
    %scan3A_821 = arith.constant 64 : i32
    %scan3A_822 = arith.addi %scan3A_820, %scan3A_821 : i32
    %scan3A_823 = arith.constant 1 : i32
    scf.for %scan3A_936 = %scan3A_820 to %scan3A_822 step %scan3A_823  : i32 {
      %mul3A_937 = arith.constant 1 : i32
      %mul3A_938 = arith.muli %scan3A_936, %mul3A_937 : i32
      %add3A_939 = arith.constant 0 : i32
      %add3A_940 = arith.addi %add3A_939, %mul3A_938 : i32
      %broadcast_in_dim3A_941 = vector.broadcast %add3A_940 : i32 to vector<16xi32>
      %add3A_942 = arith.constant 0 : i32
      %add3A_943 = vector.broadcast %add3A_942 : i32 to vector<16xi32>
      %add3A_944 = arith.addi %add3A_819, %add3A_943 : vector<16xi32>
      %gather3A = tpu.vector_load_idx %arg7[%broadcast_in_dim3A_941, %add3A_944] : memref<64x256xf32, #tpu.memory_space<vmem>>[vector<16xi32>, vector<16xi32>], vector<16xf32>,
      %swap3A = arith.index_cast %add3A_940 : i32 to index
      %swap3A_945 = arith.constant 0 : index
      %swap3A_946 = tpu.vector_load %arg11[%swap3A, %swap3A_945] {strides = array<i32>} : memref<64x128xf32, #tpu.memory_space<vmem>>, vector<16xf32>,
      tpu.vector_store %arg11[%swap3A, %swap3A_945], %gather3A {strides = array<i32>} : memref<64x128xf32, #tpu.memory_space<vmem>>, vector<16xf32>,
      %add3A_947 = arith.constant 16 : i32
      %add3A_948 = vector.broadcast %add3A_947 : i32 to vector<16xi32>
      %add3A_949 = arith.addi %add3A_819, %add3A_948 : vector<16xi32>
      %gather3A_950 = tpu.vector_load_idx %arg7[%broadcast_in_dim3A_941, %add3A_949] : memref<64x256xf32, #tpu.memory_space<vmem>>[vector<16xi32>, vector<16xi32>], vector<16xf32>,
      %swap3A_951 = arith.index_cast %add3A_940 : i32 to index
      %swap3A_952 = arith.constant 16 : index
      %swap3A_953 = tpu.vector_load %arg11[%swap3A_951, %swap3A_952] {strides = array<i32>} : memref<64x128xf32, #tpu.memory_space<vmem>>, vector<16xf32>,
      tpu.vector_store %arg11[%swap3A_951, %swap3A_952], %gather3A_950 {strides = array<i32>} : memref<64x128xf32, #tpu.memory_space<vmem>>, vector<16xf32>,
      %add3A_954 = arith.constant 32 : i32
      %add3A_955 = vector.broadcast %add3A_954 : i32 to vector<16xi32>
      %add3A_956 = arith.addi %add3A_819, %add3A_955 : vector<16xi32>
      %gather3A_957 = tpu.vector_load_idx %arg7[%broadcast_in_dim3A_941, %add3A_956] : memref<64x256xf32, #tpu.memory_space<vmem>>[vector<16xi32>, vector<16xi32>], vector<16xf32>,
      %swap3A_958 = arith.index_cast %add3A_940 : i32 to index
      %swap3A_959 = arith.constant 32 : index
      %swap3A_960 = tpu.vector_load %arg11[%swap3A_958, %swap3A_959] {strides = array<i32>} : memref<64x128xf32, #tpu.memory_space<vmem>>, vector<16xf32>,
      tpu.vector_store %arg11[%swap3A_958, %swap3A_959], %gather3A_957 {strides = array<i32>} : memref<64x128xf32, #tpu.memory_space<vmem>>, vector<16xf32>,
      %add3A_961 = arith.constant 48 : i32
      %add3A_962 = vector.broadcast %add3A_961 : i32 to vector<16xi32>
      %add3A_963 = arith.addi %add3A_819, %add3A_962 : vector<16xi32>
      %gather3A_964 = tpu.vector_load_idx %arg7[%broadcast_in_dim3A_941, %add3A_963] : memref<64x256xf32, #tpu.memory_space<vmem>>[vector<16xi32>, vector<16xi32>], vector<16xf32>,
      %swap3A_965 = arith.index_cast %add3A_940 : i32 to index
      %swap3A_966 = arith.constant 48 : index
      %swap3A_967 = tpu.vector_load %arg11[%swap3A_965, %swap3A_966] {strides = array<i32>} : memref<64x128xf32, #tpu.memory_space<vmem>>, vector<16xf32>,
      tpu.vector_store %arg11[%swap3A_965, %swap3A_966], %gather3A_964 {strides = array<i32>} : memref<64x128xf32, #tpu.memory_space<vmem>>, vector<16xf32>,
      %add3A_968 = arith.constant 64 : i32
      %add3A_969 = vector.broadcast %add3A_968 : i32 to vector<16xi32>
      %add3A_970 = arith.addi %add3A_819, %add3A_969 : vector<16xi32>
      %gather3A_971 = tpu.vector_load_idx %arg7[%broadcast_in_dim3A_941, %add3A_970] : memref<64x256xf32, #tpu.memory_space<vmem>>[vector<16xi32>, vector<16xi32>], vector<16xf32>,
      %swap3A_972 = arith.index_cast %add3A_940 : i32 to index
      %swap3A_973 = arith.constant 64 : index
      %swap3A_974 = tpu.vector_load %arg11[%swap3A_972, %swap3A_973] {strides = array<i32>} : memref<64x128xf32, #tpu.memory_space<vmem>>, vector<16xf32>,
      tpu.vector_store %arg11[%swap3A_972, %swap3A_973], %gather3A_971 {strides = array<i32>} : memref<64x128xf32, #tpu.memory_space<vmem>>, vector<16xf32>,
      %add3A_975 = arith.constant 80 : i32
      %add3A_976 = vector.broadcast %add3A_975 : i32 to vector<16xi32>
      %add3A_977 = arith.addi %add3A_819, %add3A_976 : vector<16xi32>
      %gather3A_978 = tpu.vector_load_idx %arg7[%broadcast_in_dim3A_941, %add3A_977] : memref<64x256xf32, #tpu.memory_space<vmem>>[vector<16xi32>, vector<16xi32>], vector<16xf32>,
      %swap3A_979 = arith.index_cast %add3A_940 : i32 to index
      %swap3A_980 = arith.constant 80 : index
      %swap3A_981 = tpu.vector_load %arg11[%swap3A_979, %swap3A_980] {strides = array<i32>} : memref<64x128xf32, #tpu.memory_space<vmem>>, vector<16xf32>,
      tpu.vector_store %arg11[%swap3A_979, %swap3A_980], %gather3A_978 {strides = array<i32>} : memref<64x128xf32, #tpu.memory_space<vmem>>, vector<16xf32>,
      %add3A_982 = arith.constant 96 : i32
      %add3A_983 = vector.broadcast %add3A_982 : i32 to vector<16xi32>
      %add3A_984 = arith.addi %add3A_819, %add3A_983 : vector<16xi32>
      %gather3A_985 = tpu.vector_load_idx %arg7[%broadcast_in_dim3A_941, %add3A_984] : memref<64x256xf32, #tpu.memory_space<vmem>>[vector<16xi32>, vector<16xi32>], vector<16xf32>,
      %swap3A_986 = arith.index_cast %add3A_940 : i32 to index
      %swap3A_987 = arith.constant 96 : index
      %swap3A_988 = tpu.vector_load %arg11[%swap3A_986, %swap3A_987] {strides = array<i32>} : memref<64x128xf32, #tpu.memory_space<vmem>>, vector<16xf32>,
      tpu.vector_store %arg11[%swap3A_986, %swap3A_987], %gather3A_985 {strides = array<i32>} : memref<64x128xf32, #tpu.memory_space<vmem>>, vector<16xf32>,
      %add3A_989 = arith.constant 112 : i32
      %add3A_990 = vector.broadcast %add3A_989 : i32 to vector<16xi32>
      %add3A_991 = arith.addi %add3A_819, %add3A_990 : vector<16xi32>
      %gather3A_992 = tpu.vector_load_idx %arg7[%broadcast_in_dim3A_941, %add3A_991] : memref<64x256xf32, #tpu.memory_space<vmem>>[vector<16xi32>, vector<16xi32>], vector<16xf32>,
      %swap3A_993 = arith.index_cast %add3A_940 : i32 to index
      %swap3A_994 = arith.constant 112 : index
      %swap3A_995 = tpu.vector_load %arg11[%swap3A_993, %swap3A_994] {strides = array<i32>} : memref<64x128xf32, #tpu.memory_space<vmem>>, vector<16xf32>,
      tpu.vector_store %arg11[%swap3A_993, %swap3A_994], %gather3A_992 {strides = array<i32>} : memref<64x128xf32, #tpu.memory_space<vmem>>, vector<16xf32>,
    }
    %scan3A_824 = arith.constant 64 : i32
    %add3A_825 = arith.constant 1 : i32
    %add3A_826 = arith.addi %mul3A_2, %add3A_825 : i32
    %dma_start3A_827 = arith.constant 1 : i32
    %dma_start3A_828 = arith.constant 64 : i32
    %dma_start3A_829 = arith.constant 0 : i32
    %dma_start3A_830 = tpu.memref_slice %arg4[%add3A_826, %dma_start3A_827, %dma_start3A_828, %dma_start3A_829] : memref<64x3x128x128xf32, #tpu.memory_space<hbm>> -> memref<1x1x64x128xf32, #tpu.memory_space<hbm>>
    %dma_start3A_831 = tpu.memref_squeeze %dma_start3A_830 : memref<1x1x64x128xf32, #tpu.memory_space<hbm>> -> memref<64x128xf32, #tpu.memory_space<hbm>>
    %dma_start3A_832 = arith.constant 64 : i32
    %dma_start3A_833 = arith.constant 0 : i32
    %dma_start3A_834 = tpu.memref_slice %arg4[%add3A_826, %dma_start3A_827, %dma_start3A_832, %dma_start3A_833] : memref<64x3x128x128xf32, #tpu.memory_space<hbm>> -> memref<1x1x64x128xf32, #tpu.memory_space<hbm>>
    %dma_start3A_835 = tpu.memref_squeeze %dma_start3A_834 : memref<1x1x64x128xf32, #tpu.memory_space<hbm>> -> memref<64x128xf32, #tpu.memory_space<hbm>>
    tpu.enqueue_dma source(%arg11 : memref<64x128xf32, #tpu.memory_space<vmem>>) target(%dma_start3A_835 : memref<64x128xf32, #tpu.memory_space<hbm>>) target_semaphore(%arg19 : memref<!tpu.dma_semaphore, #tpu.memory_space<semaphore_mem>>)
    %dma_wait3A_836 = arith.constant 2 : i32
    %dma_wait3A_837 = tpu.memref_slice %arg3[%select_n3A_700, %dma_wait3A_836, %multiple_of3A_674, %multiple_of3A_145] : memref<4x3x2048x2048xf32, #tpu.memory_space<hbm>> -> memref<1x1x64x256xf32, #tpu.memory_space<hbm>>
    %dma_wait3A_838 = tpu.memref_squeeze %dma_wait3A_837 : memref<1x1x64x256xf32, #tpu.memory_space<hbm>> -> memref<64x256xf32, #tpu.memory_space<hbm>>
    %dma_wait3A_839 = tpu.memref_slice %arg3[%select_n3A_700, %dma_wait3A_836, %multiple_of3A_674, %multiple_of3A_145] : memref<4x3x2048x2048xf32, #tpu.memory_space<hbm>> -> memref<1x1x64x256xf32, #tpu.memory_space<hbm>>
    %dma_wait3A_840 = tpu.memref_squeeze %dma_wait3A_839 : memref<1x1x64x256xf32, #tpu.memory_space<hbm>> -> memref<64x256xf32, #tpu.memory_space<hbm>>
    tpu.wait_dma2 semaphore(%arg16 : memref<!tpu.dma_semaphore, #tpu.memory_space<semaphore_mem>>) src(%dma_wait3A_840 : memref<64x256xf32, #tpu.memory_space<hbm>>) dst(%arg8 : memref<64x256xf32, #tpu.memory_space<vmem>>)
    %dma_wait3A_841 = arith.constant 0 : i32
    %dma_wait3A_842 = arith.constant 0 : i32
    %dma_wait3A_843 = arith.constant 0 : i32
    %dma_wait3A_844 = tpu.memref_slice %arg4[%add3A_662, %dma_wait3A_841, %dma_wait3A_842, %dma_wait3A_843] : memref<64x3x128x128xf32, #tpu.memory_space<hbm>> -> memref<1x1x64x128xf32, #tpu.memory_space<hbm>>
    %dma_wait3A_845 = tpu.memref_squeeze %dma_wait3A_844 : memref<1x1x64x128xf32, #tpu.memory_space<hbm>> -> memref<64x128xf32, #tpu.memory_space<hbm>>
    %dma_wait3A_846 = arith.constant 0 : i32
    %dma_wait3A_847 = arith.constant 0 : i32
    %dma_wait3A_848 = tpu.memref_slice %arg4[%add3A_662, %dma_wait3A_841, %dma_wait3A_846, %dma_wait3A_847] : memref<64x3x128x128xf32, #tpu.memory_space<hbm>> -> memref<1x1x64x128xf32, #tpu.memory_space<hbm>>
    %dma_wait3A_849 = tpu.memref_squeeze %dma_wait3A_848 : memref<1x1x64x128xf32, #tpu.memory_space<hbm>> -> memref<64x128xf32, #tpu.memory_space<hbm>>
    tpu.wait_dma2 semaphore(%arg20 : memref<!tpu.dma_semaphore, #tpu.memory_space<semaphore_mem>>) src(%arg12 : memref<64x128xf32, #tpu.memory_space<vmem>>) dst(%dma_wait3A_849 : memref<64x128xf32, #tpu.memory_space<hbm>>)
    %add3A_850 = vector.broadcast %sub3A_146 : i32 to vector<16xi32>
    %add3A_851 = arith.addi %add3A_850, %iota3A : vector<16xi32>
    %scan3A_852 = arith.constant 0 : i32
    %scan3A_853 = arith.constant 64 : i32
    %scan3A_854 = arith.addi %scan3A_852, %scan3A_853 : i32
    %scan3A_855 = arith.constant 1 : i32
    scf.for %scan3A_936 = %scan3A_852 to %scan3A_854 step %scan3A_855  : i32 {
      %mul3A_937 = arith.constant 1 : i32
      %mul3A_938 = arith.muli %scan3A_936, %mul3A_937 : i32
      %add3A_939 = arith.constant 0 : i32
      %add3A_940 = arith.addi %add3A_939, %mul3A_938 : i32
      %broadcast_in_dim3A_941 = vector.broadcast %add3A_940 : i32 to vector<16xi32>
      %add3A_942 = arith.constant 0 : i32
      %add3A_943 = vector.broadcast %add3A_942 : i32 to vector<16xi32>
      %add3A_944 = arith.addi %add3A_851, %add3A_943 : vector<16xi32>
      %gather3A = tpu.vector_load_idx %arg8[%broadcast_in_dim3A_941, %add3A_944] : memref<64x256xf32, #tpu.memory_space<vmem>>[vector<16xi32>, vector<16xi32>], vector<16xf32>,
      %swap3A = arith.index_cast %add3A_940 : i32 to index
      %swap3A_945 = arith.constant 0 : index
      %swap3A_946 = tpu.vector_load %arg12[%swap3A, %swap3A_945] {strides = array<i32>} : memref<64x128xf32, #tpu.memory_space<vmem>>, vector<16xf32>,
      tpu.vector_store %arg12[%swap3A, %swap3A_945], %gather3A {strides = array<i32>} : memref<64x128xf32, #tpu.memory_space<vmem>>, vector<16xf32>,
      %add3A_947 = arith.constant 16 : i32
      %add3A_948 = vector.broadcast %add3A_947 : i32 to vector<16xi32>
      %add3A_949 = arith.addi %add3A_851, %add3A_948 : vector<16xi32>
      %gather3A_950 = tpu.vector_load_idx %arg8[%broadcast_in_dim3A_941, %add3A_949] : memref<64x256xf32, #tpu.memory_space<vmem>>[vector<16xi32>, vector<16xi32>], vector<16xf32>,
      %swap3A_951 = arith.index_cast %add3A_940 : i32 to index
      %swap3A_952 = arith.constant 16 : index
      %swap3A_953 = tpu.vector_load %arg12[%swap3A_951, %swap3A_952] {strides = array<i32>} : memref<64x128xf32, #tpu.memory_space<vmem>>, vector<16xf32>,
      tpu.vector_store %arg12[%swap3A_951, %swap3A_952], %gather3A_950 {strides = array<i32>} : memref<64x128xf32, #tpu.memory_space<vmem>>, vector<16xf32>,
      %add3A_954 = arith.constant 32 : i32
      %add3A_955 = vector.broadcast %add3A_954 : i32 to vector<16xi32>
      %add3A_956 = arith.addi %add3A_851, %add3A_955 : vector<16xi32>
      %gather3A_957 = tpu.vector_load_idx %arg8[%broadcast_in_dim3A_941, %add3A_956] : memref<64x256xf32, #tpu.memory_space<vmem>>[vector<16xi32>, vector<16xi32>], vector<16xf32>,
      %swap3A_958 = arith.index_cast %add3A_940 : i32 to index
      %swap3A_959 = arith.constant 32 : index
      %swap3A_960 = tpu.vector_load %arg12[%swap3A_958, %swap3A_959] {strides = array<i32>} : memref<64x128xf32, #tpu.memory_space<vmem>>, vector<16xf32>,
      tpu.vector_store %arg12[%swap3A_958, %swap3A_959], %gather3A_957 {strides = array<i32>} : memref<64x128xf32, #tpu.memory_space<vmem>>, vector<16xf32>,
      %add3A_961 = arith.constant 48 : i32
      %add3A_962 = vector.broadcast %add3A_961 : i32 to vector<16xi32>
      %add3A_963 = arith.addi %add3A_851, %add3A_962 : vector<16xi32>
      %gather3A_964 = tpu.vector_load_idx %arg8[%broadcast_in_dim3A_941, %add3A_963] : memref<64x256xf32, #tpu.memory_space<vmem>>[vector<16xi32>, vector<16xi32>], vector<16xf32>,
      %swap3A_965 = arith.index_cast %add3A_940 : i32 to index
      %swap3A_966 = arith.constant 48 : index
      %swap3A_967 = tpu.vector_load %arg12[%swap3A_965, %swap3A_966] {strides = array<i32>} : memref<64x128xf32, #tpu.memory_space<vmem>>, vector<16xf32>,
      tpu.vector_store %arg12[%swap3A_965, %swap3A_966], %gather3A_964 {strides = array<i32>} : memref<64x128xf32, #tpu.memory_space<vmem>>, vector<16xf32>,
      %add3A_968 = arith.constant 64 : i32
      %add3A_969 = vector.broadcast %add3A_968 : i32 to vector<16xi32>
      %add3A_970 = arith.addi %add3A_851, %add3A_969 : vector<16xi32>
      %gather3A_971 = tpu.vector_load_idx %arg8[%broadcast_in_dim3A_941, %add3A_970] : memref<64x256xf32, #tpu.memory_space<vmem>>[vector<16xi32>, vector<16xi32>], vector<16xf32>,
      %swap3A_972 = arith.index_cast %add3A_940 : i32 to index
      %swap3A_973 = arith.constant 64 : index
      %swap3A_974 = tpu.vector_load %arg12[%swap3A_972, %swap3A_973] {strides = array<i32>} : memref<64x128xf32, #tpu.memory_space<vmem>>, vector<16xf32>,
      tpu.vector_store %arg12[%swap3A_972, %swap3A_973], %gather3A_971 {strides = array<i32>} : memref<64x128xf32, #tpu.memory_space<vmem>>, vector<16xf32>,
      %add3A_975 = arith.constant 80 : i32
      %add3A_976 = vector.broadcast %add3A_975 : i32 to vector<16xi32>
      %add3A_977 = arith.addi %add3A_851, %add3A_976 : vector<16xi32>
      %gather3A_978 = tpu.vector_load_idx %arg8[%broadcast_in_dim3A_941, %add3A_977] : memref<64x256xf32, #tpu.memory_space<vmem>>[vector<16xi32>, vector<16xi32>], vector<16xf32>,
      %swap3A_979 = arith.index_cast %add3A_940 : i32 to index
      %swap3A_980 = arith.constant 80 : index
      %swap3A_981 = tpu.vector_load %arg12[%swap3A_979, %swap3A_980] {strides = array<i32>} : memref<64x128xf32, #tpu.memory_space<vmem>>, vector<16xf32>,
      tpu.vector_store %arg12[%swap3A_979, %swap3A_980], %gather3A_978 {strides = array<i32>} : memref<64x128xf32, #tpu.memory_space<vmem>>, vector<16xf32>,
      %add3A_982 = arith.constant 96 : i32
      %add3A_983 = vector.broadcast %add3A_982 : i32 to vector<16xi32>
      %add3A_984 = arith.addi %add3A_851, %add3A_983 : vector<16xi32>
      %gather3A_985 = tpu.vector_load_idx %arg8[%broadcast_in_dim3A_941, %add3A_984] : memref<64x256xf32, #tpu.memory_space<vmem>>[vector<16xi32>, vector<16xi32>], vector<16xf32>,
      %swap3A_986 = arith.index_cast %add3A_940 : i32 to index
      %swap3A_987 = arith.constant 96 : index
      %swap3A_988 = tpu.vector_load %arg12[%swap3A_986, %swap3A_987] {strides = array<i32>} : memref<64x128xf32, #tpu.memory_space<vmem>>, vector<16xf32>,
      tpu.vector_store %arg12[%swap3A_986, %swap3A_987], %gather3A_985 {strides = array<i32>} : memref<64x128xf32, #tpu.memory_space<vmem>>, vector<16xf32>,
      %add3A_989 = arith.constant 112 : i32
      %add3A_990 = vector.broadcast %add3A_989 : i32 to vector<16xi32>
      %add3A_991 = arith.addi %add3A_851, %add3A_990 : vector<16xi32>
      %gather3A_992 = tpu.vector_load_idx %arg8[%broadcast_in_dim3A_941, %add3A_991] : memref<64x256xf32, #tpu.memory_space<vmem>>[vector<16xi32>, vector<16xi32>], vector<16xf32>,
      %swap3A_993 = arith.index_cast %add3A_940 : i32 to index
      %swap3A_994 = arith.constant 112 : index
      %swap3A_995 = tpu.vector_load %arg12[%swap3A_993, %swap3A_994] {strides = array<i32>} : memref<64x128xf32, #tpu.memory_space<vmem>>, vector<16xf32>,
      tpu.vector_store %arg12[%swap3A_993, %swap3A_994], %gather3A_992 {strides = array<i32>} : memref<64x128xf32, #tpu.memory_space<vmem>>, vector<16xf32>,
    }
    %scan3A_856 = arith.constant 64 : i32
    %add3A_857 = arith.constant 1 : i32
    %add3A_858 = arith.addi %mul3A_2, %add3A_857 : i32
    %dma_start3A_859 = arith.constant 2 : i32
    %dma_start3A_860 = arith.constant 0 : i32
    %dma_start3A_861 = arith.constant 0 : i32
    %dma_start3A_862 = tpu.memref_slice %arg4[%add3A_858, %dma_start3A_859, %dma_start3A_860, %dma_start3A_861] : memref<64x3x128x128xf32, #tpu.memory_space<hbm>> -> memref<1x1x64x128xf32, #tpu.memory_space<hbm>>
    %dma_start3A_863 = tpu.memref_squeeze %dma_start3A_862 : memref<1x1x64x128xf32, #tpu.memory_space<hbm>> -> memref<64x128xf32, #tpu.memory_space<hbm>>
    %dma_start3A_864 = arith.constant 0 : i32
    %dma_start3A_865 = arith.constant 0 : i32
    %dma_start3A_866 = tpu.memref_slice %arg4[%add3A_858, %dma_start3A_859, %dma_start3A_864, %dma_start3A_865] : memref<64x3x128x128xf32, #tpu.memory_space<hbm>> -> memref<1x1x64x128xf32, #tpu.memory_space<hbm>>
    %dma_start3A_867 = tpu.memref_squeeze %dma_start3A_866 : memref<1x1x64x128xf32, #tpu.memory_space<hbm>> -> memref<64x128xf32, #tpu.memory_space<hbm>>
    tpu.enqueue_dma source(%arg12 : memref<64x128xf32, #tpu.memory_space<vmem>>) target(%dma_start3A_867 : memref<64x128xf32, #tpu.memory_space<hbm>>) target_semaphore(%arg20 : memref<!tpu.dma_semaphore, #tpu.memory_space<semaphore_mem>>)
    %dma_wait3A_868 = arith.constant 2 : i32
    %dma_wait3A_869 = tpu.memref_slice %arg3[%select_n3A_766, %dma_wait3A_868, %multiple_of3A_740, %multiple_of3A_145] : memref<4x3x2048x2048xf32, #tpu.memory_space<hbm>> -> memref<1x1x64x256xf32, #tpu.memory_space<hbm>>
    %dma_wait3A_870 = tpu.memref_squeeze %dma_wait3A_869 : memref<1x1x64x256xf32, #tpu.memory_space<hbm>> -> memref<64x256xf32, #tpu.memory_space<hbm>>
    %dma_wait3A_871 = tpu.memref_slice %arg3[%select_n3A_766, %dma_wait3A_868, %multiple_of3A_740, %multiple_of3A_145] : memref<4x3x2048x2048xf32, #tpu.memory_space<hbm>> -> memref<1x1x64x256xf32, #tpu.memory_space<hbm>>
    %dma_wait3A_872 = tpu.memref_squeeze %dma_wait3A_871 : memref<1x1x64x256xf32, #tpu.memory_space<hbm>> -> memref<64x256xf32, #tpu.memory_space<hbm>>
    tpu.wait_dma2 semaphore(%arg17 : memref<!tpu.dma_semaphore, #tpu.memory_space<semaphore_mem>>) src(%dma_wait3A_872 : memref<64x256xf32, #tpu.memory_space<hbm>>) dst(%arg9 : memref<64x256xf32, #tpu.memory_space<vmem>>)
    %dma_wait3A_873 = arith.constant 0 : i32
    %dma_wait3A_874 = arith.constant 64 : i32
    %dma_wait3A_875 = arith.constant 0 : i32
    %dma_wait3A_876 = tpu.memref_slice %arg4[%add3A_728, %dma_wait3A_873, %dma_wait3A_874, %dma_wait3A_875] : memref<64x3x128x128xf32, #tpu.memory_space<hbm>> -> memref<1x1x64x128xf32, #tpu.memory_space<hbm>>
    %dma_wait3A_877 = tpu.memref_squeeze %dma_wait3A_876 : memref<1x1x64x128xf32, #tpu.memory_space<hbm>> -> memref<64x128xf32, #tpu.memory_space<hbm>>
    %dma_wait3A_878 = arith.constant 64 : i32
    %dma_wait3A_879 = arith.constant 0 : i32
    %dma_wait3A_880 = tpu.memref_slice %arg4[%add3A_728, %dma_wait3A_873, %dma_wait3A_878, %dma_wait3A_879] : memref<64x3x128x128xf32, #tpu.memory_space<hbm>> -> memref<1x1x64x128xf32, #tpu.memory_space<hbm>>
    %dma_wait3A_881 = tpu.memref_squeeze %dma_wait3A_880 : memref<1x1x64x128xf32, #tpu.memory_space<hbm>> -> memref<64x128xf32, #tpu.memory_space<hbm>>
    tpu.wait_dma2 semaphore(%arg21 : memref<!tpu.dma_semaphore, #tpu.memory_space<semaphore_mem>>) src(%arg13 : memref<64x128xf32, #tpu.memory_space<vmem>>) dst(%dma_wait3A_881 : memref<64x128xf32, #tpu.memory_space<hbm>>)
    %add3A_882 = vector.broadcast %sub3A_146 : i32 to vector<16xi32>
    %add3A_883 = arith.addi %add3A_882, %iota3A : vector<16xi32>
    %scan3A_884 = arith.constant 0 : i32
    %scan3A_885 = arith.constant 64 : i32
    %scan3A_886 = arith.addi %scan3A_884, %scan3A_885 : i32
    %scan3A_887 = arith.constant 1 : i32
    scf.for %scan3A_936 = %scan3A_884 to %scan3A_886 step %scan3A_887  : i32 {
      %mul3A_937 = arith.constant 1 : i32
      %mul3A_938 = arith.muli %scan3A_936, %mul3A_937 : i32
      %add3A_939 = arith.constant 0 : i32
      %add3A_940 = arith.addi %add3A_939, %mul3A_938 : i32
      %broadcast_in_dim3A_941 = vector.broadcast %add3A_940 : i32 to vector<16xi32>
      %add3A_942 = arith.constant 0 : i32
      %add3A_943 = vector.broadcast %add3A_942 : i32 to vector<16xi32>
      %add3A_944 = arith.addi %add3A_883, %add3A_943 : vector<16xi32>
      %gather3A = tpu.vector_load_idx %arg9[%broadcast_in_dim3A_941, %add3A_944] : memref<64x256xf32, #tpu.memory_space<vmem>>[vector<16xi32>, vector<16xi32>], vector<16xf32>,
      %swap3A = arith.index_cast %add3A_940 : i32 to index
      %swap3A_945 = arith.constant 0 : index
      %swap3A_946 = tpu.vector_load %arg13[%swap3A, %swap3A_945] {strides = array<i32>} : memref<64x128xf32, #tpu.memory_space<vmem>>, vector<16xf32>,
      tpu.vector_store %arg13[%swap3A, %swap3A_945], %gather3A {strides = array<i32>} : memref<64x128xf32, #tpu.memory_space<vmem>>, vector<16xf32>,
      %add3A_947 = arith.constant 16 : i32
      %add3A_948 = vector.broadcast %add3A_947 : i32 to vector<16xi32>
      %add3A_949 = arith.addi %add3A_883, %add3A_948 : vector<16xi32>
      %gather3A_950 = tpu.vector_load_idx %arg9[%broadcast_in_dim3A_941, %add3A_949] : memref<64x256xf32, #tpu.memory_space<vmem>>[vector<16xi32>, vector<16xi32>], vector<16xf32>,
      %swap3A_951 = arith.index_cast %add3A_940 : i32 to index
      %swap3A_952 = arith.constant 16 : index
      %swap3A_953 = tpu.vector_load %arg13[%swap3A_951, %swap3A_952] {strides = array<i32>} : memref<64x128xf32, #tpu.memory_space<vmem>>, vector<16xf32>,
      tpu.vector_store %arg13[%swap3A_951, %swap3A_952], %gather3A_950 {strides = array<i32>} : memref<64x128xf32, #tpu.memory_space<vmem>>, vector<16xf32>,
      %add3A_954 = arith.constant 32 : i32
      %add3A_955 = vector.broadcast %add3A_954 : i32 to vector<16xi32>
      %add3A_956 = arith.addi %add3A_883, %add3A_955 : vector<16xi32>
      %gather3A_957 = tpu.vector_load_idx %arg9[%broadcast_in_dim3A_941, %add3A_956] : memref<64x256xf32, #tpu.memory_space<vmem>>[vector<16xi32>, vector<16xi32>], vector<16xf32>,
      %swap3A_958 = arith.index_cast %add3A_940 : i32 to index
      %swap3A_959 = arith.constant 32 : index
      %swap3A_960 = tpu.vector_load %arg13[%swap3A_958, %swap3A_959] {strides = array<i32>} : memref<64x128xf32, #tpu.memory_space<vmem>>, vector<16xf32>,
      tpu.vector_store %arg13[%swap3A_958, %swap3A_959], %gather3A_957 {strides = array<i32>} : memref<64x128xf32, #tpu.memory_space<vmem>>, vector<16xf32>,
      %add3A_961 = arith.constant 48 : i32
      %add3A_962 = vector.broadcast %add3A_961 : i32 to vector<16xi32>
      %add3A_963 = arith.addi %add3A_883, %add3A_962 : vector<16xi32>
      %gather3A_964 = tpu.vector_load_idx %arg9[%broadcast_in_dim3A_941, %add3A_963] : memref<64x256xf32, #tpu.memory_space<vmem>>[vector<16xi32>, vector<16xi32>], vector<16xf32>,
      %swap3A_965 = arith.index_cast %add3A_940 : i32 to index
      %swap3A_966 = arith.constant 48 : index
      %swap3A_967 = tpu.vector_load %arg13[%swap3A_965, %swap3A_966] {strides = array<i32>} : memref<64x128xf32, #tpu.memory_space<vmem>>, vector<16xf32>,
      tpu.vector_store %arg13[%swap3A_965, %swap3A_966], %gather3A_964 {strides = array<i32>} : memref<64x128xf32, #tpu.memory_space<vmem>>, vector<16xf32>,
      %add3A_968 = arith.constant 64 : i32
      %add3A_969 = vector.broadcast %add3A_968 : i32 to vector<16xi32>
      %add3A_970 = arith.addi %add3A_883, %add3A_969 : vector<16xi32>
      %gather3A_971 = tpu.vector_load_idx %arg9[%broadcast_in_dim3A_941, %add3A_970] : memref<64x256xf32, #tpu.memory_space<vmem>>[vector<16xi32>, vector<16xi32>], vector<16xf32>,
      %swap3A_972 = arith.index_cast %add3A_940 : i32 to index
      %swap3A_973 = arith.constant 64 : index
      %swap3A_974 = tpu.vector_load %arg13[%swap3A_972, %swap3A_973] {strides = array<i32>} : memref<64x128xf32, #tpu.memory_space<vmem>>, vector<16xf32>,
      tpu.vector_store %arg13[%swap3A_972, %swap3A_973], %gather3A_971 {strides = array<i32>} : memref<64x128xf32, #tpu.memory_space<vmem>>, vector<16xf32>,
      %add3A_975 = arith.constant 80 : i32
      %add3A_976 = vector.broadcast %add3A_975 : i32 to vector<16xi32>
      %add3A_977 = arith.addi %add3A_883, %add3A_976 : vector<16xi32>
      %gather3A_978 = tpu.vector_load_idx %arg9[%broadcast_in_dim3A_941, %add3A_977] : memref<64x256xf32, #tpu.memory_space<vmem>>[vector<16xi32>, vector<16xi32>], vector<16xf32>,
      %swap3A_979 = arith.index_cast %add3A_940 : i32 to index
      %swap3A_980 = arith.constant 80 : index
      %swap3A_981 = tpu.vector_load %arg13[%swap3A_979, %swap3A_980] {strides = array<i32>} : memref<64x128xf32, #tpu.memory_space<vmem>>, vector<16xf32>,
      tpu.vector_store %arg13[%swap3A_979, %swap3A_980], %gather3A_978 {strides = array<i32>} : memref<64x128xf32, #tpu.memory_space<vmem>>, vector<16xf32>,
      %add3A_982 = arith.constant 96 : i32
      %add3A_983 = vector.broadcast %add3A_982 : i32 to vector<16xi32>
      %add3A_984 = arith.addi %add3A_883, %add3A_983 : vector<16xi32>
      %gather3A_985 = tpu.vector_load_idx %arg9[%broadcast_in_dim3A_941, %add3A_984] : memref<64x256xf32, #tpu.memory_space<vmem>>[vector<16xi32>, vector<16xi32>], vector<16xf32>,
      %swap3A_986 = arith.index_cast %add3A_940 : i32 to index
      %swap3A_987 = arith.constant 96 : index
      %swap3A_988 = tpu.vector_load %arg13[%swap3A_986, %swap3A_987] {strides = array<i32>} : memref<64x128xf32, #tpu.memory_space<vmem>>, vector<16xf32>,
      tpu.vector_store %arg13[%swap3A_986, %swap3A_987], %gather3A_985 {strides = array<i32>} : memref<64x128xf32, #tpu.memory_space<vmem>>, vector<16xf32>,
      %add3A_989 = arith.constant 112 : i32
      %add3A_990 = vector.broadcast %add3A_989 : i32 to vector<16xi32>
      %add3A_991 = arith.addi %add3A_883, %add3A_990 : vector<16xi32>
      %gather3A_992 = tpu.vector_load_idx %arg9[%broadcast_in_dim3A_941, %add3A_991] : memref<64x256xf32, #tpu.memory_space<vmem>>[vector<16xi32>, vector<16xi32>], vector<16xf32>,
      %swap3A_993 = arith.index_cast %add3A_940 : i32 to index
      %swap3A_994 = arith.constant 112 : index
      %swap3A_995 = tpu.vector_load %arg13[%swap3A_993, %swap3A_994] {strides = array<i32>} : memref<64x128xf32, #tpu.memory_space<vmem>>, vector<16xf32>,
      tpu.vector_store %arg13[%swap3A_993, %swap3A_994], %gather3A_992 {strides = array<i32>} : memref<64x128xf32, #tpu.memory_space<vmem>>, vector<16xf32>,
    }
    %scan3A_888 = arith.constant 64 : i32
    %add3A_889 = arith.constant 1 : i32
    %add3A_890 = arith.addi %mul3A_2, %add3A_889 : i32
    %dma_start3A_891 = arith.constant 2 : i32
    %dma_start3A_892 = arith.constant 64 : i32
    %dma_start3A_893 = arith.constant 0 : i32
    %dma_start3A_894 = tpu.memref_slice %arg4[%add3A_890, %dma_start3A_891, %dma_start3A_892, %dma_start3A_893] : memref<64x3x128x128xf32, #tpu.memory_space<hbm>> -> memref<1x1x64x128xf32, #tpu.memory_space<hbm>>
    %dma_start3A_895 = tpu.memref_squeeze %dma_start3A_894 : memref<1x1x64x128xf32, #tpu.memory_space<hbm>> -> memref<64x128xf32, #tpu.memory_space<hbm>>
    %dma_start3A_896 = arith.constant 64 : i32
    %dma_start3A_897 = arith.constant 0 : i32
    %dma_start3A_898 = tpu.memref_slice %arg4[%add3A_890, %dma_start3A_891, %dma_start3A_896, %dma_start3A_897] : memref<64x3x128x128xf32, #tpu.memory_space<hbm>> -> memref<1x1x64x128xf32, #tpu.memory_space<hbm>>
    %dma_start3A_899 = tpu.memref_squeeze %dma_start3A_898 : memref<1x1x64x128xf32, #tpu.memory_space<hbm>> -> memref<64x128xf32, #tpu.memory_space<hbm>>
    tpu.enqueue_dma source(%arg13 : memref<64x128xf32, #tpu.memory_space<vmem>>) target(%dma_start3A_899 : memref<64x128xf32, #tpu.memory_space<hbm>>) target_semaphore(%arg21 : memref<!tpu.dma_semaphore, #tpu.memory_space<semaphore_mem>>)
    %dma_wait3A_900 = arith.constant 1 : i32
    %dma_wait3A_901 = arith.constant 0 : i32
    %dma_wait3A_902 = arith.constant 0 : i32
    %dma_wait3A_903 = tpu.memref_slice %arg4[%add3A_794, %dma_wait3A_900, %dma_wait3A_901, %dma_wait3A_902] : memref<64x3x128x128xf32, #tpu.memory_space<hbm>> -> memref<1x1x64x128xf32, #tpu.memory_space<hbm>>
    %dma_wait3A_904 = tpu.memref_squeeze %dma_wait3A_903 : memref<1x1x64x128xf32, #tpu.memory_space<hbm>> -> memref<64x128xf32, #tpu.memory_space<hbm>>
    %dma_wait3A_905 = arith.constant 0 : i32
    %dma_wait3A_906 = arith.constant 0 : i32
    %dma_wait3A_907 = tpu.memref_slice %arg4[%add3A_794, %dma_wait3A_900, %dma_wait3A_905, %dma_wait3A_906] : memref<64x3x128x128xf32, #tpu.memory_space<hbm>> -> memref<1x1x64x128xf32, #tpu.memory_space<hbm>>
    %dma_wait3A_908 = tpu.memref_squeeze %dma_wait3A_907 : memref<1x1x64x128xf32, #tpu.memory_space<hbm>> -> memref<64x128xf32, #tpu.memory_space<hbm>>
    tpu.wait_dma2 semaphore(%arg18 : memref<!tpu.dma_semaphore, #tpu.memory_space<semaphore_mem>>) src(%arg10 : memref<64x128xf32, #tpu.memory_space<vmem>>) dst(%dma_wait3A_908 : memref<64x128xf32, #tpu.memory_space<hbm>>)
    %dma_wait3A_909 = arith.constant 1 : i32
    %dma_wait3A_910 = arith.constant 64 : i32
    %dma_wait3A_911 = arith.constant 0 : i32
    %dma_wait3A_912 = tpu.memref_slice %arg4[%add3A_826, %dma_wait3A_909, %dma_wait3A_910, %dma_wait3A_911] : memref<64x3x128x128xf32, #tpu.memory_space<hbm>> -> memref<1x1x64x128xf32, #tpu.memory_space<hbm>>
    %dma_wait3A_913 = tpu.memref_squeeze %dma_wait3A_912 : memref<1x1x64x128xf32, #tpu.memory_space<hbm>> -> memref<64x128xf32, #tpu.memory_space<hbm>>
    %dma_wait3A_914 = arith.constant 64 : i32
    %dma_wait3A_915 = arith.constant 0 : i32
    %dma_wait3A_916 = tpu.memref_slice %arg4[%add3A_826, %dma_wait3A_909, %dma_wait3A_914, %dma_wait3A_915] : memref<64x3x128x128xf32, #tpu.memory_space<hbm>> -> memref<1x1x64x128xf32, #tpu.memory_space<hbm>>
    %dma_wait3A_917 = tpu.memref_squeeze %dma_wait3A_916 : memref<1x1x64x128xf32, #tpu.memory_space<hbm>> -> memref<64x128xf32, #tpu.memory_space<hbm>>
    tpu.wait_dma2 semaphore(%arg19 : memref<!tpu.dma_semaphore, #tpu.memory_space<semaphore_mem>>) src(%arg11 : memref<64x128xf32, #tpu.memory_space<vmem>>) dst(%dma_wait3A_917 : memref<64x128xf32, #tpu.memory_space<hbm>>)
    %dma_wait3A_918 = arith.constant 2 : i32
    %dma_wait3A_919 = arith.constant 0 : i32
    %dma_wait3A_920 = arith.constant 0 : i32
    %dma_wait3A_921 = tpu.memref_slice %arg4[%add3A_858, %dma_wait3A_918, %dma_wait3A_919, %dma_wait3A_920] : memref<64x3x128x128xf32, #tpu.memory_space<hbm>> -> memref<1x1x64x128xf32, #tpu.memory_space<hbm>>
    %dma_wait3A_922 = tpu.memref_squeeze %dma_wait3A_921 : memref<1x1x64x128xf32, #tpu.memory_space<hbm>> -> memref<64x128xf32, #tpu.memory_space<hbm>>
    %dma_wait3A_923 = arith.constant 0 : i32
    %dma_wait3A_924 = arith.constant 0 : i32
    %dma_wait3A_925 = tpu.memref_slice %arg4[%add3A_858, %dma_wait3A_918, %dma_wait3A_923, %dma_wait3A_924] : memref<64x3x128x128xf32, #tpu.memory_space<hbm>> -> memref<1x1x64x128xf32, #tpu.memory_space<hbm>>
    %dma_wait3A_926 = tpu.memref_squeeze %dma_wait3A_925 : memref<1x1x64x128xf32, #tpu.memory_space<hbm>> -> memref<64x128xf32, #tpu.memory_space<hbm>>
    tpu.wait_dma2 semaphore(%arg20 : memref<!tpu.dma_semaphore, #tpu.memory_space<semaphore_mem>>) src(%arg12 : memref<64x128xf32, #tpu.memory_space<vmem>>) dst(%dma_wait3A_926 : memref<64x128xf32, #tpu.memory_space<hbm>>)
    %dma_wait3A_927 = arith.constant 2 : i32
    %dma_wait3A_928 = arith.constant 64 : i32
    %dma_wait3A_929 = arith.constant 0 : i32
    %dma_wait3A_930 = tpu.memref_slice %arg4[%add3A_890, %dma_wait3A_927, %dma_wait3A_928, %dma_wait3A_929] : memref<64x3x128x128xf32, #tpu.memory_space<hbm>> -> memref<1x1x64x128xf32, #tpu.memory_space<hbm>>
    %dma_wait3A_931 = tpu.memref_squeeze %dma_wait3A_930 : memref<1x1x64x128xf32, #tpu.memory_space<hbm>> -> memref<64x128xf32, #tpu.memory_space<hbm>>
    %dma_wait3A_932 = arith.constant 64 : i32
    %dma_wait3A_933 = arith.constant 0 : i32
    %dma_wait3A_934 = tpu.memref_slice %arg4[%add3A_890, %dma_wait3A_927, %dma_wait3A_932, %dma_wait3A_933] : memref<64x3x128x128xf32, #tpu.memory_space<hbm>> -> memref<1x1x64x128xf32, #tpu.memory_space<hbm>>
    %dma_wait3A_935 = tpu.memref_squeeze %dma_wait3A_934 : memref<1x1x64x128xf32, #tpu.memory_space<hbm>> -> memref<64x128xf32, #tpu.memory_space<hbm>>
    tpu.wait_dma2 semaphore(%arg21 : memref<!tpu.dma_semaphore, #tpu.memory_space<semaphore_mem>>) src(%arg13 : memref<64x128xf32, #tpu.memory_space<vmem>>) dst(%dma_wait3A_935 : memref<64x128xf32, #tpu.memory_space<hbm>>)
    return
  }
}

module attributes {stable_mosaic.version = 14 : i64} {
  func.func @_sample_body(%arg0: memref<4x512x128xf32, #tpu.memory_space<vmem>>, %arg1: memref<4x512x128xf32, #tpu.memory_space<vmem>>, %arg2: memref<4x1x16xi32, #tpu.memory_space<vmem>>, %arg3: memref<4x1x16xf32, #tpu.memory_space<vmem>>, %arg4: memref<4x16x2xi32, #tpu.memory_space<vmem>>, %arg5: memref<4x16x2xf32, #tpu.memory_space<vmem>>, %arg6: memref<4x16x2xi32, #tpu.memory_space<vmem>>, %arg7: memref<4x512x128xf32, #tpu.memory_space<vmem>>) attributes {dimension_semantics = [], scalar_prefetch = 0 : i64, scratch_operands = 1 : i64, tpu.core_type = #tpu.core_type<tc>} {
    %get3A = arith.constant 0 : index
    %get3A_0 = arith.constant 0 : index
    %get3A_1 = arith.constant 0 : index
    %get3A_2 = vector.load %arg0[%get3A, %get3A_0, %get3A_1] : memref<4x512x128xf32, #tpu.memory_space<vmem>>, vector<4x512x128xf32>
    %swap3A = arith.constant 0 : index
    %swap3A_3 = arith.constant 0 : index
    %swap3A_4 = arith.constant 0 : index
    %swap3A_5 = vector.load %arg7[%swap3A, %swap3A_3, %swap3A_4] : memref<4x512x128xf32, #tpu.memory_space<vmem>>, vector<4x512x128xf32>
    tpu.vector_store %arg7[%swap3A, %swap3A_3, %swap3A_4], %get3A_2 {strides = array<i32>} : memref<4x512x128xf32, #tpu.memory_space<vmem>>, vector<4x512x128xf32>,
    %get3A_6 = arith.constant 0 : index
    %get3A_7 = arith.constant 0 : index
    %get3A_8 = arith.constant 0 : index
    %get3A_9 = vector.load %arg1[%get3A_6, %get3A_7, %get3A_8] : memref<4x512x128xf32, #tpu.memory_space<vmem>>, vector<4x512x128xf32>
    %iota3A = tpu.iota {dimensions = array<i32: 1>} : vector<4x512x128xi32>
    %iota3A_10 = tpu.iota {dimensions = array<i32: 2>} : vector<4x512x128xi32>
    %mul3A = arith.constant 128 : i32
    %mul3A_11 = vector.broadcast %mul3A : i32 to vector<4x512x128xi32>
    %mul3A_12 = arith.muli %iota3A, %mul3A_11 : vector<4x512x128xi32>
    %add3A = arith.addi %mul3A_12, %iota3A_10 : vector<4x512x128xi32>
    %iota3A_13 = tpu.iota {dimensions = array<i32: 1>} : vector<4x16xi32>
    %broadcast_in_dim3A = arith.constant 0 : i32
    %broadcast_in_dim3A_14 = vector.broadcast %broadcast_in_dim3A : i32 to vector<4x16xi32>
    %broadcast_in_dim3A_15 = arith.constant 0.000000e+00 : f32
    %broadcast_in_dim3A_16 = vector.broadcast %broadcast_in_dim3A_15 : f32 to vector<4x16xf32>
    %get3A_17 = arith.constant 0 : index
    %get3A_18 = arith.constant 0 : index
    %get3A_19 = arith.constant 0 : index
    %get3A_20 = vector.load %arg7[%get3A_17, %get3A_18, %get3A_19] : memref<4x512x128xf32, #tpu.memory_space<vmem>>, vector<4x512x128xf32>
    %reduce_max3A = arith.constant dense<0xFF800000> : vector<4xf32>
    %reduce_max3A_21 = vector.multi_reduction <maximumf>, %get3A_20, %reduce_max3A [1, 2] : vector<4x512x128xf32> to vector<4xf32>
    %broadcast_in_dim3A_22 = vector.shape_cast %reduce_max3A_21 : vector<4xf32> to vector<4x1x1xf32>
    %ge3A = vector.broadcast %broadcast_in_dim3A_22 : vector<4x1x1xf32> to vector<4x512x128xf32>
    %ge3A_23 = arith.cmpf oge, %get3A_20, %ge3A : vector<4x512x128xf32>
    %jit3A = arith.constant 2147483647 : i32
    %broadcast_in_dim3A_24 = vector.broadcast %jit3A : i32 to vector<4x512x128xi32>
    %select_n3A = arith.select %ge3A_23, %add3A, %broadcast_in_dim3A_24 : vector<4x512x128xi1>, vector<4x512x128xi32>
    %reduce_min3A = arith.constant dense<2147483647> : vector<4xi32>
    %reduce_min3A_25 = vector.multi_reduction <minsi>, %select_n3A, %reduce_min3A [1, 2] : vector<4x512x128xi32> to vector<4xi32>
    %broadcast_in_dim3A_26 = vector.shape_cast %reduce_min3A_25 : vector<4xi32> to vector<4x1x1xi32>
    %eq3A = vector.broadcast %broadcast_in_dim3A_26 : vector<4x1x1xi32> to vector<4x512x128xi32>
    %eq3A_27 = arith.cmpi eq, %add3A, %eq3A : vector<4x512x128xi32>
    %jit3A_28 = arith.constant 0.000000e+00 : f32
    %broadcast_in_dim3A_29 = vector.broadcast %jit3A_28 : f32 to vector<4x512x128xf32>
    %select_n3A_30 = arith.select %eq3A_27, %get3A_9, %broadcast_in_dim3A_29 : vector<4x512x128xi1>, vector<4x512x128xf32>
    %reduce_sum3A = arith.constant dense<0.000000e+00> : vector<4xf32>
    %reduce_sum3A_31 = vector.multi_reduction <add>, %select_n3A_30, %reduce_sum3A [1, 2] : vector<4x512x128xf32> to vector<4xf32>
    %jit3A_32 = arith.constant 0xFF800000 : f32
    %broadcast_in_dim3A_33 = vector.broadcast %jit3A_32 : f32 to vector<4x512x128xf32>
    %select_n3A_34 = arith.select %eq3A_27, %broadcast_in_dim3A_33, %get3A_20 : vector<4x512x128xi1>, vector<4x512x128xf32>
    %swap3A_35 = arith.constant 0 : index
    %swap3A_36 = arith.constant 0 : index
    %swap3A_37 = arith.constant 0 : index
    %swap3A_38 = vector.load %arg7[%swap3A_35, %swap3A_36, %swap3A_37] : memref<4x512x128xf32, #tpu.memory_space<vmem>>, vector<4x512x128xf32>
    tpu.vector_store %arg7[%swap3A_35, %swap3A_36, %swap3A_37], %select_n3A_34 {strides = array<i32>} : memref<4x512x128xf32, #tpu.memory_space<vmem>>, vector<4x512x128xf32>,
    %eq3A_39 = arith.constant 0 : i32
    %eq3A_40 = vector.broadcast %eq3A_39 : i32 to vector<4x16xi32>
    %eq3A_41 = arith.cmpi eq, %iota3A_13, %eq3A_40 : vector<4x16xi32>
    %broadcast_in_dim3A_42 = vector.shape_cast %reduce_min3A_25 : vector<4xi32> to vector<4x1xi32>
    %broadcast_in_dim3A_43 = vector.shape_cast %broadcast_in_dim3A_42 : vector<4x1xi32> to vector<4x1xi32>
    %broadcast_in_dim3A_44 = vector.broadcast %broadcast_in_dim3A_43 : vector<4x1xi32> to vector<4x16xi32>
    %select_n3A_45 = arith.select %eq3A_41, %broadcast_in_dim3A_44, %broadcast_in_dim3A_14 : vector<4x16xi1>, vector<4x16xi32>
    %broadcast_in_dim3A_46 = vector.shape_cast %reduce_sum3A_31 : vector<4xf32> to vector<4x1xf32>
    %broadcast_in_dim3A_47 = vector.shape_cast %broadcast_in_dim3A_46 : vector<4x1xf32> to vector<4x1xf32>
    %broadcast_in_dim3A_48 = vector.broadcast %broadcast_in_dim3A_47 : vector<4x1xf32> to vector<4x16xf32>
    %select_n3A_49 = arith.select %eq3A_41, %broadcast_in_dim3A_48, %broadcast_in_dim3A_16 : vector<4x16xi1>, vector<4x16xf32>
    %get3A_50 = arith.constant 0 : index
    %get3A_51 = arith.constant 0 : index
    %get3A_52 = arith.constant 0 : index
    %get3A_53 = vector.load %arg7[%get3A_50, %get3A_51, %get3A_52] : memref<4x512x128xf32, #tpu.memory_space<vmem>>, vector<4x512x128xf32>
    %reduce_max3A_54 = arith.constant dense<0xFF800000> : vector<4xf32>
    %reduce_max3A_55 = vector.multi_reduction <maximumf>, %get3A_53, %reduce_max3A_54 [1, 2] : vector<4x512x128xf32> to vector<4xf32>
    %broadcast_in_dim3A_56 = vector.shape_cast %reduce_max3A_55 : vector<4xf32> to vector<4x1x1xf32>
    %ge3A_57 = vector.broadcast %broadcast_in_dim3A_56 : vector<4x1x1xf32> to vector<4x512x128xf32>
    %ge3A_58 = arith.cmpf oge, %get3A_53, %ge3A_57 : vector<4x512x128xf32>
    %jit3A_59 = arith.constant 2147483647 : i32
    %broadcast_in_dim3A_60 = vector.broadcast %jit3A_59 : i32 to vector<4x512x128xi32>
    %select_n3A_61 = arith.select %ge3A_58, %add3A, %broadcast_in_dim3A_60 : vector<4x512x128xi1>, vector<4x512x128xi32>
    %reduce_min3A_62 = arith.constant dense<2147483647> : vector<4xi32>
    %reduce_min3A_63 = vector.multi_reduction <minsi>, %select_n3A_61, %reduce_min3A_62 [1, 2] : vector<4x512x128xi32> to vector<4xi32>
    %broadcast_in_dim3A_64 = vector.shape_cast %reduce_min3A_63 : vector<4xi32> to vector<4x1x1xi32>
    %eq3A_65 = vector.broadcast %broadcast_in_dim3A_64 : vector<4x1x1xi32> to vector<4x512x128xi32>
    %eq3A_66 = arith.cmpi eq, %add3A, %eq3A_65 : vector<4x512x128xi32>
    %jit3A_67 = arith.constant 0.000000e+00 : f32
    %broadcast_in_dim3A_68 = vector.broadcast %jit3A_67 : f32 to vector<4x512x128xf32>
    %select_n3A_69 = arith.select %eq3A_66, %get3A_9, %broadcast_in_dim3A_68 : vector<4x512x128xi1>, vector<4x512x128xf32>
    %reduce_sum3A_70 = arith.constant dense<0.000000e+00> : vector<4xf32>
    %reduce_sum3A_71 = vector.multi_reduction <add>, %select_n3A_69, %reduce_sum3A_70 [1, 2] : vector<4x512x128xf32> to vector<4xf32>
    %jit3A_72 = arith.constant 0xFF800000 : f32
    %broadcast_in_dim3A_73 = vector.broadcast %jit3A_72 : f32 to vector<4x512x128xf32>
    %select_n3A_74 = arith.select %eq3A_66, %broadcast_in_dim3A_73, %get3A_53 : vector<4x512x128xi1>, vector<4x512x128xf32>
    %swap3A_75 = arith.constant 0 : index
    %swap3A_76 = arith.constant 0 : index
    %swap3A_77 = arith.constant 0 : index
    %swap3A_78 = vector.load %arg7[%swap3A_75, %swap3A_76, %swap3A_77] : memref<4x512x128xf32, #tpu.memory_space<vmem>>, vector<4x512x128xf32>
    tpu.vector_store %arg7[%swap3A_75, %swap3A_76, %swap3A_77], %select_n3A_74 {strides = array<i32>} : memref<4x512x128xf32, #tpu.memory_space<vmem>>, vector<4x512x128xf32>,
    %eq3A_79 = arith.constant 1 : i32
    %eq3A_80 = vector.broadcast %eq3A_79 : i32 to vector<4x16xi32>
    %eq3A_81 = arith.cmpi eq, %iota3A_13, %eq3A_80 : vector<4x16xi32>
    %broadcast_in_dim3A_82 = vector.shape_cast %reduce_min3A_63 : vector<4xi32> to vector<4x1xi32>
    %broadcast_in_dim3A_83 = vector.shape_cast %broadcast_in_dim3A_82 : vector<4x1xi32> to vector<4x1xi32>
    %broadcast_in_dim3A_84 = vector.broadcast %broadcast_in_dim3A_83 : vector<4x1xi32> to vector<4x16xi32>
    %select_n3A_85 = arith.select %eq3A_81, %broadcast_in_dim3A_84, %select_n3A_45 : vector<4x16xi1>, vector<4x16xi32>
    %broadcast_in_dim3A_86 = vector.shape_cast %reduce_sum3A_71 : vector<4xf32> to vector<4x1xf32>
    %broadcast_in_dim3A_87 = vector.shape_cast %broadcast_in_dim3A_86 : vector<4x1xf32> to vector<4x1xf32>
    %broadcast_in_dim3A_88 = vector.broadcast %broadcast_in_dim3A_87 : vector<4x1xf32> to vector<4x16xf32>
    %select_n3A_89 = arith.select %eq3A_81, %broadcast_in_dim3A_88, %select_n3A_49 : vector<4x16xi1>, vector<4x16xf32>
    %get3A_90 = arith.constant 0 : index
    %get3A_91 = arith.constant 0 : index
    %get3A_92 = arith.constant 0 : index
    %get3A_93 = vector.load %arg7[%get3A_90, %get3A_91, %get3A_92] : memref<4x512x128xf32, #tpu.memory_space<vmem>>, vector<4x512x128xf32>
    %reduce_max3A_94 = arith.constant dense<0xFF800000> : vector<4xf32>
    %reduce_max3A_95 = vector.multi_reduction <maximumf>, %get3A_93, %reduce_max3A_94 [1, 2] : vector<4x512x128xf32> to vector<4xf32>
    %broadcast_in_dim3A_96 = vector.shape_cast %reduce_max3A_95 : vector<4xf32> to vector<4x1x1xf32>
    %ge3A_97 = vector.broadcast %broadcast_in_dim3A_96 : vector<4x1x1xf32> to vector<4x512x128xf32>
    %ge3A_98 = arith.cmpf oge, %get3A_93, %ge3A_97 : vector<4x512x128xf32>
    %jit3A_99 = arith.constant 2147483647 : i32
    %broadcast_in_dim3A_100 = vector.broadcast %jit3A_99 : i32 to vector<4x512x128xi32>
    %select_n3A_101 = arith.select %ge3A_98, %add3A, %broadcast_in_dim3A_100 : vector<4x512x128xi1>, vector<4x512x128xi32>
    %reduce_min3A_102 = arith.constant dense<2147483647> : vector<4xi32>
    %reduce_min3A_103 = vector.multi_reduction <minsi>, %select_n3A_101, %reduce_min3A_102 [1, 2] : vector<4x512x128xi32> to vector<4xi32>
    %broadcast_in_dim3A_104 = vector.shape_cast %reduce_min3A_103 : vector<4xi32> to vector<4x1x1xi32>
    %eq3A_105 = vector.broadcast %broadcast_in_dim3A_104 : vector<4x1x1xi32> to vector<4x512x128xi32>
    %eq3A_106 = arith.cmpi eq, %add3A, %eq3A_105 : vector<4x512x128xi32>
    %jit3A_107 = arith.constant 0.000000e+00 : f32
    %broadcast_in_dim3A_108 = vector.broadcast %jit3A_107 : f32 to vector<4x512x128xf32>
    %select_n3A_109 = arith.select %eq3A_106, %get3A_9, %broadcast_in_dim3A_108 : vector<4x512x128xi1>, vector<4x512x128xf32>
    %reduce_sum3A_110 = arith.constant dense<0.000000e+00> : vector<4xf32>
    %reduce_sum3A_111 = vector.multi_reduction <add>, %select_n3A_109, %reduce_sum3A_110 [1, 2] : vector<4x512x128xf32> to vector<4xf32>
    %jit3A_112 = arith.constant 0xFF800000 : f32
    %broadcast_in_dim3A_113 = vector.broadcast %jit3A_112 : f32 to vector<4x512x128xf32>
    %select_n3A_114 = arith.select %eq3A_106, %broadcast_in_dim3A_113, %get3A_93 : vector<4x512x128xi1>, vector<4x512x128xf32>
    %swap3A_115 = arith.constant 0 : index
    %swap3A_116 = arith.constant 0 : index
    %swap3A_117 = arith.constant 0 : index
    %swap3A_118 = vector.load %arg7[%swap3A_115, %swap3A_116, %swap3A_117] : memref<4x512x128xf32, #tpu.memory_space<vmem>>, vector<4x512x128xf32>
    tpu.vector_store %arg7[%swap3A_115, %swap3A_116, %swap3A_117], %select_n3A_114 {strides = array<i32>} : memref<4x512x128xf32, #tpu.memory_space<vmem>>, vector<4x512x128xf32>,
    %eq3A_119 = arith.constant 2 : i32
    %eq3A_120 = vector.broadcast %eq3A_119 : i32 to vector<4x16xi32>
    %eq3A_121 = arith.cmpi eq, %iota3A_13, %eq3A_120 : vector<4x16xi32>
    %broadcast_in_dim3A_122 = vector.shape_cast %reduce_min3A_103 : vector<4xi32> to vector<4x1xi32>
    %broadcast_in_dim3A_123 = vector.shape_cast %broadcast_in_dim3A_122 : vector<4x1xi32> to vector<4x1xi32>
    %broadcast_in_dim3A_124 = vector.broadcast %broadcast_in_dim3A_123 : vector<4x1xi32> to vector<4x16xi32>
    %select_n3A_125 = arith.select %eq3A_121, %broadcast_in_dim3A_124, %select_n3A_85 : vector<4x16xi1>, vector<4x16xi32>
    %broadcast_in_dim3A_126 = vector.shape_cast %reduce_sum3A_111 : vector<4xf32> to vector<4x1xf32>
    %broadcast_in_dim3A_127 = vector.shape_cast %broadcast_in_dim3A_126 : vector<4x1xf32> to vector<4x1xf32>
    %broadcast_in_dim3A_128 = vector.broadcast %broadcast_in_dim3A_127 : vector<4x1xf32> to vector<4x16xf32>
    %select_n3A_129 = arith.select %eq3A_121, %broadcast_in_dim3A_128, %select_n3A_89 : vector<4x16xi1>, vector<4x16xf32>
    %get3A_130 = arith.constant 0 : index
    %get3A_131 = arith.constant 0 : index
    %get3A_132 = arith.constant 0 : index
    %get3A_133 = vector.load %arg7[%get3A_130, %get3A_131, %get3A_132] : memref<4x512x128xf32, #tpu.memory_space<vmem>>, vector<4x512x128xf32>
    %reduce_max3A_134 = arith.constant dense<0xFF800000> : vector<4xf32>
    %reduce_max3A_135 = vector.multi_reduction <maximumf>, %get3A_133, %reduce_max3A_134 [1, 2] : vector<4x512x128xf32> to vector<4xf32>
    %broadcast_in_dim3A_136 = vector.shape_cast %reduce_max3A_135 : vector<4xf32> to vector<4x1x1xf32>
    %ge3A_137 = vector.broadcast %broadcast_in_dim3A_136 : vector<4x1x1xf32> to vector<4x512x128xf32>
    %ge3A_138 = arith.cmpf oge, %get3A_133, %ge3A_137 : vector<4x512x128xf32>
    %jit3A_139 = arith.constant 2147483647 : i32
    %broadcast_in_dim3A_140 = vector.broadcast %jit3A_139 : i32 to vector<4x512x128xi32>
    %select_n3A_141 = arith.select %ge3A_138, %add3A, %broadcast_in_dim3A_140 : vector<4x512x128xi1>, vector<4x512x128xi32>
    %reduce_min3A_142 = arith.constant dense<2147483647> : vector<4xi32>
    %reduce_min3A_143 = vector.multi_reduction <minsi>, %select_n3A_141, %reduce_min3A_142 [1, 2] : vector<4x512x128xi32> to vector<4xi32>
    %broadcast_in_dim3A_144 = vector.shape_cast %reduce_min3A_143 : vector<4xi32> to vector<4x1x1xi32>
    %eq3A_145 = vector.broadcast %broadcast_in_dim3A_144 : vector<4x1x1xi32> to vector<4x512x128xi32>
    %eq3A_146 = arith.cmpi eq, %add3A, %eq3A_145 : vector<4x512x128xi32>
    %jit3A_147 = arith.constant 0.000000e+00 : f32
    %broadcast_in_dim3A_148 = vector.broadcast %jit3A_147 : f32 to vector<4x512x128xf32>
    %select_n3A_149 = arith.select %eq3A_146, %get3A_9, %broadcast_in_dim3A_148 : vector<4x512x128xi1>, vector<4x512x128xf32>
    %reduce_sum3A_150 = arith.constant dense<0.000000e+00> : vector<4xf32>
    %reduce_sum3A_151 = vector.multi_reduction <add>, %select_n3A_149, %reduce_sum3A_150 [1, 2] : vector<4x512x128xf32> to vector<4xf32>
    %jit3A_152 = arith.constant 0xFF800000 : f32
    %broadcast_in_dim3A_153 = vector.broadcast %jit3A_152 : f32 to vector<4x512x128xf32>
    %select_n3A_154 = arith.select %eq3A_146, %broadcast_in_dim3A_153, %get3A_133 : vector<4x512x128xi1>, vector<4x512x128xf32>
    %swap3A_155 = arith.constant 0 : index
    %swap3A_156 = arith.constant 0 : index
    %swap3A_157 = arith.constant 0 : index
    %swap3A_158 = vector.load %arg7[%swap3A_155, %swap3A_156, %swap3A_157] : memref<4x512x128xf32, #tpu.memory_space<vmem>>, vector<4x512x128xf32>
    tpu.vector_store %arg7[%swap3A_155, %swap3A_156, %swap3A_157], %select_n3A_154 {strides = array<i32>} : memref<4x512x128xf32, #tpu.memory_space<vmem>>, vector<4x512x128xf32>,
    %eq3A_159 = arith.constant 3 : i32
    %eq3A_160 = vector.broadcast %eq3A_159 : i32 to vector<4x16xi32>
    %eq3A_161 = arith.cmpi eq, %iota3A_13, %eq3A_160 : vector<4x16xi32>
    %broadcast_in_dim3A_162 = vector.shape_cast %reduce_min3A_143 : vector<4xi32> to vector<4x1xi32>
    %broadcast_in_dim3A_163 = vector.shape_cast %broadcast_in_dim3A_162 : vector<4x1xi32> to vector<4x1xi32>
    %broadcast_in_dim3A_164 = vector.broadcast %broadcast_in_dim3A_163 : vector<4x1xi32> to vector<4x16xi32>
    %select_n3A_165 = arith.select %eq3A_161, %broadcast_in_dim3A_164, %select_n3A_125 : vector<4x16xi1>, vector<4x16xi32>
    %broadcast_in_dim3A_166 = vector.shape_cast %reduce_sum3A_151 : vector<4xf32> to vector<4x1xf32>
    %broadcast_in_dim3A_167 = vector.shape_cast %broadcast_in_dim3A_166 : vector<4x1xf32> to vector<4x1xf32>
    %broadcast_in_dim3A_168 = vector.broadcast %broadcast_in_dim3A_167 : vector<4x1xf32> to vector<4x16xf32>
    %select_n3A_169 = arith.select %eq3A_161, %broadcast_in_dim3A_168, %select_n3A_129 : vector<4x16xi1>, vector<4x16xf32>
    %get3A_170 = arith.constant 0 : index
    %get3A_171 = arith.constant 0 : index
    %get3A_172 = arith.constant 0 : index
    %get3A_173 = vector.load %arg7[%get3A_170, %get3A_171, %get3A_172] : memref<4x512x128xf32, #tpu.memory_space<vmem>>, vector<4x512x128xf32>
    %reduce_max3A_174 = arith.constant dense<0xFF800000> : vector<4xf32>
    %reduce_max3A_175 = vector.multi_reduction <maximumf>, %get3A_173, %reduce_max3A_174 [1, 2] : vector<4x512x128xf32> to vector<4xf32>
    %broadcast_in_dim3A_176 = vector.shape_cast %reduce_max3A_175 : vector<4xf32> to vector<4x1x1xf32>
    %ge3A_177 = vector.broadcast %broadcast_in_dim3A_176 : vector<4x1x1xf32> to vector<4x512x128xf32>
    %ge3A_178 = arith.cmpf oge, %get3A_173, %ge3A_177 : vector<4x512x128xf32>
    %jit3A_179 = arith.constant 2147483647 : i32
    %broadcast_in_dim3A_180 = vector.broadcast %jit3A_179 : i32 to vector<4x512x128xi32>
    %select_n3A_181 = arith.select %ge3A_178, %add3A, %broadcast_in_dim3A_180 : vector<4x512x128xi1>, vector<4x512x128xi32>
    %reduce_min3A_182 = arith.constant dense<2147483647> : vector<4xi32>
    %reduce_min3A_183 = vector.multi_reduction <minsi>, %select_n3A_181, %reduce_min3A_182 [1, 2] : vector<4x512x128xi32> to vector<4xi32>
    %broadcast_in_dim3A_184 = vector.shape_cast %reduce_min3A_183 : vector<4xi32> to vector<4x1x1xi32>
    %eq3A_185 = vector.broadcast %broadcast_in_dim3A_184 : vector<4x1x1xi32> to vector<4x512x128xi32>
    %eq3A_186 = arith.cmpi eq, %add3A, %eq3A_185 : vector<4x512x128xi32>
    %jit3A_187 = arith.constant 0.000000e+00 : f32
    %broadcast_in_dim3A_188 = vector.broadcast %jit3A_187 : f32 to vector<4x512x128xf32>
    %select_n3A_189 = arith.select %eq3A_186, %get3A_9, %broadcast_in_dim3A_188 : vector<4x512x128xi1>, vector<4x512x128xf32>
    %reduce_sum3A_190 = arith.constant dense<0.000000e+00> : vector<4xf32>
    %reduce_sum3A_191 = vector.multi_reduction <add>, %select_n3A_189, %reduce_sum3A_190 [1, 2] : vector<4x512x128xf32> to vector<4xf32>
    %jit3A_192 = arith.constant 0xFF800000 : f32
    %broadcast_in_dim3A_193 = vector.broadcast %jit3A_192 : f32 to vector<4x512x128xf32>
    %select_n3A_194 = arith.select %eq3A_186, %broadcast_in_dim3A_193, %get3A_173 : vector<4x512x128xi1>, vector<4x512x128xf32>
    %swap3A_195 = arith.constant 0 : index
    %swap3A_196 = arith.constant 0 : index
    %swap3A_197 = arith.constant 0 : index
    %swap3A_198 = vector.load %arg7[%swap3A_195, %swap3A_196, %swap3A_197] : memref<4x512x128xf32, #tpu.memory_space<vmem>>, vector<4x512x128xf32>
    tpu.vector_store %arg7[%swap3A_195, %swap3A_196, %swap3A_197], %select_n3A_194 {strides = array<i32>} : memref<4x512x128xf32, #tpu.memory_space<vmem>>, vector<4x512x128xf32>,
    %eq3A_199 = arith.constant 4 : i32
    %eq3A_200 = vector.broadcast %eq3A_199 : i32 to vector<4x16xi32>
    %eq3A_201 = arith.cmpi eq, %iota3A_13, %eq3A_200 : vector<4x16xi32>
    %broadcast_in_dim3A_202 = vector.shape_cast %reduce_min3A_183 : vector<4xi32> to vector<4x1xi32>
    %broadcast_in_dim3A_203 = vector.shape_cast %broadcast_in_dim3A_202 : vector<4x1xi32> to vector<4x1xi32>
    %broadcast_in_dim3A_204 = vector.broadcast %broadcast_in_dim3A_203 : vector<4x1xi32> to vector<4x16xi32>
    %select_n3A_205 = arith.select %eq3A_201, %broadcast_in_dim3A_204, %select_n3A_165 : vector<4x16xi1>, vector<4x16xi32>
    %broadcast_in_dim3A_206 = vector.shape_cast %reduce_sum3A_191 : vector<4xf32> to vector<4x1xf32>
    %broadcast_in_dim3A_207 = vector.shape_cast %broadcast_in_dim3A_206 : vector<4x1xf32> to vector<4x1xf32>
    %broadcast_in_dim3A_208 = vector.broadcast %broadcast_in_dim3A_207 : vector<4x1xf32> to vector<4x16xf32>
    %select_n3A_209 = arith.select %eq3A_201, %broadcast_in_dim3A_208, %select_n3A_169 : vector<4x16xi1>, vector<4x16xf32>
    %get3A_210 = arith.constant 0 : index
    %get3A_211 = arith.constant 0 : index
    %get3A_212 = arith.constant 0 : index
    %get3A_213 = vector.load %arg7[%get3A_210, %get3A_211, %get3A_212] : memref<4x512x128xf32, #tpu.memory_space<vmem>>, vector<4x512x128xf32>
    %reduce_max3A_214 = arith.constant dense<0xFF800000> : vector<4xf32>
    %reduce_max3A_215 = vector.multi_reduction <maximumf>, %get3A_213, %reduce_max3A_214 [1, 2] : vector<4x512x128xf32> to vector<4xf32>
    %broadcast_in_dim3A_216 = vector.shape_cast %reduce_max3A_215 : vector<4xf32> to vector<4x1x1xf32>
    %ge3A_217 = vector.broadcast %broadcast_in_dim3A_216 : vector<4x1x1xf32> to vector<4x512x128xf32>
    %ge3A_218 = arith.cmpf oge, %get3A_213, %ge3A_217 : vector<4x512x128xf32>
    %jit3A_219 = arith.constant 2147483647 : i32
    %broadcast_in_dim3A_220 = vector.broadcast %jit3A_219 : i32 to vector<4x512x128xi32>
    %select_n3A_221 = arith.select %ge3A_218, %add3A, %broadcast_in_dim3A_220 : vector<4x512x128xi1>, vector<4x512x128xi32>
    %reduce_min3A_222 = arith.constant dense<2147483647> : vector<4xi32>
    %reduce_min3A_223 = vector.multi_reduction <minsi>, %select_n3A_221, %reduce_min3A_222 [1, 2] : vector<4x512x128xi32> to vector<4xi32>
    %broadcast_in_dim3A_224 = vector.shape_cast %reduce_min3A_223 : vector<4xi32> to vector<4x1x1xi32>
    %eq3A_225 = vector.broadcast %broadcast_in_dim3A_224 : vector<4x1x1xi32> to vector<4x512x128xi32>
    %eq3A_226 = arith.cmpi eq, %add3A, %eq3A_225 : vector<4x512x128xi32>
    %jit3A_227 = arith.constant 0.000000e+00 : f32
    %broadcast_in_dim3A_228 = vector.broadcast %jit3A_227 : f32 to vector<4x512x128xf32>
    %select_n3A_229 = arith.select %eq3A_226, %get3A_9, %broadcast_in_dim3A_228 : vector<4x512x128xi1>, vector<4x512x128xf32>
    %reduce_sum3A_230 = arith.constant dense<0.000000e+00> : vector<4xf32>
    %reduce_sum3A_231 = vector.multi_reduction <add>, %select_n3A_229, %reduce_sum3A_230 [1, 2] : vector<4x512x128xf32> to vector<4xf32>
    %jit3A_232 = arith.constant 0xFF800000 : f32
    %broadcast_in_dim3A_233 = vector.broadcast %jit3A_232 : f32 to vector<4x512x128xf32>
    %select_n3A_234 = arith.select %eq3A_226, %broadcast_in_dim3A_233, %get3A_213 : vector<4x512x128xi1>, vector<4x512x128xf32>
    %swap3A_235 = arith.constant 0 : index
    %swap3A_236 = arith.constant 0 : index
    %swap3A_237 = arith.constant 0 : index
    %swap3A_238 = vector.load %arg7[%swap3A_235, %swap3A_236, %swap3A_237] : memref<4x512x128xf32, #tpu.memory_space<vmem>>, vector<4x512x128xf32>
    tpu.vector_store %arg7[%swap3A_235, %swap3A_236, %swap3A_237], %select_n3A_234 {strides = array<i32>} : memref<4x512x128xf32, #tpu.memory_space<vmem>>, vector<4x512x128xf32>,
    %eq3A_239 = arith.constant 5 : i32
    %eq3A_240 = vector.broadcast %eq3A_239 : i32 to vector<4x16xi32>
    %eq3A_241 = arith.cmpi eq, %iota3A_13, %eq3A_240 : vector<4x16xi32>
    %broadcast_in_dim3A_242 = vector.shape_cast %reduce_min3A_223 : vector<4xi32> to vector<4x1xi32>
    %broadcast_in_dim3A_243 = vector.shape_cast %broadcast_in_dim3A_242 : vector<4x1xi32> to vector<4x1xi32>
    %broadcast_in_dim3A_244 = vector.broadcast %broadcast_in_dim3A_243 : vector<4x1xi32> to vector<4x16xi32>
    %select_n3A_245 = arith.select %eq3A_241, %broadcast_in_dim3A_244, %select_n3A_205 : vector<4x16xi1>, vector<4x16xi32>
    %broadcast_in_dim3A_246 = vector.shape_cast %reduce_sum3A_231 : vector<4xf32> to vector<4x1xf32>
    %broadcast_in_dim3A_247 = vector.shape_cast %broadcast_in_dim3A_246 : vector<4x1xf32> to vector<4x1xf32>
    %broadcast_in_dim3A_248 = vector.broadcast %broadcast_in_dim3A_247 : vector<4x1xf32> to vector<4x16xf32>
    %select_n3A_249 = arith.select %eq3A_241, %broadcast_in_dim3A_248, %select_n3A_209 : vector<4x16xi1>, vector<4x16xf32>
    %get3A_250 = arith.constant 0 : index
    %get3A_251 = arith.constant 0 : index
    %get3A_252 = arith.constant 0 : index
    %get3A_253 = vector.load %arg7[%get3A_250, %get3A_251, %get3A_252] : memref<4x512x128xf32, #tpu.memory_space<vmem>>, vector<4x512x128xf32>
    %reduce_max3A_254 = arith.constant dense<0xFF800000> : vector<4xf32>
    %reduce_max3A_255 = vector.multi_reduction <maximumf>, %get3A_253, %reduce_max3A_254 [1, 2] : vector<4x512x128xf32> to vector<4xf32>
    %broadcast_in_dim3A_256 = vector.shape_cast %reduce_max3A_255 : vector<4xf32> to vector<4x1x1xf32>
    %ge3A_257 = vector.broadcast %broadcast_in_dim3A_256 : vector<4x1x1xf32> to vector<4x512x128xf32>
    %ge3A_258 = arith.cmpf oge, %get3A_253, %ge3A_257 : vector<4x512x128xf32>
    %jit3A_259 = arith.constant 2147483647 : i32
    %broadcast_in_dim3A_260 = vector.broadcast %jit3A_259 : i32 to vector<4x512x128xi32>
    %select_n3A_261 = arith.select %ge3A_258, %add3A, %broadcast_in_dim3A_260 : vector<4x512x128xi1>, vector<4x512x128xi32>
    %reduce_min3A_262 = arith.constant dense<2147483647> : vector<4xi32>
    %reduce_min3A_263 = vector.multi_reduction <minsi>, %select_n3A_261, %reduce_min3A_262 [1, 2] : vector<4x512x128xi32> to vector<4xi32>
    %broadcast_in_dim3A_264 = vector.shape_cast %reduce_min3A_263 : vector<4xi32> to vector<4x1x1xi32>
    %eq3A_265 = vector.broadcast %broadcast_in_dim3A_264 : vector<4x1x1xi32> to vector<4x512x128xi32>
    %eq3A_266 = arith.cmpi eq, %add3A, %eq3A_265 : vector<4x512x128xi32>
    %jit3A_267 = arith.constant 0.000000e+00 : f32
    %broadcast_in_dim3A_268 = vector.broadcast %jit3A_267 : f32 to vector<4x512x128xf32>
    %select_n3A_269 = arith.select %eq3A_266, %get3A_9, %broadcast_in_dim3A_268 : vector<4x512x128xi1>, vector<4x512x128xf32>
    %reduce_sum3A_270 = arith.constant dense<0.000000e+00> : vector<4xf32>
    %reduce_sum3A_271 = vector.multi_reduction <add>, %select_n3A_269, %reduce_sum3A_270 [1, 2] : vector<4x512x128xf32> to vector<4xf32>
    %jit3A_272 = arith.constant 0xFF800000 : f32
    %broadcast_in_dim3A_273 = vector.broadcast %jit3A_272 : f32 to vector<4x512x128xf32>
    %select_n3A_274 = arith.select %eq3A_266, %broadcast_in_dim3A_273, %get3A_253 : vector<4x512x128xi1>, vector<4x512x128xf32>
    %swap3A_275 = arith.constant 0 : index
    %swap3A_276 = arith.constant 0 : index
    %swap3A_277 = arith.constant 0 : index
    %swap3A_278 = vector.load %arg7[%swap3A_275, %swap3A_276, %swap3A_277] : memref<4x512x128xf32, #tpu.memory_space<vmem>>, vector<4x512x128xf32>
    tpu.vector_store %arg7[%swap3A_275, %swap3A_276, %swap3A_277], %select_n3A_274 {strides = array<i32>} : memref<4x512x128xf32, #tpu.memory_space<vmem>>, vector<4x512x128xf32>,
    %eq3A_279 = arith.constant 6 : i32
    %eq3A_280 = vector.broadcast %eq3A_279 : i32 to vector<4x16xi32>
    %eq3A_281 = arith.cmpi eq, %iota3A_13, %eq3A_280 : vector<4x16xi32>
    %broadcast_in_dim3A_282 = vector.shape_cast %reduce_min3A_263 : vector<4xi32> to vector<4x1xi32>
    %broadcast_in_dim3A_283 = vector.shape_cast %broadcast_in_dim3A_282 : vector<4x1xi32> to vector<4x1xi32>
    %broadcast_in_dim3A_284 = vector.broadcast %broadcast_in_dim3A_283 : vector<4x1xi32> to vector<4x16xi32>
    %select_n3A_285 = arith.select %eq3A_281, %broadcast_in_dim3A_284, %select_n3A_245 : vector<4x16xi1>, vector<4x16xi32>
    %broadcast_in_dim3A_286 = vector.shape_cast %reduce_sum3A_271 : vector<4xf32> to vector<4x1xf32>
    %broadcast_in_dim3A_287 = vector.shape_cast %broadcast_in_dim3A_286 : vector<4x1xf32> to vector<4x1xf32>
    %broadcast_in_dim3A_288 = vector.broadcast %broadcast_in_dim3A_287 : vector<4x1xf32> to vector<4x16xf32>
    %select_n3A_289 = arith.select %eq3A_281, %broadcast_in_dim3A_288, %select_n3A_249 : vector<4x16xi1>, vector<4x16xf32>
    %get3A_290 = arith.constant 0 : index
    %get3A_291 = arith.constant 0 : index
    %get3A_292 = arith.constant 0 : index
    %get3A_293 = vector.load %arg7[%get3A_290, %get3A_291, %get3A_292] : memref<4x512x128xf32, #tpu.memory_space<vmem>>, vector<4x512x128xf32>
    %reduce_max3A_294 = arith.constant dense<0xFF800000> : vector<4xf32>
    %reduce_max3A_295 = vector.multi_reduction <maximumf>, %get3A_293, %reduce_max3A_294 [1, 2] : vector<4x512x128xf32> to vector<4xf32>
    %broadcast_in_dim3A_296 = vector.shape_cast %reduce_max3A_295 : vector<4xf32> to vector<4x1x1xf32>
    %ge3A_297 = vector.broadcast %broadcast_in_dim3A_296 : vector<4x1x1xf32> to vector<4x512x128xf32>
    %ge3A_298 = arith.cmpf oge, %get3A_293, %ge3A_297 : vector<4x512x128xf32>
    %jit3A_299 = arith.constant 2147483647 : i32
    %broadcast_in_dim3A_300 = vector.broadcast %jit3A_299 : i32 to vector<4x512x128xi32>
    %select_n3A_301 = arith.select %ge3A_298, %add3A, %broadcast_in_dim3A_300 : vector<4x512x128xi1>, vector<4x512x128xi32>
    %reduce_min3A_302 = arith.constant dense<2147483647> : vector<4xi32>
    %reduce_min3A_303 = vector.multi_reduction <minsi>, %select_n3A_301, %reduce_min3A_302 [1, 2] : vector<4x512x128xi32> to vector<4xi32>
    %broadcast_in_dim3A_304 = vector.shape_cast %reduce_min3A_303 : vector<4xi32> to vector<4x1x1xi32>
    %eq3A_305 = vector.broadcast %broadcast_in_dim3A_304 : vector<4x1x1xi32> to vector<4x512x128xi32>
    %eq3A_306 = arith.cmpi eq, %add3A, %eq3A_305 : vector<4x512x128xi32>
    %jit3A_307 = arith.constant 0.000000e+00 : f32
    %broadcast_in_dim3A_308 = vector.broadcast %jit3A_307 : f32 to vector<4x512x128xf32>
    %select_n3A_309 = arith.select %eq3A_306, %get3A_9, %broadcast_in_dim3A_308 : vector<4x512x128xi1>, vector<4x512x128xf32>
    %reduce_sum3A_310 = arith.constant dense<0.000000e+00> : vector<4xf32>
    %reduce_sum3A_311 = vector.multi_reduction <add>, %select_n3A_309, %reduce_sum3A_310 [1, 2] : vector<4x512x128xf32> to vector<4xf32>
    %jit3A_312 = arith.constant 0xFF800000 : f32
    %broadcast_in_dim3A_313 = vector.broadcast %jit3A_312 : f32 to vector<4x512x128xf32>
    %select_n3A_314 = arith.select %eq3A_306, %broadcast_in_dim3A_313, %get3A_293 : vector<4x512x128xi1>, vector<4x512x128xf32>
    %swap3A_315 = arith.constant 0 : index
    %swap3A_316 = arith.constant 0 : index
    %swap3A_317 = arith.constant 0 : index
    %swap3A_318 = vector.load %arg7[%swap3A_315, %swap3A_316, %swap3A_317] : memref<4x512x128xf32, #tpu.memory_space<vmem>>, vector<4x512x128xf32>
    tpu.vector_store %arg7[%swap3A_315, %swap3A_316, %swap3A_317], %select_n3A_314 {strides = array<i32>} : memref<4x512x128xf32, #tpu.memory_space<vmem>>, vector<4x512x128xf32>,
    %eq3A_319 = arith.constant 7 : i32
    %eq3A_320 = vector.broadcast %eq3A_319 : i32 to vector<4x16xi32>
    %eq3A_321 = arith.cmpi eq, %iota3A_13, %eq3A_320 : vector<4x16xi32>
    %broadcast_in_dim3A_322 = vector.shape_cast %reduce_min3A_303 : vector<4xi32> to vector<4x1xi32>
    %broadcast_in_dim3A_323 = vector.shape_cast %broadcast_in_dim3A_322 : vector<4x1xi32> to vector<4x1xi32>
    %broadcast_in_dim3A_324 = vector.broadcast %broadcast_in_dim3A_323 : vector<4x1xi32> to vector<4x16xi32>
    %select_n3A_325 = arith.select %eq3A_321, %broadcast_in_dim3A_324, %select_n3A_285 : vector<4x16xi1>, vector<4x16xi32>
    %broadcast_in_dim3A_326 = vector.shape_cast %reduce_sum3A_311 : vector<4xf32> to vector<4x1xf32>
    %broadcast_in_dim3A_327 = vector.shape_cast %broadcast_in_dim3A_326 : vector<4x1xf32> to vector<4x1xf32>
    %broadcast_in_dim3A_328 = vector.broadcast %broadcast_in_dim3A_327 : vector<4x1xf32> to vector<4x16xf32>
    %select_n3A_329 = arith.select %eq3A_321, %broadcast_in_dim3A_328, %select_n3A_289 : vector<4x16xi1>, vector<4x16xf32>
    %get3A_330 = arith.constant 0 : index
    %get3A_331 = arith.constant 0 : index
    %get3A_332 = arith.constant 0 : index
    %get3A_333 = vector.load %arg7[%get3A_330, %get3A_331, %get3A_332] : memref<4x512x128xf32, #tpu.memory_space<vmem>>, vector<4x512x128xf32>
    %reduce_max3A_334 = arith.constant dense<0xFF800000> : vector<4xf32>
    %reduce_max3A_335 = vector.multi_reduction <maximumf>, %get3A_333, %reduce_max3A_334 [1, 2] : vector<4x512x128xf32> to vector<4xf32>
    %broadcast_in_dim3A_336 = vector.shape_cast %reduce_max3A_335 : vector<4xf32> to vector<4x1x1xf32>
    %ge3A_337 = vector.broadcast %broadcast_in_dim3A_336 : vector<4x1x1xf32> to vector<4x512x128xf32>
    %ge3A_338 = arith.cmpf oge, %get3A_333, %ge3A_337 : vector<4x512x128xf32>
    %jit3A_339 = arith.constant 2147483647 : i32
    %broadcast_in_dim3A_340 = vector.broadcast %jit3A_339 : i32 to vector<4x512x128xi32>
    %select_n3A_341 = arith.select %ge3A_338, %add3A, %broadcast_in_dim3A_340 : vector<4x512x128xi1>, vector<4x512x128xi32>
    %reduce_min3A_342 = arith.constant dense<2147483647> : vector<4xi32>
    %reduce_min3A_343 = vector.multi_reduction <minsi>, %select_n3A_341, %reduce_min3A_342 [1, 2] : vector<4x512x128xi32> to vector<4xi32>
    %broadcast_in_dim3A_344 = vector.shape_cast %reduce_min3A_343 : vector<4xi32> to vector<4x1x1xi32>
    %eq3A_345 = vector.broadcast %broadcast_in_dim3A_344 : vector<4x1x1xi32> to vector<4x512x128xi32>
    %eq3A_346 = arith.cmpi eq, %add3A, %eq3A_345 : vector<4x512x128xi32>
    %jit3A_347 = arith.constant 0.000000e+00 : f32
    %broadcast_in_dim3A_348 = vector.broadcast %jit3A_347 : f32 to vector<4x512x128xf32>
    %select_n3A_349 = arith.select %eq3A_346, %get3A_9, %broadcast_in_dim3A_348 : vector<4x512x128xi1>, vector<4x512x128xf32>
    %reduce_sum3A_350 = arith.constant dense<0.000000e+00> : vector<4xf32>
    %reduce_sum3A_351 = vector.multi_reduction <add>, %select_n3A_349, %reduce_sum3A_350 [1, 2] : vector<4x512x128xf32> to vector<4xf32>
    %jit3A_352 = arith.constant 0xFF800000 : f32
    %broadcast_in_dim3A_353 = vector.broadcast %jit3A_352 : f32 to vector<4x512x128xf32>
    %select_n3A_354 = arith.select %eq3A_346, %broadcast_in_dim3A_353, %get3A_333 : vector<4x512x128xi1>, vector<4x512x128xf32>
    %swap3A_355 = arith.constant 0 : index
    %swap3A_356 = arith.constant 0 : index
    %swap3A_357 = arith.constant 0 : index
    %swap3A_358 = vector.load %arg7[%swap3A_355, %swap3A_356, %swap3A_357] : memref<4x512x128xf32, #tpu.memory_space<vmem>>, vector<4x512x128xf32>
    tpu.vector_store %arg7[%swap3A_355, %swap3A_356, %swap3A_357], %select_n3A_354 {strides = array<i32>} : memref<4x512x128xf32, #tpu.memory_space<vmem>>, vector<4x512x128xf32>,
    %eq3A_359 = arith.constant 8 : i32
    %eq3A_360 = vector.broadcast %eq3A_359 : i32 to vector<4x16xi32>
    %eq3A_361 = arith.cmpi eq, %iota3A_13, %eq3A_360 : vector<4x16xi32>
    %broadcast_in_dim3A_362 = vector.shape_cast %reduce_min3A_343 : vector<4xi32> to vector<4x1xi32>
    %broadcast_in_dim3A_363 = vector.shape_cast %broadcast_in_dim3A_362 : vector<4x1xi32> to vector<4x1xi32>
    %broadcast_in_dim3A_364 = vector.broadcast %broadcast_in_dim3A_363 : vector<4x1xi32> to vector<4x16xi32>
    %select_n3A_365 = arith.select %eq3A_361, %broadcast_in_dim3A_364, %select_n3A_325 : vector<4x16xi1>, vector<4x16xi32>
    %broadcast_in_dim3A_366 = vector.shape_cast %reduce_sum3A_351 : vector<4xf32> to vector<4x1xf32>
    %broadcast_in_dim3A_367 = vector.shape_cast %broadcast_in_dim3A_366 : vector<4x1xf32> to vector<4x1xf32>
    %broadcast_in_dim3A_368 = vector.broadcast %broadcast_in_dim3A_367 : vector<4x1xf32> to vector<4x16xf32>
    %select_n3A_369 = arith.select %eq3A_361, %broadcast_in_dim3A_368, %select_n3A_329 : vector<4x16xi1>, vector<4x16xf32>
    %get3A_370 = arith.constant 0 : index
    %get3A_371 = arith.constant 0 : index
    %get3A_372 = arith.constant 0 : index
    %get3A_373 = vector.load %arg7[%get3A_370, %get3A_371, %get3A_372] : memref<4x512x128xf32, #tpu.memory_space<vmem>>, vector<4x512x128xf32>
    %reduce_max3A_374 = arith.constant dense<0xFF800000> : vector<4xf32>
    %reduce_max3A_375 = vector.multi_reduction <maximumf>, %get3A_373, %reduce_max3A_374 [1, 2] : vector<4x512x128xf32> to vector<4xf32>
    %broadcast_in_dim3A_376 = vector.shape_cast %reduce_max3A_375 : vector<4xf32> to vector<4x1x1xf32>
    %ge3A_377 = vector.broadcast %broadcast_in_dim3A_376 : vector<4x1x1xf32> to vector<4x512x128xf32>
    %ge3A_378 = arith.cmpf oge, %get3A_373, %ge3A_377 : vector<4x512x128xf32>
    %jit3A_379 = arith.constant 2147483647 : i32
    %broadcast_in_dim3A_380 = vector.broadcast %jit3A_379 : i32 to vector<4x512x128xi32>
    %select_n3A_381 = arith.select %ge3A_378, %add3A, %broadcast_in_dim3A_380 : vector<4x512x128xi1>, vector<4x512x128xi32>
    %reduce_min3A_382 = arith.constant dense<2147483647> : vector<4xi32>
    %reduce_min3A_383 = vector.multi_reduction <minsi>, %select_n3A_381, %reduce_min3A_382 [1, 2] : vector<4x512x128xi32> to vector<4xi32>
    %broadcast_in_dim3A_384 = vector.shape_cast %reduce_min3A_383 : vector<4xi32> to vector<4x1x1xi32>
    %eq3A_385 = vector.broadcast %broadcast_in_dim3A_384 : vector<4x1x1xi32> to vector<4x512x128xi32>
    %eq3A_386 = arith.cmpi eq, %add3A, %eq3A_385 : vector<4x512x128xi32>
    %jit3A_387 = arith.constant 0.000000e+00 : f32
    %broadcast_in_dim3A_388 = vector.broadcast %jit3A_387 : f32 to vector<4x512x128xf32>
    %select_n3A_389 = arith.select %eq3A_386, %get3A_9, %broadcast_in_dim3A_388 : vector<4x512x128xi1>, vector<4x512x128xf32>
    %reduce_sum3A_390 = arith.constant dense<0.000000e+00> : vector<4xf32>
    %reduce_sum3A_391 = vector.multi_reduction <add>, %select_n3A_389, %reduce_sum3A_390 [1, 2] : vector<4x512x128xf32> to vector<4xf32>
    %jit3A_392 = arith.constant 0xFF800000 : f32
    %broadcast_in_dim3A_393 = vector.broadcast %jit3A_392 : f32 to vector<4x512x128xf32>
    %select_n3A_394 = arith.select %eq3A_386, %broadcast_in_dim3A_393, %get3A_373 : vector<4x512x128xi1>, vector<4x512x128xf32>
    %swap3A_395 = arith.constant 0 : index
    %swap3A_396 = arith.constant 0 : index
    %swap3A_397 = arith.constant 0 : index
    %swap3A_398 = vector.load %arg7[%swap3A_395, %swap3A_396, %swap3A_397] : memref<4x512x128xf32, #tpu.memory_space<vmem>>, vector<4x512x128xf32>
    tpu.vector_store %arg7[%swap3A_395, %swap3A_396, %swap3A_397], %select_n3A_394 {strides = array<i32>} : memref<4x512x128xf32, #tpu.memory_space<vmem>>, vector<4x512x128xf32>,
    %eq3A_399 = arith.constant 9 : i32
    %eq3A_400 = vector.broadcast %eq3A_399 : i32 to vector<4x16xi32>
    %eq3A_401 = arith.cmpi eq, %iota3A_13, %eq3A_400 : vector<4x16xi32>
    %broadcast_in_dim3A_402 = vector.shape_cast %reduce_min3A_383 : vector<4xi32> to vector<4x1xi32>
    %broadcast_in_dim3A_403 = vector.shape_cast %broadcast_in_dim3A_402 : vector<4x1xi32> to vector<4x1xi32>
    %broadcast_in_dim3A_404 = vector.broadcast %broadcast_in_dim3A_403 : vector<4x1xi32> to vector<4x16xi32>
    %select_n3A_405 = arith.select %eq3A_401, %broadcast_in_dim3A_404, %select_n3A_365 : vector<4x16xi1>, vector<4x16xi32>
    %broadcast_in_dim3A_406 = vector.shape_cast %reduce_sum3A_391 : vector<4xf32> to vector<4x1xf32>
    %broadcast_in_dim3A_407 = vector.shape_cast %broadcast_in_dim3A_406 : vector<4x1xf32> to vector<4x1xf32>
    %broadcast_in_dim3A_408 = vector.broadcast %broadcast_in_dim3A_407 : vector<4x1xf32> to vector<4x16xf32>
    %select_n3A_409 = arith.select %eq3A_401, %broadcast_in_dim3A_408, %select_n3A_369 : vector<4x16xi1>, vector<4x16xf32>
    %get3A_410 = arith.constant 0 : index
    %get3A_411 = arith.constant 0 : index
    %get3A_412 = arith.constant 0 : index
    %get3A_413 = vector.load %arg7[%get3A_410, %get3A_411, %get3A_412] : memref<4x512x128xf32, #tpu.memory_space<vmem>>, vector<4x512x128xf32>
    %reduce_max3A_414 = arith.constant dense<0xFF800000> : vector<4xf32>
    %reduce_max3A_415 = vector.multi_reduction <maximumf>, %get3A_413, %reduce_max3A_414 [1, 2] : vector<4x512x128xf32> to vector<4xf32>
    %broadcast_in_dim3A_416 = vector.shape_cast %reduce_max3A_415 : vector<4xf32> to vector<4x1x1xf32>
    %ge3A_417 = vector.broadcast %broadcast_in_dim3A_416 : vector<4x1x1xf32> to vector<4x512x128xf32>
    %ge3A_418 = arith.cmpf oge, %get3A_413, %ge3A_417 : vector<4x512x128xf32>
    %jit3A_419 = arith.constant 2147483647 : i32
    %broadcast_in_dim3A_420 = vector.broadcast %jit3A_419 : i32 to vector<4x512x128xi32>
    %select_n3A_421 = arith.select %ge3A_418, %add3A, %broadcast_in_dim3A_420 : vector<4x512x128xi1>, vector<4x512x128xi32>
    %reduce_min3A_422 = arith.constant dense<2147483647> : vector<4xi32>
    %reduce_min3A_423 = vector.multi_reduction <minsi>, %select_n3A_421, %reduce_min3A_422 [1, 2] : vector<4x512x128xi32> to vector<4xi32>
    %broadcast_in_dim3A_424 = vector.shape_cast %reduce_min3A_423 : vector<4xi32> to vector<4x1x1xi32>
    %eq3A_425 = vector.broadcast %broadcast_in_dim3A_424 : vector<4x1x1xi32> to vector<4x512x128xi32>
    %eq3A_426 = arith.cmpi eq, %add3A, %eq3A_425 : vector<4x512x128xi32>
    %jit3A_427 = arith.constant 0.000000e+00 : f32
    %broadcast_in_dim3A_428 = vector.broadcast %jit3A_427 : f32 to vector<4x512x128xf32>
    %select_n3A_429 = arith.select %eq3A_426, %get3A_9, %broadcast_in_dim3A_428 : vector<4x512x128xi1>, vector<4x512x128xf32>
    %reduce_sum3A_430 = arith.constant dense<0.000000e+00> : vector<4xf32>
    %reduce_sum3A_431 = vector.multi_reduction <add>, %select_n3A_429, %reduce_sum3A_430 [1, 2] : vector<4x512x128xf32> to vector<4xf32>
    %jit3A_432 = arith.constant 0xFF800000 : f32
    %broadcast_in_dim3A_433 = vector.broadcast %jit3A_432 : f32 to vector<4x512x128xf32>
    %select_n3A_434 = arith.select %eq3A_426, %broadcast_in_dim3A_433, %get3A_413 : vector<4x512x128xi1>, vector<4x512x128xf32>
    %swap3A_435 = arith.constant 0 : index
    %swap3A_436 = arith.constant 0 : index
    %swap3A_437 = arith.constant 0 : index
    %swap3A_438 = vector.load %arg7[%swap3A_435, %swap3A_436, %swap3A_437] : memref<4x512x128xf32, #tpu.memory_space<vmem>>, vector<4x512x128xf32>
    tpu.vector_store %arg7[%swap3A_435, %swap3A_436, %swap3A_437], %select_n3A_434 {strides = array<i32>} : memref<4x512x128xf32, #tpu.memory_space<vmem>>, vector<4x512x128xf32>,
    %eq3A_439 = arith.constant 10 : i32
    %eq3A_440 = vector.broadcast %eq3A_439 : i32 to vector<4x16xi32>
    %eq3A_441 = arith.cmpi eq, %iota3A_13, %eq3A_440 : vector<4x16xi32>
    %broadcast_in_dim3A_442 = vector.shape_cast %reduce_min3A_423 : vector<4xi32> to vector<4x1xi32>
    %broadcast_in_dim3A_443 = vector.shape_cast %broadcast_in_dim3A_442 : vector<4x1xi32> to vector<4x1xi32>
    %broadcast_in_dim3A_444 = vector.broadcast %broadcast_in_dim3A_443 : vector<4x1xi32> to vector<4x16xi32>
    %select_n3A_445 = arith.select %eq3A_441, %broadcast_in_dim3A_444, %select_n3A_405 : vector<4x16xi1>, vector<4x16xi32>
    %broadcast_in_dim3A_446 = vector.shape_cast %reduce_sum3A_431 : vector<4xf32> to vector<4x1xf32>
    %broadcast_in_dim3A_447 = vector.shape_cast %broadcast_in_dim3A_446 : vector<4x1xf32> to vector<4x1xf32>
    %broadcast_in_dim3A_448 = vector.broadcast %broadcast_in_dim3A_447 : vector<4x1xf32> to vector<4x16xf32>
    %select_n3A_449 = arith.select %eq3A_441, %broadcast_in_dim3A_448, %select_n3A_409 : vector<4x16xi1>, vector<4x16xf32>
    %get3A_450 = arith.constant 0 : index
    %get3A_451 = arith.constant 0 : index
    %get3A_452 = arith.constant 0 : index
    %get3A_453 = vector.load %arg7[%get3A_450, %get3A_451, %get3A_452] : memref<4x512x128xf32, #tpu.memory_space<vmem>>, vector<4x512x128xf32>
    %reduce_max3A_454 = arith.constant dense<0xFF800000> : vector<4xf32>
    %reduce_max3A_455 = vector.multi_reduction <maximumf>, %get3A_453, %reduce_max3A_454 [1, 2] : vector<4x512x128xf32> to vector<4xf32>
    %broadcast_in_dim3A_456 = vector.shape_cast %reduce_max3A_455 : vector<4xf32> to vector<4x1x1xf32>
    %ge3A_457 = vector.broadcast %broadcast_in_dim3A_456 : vector<4x1x1xf32> to vector<4x512x128xf32>
    %ge3A_458 = arith.cmpf oge, %get3A_453, %ge3A_457 : vector<4x512x128xf32>
    %jit3A_459 = arith.constant 2147483647 : i32
    %broadcast_in_dim3A_460 = vector.broadcast %jit3A_459 : i32 to vector<4x512x128xi32>
    %select_n3A_461 = arith.select %ge3A_458, %add3A, %broadcast_in_dim3A_460 : vector<4x512x128xi1>, vector<4x512x128xi32>
    %reduce_min3A_462 = arith.constant dense<2147483647> : vector<4xi32>
    %reduce_min3A_463 = vector.multi_reduction <minsi>, %select_n3A_461, %reduce_min3A_462 [1, 2] : vector<4x512x128xi32> to vector<4xi32>
    %broadcast_in_dim3A_464 = vector.shape_cast %reduce_min3A_463 : vector<4xi32> to vector<4x1x1xi32>
    %eq3A_465 = vector.broadcast %broadcast_in_dim3A_464 : vector<4x1x1xi32> to vector<4x512x128xi32>
    %eq3A_466 = arith.cmpi eq, %add3A, %eq3A_465 : vector<4x512x128xi32>
    %jit3A_467 = arith.constant 0.000000e+00 : f32
    %broadcast_in_dim3A_468 = vector.broadcast %jit3A_467 : f32 to vector<4x512x128xf32>
    %select_n3A_469 = arith.select %eq3A_466, %get3A_9, %broadcast_in_dim3A_468 : vector<4x512x128xi1>, vector<4x512x128xf32>
    %reduce_sum3A_470 = arith.constant dense<0.000000e+00> : vector<4xf32>
    %reduce_sum3A_471 = vector.multi_reduction <add>, %select_n3A_469, %reduce_sum3A_470 [1, 2] : vector<4x512x128xf32> to vector<4xf32>
    %jit3A_472 = arith.constant 0xFF800000 : f32
    %broadcast_in_dim3A_473 = vector.broadcast %jit3A_472 : f32 to vector<4x512x128xf32>
    %select_n3A_474 = arith.select %eq3A_466, %broadcast_in_dim3A_473, %get3A_453 : vector<4x512x128xi1>, vector<4x512x128xf32>
    %swap3A_475 = arith.constant 0 : index
    %swap3A_476 = arith.constant 0 : index
    %swap3A_477 = arith.constant 0 : index
    %swap3A_478 = vector.load %arg7[%swap3A_475, %swap3A_476, %swap3A_477] : memref<4x512x128xf32, #tpu.memory_space<vmem>>, vector<4x512x128xf32>
    tpu.vector_store %arg7[%swap3A_475, %swap3A_476, %swap3A_477], %select_n3A_474 {strides = array<i32>} : memref<4x512x128xf32, #tpu.memory_space<vmem>>, vector<4x512x128xf32>,
    %eq3A_479 = arith.constant 11 : i32
    %eq3A_480 = vector.broadcast %eq3A_479 : i32 to vector<4x16xi32>
    %eq3A_481 = arith.cmpi eq, %iota3A_13, %eq3A_480 : vector<4x16xi32>
    %broadcast_in_dim3A_482 = vector.shape_cast %reduce_min3A_463 : vector<4xi32> to vector<4x1xi32>
    %broadcast_in_dim3A_483 = vector.shape_cast %broadcast_in_dim3A_482 : vector<4x1xi32> to vector<4x1xi32>
    %broadcast_in_dim3A_484 = vector.broadcast %broadcast_in_dim3A_483 : vector<4x1xi32> to vector<4x16xi32>
    %select_n3A_485 = arith.select %eq3A_481, %broadcast_in_dim3A_484, %select_n3A_445 : vector<4x16xi1>, vector<4x16xi32>
    %broadcast_in_dim3A_486 = vector.shape_cast %reduce_sum3A_471 : vector<4xf32> to vector<4x1xf32>
    %broadcast_in_dim3A_487 = vector.shape_cast %broadcast_in_dim3A_486 : vector<4x1xf32> to vector<4x1xf32>
    %broadcast_in_dim3A_488 = vector.broadcast %broadcast_in_dim3A_487 : vector<4x1xf32> to vector<4x16xf32>
    %select_n3A_489 = arith.select %eq3A_481, %broadcast_in_dim3A_488, %select_n3A_449 : vector<4x16xi1>, vector<4x16xf32>
    %get3A_490 = arith.constant 0 : index
    %get3A_491 = arith.constant 0 : index
    %get3A_492 = arith.constant 0 : index
    %get3A_493 = vector.load %arg7[%get3A_490, %get3A_491, %get3A_492] : memref<4x512x128xf32, #tpu.memory_space<vmem>>, vector<4x512x128xf32>
    %reduce_max3A_494 = arith.constant dense<0xFF800000> : vector<4xf32>
    %reduce_max3A_495 = vector.multi_reduction <maximumf>, %get3A_493, %reduce_max3A_494 [1, 2] : vector<4x512x128xf32> to vector<4xf32>
    %broadcast_in_dim3A_496 = vector.shape_cast %reduce_max3A_495 : vector<4xf32> to vector<4x1x1xf32>
    %ge3A_497 = vector.broadcast %broadcast_in_dim3A_496 : vector<4x1x1xf32> to vector<4x512x128xf32>
    %ge3A_498 = arith.cmpf oge, %get3A_493, %ge3A_497 : vector<4x512x128xf32>
    %jit3A_499 = arith.constant 2147483647 : i32
    %broadcast_in_dim3A_500 = vector.broadcast %jit3A_499 : i32 to vector<4x512x128xi32>
    %select_n3A_501 = arith.select %ge3A_498, %add3A, %broadcast_in_dim3A_500 : vector<4x512x128xi1>, vector<4x512x128xi32>
    %reduce_min3A_502 = arith.constant dense<2147483647> : vector<4xi32>
    %reduce_min3A_503 = vector.multi_reduction <minsi>, %select_n3A_501, %reduce_min3A_502 [1, 2] : vector<4x512x128xi32> to vector<4xi32>
    %broadcast_in_dim3A_504 = vector.shape_cast %reduce_min3A_503 : vector<4xi32> to vector<4x1x1xi32>
    %eq3A_505 = vector.broadcast %broadcast_in_dim3A_504 : vector<4x1x1xi32> to vector<4x512x128xi32>
    %eq3A_506 = arith.cmpi eq, %add3A, %eq3A_505 : vector<4x512x128xi32>
    %jit3A_507 = arith.constant 0.000000e+00 : f32
    %broadcast_in_dim3A_508 = vector.broadcast %jit3A_507 : f32 to vector<4x512x128xf32>
    %select_n3A_509 = arith.select %eq3A_506, %get3A_9, %broadcast_in_dim3A_508 : vector<4x512x128xi1>, vector<4x512x128xf32>
    %reduce_sum3A_510 = arith.constant dense<0.000000e+00> : vector<4xf32>
    %reduce_sum3A_511 = vector.multi_reduction <add>, %select_n3A_509, %reduce_sum3A_510 [1, 2] : vector<4x512x128xf32> to vector<4xf32>
    %jit3A_512 = arith.constant 0xFF800000 : f32
    %broadcast_in_dim3A_513 = vector.broadcast %jit3A_512 : f32 to vector<4x512x128xf32>
    %select_n3A_514 = arith.select %eq3A_506, %broadcast_in_dim3A_513, %get3A_493 : vector<4x512x128xi1>, vector<4x512x128xf32>
    %swap3A_515 = arith.constant 0 : index
    %swap3A_516 = arith.constant 0 : index
    %swap3A_517 = arith.constant 0 : index
    %swap3A_518 = vector.load %arg7[%swap3A_515, %swap3A_516, %swap3A_517] : memref<4x512x128xf32, #tpu.memory_space<vmem>>, vector<4x512x128xf32>
    tpu.vector_store %arg7[%swap3A_515, %swap3A_516, %swap3A_517], %select_n3A_514 {strides = array<i32>} : memref<4x512x128xf32, #tpu.memory_space<vmem>>, vector<4x512x128xf32>,
    %eq3A_519 = arith.constant 12 : i32
    %eq3A_520 = vector.broadcast %eq3A_519 : i32 to vector<4x16xi32>
    %eq3A_521 = arith.cmpi eq, %iota3A_13, %eq3A_520 : vector<4x16xi32>
    %broadcast_in_dim3A_522 = vector.shape_cast %reduce_min3A_503 : vector<4xi32> to vector<4x1xi32>
    %broadcast_in_dim3A_523 = vector.shape_cast %broadcast_in_dim3A_522 : vector<4x1xi32> to vector<4x1xi32>
    %broadcast_in_dim3A_524 = vector.broadcast %broadcast_in_dim3A_523 : vector<4x1xi32> to vector<4x16xi32>
    %select_n3A_525 = arith.select %eq3A_521, %broadcast_in_dim3A_524, %select_n3A_485 : vector<4x16xi1>, vector<4x16xi32>
    %broadcast_in_dim3A_526 = vector.shape_cast %reduce_sum3A_511 : vector<4xf32> to vector<4x1xf32>
    %broadcast_in_dim3A_527 = vector.shape_cast %broadcast_in_dim3A_526 : vector<4x1xf32> to vector<4x1xf32>
    %broadcast_in_dim3A_528 = vector.broadcast %broadcast_in_dim3A_527 : vector<4x1xf32> to vector<4x16xf32>
    %select_n3A_529 = arith.select %eq3A_521, %broadcast_in_dim3A_528, %select_n3A_489 : vector<4x16xi1>, vector<4x16xf32>
    %get3A_530 = arith.constant 0 : index
    %get3A_531 = arith.constant 0 : index
    %get3A_532 = arith.constant 0 : index
    %get3A_533 = vector.load %arg7[%get3A_530, %get3A_531, %get3A_532] : memref<4x512x128xf32, #tpu.memory_space<vmem>>, vector<4x512x128xf32>
    %reduce_max3A_534 = arith.constant dense<0xFF800000> : vector<4xf32>
    %reduce_max3A_535 = vector.multi_reduction <maximumf>, %get3A_533, %reduce_max3A_534 [1, 2] : vector<4x512x128xf32> to vector<4xf32>
    %broadcast_in_dim3A_536 = vector.shape_cast %reduce_max3A_535 : vector<4xf32> to vector<4x1x1xf32>
    %ge3A_537 = vector.broadcast %broadcast_in_dim3A_536 : vector<4x1x1xf32> to vector<4x512x128xf32>
    %ge3A_538 = arith.cmpf oge, %get3A_533, %ge3A_537 : vector<4x512x128xf32>
    %jit3A_539 = arith.constant 2147483647 : i32
    %broadcast_in_dim3A_540 = vector.broadcast %jit3A_539 : i32 to vector<4x512x128xi32>
    %select_n3A_541 = arith.select %ge3A_538, %add3A, %broadcast_in_dim3A_540 : vector<4x512x128xi1>, vector<4x512x128xi32>
    %reduce_min3A_542 = arith.constant dense<2147483647> : vector<4xi32>
    %reduce_min3A_543 = vector.multi_reduction <minsi>, %select_n3A_541, %reduce_min3A_542 [1, 2] : vector<4x512x128xi32> to vector<4xi32>
    %broadcast_in_dim3A_544 = vector.shape_cast %reduce_min3A_543 : vector<4xi32> to vector<4x1x1xi32>
    %eq3A_545 = vector.broadcast %broadcast_in_dim3A_544 : vector<4x1x1xi32> to vector<4x512x128xi32>
    %eq3A_546 = arith.cmpi eq, %add3A, %eq3A_545 : vector<4x512x128xi32>
    %jit3A_547 = arith.constant 0.000000e+00 : f32
    %broadcast_in_dim3A_548 = vector.broadcast %jit3A_547 : f32 to vector<4x512x128xf32>
    %select_n3A_549 = arith.select %eq3A_546, %get3A_9, %broadcast_in_dim3A_548 : vector<4x512x128xi1>, vector<4x512x128xf32>
    %reduce_sum3A_550 = arith.constant dense<0.000000e+00> : vector<4xf32>
    %reduce_sum3A_551 = vector.multi_reduction <add>, %select_n3A_549, %reduce_sum3A_550 [1, 2] : vector<4x512x128xf32> to vector<4xf32>
    %jit3A_552 = arith.constant 0xFF800000 : f32
    %broadcast_in_dim3A_553 = vector.broadcast %jit3A_552 : f32 to vector<4x512x128xf32>
    %select_n3A_554 = arith.select %eq3A_546, %broadcast_in_dim3A_553, %get3A_533 : vector<4x512x128xi1>, vector<4x512x128xf32>
    %swap3A_555 = arith.constant 0 : index
    %swap3A_556 = arith.constant 0 : index
    %swap3A_557 = arith.constant 0 : index
    %swap3A_558 = vector.load %arg7[%swap3A_555, %swap3A_556, %swap3A_557] : memref<4x512x128xf32, #tpu.memory_space<vmem>>, vector<4x512x128xf32>
    tpu.vector_store %arg7[%swap3A_555, %swap3A_556, %swap3A_557], %select_n3A_554 {strides = array<i32>} : memref<4x512x128xf32, #tpu.memory_space<vmem>>, vector<4x512x128xf32>,
    %eq3A_559 = arith.constant 13 : i32
    %eq3A_560 = vector.broadcast %eq3A_559 : i32 to vector<4x16xi32>
    %eq3A_561 = arith.cmpi eq, %iota3A_13, %eq3A_560 : vector<4x16xi32>
    %broadcast_in_dim3A_562 = vector.shape_cast %reduce_min3A_543 : vector<4xi32> to vector<4x1xi32>
    %broadcast_in_dim3A_563 = vector.shape_cast %broadcast_in_dim3A_562 : vector<4x1xi32> to vector<4x1xi32>
    %broadcast_in_dim3A_564 = vector.broadcast %broadcast_in_dim3A_563 : vector<4x1xi32> to vector<4x16xi32>
    %select_n3A_565 = arith.select %eq3A_561, %broadcast_in_dim3A_564, %select_n3A_525 : vector<4x16xi1>, vector<4x16xi32>
    %broadcast_in_dim3A_566 = vector.shape_cast %reduce_sum3A_551 : vector<4xf32> to vector<4x1xf32>
    %broadcast_in_dim3A_567 = vector.shape_cast %broadcast_in_dim3A_566 : vector<4x1xf32> to vector<4x1xf32>
    %broadcast_in_dim3A_568 = vector.broadcast %broadcast_in_dim3A_567 : vector<4x1xf32> to vector<4x16xf32>
    %select_n3A_569 = arith.select %eq3A_561, %broadcast_in_dim3A_568, %select_n3A_529 : vector<4x16xi1>, vector<4x16xf32>
    %get3A_570 = arith.constant 0 : index
    %get3A_571 = arith.constant 0 : index
    %get3A_572 = arith.constant 0 : index
    %get3A_573 = vector.load %arg7[%get3A_570, %get3A_571, %get3A_572] : memref<4x512x128xf32, #tpu.memory_space<vmem>>, vector<4x512x128xf32>
    %reduce_max3A_574 = arith.constant dense<0xFF800000> : vector<4xf32>
    %reduce_max3A_575 = vector.multi_reduction <maximumf>, %get3A_573, %reduce_max3A_574 [1, 2] : vector<4x512x128xf32> to vector<4xf32>
    %broadcast_in_dim3A_576 = vector.shape_cast %reduce_max3A_575 : vector<4xf32> to vector<4x1x1xf32>
    %ge3A_577 = vector.broadcast %broadcast_in_dim3A_576 : vector<4x1x1xf32> to vector<4x512x128xf32>
    %ge3A_578 = arith.cmpf oge, %get3A_573, %ge3A_577 : vector<4x512x128xf32>
    %jit3A_579 = arith.constant 2147483647 : i32
    %broadcast_in_dim3A_580 = vector.broadcast %jit3A_579 : i32 to vector<4x512x128xi32>
    %select_n3A_581 = arith.select %ge3A_578, %add3A, %broadcast_in_dim3A_580 : vector<4x512x128xi1>, vector<4x512x128xi32>
    %reduce_min3A_582 = arith.constant dense<2147483647> : vector<4xi32>
    %reduce_min3A_583 = vector.multi_reduction <minsi>, %select_n3A_581, %reduce_min3A_582 [1, 2] : vector<4x512x128xi32> to vector<4xi32>
    %broadcast_in_dim3A_584 = vector.shape_cast %reduce_min3A_583 : vector<4xi32> to vector<4x1x1xi32>
    %eq3A_585 = vector.broadcast %broadcast_in_dim3A_584 : vector<4x1x1xi32> to vector<4x512x128xi32>
    %eq3A_586 = arith.cmpi eq, %add3A, %eq3A_585 : vector<4x512x128xi32>
    %jit3A_587 = arith.constant 0.000000e+00 : f32
    %broadcast_in_dim3A_588 = vector.broadcast %jit3A_587 : f32 to vector<4x512x128xf32>
    %select_n3A_589 = arith.select %eq3A_586, %get3A_9, %broadcast_in_dim3A_588 : vector<4x512x128xi1>, vector<4x512x128xf32>
    %reduce_sum3A_590 = arith.constant dense<0.000000e+00> : vector<4xf32>
    %reduce_sum3A_591 = vector.multi_reduction <add>, %select_n3A_589, %reduce_sum3A_590 [1, 2] : vector<4x512x128xf32> to vector<4xf32>
    %jit3A_592 = arith.constant 0xFF800000 : f32
    %broadcast_in_dim3A_593 = vector.broadcast %jit3A_592 : f32 to vector<4x512x128xf32>
    %select_n3A_594 = arith.select %eq3A_586, %broadcast_in_dim3A_593, %get3A_573 : vector<4x512x128xi1>, vector<4x512x128xf32>
    %swap3A_595 = arith.constant 0 : index
    %swap3A_596 = arith.constant 0 : index
    %swap3A_597 = arith.constant 0 : index
    %swap3A_598 = vector.load %arg7[%swap3A_595, %swap3A_596, %swap3A_597] : memref<4x512x128xf32, #tpu.memory_space<vmem>>, vector<4x512x128xf32>
    tpu.vector_store %arg7[%swap3A_595, %swap3A_596, %swap3A_597], %select_n3A_594 {strides = array<i32>} : memref<4x512x128xf32, #tpu.memory_space<vmem>>, vector<4x512x128xf32>,
    %eq3A_599 = arith.constant 14 : i32
    %eq3A_600 = vector.broadcast %eq3A_599 : i32 to vector<4x16xi32>
    %eq3A_601 = arith.cmpi eq, %iota3A_13, %eq3A_600 : vector<4x16xi32>
    %broadcast_in_dim3A_602 = vector.shape_cast %reduce_min3A_583 : vector<4xi32> to vector<4x1xi32>
    %broadcast_in_dim3A_603 = vector.shape_cast %broadcast_in_dim3A_602 : vector<4x1xi32> to vector<4x1xi32>
    %broadcast_in_dim3A_604 = vector.broadcast %broadcast_in_dim3A_603 : vector<4x1xi32> to vector<4x16xi32>
    %select_n3A_605 = arith.select %eq3A_601, %broadcast_in_dim3A_604, %select_n3A_565 : vector<4x16xi1>, vector<4x16xi32>
    %broadcast_in_dim3A_606 = vector.shape_cast %reduce_sum3A_591 : vector<4xf32> to vector<4x1xf32>
    %broadcast_in_dim3A_607 = vector.shape_cast %broadcast_in_dim3A_606 : vector<4x1xf32> to vector<4x1xf32>
    %broadcast_in_dim3A_608 = vector.broadcast %broadcast_in_dim3A_607 : vector<4x1xf32> to vector<4x16xf32>
    %select_n3A_609 = arith.select %eq3A_601, %broadcast_in_dim3A_608, %select_n3A_569 : vector<4x16xi1>, vector<4x16xf32>
    %get3A_610 = arith.constant 0 : index
    %get3A_611 = arith.constant 0 : index
    %get3A_612 = arith.constant 0 : index
    %get3A_613 = vector.load %arg7[%get3A_610, %get3A_611, %get3A_612] : memref<4x512x128xf32, #tpu.memory_space<vmem>>, vector<4x512x128xf32>
    %reduce_max3A_614 = arith.constant dense<0xFF800000> : vector<4xf32>
    %reduce_max3A_615 = vector.multi_reduction <maximumf>, %get3A_613, %reduce_max3A_614 [1, 2] : vector<4x512x128xf32> to vector<4xf32>
    %broadcast_in_dim3A_616 = vector.shape_cast %reduce_max3A_615 : vector<4xf32> to vector<4x1x1xf32>
    %ge3A_617 = vector.broadcast %broadcast_in_dim3A_616 : vector<4x1x1xf32> to vector<4x512x128xf32>
    %ge3A_618 = arith.cmpf oge, %get3A_613, %ge3A_617 : vector<4x512x128xf32>
    %jit3A_619 = arith.constant 2147483647 : i32
    %broadcast_in_dim3A_620 = vector.broadcast %jit3A_619 : i32 to vector<4x512x128xi32>
    %select_n3A_621 = arith.select %ge3A_618, %add3A, %broadcast_in_dim3A_620 : vector<4x512x128xi1>, vector<4x512x128xi32>
    %reduce_min3A_622 = arith.constant dense<2147483647> : vector<4xi32>
    %reduce_min3A_623 = vector.multi_reduction <minsi>, %select_n3A_621, %reduce_min3A_622 [1, 2] : vector<4x512x128xi32> to vector<4xi32>
    %broadcast_in_dim3A_624 = vector.shape_cast %reduce_min3A_623 : vector<4xi32> to vector<4x1x1xi32>
    %eq3A_625 = vector.broadcast %broadcast_in_dim3A_624 : vector<4x1x1xi32> to vector<4x512x128xi32>
    %eq3A_626 = arith.cmpi eq, %add3A, %eq3A_625 : vector<4x512x128xi32>
    %jit3A_627 = arith.constant 0.000000e+00 : f32
    %broadcast_in_dim3A_628 = vector.broadcast %jit3A_627 : f32 to vector<4x512x128xf32>
    %select_n3A_629 = arith.select %eq3A_626, %get3A_9, %broadcast_in_dim3A_628 : vector<4x512x128xi1>, vector<4x512x128xf32>
    %reduce_sum3A_630 = arith.constant dense<0.000000e+00> : vector<4xf32>
    %reduce_sum3A_631 = vector.multi_reduction <add>, %select_n3A_629, %reduce_sum3A_630 [1, 2] : vector<4x512x128xf32> to vector<4xf32>
    %jit3A_632 = arith.constant 0xFF800000 : f32
    %broadcast_in_dim3A_633 = vector.broadcast %jit3A_632 : f32 to vector<4x512x128xf32>
    %select_n3A_634 = arith.select %eq3A_626, %broadcast_in_dim3A_633, %get3A_613 : vector<4x512x128xi1>, vector<4x512x128xf32>
    %swap3A_635 = arith.constant 0 : index
    %swap3A_636 = arith.constant 0 : index
    %swap3A_637 = arith.constant 0 : index
    %swap3A_638 = vector.load %arg7[%swap3A_635, %swap3A_636, %swap3A_637] : memref<4x512x128xf32, #tpu.memory_space<vmem>>, vector<4x512x128xf32>
    tpu.vector_store %arg7[%swap3A_635, %swap3A_636, %swap3A_637], %select_n3A_634 {strides = array<i32>} : memref<4x512x128xf32, #tpu.memory_space<vmem>>, vector<4x512x128xf32>,
    %eq3A_639 = arith.constant 15 : i32
    %eq3A_640 = vector.broadcast %eq3A_639 : i32 to vector<4x16xi32>
    %eq3A_641 = arith.cmpi eq, %iota3A_13, %eq3A_640 : vector<4x16xi32>
    %broadcast_in_dim3A_642 = vector.shape_cast %reduce_min3A_623 : vector<4xi32> to vector<4x1xi32>
    %broadcast_in_dim3A_643 = vector.shape_cast %broadcast_in_dim3A_642 : vector<4x1xi32> to vector<4x1xi32>
    %broadcast_in_dim3A_644 = vector.broadcast %broadcast_in_dim3A_643 : vector<4x1xi32> to vector<4x16xi32>
    %select_n3A_645 = arith.select %eq3A_641, %broadcast_in_dim3A_644, %select_n3A_605 : vector<4x16xi1>, vector<4x16xi32>
    %broadcast_in_dim3A_646 = vector.shape_cast %reduce_sum3A_631 : vector<4xf32> to vector<4x1xf32>
    %broadcast_in_dim3A_647 = vector.shape_cast %broadcast_in_dim3A_646 : vector<4x1xf32> to vector<4x1xf32>
    %broadcast_in_dim3A_648 = vector.broadcast %broadcast_in_dim3A_647 : vector<4x1xf32> to vector<4x16xf32>
    %select_n3A_649 = arith.select %eq3A_641, %broadcast_in_dim3A_648, %select_n3A_609 : vector<4x16xi1>, vector<4x16xf32>
    %jit3A_650 = arith.constant 256 : i32
    %div3A = vector.broadcast %jit3A_650 : i32 to vector<4x16xi32>
    %div3A_651 = arith.divsi %select_n3A_645, %div3A : vector<4x16xi32>
    %sign3A = arith.constant 0 : i32
    %sign3A_652 = vector.broadcast %sign3A : i32 to vector<4x16xi32>
    %sign3A_653 = arith.cmpi sgt, %select_n3A_645, %sign3A_652 : vector<4x16xi32>
    %sign3A_654 = arith.extui %sign3A_653 : vector<4x16xi1> to vector<4x16xi32>
    %sign3A_655 = arith.constant 0 : i32
    %sign3A_656 = vector.broadcast %sign3A_655 : i32 to vector<4x16xi32>
    %sign3A_657 = arith.cmpi slt, %select_n3A_645, %sign3A_656 : vector<4x16xi32>
    %sign3A_658 = arith.extui %sign3A_657 : vector<4x16xi1> to vector<4x16xi32>
    %sign3A_659 = arith.subi %sign3A_654, %sign3A_658 : vector<4x16xi32>
    %sign3A_660 = arith.constant 0 : i32
    %sign3A_661 = arith.cmpi sgt, %jit3A_650, %sign3A_660 : i32
    %sign3A_662 = arith.extui %sign3A_661 : i1 to i32
    %sign3A_663 = arith.constant 0 : i32
    %sign3A_664 = arith.cmpi slt, %jit3A_650, %sign3A_663 : i32
    %sign3A_665 = arith.extui %sign3A_664 : i1 to i32
    %sign3A_666 = arith.subi %sign3A_662, %sign3A_665 : i32
    %ne3A = vector.broadcast %sign3A_666 : i32 to vector<4x16xi32>
    %ne3A_667 = arith.cmpi ne, %sign3A_659, %ne3A : vector<4x16xi32>
    %rem3A = vector.broadcast %jit3A_650 : i32 to vector<4x16xi32>
    %rem3A_668 = arith.remsi %select_n3A_645, %rem3A : vector<4x16xi32>
    %ne3A_669 = arith.constant 0 : i32
    %ne3A_670 = vector.broadcast %ne3A_669 : i32 to vector<4x16xi32>
    %ne3A_671 = arith.cmpi ne, %rem3A_668, %ne3A_670 : vector<4x16xi32>
    %and3A = arith.andi %ne3A_667, %ne3A_671 : vector<4x16xi1>
    %sub3A = arith.constant 1 : i32
    %sub3A_672 = vector.broadcast %sub3A : i32 to vector<4x16xi32>
    %sub3A_673 = arith.subi %div3A_651, %sub3A_672 : vector<4x16xi32>
    %select_n3A_674 = arith.select %and3A, %sub3A_673, %div3A_651 : vector<4x16xi1>, vector<4x16xi32>
    %jit3A_675 = arith.constant 256 : i32
    %eq3A_676 = arith.constant 0 : i32
    %eq3A_677 = arith.cmpi eq, %jit3A_675, %eq3A_676 : i32
    %jit3A_678 = arith.constant 1 : i32
    %select_n3A_679 = arith.select %eq3A_677, %jit3A_678, %jit3A_675 : i32
    %rem3A_680 = vector.broadcast %select_n3A_679 : i32 to vector<4x16xi32>
    %rem3A_681 = arith.remsi %select_n3A_645, %rem3A_680 : vector<4x16xi32>
    %ne3A_682 = arith.constant 0 : i32
    %ne3A_683 = vector.broadcast %ne3A_682 : i32 to vector<4x16xi32>
    %ne3A_684 = arith.cmpi ne, %rem3A_681, %ne3A_683 : vector<4x16xi32>
    %lt3A = arith.constant 0 : i32
    %lt3A_685 = vector.broadcast %lt3A : i32 to vector<4x16xi32>
    %lt3A_686 = arith.cmpi slt, %rem3A_681, %lt3A_685 : vector<4x16xi32>
    %lt3A_687 = arith.constant 0 : i32
    %lt3A_688 = arith.cmpi slt, %select_n3A_679, %lt3A_687 : i32
    %ne3A_689 = vector.broadcast %lt3A_688 : i1 to vector<4x16xi1>
    %ne3A_690 = vector.broadcast %ne3A_689 : vector<4x16xi1> to vector<4x16xi1>
    %ne3A_691 = arith.xori %lt3A_686, %ne3A_690 : vector<4x16xi1>
    %and3A_692 = arith.andi %ne3A_691, %ne3A_684 : vector<4x16xi1>
    %add3A_693 = vector.broadcast %select_n3A_679 : i32 to vector<4x16xi32>
    %add3A_694 = arith.addi %rem3A_681, %add3A_693 : vector<4x16xi32>
    %select_n3A_695 = arith.select %and3A_692, %add3A_694, %rem3A_681 : vector<4x16xi1>, vector<4x16xi32>
    %stack3A = vector.shape_cast %select_n3A_674 : vector<4x16xi32> to vector<4x16x1xi32>
    %stack3A_696 = vector.shape_cast %select_n3A_695 : vector<4x16xi32> to vector<4x16x1xi32>
    %stack3A_697 = tpu.concatenate %stack3A, %stack3A_696 in 2 : vector<4x16x1xi32>, vector<4x16x1xi32> -> vector<4x16x2xi32>
    %broadcast_in_dim3A_698 = vector.shape_cast %select_n3A_645 : vector<4x16xi32> to vector<4x1x16xi32>
    %swap3A_699 = arith.constant 0 : index
    %swap3A_700 = arith.constant 0 : index
    %swap3A_701 = arith.constant 0 : index
    %swap3A_702 = vector.load %arg2[%swap3A_699, %swap3A_700, %swap3A_701] : memref<4x1x16xi32, #tpu.memory_space<vmem>>, vector<4x1x16xi32>
    tpu.vector_store %arg2[%swap3A_699, %swap3A_700, %swap3A_701], %broadcast_in_dim3A_698 {strides = array<i32>} : memref<4x1x16xi32, #tpu.memory_space<vmem>>, vector<4x1x16xi32>,
    %broadcast_in_dim3A_703 = vector.shape_cast %select_n3A_649 : vector<4x16xf32> to vector<4x1x16xf32>
    %swap3A_704 = arith.constant 0 : index
    %swap3A_705 = arith.constant 0 : index
    %swap3A_706 = arith.constant 0 : index
    %swap3A_707 = vector.load %arg3[%swap3A_704, %swap3A_705, %swap3A_706] : memref<4x1x16xf32, #tpu.memory_space<vmem>>, vector<4x1x16xf32>
    tpu.vector_store %arg3[%swap3A_704, %swap3A_705, %swap3A_706], %broadcast_in_dim3A_703 {strides = array<i32>} : memref<4x1x16xf32, #tpu.memory_space<vmem>>, vector<4x1x16xf32>,
    %swap3A_708 = arith.constant 0 : index
    %swap3A_709 = arith.constant 0 : index
    %swap3A_710 = arith.constant 0 : index
    %swap3A_711 = vector.load %arg4[%swap3A_708, %swap3A_709, %swap3A_710] : memref<4x16x2xi32, #tpu.memory_space<vmem>>, vector<4x16x2xi32>
    tpu.vector_store %arg4[%swap3A_708, %swap3A_709, %swap3A_710], %stack3A_697 {strides = array<i32>} : memref<4x16x2xi32, #tpu.memory_space<vmem>>, vector<4x16x2xi32>,
    %convert_element_type3A = arith.sitofp %stack3A_697 : vector<4x16x2xi32> to vector<4x16x2xf32>
    %mul3A_712 = arith.constant 8.000000e+00 : f32
    %mul3A_713 = vector.broadcast %mul3A_712 : f32 to vector<4x16x2xf32>
    %mul3A_714 = arith.mulf %mul3A_713, %convert_element_type3A : vector<4x16x2xf32>
    %sub3A_715 = arith.constant 6.400000e+01 : f32
    %sub3A_716 = vector.broadcast %sub3A_715 : f32 to vector<4x16x2xf32>
    %sub3A_717 = arith.subf %mul3A_714, %sub3A_716 : vector<4x16x2xf32>
    %swap3A_718 = arith.constant 0 : index
    %swap3A_719 = arith.constant 0 : index
    %swap3A_720 = arith.constant 0 : index
    %swap3A_721 = vector.load %arg5[%swap3A_718, %swap3A_719, %swap3A_720] : memref<4x16x2xf32, #tpu.memory_space<vmem>>, vector<4x16x2xf32>
    tpu.vector_store %arg5[%swap3A_718, %swap3A_719, %swap3A_720], %sub3A_717 {strides = array<i32>} : memref<4x16x2xf32, #tpu.memory_space<vmem>>, vector<4x16x2xf32>,
    %mul3A_722 = arith.constant 8 : i32
    %mul3A_723 = vector.broadcast %mul3A_722 : i32 to vector<4x16x2xi32>
    %mul3A_724 = arith.muli %mul3A_723, %stack3A_697 : vector<4x16x2xi32>
    %sub3A_725 = arith.constant 64 : i32
    %sub3A_726 = vector.broadcast %sub3A_725 : i32 to vector<4x16x2xi32>
    %sub3A_727 = arith.subi %mul3A_724, %sub3A_726 : vector<4x16x2xi32>
    %jit3A_728 = arith.constant 0 : i32
    %jit3A_729 = arith.constant 1920 : i32
    %max3A = vector.broadcast %jit3A_728 : i32 to vector<4x16x2xi32>
    %max3A_730 = arith.maxsi %max3A, %sub3A_727 : vector<4x16x2xi32>
    %min3A = vector.broadcast %jit3A_729 : i32 to vector<4x16x2xi32>
    %min3A_731 = arith.minsi %min3A, %max3A_730 : vector<4x16x2xi32>
    %swap3A_732 = arith.constant 0 : index
    %swap3A_733 = arith.constant 0 : index
    %swap3A_734 = arith.constant 0 : index
    %swap3A_735 = vector.load %arg6[%swap3A_732, %swap3A_733, %swap3A_734] : memref<4x16x2xi32, #tpu.memory_space<vmem>>, vector<4x16x2xi32>
    tpu.vector_store %arg6[%swap3A_732, %swap3A_733, %swap3A_734], %min3A_731 {strides = array<i32>} : memref<4x16x2xi32, #tpu.memory_space<vmem>>, vector<4x16x2xi32>,
    return
  }
}

</mosaic_0001>

<sc_bundles>
// kernel: kernel.4.cloned.1.call-start
scs
__scs_entry_jumppad:
0x0: {  	(pc) =	sbr.rel $0x88, $3  }
0x1: {  	(tag) =	ssettag $0x0;
	lr =	simm.s32 $0x1  }
0x2: {  	[smem:$0x3F9F] =	sst lr;
	_ =	strace $0xD0000000  }
0x3: {  	_ = 	snop  }
0x4: {  	_ = 	snop  }
0x5: {  	_ = 	snop  }
0x6: {  	_ = 	snop  }
0x7: {  	_ = 	snop  }
__scs_overlays_trampoline_lowered:
0x8: {  	[smem:$0x3FAE] =	sst s0  }
0x9: {  	[smem:$0x3FAF] =	sst s1  }
0xa: {  	[smem:$0x3FB0] =	sst s2  }
0xb: {  	[smem:$0x3FB1] =	sst s3  }
0xc: {  	[smem:$0x3FB2] =	sst s4  }
0xd: {  	[smem:$0x3FB3] =	sst s5  }
0xe: {  	[smem:$0x3FB4] =	sst s6  }
0xf: {  	[smem:$0x3FB5] =	sst s7  }
0x10: {  	[smem:$0x3FB6] =	sst s8  }
0x11: {  	[smem:$0x3FB7] =	sst s9;
	s0 =	simm.s32 @!p0 $0x0  }
0x12: {  	s1 =	sld [smem:$0x3F9D];
	s0 =	simm.s32 @p0 $0x1  }
0x13: {  	[smem:$0x3FB8] =	sst s0;
	s0 =	simm.s32 @!p1 $0x0  }
0x14: {  	s2 =	sld [smem:$0x3F9C];
	s0 =	simm.s32 @p1 $0x1  }
0x15: {  	[smem:$0x3FB9] =	sst s0;
	s0 =	simm.s32 @!p2 $0x0  }
0x16: {  	s3 =	sld [smem:$0x3FDB];
	s0 =	simm.s32 @p2 $0x1  }
0x17: {  	s4 =	simm.s32 $0x1BF5;
	[smem:$0x3FBB] =	sst s0  }
0x18: {  	s0 =	sld [smem:$0x3F9E];
	_ =	swait.ge [sflag:s4], $0x0  }
0x19: {  	s7 =	sld [smem:$0x3F9F]  }
0x1a: {  	s8 =	sadd.s32 $0xFFFFE003, lr  }
0x1b: {  	s9 =	sadd.s32 $0xFFFFFEF7, lr;
	s5 =	simm.s32 $0xFFFFFFFF;
	p2 =	slt.u32 s8, $0xFFFFF086  }
0x1c: {  	p1 =	slt.u32 s9, $0xF7A;
	s5 =	simm.s32 @!p2 $0x0  }
0x1d: {  	s5 =	simm.s32 @p1 $0x1;
	p0 =	seq.s32 s7, s2  }
0x1e: {  	s7 =	smul.u32 @!p0 $0xF7A, s2;
	p2 =	seq.s32 @!p0 s5, $0x0  }
0x1f: {  	s9 =	smul.u32 $0xF7A, s1;
	s8 =	simm.s32 @!p0 $0x1BF5;
	p2 =	por !p2, p0  }
0x20: {  	[sflag:s8] =	ssyncset.s32 @!p0 $0xFFFFF086;
	s6 =	sadd.s32 @!p0 s3, s7;
	s7 =	simm.s32 @!p0 $0x108  }
0x21: {  	s3 =	sadd.s32 s3, s9;
	s6 =	sadd.s32 @!p0 $0x88, s6;
	s7 =	simm.s32 @p2 $0x1082  }
0x22: {  	[simem:s7], [sflag:s8] =	dma.local @!p0 [hbm:s6], $0xF7A  }
0x23: {  	s9 =	sor.u32 $0xD0000000, s2;
	s6 =	simm.s32 $0x108;
	_ =	swait.ge @!p0 [sflag:s8], $0x0  }
0x24: {  	s3 =	sadd.s32 $0x88, s3;
	s6 =	simm.s32 @!p1 $0x1082;
	[sflag:s4] =	ssyncset.s32 $0xFFFFF086  }
0x25: {  	[simem:s6], [sflag:s4] =	dma.local [hbm:s3], $0xF7A  }
0x26: {  	[smem:$0x3F9F] =	sst s1;
	(tag) =	ssettag s2;
	_ =	strace s9  }
0x27: {  	s1 =	sld [smem:$0x3FAF]  }
0x28: {  	s2 =	sld [smem:$0x3FB0]  }
0x29: {  	s4 =	sld [smem:$0x3FB2]  }
0x2a: {  	p0 =	seq.s32 s5, $0x0;
	s5 =	sld [smem:$0x3FB3]  }
0x2b: {  	s6 =	sld [smem:$0x3FB4]  }
0x2c: {  	s7 =	sld [smem:$0x3FB5]  }
0x2d: {  	s3 =	simm.s32 $0x108;
	s8 =	sld [smem:$0x3FB6]  }
0x2e: {  	s3 =	simm.s32 @!p0 $0x1082;
	s9 =	sld [smem:$0x3FB7]  }
0x2f: {  	lr =	sadd.s32 s0, s3;
	s0 =	sld [smem:$0x3FAE]  }
0x30: {  	s3 =	sld [smem:$0x3FB1]  }
0x31: {  	[smem:$0x3FBA] =	sst s10  }
0x32: {  	s10 =	sld [smem:$0x3FB8];
	_ =	sdelay $0x3  }
0x33: {  	p0 =	seq.s32 s10, $0x1;
	s10 =	sld [smem:$0x3FBA];
	_ =	sdelay $0x3  }
0x34: {  	[smem:$0x3FBA] =	sst s10  }
0x35: {  	s10 =	sld [smem:$0x3FB9];
	_ =	sdelay $0x3  }
0x36: {  	p1 =	seq.s32 s10, $0x1;
	s10 =	sld [smem:$0x3FBA];
	_ =	sdelay $0x3  }
0x37: {  	[smem:$0x3FBA] =	sst s10  }
0x38: {  	s10 =	sld [smem:$0x3FBB]  }
0x39: {  	_ = 	snop;
	(pc) =	sbr.ind lr, $3  }
0x3a: {  	_ = 	snop  }
0x3b: {  	_ = 	snop  }
0x3c: {  	p2 =	seq.s32 s10, $0x1;
	s10 =	sld [smem:$0x3FBA]  }
0x3d: {  	_ =	shalt  }
0x3e: {  	_ =	shalt  }
0x3f: {  	_ =	shalt  }
0x40: {  	_ =	shalt  }
0x41: {  	_ =	shalt  }
0x42: {  	_ =	shalt  }
0x43: {  	_ =	shalt  }
0x44: {  	_ =	shalt  }
0x45: {  	_ =	shalt  }
0x46: {  	_ =	shalt  }
0x47: {  	_ =	shalt  }
0x48: {  	_ =	shalt  }
0x49: {  	_ =	shalt  }
0x4a: {  	_ =	shalt  }
0x4b: {  	_ =	shalt  }
0x4c: {  	_ =	shalt  }
0x4d: {  	_ =	shalt  }
0x4e: {  	_ =	shalt  }
0x4f: {  	_ =	shalt  }
0x50: {  	_ =	shalt  }
0x51: {  	_ =	shalt  }
0x52: {  	_ =	shalt  }
0x53: {  	_ =	shalt  }
0x54: {  	_ =	shalt  }
0x55: {  	_ =	shalt  }
0x56: {  	_ =	shalt  }
0x57: {  	_ =	shalt  }
0x58: {  	_ =	shalt  }
0x59: {  	_ =	shalt  }
0x5a: {  	_ =	shalt  }
0x5b: {  	_ =	shalt  }
0x5c: {  	_ =	shalt  }
0x5d: {  	_ =	shalt  }
0x5e: {  	_ =	shalt  }
0x5f: {  	_ =	shalt  }
0x60: {  	_ =	shalt  }
0x61: {  	_ =	shalt  }
0x62: {  	_ =	shalt  }
0x63: {  	_ =	shalt  }
0x64: {  	_ =	shalt  }
0x65: {  	_ =	shalt  }
0x66: {  	_ =	shalt  }
0x67: {  	_ =	shalt  }
0x68: {  	_ =	shalt  }
0x69: {  	_ =	shalt  }
0x6a: {  	_ =	shalt  }
0x6b: {  	_ =	shalt  }
0x6c: {  	_ =	shalt  }
0x6d: {  	_ =	shalt  }
0x6e: {  	_ =	shalt  }
0x6f: {  	_ =	shalt  }
0x70: {  	_ =	shalt  }
0x71: {  	_ =	shalt  }
0x72: {  	_ =	shalt  }
0x73: {  	_ =	shalt  }
0x74: {  	_ =	shalt  }
0x75: {  	_ =	shalt  }
0x76: {  	_ =	shalt  }
0x77: {  	_ =	shalt  }
0x78: {  	_ =	shalt  }
0x79: {  	_ =	shalt  }
0x7a: {  	_ =	shalt  }
0x7b: {  	_ =	shalt  }
0x7c: {  	_ =	shalt  }
0x7d: {  	_ =	shalt  }
0x7e: {  	_ =	shalt  }
0x7f: {  	_ =	shalt  }
0x80: {  	_ =	shalt  }
0x81: {  	_ =	shalt  }
0x82: {  	_ =	shalt  }
0x83: {  	_ =	shalt  }
0x84: {  	_ =	shalt  }
0x85: {  	_ =	shalt  }
0x86: {  	_ =	shalt  }
0x87: {  	_ =	shalt  }
.Lfunc_end0:
.L_simem_size_0:
called_computation_lowered:
.L_overlay_start_0:
0x88: {  	s2 =	sld [smem:$0x3FD9]  }
0x89: {  	s3 =	sld [smem:$0x3FFE];
	_ =	sdelay $0x1  }
0x8a: {  	s1 =	srdreg.scid  }
0x8b: {  	s0 =	sand.u32 $0x1, s1  }
0x8c: {  	s14 =	sshll.u32 s0, $0xA;
	s2 =	sadd.s32 s3, s2  }
0x8d: {  	s2 =	sadd.s32 s2, s14  }
0x8e: {  	[smem:$0x3FC6] =	sst s2  }
0x8f: {  	_ = 	snop  }
0x90: {  	s2 =	sld [smem:$0x3FD0];
	_ =	sdelay $0x2  }
0x91: {  	s4 =	simm.s32 $0xA;
	s5 =	simm.s32 $0x10;
	s15 =	sld [smem:$0x3FC9]  }
0x92: {  	[smem:s5], [sflag:s4] =	dma.local [hbm:s2], $0x1  }
0x93: {  	_ =	swait.eq [sflag:s4], $0x1  }
0x94: {  	[sflag:s4] =	ssyncset.done $0x0  }
0x95: {  	[sflag:s4] =	ssyncadd.s32 $0xFFFFFFFF  }
0x96: {  	s16 =	sld [smem:$0x10];
	(tm) =	ssettm $0x1  }
0x97: {  	s17 =	sld [smem:$0x3FFB];
	_ =	sdelay $0x3  }
0x98: {  	_ =	strace s17  }
0x99: {  	s4 =	sld [smem:$0x3FFC];
	_ =	sdelay $0x3  }
0x9a: {  	_ =	strace s4  }
0x9b: {  	s4 =	sld [smem:$0x3FFD];
	_ =	sdelay $0x3  }
0x9c: {  	_ =	strace s4  }
0x9d: {  	_ =	strace $0x8FFFFFFF  }
0x9e: {  	s18 =	sld [smem:$0x3FDB];
	_ =	sdelay $0x1  }
0x9f: {  	s19 =	simm.s32 $_scs_section_size  }
0xa0: {  	s6 =	simm.s32 $_size__tile_overlayer_lowered;
	s7 =	simm.s32 $_tile_overlayer_lowered  }
0xa1: {  	s22 =	simm.s32 $0x1BFF;
	s21 =	sshll.u32 s7, $0x1;
	s4 =	sadd.s32 s19, s18  }
0xa2: {  	s8 =	simm.s32 $0x0;
	s20 =	sshll.u32 s6, $0x1;
	s6 =	sadd.s32 s21, s4  }
0xa3: {  	[timem:s8], [sflag:s22] =	dma.local [hbm:s6], s20  }
0xa4: {  	_ =	swait.ge [sflag:s22], s20  }
0xa5: {  	s5 =	ssub.s32 $0x0, s20;
	[sflag:s22] =	ssyncset.done $0x0  }
0xa6: {  	[sflag:s22] =	ssyncadd.s32 s5;
	_ =	sdelay $0x1  }
0xa7: {  	s23 =	simm.s32 $0x1B8B  }
0xa8: {  	_ =	swait.ge [sflag:s23], $0x1  }
0xa9: {  	[sflag:s23] =	ssyncset.done $0x0  }
0xaa: {  	s25 =	simm.s32 $0x1B8E;
	s24 =	sld [smem:$0x3FFE];
	[sflag:s23] =	ssyncadd.s32 $0xFFFFFFFF  }
0xab: {  	s26 =	simm.s32 $execute0_lowered;
	[smem:$0x3FD2] =	sst s25  }
0xac: {  	s6 =	sshll.u32 s26, $0x1;
	_ =	strace $0x80000046;
	[dreg:$0x1] =	wrdreg $0xFFFFFFFF  }
0xad: {  	s28 =	simm.s32 $_size_execute0_lowered;
	s4 =	sadd.s32 s4, s6;
	[dreg:$0x0] =	wrdreg $0x0  }
0xae: {  	s6 =	sshll.u32 s28, $0x1;
	[dreg:$0x2] =	wrdreg s4  }
0xaf: {  	[dreg:$0x3] =	wrdreg s6  }
0xb0: {  	[dreg:$0x4] =	wrdreg $0xC0  }
0xb1: {  	_ =	task [dreg:s8], $0x5FFFF  }
0xb2: {  	[dreg:$0x1] =	wrdreg $0xFFFFFFFF  }
0xb3: {  	[dreg:$0x0] =	wrdreg $0x60  }
0xb4: {  	[dreg:$0x2] =	wrdreg s24  }
0xb5: {  	[dreg:$0x3] =	wrdreg s15  }
0xb6: {  	[dreg:$0x4] =	wrdreg s16  }
0xb7: {  	[dreg:$0x5] =	wrdreg $0x9  }
0xb8: {  	_ =	task.clear_ibuf [dreg:s8], $0x6FFFF;
	_ =	strace $0x90000046  }
0xb9: {  	s29 =	simm.s32 $0x9;
	_ =	strace $0x80000048  }
0xba: {  	_ =	swait.ge [sflag:s29], $0x1  }
0xbb: {  	[sflag:s29] =	ssyncadd.s32 $0xFFFFFFFF  }
0xbc: {  	_ =	strace $0x90000048  }
0xbd: {  	_ =	sfence  }
0xbe: {  	s30 =	sld [smem:$0x0];
	_ =	sdelay $0x2  }
0xbf: {  	s31 =	sshll.u32 s1, $0xD;
	s1 =	sshrl.u32 s1, $0x2  }
0xc0: {  	s3 =	sand.u32 $0x4000, s31;
	s1 =	sadd.s32 s1, s30  }
0xc1: {  	s0 =	sor.u32 s3, s0;
	s1 =	sshll.u32 s1, $0x11  }
0xc2: {  	s0 =	sor.u32 s1, s0  }
0xc3: {  	s0 =	sadd.s32 $0x8F2B, s0  }
0xc4: {  	[sflag:s0] =	ssyncadd.remote.s32 $0x1  }
0xc5: {  	_ =	sfence.sel $0xFFFF  }
0xc6: {  	[dreg:$0x0] =	wrdreg $0xFFFFFFFF;
	(pc) =	sbr.abs _section_cstart, $3  }
0xc7: {  	[dreg:$0x1] =	wrdreg $0xFFFFFFFF  }
0xc8: {  	_ =	task.clear_ibuf [dreg:s8], $0x2FFFF;
	_ =	strace $0x9FFFFFFF  }
0xc9: {  	(tm) =	ssettm $0x7FFFFFFF  }
tec
execute0_lowered:
.L_overlay_start_1:
0x0: {  	(tag) =	ssettag $0x1  }
0x1: {  	s0 =	rddreg [dreg:$0x0]  }
0x2: {  	s1 =	rddreg [dreg:$0x1]  }
0x3: {  	s2 =	rddreg [dreg:$0x2];
	s3 =	simm.s32 $0x0;
	s4 =	srdreg.scid  }
0x4: {  	s7 =	stileid.u32;
	s28 =	simm.s32 $0x8080;
	s29 =	simm.s32 $0xC080  }
0x5: {  	s30 =	simm.s32 $0x10080;
	s31 =	simm.s32 $0x2;
	[smem:$0x7FF] =	sst s3  }
0x6: {  	s0 =	sadd.s32 $0x1200, s0;
	s14 =	sand.u32 $0x1, s4;
	s15 =	sshll.u32 s7, $0x1  }
0x7: {  	s16 =	sshll.u32 s7, $0x3;
	s7 =	sshrl.u32 s7, $0x2;
	s11 =	sadd.s32 $0x400, s2  }
0x8: {  	_ =	strace $0x80000047;
	[dreg:$0x4] =	wrdreg s0;
	s5 =	ssub.s32 $0x2, s14  }
0x9: {  	s0 =	sor.u32 s14, s15;
	s8 =	sand.u32 $0x70, s16;
	s14 =	simm.s32 $0x8  }
0xa: {  	s6 =	sshrl.u32 s5, $0x1;
	s17 =	sshll.u32 s0, $0x2;
	s0 =	smul.u32 $0x18000, s0  }
0xb: {  	s15 =	simm.s32 $0x0;
	[dreg:$0x5] =	wrdreg s8;
	s5 =	ssub.s32 s5, s6  }
0xc: {  	s4 =	ssub.s32 s17, s8;
	s0 =	sshrl.u32 s0, $0x3;
	s26 =	smax.u32 s5, $0x1  }
0xd: {  	s6 =	smul.u32 $0xC00000, s7;
	s13 =	sadd.s32 s0, s11;
	[dreg:$0x12] =	wrdreg s26  }
0xe: {  	s8 =	sor.u32 $0x1, s4;
	s12 =	sadd.s32 s2, s0;
	[dreg:$0x7] =	wrdreg s13  }
0xf: {  	s9 =	sor.u32 $0x2, s4;
	s18 =	sadd.s32 $0x800, s12;
	[dreg:$0x6] =	wrdreg s12  }
0x10: {  	s10 =	sor.u32 $0x3, s4;
	s19 =	sadd.s32 $0xC00, s12;
	[dreg:$0x8] =	wrdreg s18  }
0x11: {  	v1 =	vmov s4;
	s4 =	simm.s32 $0x14080;
	s20 =	sadd.s32 $0x1000, s12;
	[dreg:$0x9] =	wrdreg s19  }
0x12: {  	s0 =	sadd.s32 $0x1800, s0;
	s21 =	sadd.s32 $0x1400, s12;
	[dreg:$0xa] =	wrdreg s20  }
0x13: {  	s7 =	sor.u32 $0x20000, s6;
	s2 =	sadd.s32 s2, s0;
	[dreg:$0xb] =	wrdreg s21  }
0x14: {  	s26 =	simm.s32 $0x4080;
	s0 =	sadd.s32 s0, s11;
	[dreg:$0xc] =	wrdreg s2  }
0x15: {  	v8 =	vmov s9;
	s9 =	simm.s32 $0x4;
	s22 =	sadd.s32 $0x2000, s12;
	[dreg:$0xd] =	wrdreg s0  }
0x16: {  	v9 =	vmov s10;
	s10 =	simm.s32 $0x16080;
	s23 =	sadd.s32 $0x2400, s12;
	[dreg:$0xe] =	wrdreg s22  }
0x17: {  	v0 =	vlaneseq.u32;
	s24 =	sadd.s32 $0x2800, s12;
	s25 =	sadd.s32 $0x2C00, s12;
	[dreg:$0xf] =	wrdreg s23  }
0x18: {  	v3 =	vor.u32 $0x30, v0;
	v4 =	vor.u32 $0x40, v0;
	v5 =	vor.u32 $0x50, v0;
	s11 =	simm.s32 $0x5;
	s12 =	simm.s32 $0x6;
	[dreg:$0x10] =	wrdreg s24  }
0x19: {  	v6 =	vor.u32 $0x60, v0;
	v7 =	vor.u32 $0x70, v0;
	v2 =	vmov s8;
	s13 =	simm.s32 $0x7;
	[dreg:$0x11] =	wrdreg s25;
	s21 =	simm.s32 $0x9  }
0x1a: {  	vm1 =	veq.s32 v1, v0;
	v1 =	vor.u32 $0x10, v0;
	vm0 =	veq.s32 v2, v0;
	s22 =	simm.s32 $0x1;
	s23 =	simm.s32 $0x800;
	s24 =	simm.s32 $0x4000  }
0x1b: {  	v2 =	vor.u32 $0x20, v0;
	vm2 =	veq.s32 v9, v0;
	vm3 =	veq.s32 v8, v0;
	s25 =	simm.s32 $0x80;
	s0 =	simm.s32 $0x12080;
	s2 =	simm.s32 $0x3  }
.LBB2_1:
0x1c: {  	s5 =	rddreg [dreg:$0x4]  }
0x1d: {  	[tilespmem:s3], [sflag:$0x9] =	stream.linear.gather [hbm4b:s5+s3], $0x80, $0x38;
	[tilespmem:$0x18080] =	vst v63  }
0x1e: {  	_ =	swait.ge [sflag:s21], $0x80  }
0x1f: {  	[sflag:s21] =	ssyncset.done $0x0  }
0x20: {  	s16 =	rddreg [dreg:$0x5];
	[sflag:s21] =	ssyncadd.s32 $0xFFFFFF80  }
0x21: {  	v8 =	vld [tilespmem:s16+$0x0];
	_ =	sdelay $0x4  }
0x22: {  	v16 =	vxor.u32 $0x80000000, v8  }
0x23: {  	v8 =	vnsel vm1, $0x7FFFFFFF, v16  }
0x24: {  	(xrf0) =	vmax.scan.msk.u32 $0xffff, v8;
	v8 =	vnsel vm0, $0x7FFFFFFF, v16  }
0x25: {  	(xrf0) =	vmax.scan.msk.u32 $0xffff, v8;
	_ =	sdelay $0x4  }
0x26: {  	v8, _, _ =	vpop (xrf0)  }
0x27: {  	(v2sf) =	vpush v8, $0xF;
	v8, _, _ =	vpop (xrf0)  }
0x28: {  	(v2sf) =	vpush v8, $0xF;
	_ =	sdelay $0xd  }
0x29: {  	s17 =	spop (v2sf)  }
0x2a: {  	s8 =	spop (v2sf)  }
0x2b: {  	s18 =	sxor.u32 $0x80000000, s8  }
0x2c: {  	p1 =	sgt.s32 s8, $0xFFFFFFFF;
	s8 =	sand.u32 $0x7F, s8;
	p0 =	slt.s32 s18, $0x1  }
0x2d: {  	s16 =	sshra.s32 s18, $0x1F;
	p6 =	sne.s32 s8, $0x0;
	p0 =	por p1, p0  }
0x2e: {  	s19 =	sshrl.u32 s16, $0x19;
	p0 =	por !p6, !p0  }
0x2f: {  	s16 =	simm.s32 $0x1;
	s8 =	sadd.s32 s19, s18;
	p0 =	por !p0, !p0  }
0x30: {  	s8 =	sshrl.u32 s8, $0x7;
	s16 =	simm.s32 @!p0 $0x0  }
0x31: {  	s8 =	ssub.s32 s8, s16  }
0x32: {  	s8 =	sshll.u32 s8, $0x7  }
0x33: {  	p0 =	slt.s32 s8, $0x700  }
0x34: {  	s8 =	simm.s32 @!p0 $0x700  }
0x35: {  	s5 =	sshll.u32 s17, $0xB;
	s20 =	sshll.u32 s8, $0x3  }
0x36: {  	s17 =	sand.u32 $0x7FFFC000, s5;
	s5 =	sand.u32 $0xFFFFC000, s5;
	s19 =	sadd.s32 s6, s20  }
0x37: {  	s5 =	sadd.s32 s5, s7;
	s17 =	sadd.s32 s17, s19  }
0x38: {  	s16 =	sadd.s32 s20, s5;
	s20 =	ssub.s32 s18, s8;
	s19 =	sshrl.u32 s17, $0x3  }
0x39: {  	s5 =	sshrl.u32 s16, $0x3;
	s18 =	sadd.s32 $0x400000, s17;
	s19 =	sadd.s32 s1, s19  }
0x3a: {  	[tilespmem:s25], [sflag:$0x1] =	stream.strided.gather [hbm4b:s19+s23], $0x4000, s24, s23, $0x38;
	[tilespmem:$0x18080] =	vst v63  }
0x3b: {  	v8 =	vadd.s32 s20, v0;
	s5 =	sadd.s32 s1, s5;
	s8 =	sshrl.u32 s18, $0x3  }
0x3c: {  	v10 =	vmov s3;
	v9 =	vshll.u32 v8, $0x3;
	[tilespmem:s26], [sflag:$0x2] =	stream.strided.gather [hbm4b:s5+s23], $0x4000, s24, s23, $0x38;
	[tilespmem:$0x18080] =	vst v63  }
0x3d: {  	v11 =	vshll.u32 v10, $0x8;
	v8 =	vand.u32 $0x7F, v8;
	v9 =	vand.u32 $0xFFFFFC00, v9;
	s8 =	sadd.s32 s1, s8;
	s19 =	sadd.s32 $0x400000, s16  }
0x3e: {  	v17 =	vand.u32 $0x3800, v11;
	v8 =	vor.u32 v8, v9;
	v9 =	vshll.u32 v10, $0x7;
	[tilespmem:s28], [sflag:$0x3] =	stream.strided.gather [hbm4b:s8+s23], $0x4000, s24, s23, $0x38;
	[tilespmem:$0x18080] =	vst v63  }
0x3f: {  	v19 =	vand.u32 $0x380, v9;
	v9 =	vadd.s32 v8, v17;
	s8 =	sshrl.u32 s19, $0x3  }
0x40: {  	v10 =	vor.u32 v19, v9;
	s8 =	sadd.s32 s1, s8  }
0x41: {  	v9 =	vadd.s32 s20, v1;
	[tilespmem:s29], [sflag:$0x4] =	stream.strided.gather [hbm4b:s8+s23], $0x4000, s24, s23, $0x38;
	[tilespmem:$0x18080] =	vst v63  }
0x42: {  	v11 =	vshll.u32 v9, $0x3;
	_ =	swait.ge [sflag:s22], $0x4000  }
0x43: {  	v9 =	vand.u32 $0x7F, v9;
	v11 =	vand.u32 $0xFFFFFC00, v11;
	[sflag:s22] =	ssyncset.done $0x0  }
0x44: {  	v9 =	vor.u32 v9, v11;
	[sflag:s22] =	ssyncadd.s32 $0xFFFFC000  }
0x45: {  	v11 =	vld.idx.msk [tilespmem:v10+s25+$0x0], $0xffff;
	v10 =	vadd.s32 v9, v17  }
0x46: {  	v12 =	vor.u32 v19, v10  }
0x47: {  	v10 =	vadd.s32 s20, v2  }
0x48: {  	v13 =	vshll.u32 v10, $0x3  }
0x49: {  	s18 =	simm.s32 $0x100C0;
	v10 =	vand.u32 $0x7F, v10;
	v13 =	vand.u32 $0xFFFFFC00, v13  }
0x4a: {  	v10 =	vor.u32 v10, v13;
	[tilespmem:s18+$0xFFFFFFC0] =	vst v11  }
0x4b: {  	v11 =	vadd.s32 v10, v17;
	v12 =	vld.idx.msk [tilespmem:v12+s25+$0x0], $0xffff  }
0x4c: {  	v13 =	vor.u32 v19, v11  }
0x4d: {  	v11 =	vadd.s32 s20, v3  }
0x4e: {  	v14 =	vshll.u32 v11, $0x3  }
0x4f: {  	v11 =	vand.u32 $0x7F, v11;
	v14 =	vand.u32 $0xFFFFFC00, v14  }
0x50: {  	v11 =	vor.u32 v11, v14;
	[tilespmem:s18+$0xFFFFFFD0] =	vst v12  }
0x51: {  	v12 =	vadd.s32 v11, v17;
	v13 =	vld.idx.msk [tilespmem:v13+s25+$0x0], $0xffff  }
0x52: {  	v14 =	vor.u32 v19, v12  }
0x53: {  	v12 =	vadd.s32 s20, v4  }
0x54: {  	v15 =	vshll.u32 v12, $0x3  }
0x55: {  	v12 =	vand.u32 $0x7F, v12;
	v15 =	vand.u32 $0xFFFFFC00, v15  }
0x56: {  	v12 =	vor.u32 v12, v15;
	[tilespmem:s18+$0xFFFFFFE0] =	vst v13  }
0x57: {  	v13 =	vadd.s32 v12, v17;
	v14 =	vld.idx.msk [tilespmem:v14+s25+$0x0], $0xffff  }
0x58: {  	v15 =	vor.u32 v19, v13  }
0x59: {  	v13 =	vadd.s32 s20, v5  }
0x5a: {  	v18 =	vshll.u32 v13, $0x3  }
0x5b: {  	v13 =	vand.u32 $0x7F, v13;
	v18 =	vand.u32 $0xFFFFFC00, v18  }
0x5c: {  	v13 =	vor.u32 v13, v18;
	[tilespmem:s18+$0xFFFFFFF0] =	vst v14  }
0x5d: {  	v14 =	vadd.s32 v13, v17;
	v15 =	vld.idx.msk [tilespmem:v15+s25+$0x0], $0xffff  }
0x5e: {  	v18 =	vor.u32 v19, v14  }
0x5f: {  	v14 =	vadd.s32 s20, v6  }
0x60: {  	v20 =	vshll.u32 v14, $0x3  }
0x61: {  	v14 =	vand.u32 $0x7F, v14;
	v20 =	vand.u32 $0xFFFFFC00, v20  }
0x62: {  	v14 =	vor.u32 v14, v20;
	[tilespmem:s18+$0x0] =	vst v15  }
0x63: {  	v15 =	vadd.s32 v14, v17;
	v18 =	vld.idx.msk [tilespmem:v18+s25+$0x0], $0xffff  }
0x64: {  	v21 =	vor.u32 v19, v15  }
0x65: {  	v20 =	vadd.s32 s20, v7  }
0x66: {  	v15 =	vshll.u32 v20, $0x3  }
0x67: {  	v20 =	vand.u32 $0x7F, v20;
	v15 =	vand.u32 $0xFFFFFC00, v15  }
0x68: {  	v15 =	vor.u32 v20, v15;
	[tilespmem:s18+$0x10] =	vst v18  }
0x69: {  	v17 =	vadd.s32 v15, v17;
	v18 =	vld.idx.msk [tilespmem:v21+s25+$0x0], $0xffff  }
0x6a: {  	v17 =	vor.u32 v19, v17;
	_ =	sdelay $0x1  }
0x6b: {  	s20 =	simm.s32 $0x1  }
0x6c: {  	s5 =	simm.s32 $0x2;
	v19 =	vmov s20  }
.LBB2_2:
0x6d: {  	p0 =	sne.s32 s5, $0x3F;
	v20 =	vshll.u32 v19, $0x8;
	[tilespmem:s18+$0x20] =	vst v18  }
0x6e: {  	v18 =	vshll.u32 v19, $0x7;
	v20 =	vand.u32 $0x3800, v20;
	v17 =	vld.idx.msk [tilespmem:v17+s25+$0x0], $0xffff  }
0x6f: {  	v19 =	vand.u32 $0x380, v18;
	v18 =	vadd.s32 v8, v20  }
0x70: {  	v18 =	vor.u32 v19, v18;
	_ =	sdelay $0x3  }
0x71: {  	[tilespmem:s18+$0x30] =	vst v17  }
0x72: {  	v17 =	vld.idx.msk [tilespmem:v18+s25+$0x0], $0xffff  }
0x73: {  	v18 =	vadd.s32 v9, v20  }
0x74: {  	v18 =	vor.u32 v19, v18;
	_ =	sdelay $0x2  }
0x75: {  	s18 =	sadd.s32 $0x80, s18  }
0x76: {  	[tilespmem:s18+$0xFFFFFFC0] =	vst v17  }
0x77: {  	v17 =	vld.idx.msk [tilespmem:v18+s25+$0x0], $0xffff  }
0x78: {  	v18 =	vadd.s32 v10, v20  }
0x79: {  	v18 =	vor.u32 v19, v18;
	_ =	sdelay $0x3  }
0x7a: {  	[tilespmem:s18+$0xFFFFFFD0] =	vst v17  }
0x7b: {  	v17 =	vld.idx.msk [tilespmem:v18+s25+$0x0], $0xffff  }
0x7c: {  	v18 =	vadd.s32 v11, v20  }
0x7d: {  	v18 =	vor.u32 v19, v18;
	_ =	sdelay $0x3  }
0x7e: {  	[tilespmem:s18+$0xFFFFFFE0] =	vst v17  }
0x7f: {  	v17 =	vld.idx.msk [tilespmem:v18+s25+$0x0], $0xffff  }
0x80: {  	v18 =	vadd.s32 v12, v20  }
0x81: {  	v18 =	vor.u32 v19, v18;
	_ =	sdelay $0x3  }
0x82: {  	[tilespmem:s18+$0xFFFFFFF0] =	vst v17  }
0x83: {  	v17 =	vld.idx.msk [tilespmem:v18+s25+$0x0], $0xffff  }
0x84: {  	v18 =	vadd.s32 v13, v20  }
0x85: {  	v18 =	vor.u32 v19, v18;
	_ =	sdelay $0x3  }
0x86: {  	[tilespmem:s18+$0x0] =	vst v17  }
0x87: {  	v17 =	vld.idx.msk [tilespmem:v18+s25+$0x0], $0xffff  }
0x88: {  	v18 =	vadd.s32 v14, v20  }
0x89: {  	v18 =	vor.u32 v19, v18;
	_ =	sdelay $0x3  }
0x8a: {  	[tilespmem:s18+$0x10] =	vst v17  }
0x8b: {  	v18 =	vld.idx.msk [tilespmem:v18+s25+$0x0], $0xffff  }
.Ltmp0:
0x8c: {  	v17 =	vadd.s32 v15, v20;
	(pc) =	sbr.rel @p0 .LBB2_2-.Ltmp0, $2  }
0x8d: {  	v17 =	vor.u32 v19, v17;
	_ =	sdelay $0x2  }
0x8e: {  	v19 =	vmov s5;
	s5 =	sadd.s32 $0x1, s5  }
0x8f: {  	_ =	sdelay $0x1  }
0x90: {  	v20 =	vshll.u32 v19, $0x8  }
0x91: {  	[tilespmem:s18+$0x20] =	vst v18;
	v19 =	vshll.u32 v19, $0x7;
	v18 =	vand.u32 $0x3800, v20  }
0x92: {  	v17 =	vld.idx.msk [tilespmem:v17+s25+$0x0], $0xffff;
	v19 =	vand.u32 $0x380, v19;
	v20 =	vadd.s32 v8, v18  }
0x93: {  	v20 =	vor.u32 v19, v20;
	_ =	sdelay $0x3  }
0x94: {  	[tilespmem:s18+$0x30] =	vst v17  }
0x95: {  	v17 =	vld.idx.msk [tilespmem:v20+s25+$0x0], $0xffff;
	v20 =	vadd.s32 v9, v18  }
0x96: {  	v20 =	vor.u32 v19, v20;
	_ =	sdelay $0x2  }
0x97: {  	s5 =	sadd.s32 $0x80, s18  }
0x98: {  	[tilespmem:s5+$0xFFFFFFC0] =	vst v17  }
0x99: {  	v17 =	vld.idx.msk [tilespmem:v20+s25+$0x0], $0xffff;
	v20 =	vadd.s32 v10, v18  }
0x9a: {  	v20 =	vor.u32 v19, v20;
	_ =	sdelay $0x3  }
0x9b: {  	[tilespmem:s5+$0xFFFFFFD0] =	vst v17  }
0x9c: {  	v17 =	vld.idx.msk [tilespmem:v20+s25+$0x0], $0xffff;
	v20 =	vadd.s32 v11, v18  }
0x9d: {  	v20 =	vor.u32 v19, v20;
	_ =	sdelay $0x3  }
0x9e: {  	[tilespmem:s5+$0xFFFFFFE0] =	vst v17  }
0x9f: {  	v17 =	vld.idx.msk [tilespmem:v20+s25+$0x0], $0xffff;
	v20 =	vadd.s32 v12, v18  }
0xa0: {  	v20 =	vor.u32 v19, v20;
	_ =	sdelay $0x3  }
0xa1: {  	[tilespmem:s5+$0xFFFFFFF0] =	vst v17  }
0xa2: {  	v17 =	vld.idx.msk [tilespmem:v20+s25+$0x0], $0xffff;
	v20 =	vadd.s32 v13, v18  }
0xa3: {  	v20 =	vor.u32 v19, v20;
	_ =	sdelay $0x3  }
0xa4: {  	[tilespmem:s5+$0x0] =	vst v17  }
0xa5: {  	v17 =	vld.idx.msk [tilespmem:v20+s25+$0x0], $0xffff;
	v20 =	vadd.s32 v14, v18  }
0xa6: {  	v20 =	vor.u32 v19, v20;
	_ =	sdelay $0x3  }
0xa7: {  	[tilespmem:s5+$0x10] =	vst v17  }
0xa8: {  	v18 =	vadd.s32 v15, v18;
	v17 =	vld.idx.msk [tilespmem:v20+s25+$0x0], $0xffff  }
0xa9: {  	v18 =	vor.u32 v19, v18;
	_ =	sdelay $0x3  }
0xaa: {  	[tilespmem:s5+$0x20] =	vst v17  }
0xab: {  	v17 =	vld.idx.msk [tilespmem:v18+s25+$0x0], $0xffff;
	_ =	sdelay $0x3  }
0xac: {  	s8 =	simm.s32 $0x0  }
0xad: {  	[tilespmem:s5+$0x30] =	vst v17;
	v17 =	vmov s8  }
0xae: {  	s19 =	sadd.s32 $0x800000, s17;
	v18 =	vshll.u32 v17, $0x8  }
0xaf: {  	s18 =	rddreg [dreg:$0x6];
	s5 =	sshrl.u32 s19, $0x3;
	v17 =	vshll.u32 v17, $0x7;
	v18 =	vand.u32 $0x3800, v18  }
0xb0: {  	[hbm4b:s18+s8] =	stream.linear.scatter [tilespmem:s30], [sflag:$0x5], $0x2000, $0x38;
	v17 =	vand.u32 $0x380, v17;
	v19 =	vadd.s32 v8, v18;
	[tilespmem:$0x18080] =	vst v63  }
0xb1: {  	s5 =	sadd.s32 s1, s5;
	v19 =	vor.u32 v17, v19  }
0xb2: {  	[tilespmem:s25], [sflag:$0x1] =	stream.strided.gather [hbm4b:s5+s23], $0x4000, s24, s23, $0x38;
	[tilespmem:$0x18080] =	vst v63  }
0xb3: {  	_ =	swait.ge [sflag:s31], $0x4000  }
0xb4: {  	[sflag:s31] =	ssyncset.done $0x0  }
0xb5: {  	[sflag:s31] =	ssyncadd.s32 $0xFFFFC000  }
0xb6: {  	v20 =	vadd.s32 v9, v18;
	v19 =	vld.idx.msk [tilespmem:v19+s26+$0x0], $0xffff  }
0xb7: {  	v20 =	vor.u32 v17, v20;
	_ =	sdelay $0x2  }
0xb8: {  	s17 =	simm.s32 $0x120C0  }
0xb9: {  	[tilespmem:s17+$0xFFFFFFC0] =	vst v19  }
0xba: {  	v19 =	vld.idx.msk [tilespmem:v20+s26+$0x0], $0xffff;
	v20 =	vadd.s32 v10, v18  }
0xbb: {  	v20 =	vor.u32 v17, v20;
	_ =	sdelay $0x3  }
0xbc: {  	[tilespmem:s17+$0xFFFFFFD0] =	vst v19  }
0xbd: {  	v19 =	vld.idx.msk [tilespmem:v20+s26+$0x0], $0xffff;
	v20 =	vadd.s32 v11, v18  }
0xbe: {  	v20 =	vor.u32 v17, v20;
	_ =	sdelay $0x3  }
0xbf: {  	[tilespmem:s17+$0xFFFFFFE0] =	vst v19  }
0xc0: {  	v19 =	vld.idx.msk [tilespmem:v20+s26+$0x0], $0xffff;
	v20 =	vadd.s32 v12, v18  }
0xc1: {  	v20 =	vor.u32 v17, v20;
	_ =	sdelay $0x3  }
0xc2: {  	[tilespmem:s17+$0xFFFFFFF0] =	vst v19  }
0xc3: {  	v19 =	vld.idx.msk [tilespmem:v20+s26+$0x0], $0xffff;
	v20 =	vadd.s32 v13, v18  }
0xc4: {  	v20 =	vor.u32 v17, v20;
	_ =	sdelay $0x3  }
0xc5: {  	[tilespmem:s17+$0x0] =	vst v19  }
0xc6: {  	v19 =	vld.idx.msk [tilespmem:v20+s26+$0x0], $0xffff;
	v20 =	vadd.s32 v14, v18  }
0xc7: {  	v20 =	vor.u32 v17, v20;
	_ =	sdelay $0x3  }
0xc8: {  	[tilespmem:s17+$0x10] =	vst v19  }
0xc9: {  	v19 =	vadd.s32 v15, v18;
	v18 =	vld.idx.msk [tilespmem:v20+s26+$0x0], $0xffff  }
0xca: {  	v17 =	vor.u32 v17, v19;
	_ =	sdelay $0x1  }
0xcb: {  	s20 =	simm.s32 $0x1  }
0xcc: {  	s5 =	simm.s32 $0x2;
	v19 =	vmov s20  }
.LBB2_4:
0xcd: {  	p0 =	sne.s32 s5, $0x3F;
	v20 =	vshll.u32 v19, $0x8;
	[tilespmem:s17+$0x20] =	vst v18  }
0xce: {  	v18 =	vshll.u32 v19, $0x7;
	v20 =	vand.u32 $0x3800, v20;
	v17 =	vld.idx.msk [tilespmem:v17+s26+$0x0], $0xffff  }
0xcf: {  	v19 =	vand.u32 $0x380, v18;
	v18 =	vadd.s32 v8, v20  }
0xd0: {  	v18 =	vor.u32 v19, v18;
	_ =	sdelay $0x3  }
0xd1: {  	[tilespmem:s17+$0x30] =	vst v17  }
0xd2: {  	v17 =	vld.idx.msk [tilespmem:v18+s26+$0x0], $0xffff  }
0xd3: {  	v18 =	vadd.s32 v9, v20  }
0xd4: {  	v18 =	vor.u32 v19, v18;
	_ =	sdelay $0x2  }
0xd5: {  	s17 =	sadd.s32 $0x80, s17  }
0xd6: {  	[tilespmem:s17+$0xFFFFFFC0] =	vst v17  }
0xd7: {  	v17 =	vld.idx.msk [tilespmem:v18+s26+$0x0], $0xffff  }
0xd8: {  	v18 =	vadd.s32 v10, v20  }
0xd9: {  	v18 =	vor.u32 v19, v18;
	_ =	sdelay $0x3  }
0xda: {  	[tilespmem:s17+$0xFFFFFFD0] =	vst v17  }
0xdb: {  	v17 =	vld.idx.msk [tilespmem:v18+s26+$0x0], $0xffff  }
0xdc: {  	v18 =	vadd.s32 v11, v20  }
0xdd: {  	v18 =	vor.u32 v19, v18;
	_ =	sdelay $0x3  }
0xde: {  	[tilespmem:s17+$0xFFFFFFE0] =	vst v17  }
0xdf: {  	v17 =	vld.idx.msk [tilespmem:v18+s26+$0x0], $0xffff  }
0xe0: {  	v18 =	vadd.s32 v12, v20  }
0xe1: {  	v18 =	vor.u32 v19, v18;
	_ =	sdelay $0x3  }
0xe2: {  	[tilespmem:s17+$0xFFFFFFF0] =	vst v17  }
0xe3: {  	v17 =	vld.idx.msk [tilespmem:v18+s26+$0x0], $0xffff  }
0xe4: {  	v18 =	vadd.s32 v13, v20  }
0xe5: {  	v18 =	vor.u32 v19, v18;
	_ =	sdelay $0x3  }
0xe6: {  	[tilespmem:s17+$0x0] =	vst v17  }
0xe7: {  	v17 =	vld.idx.msk [tilespmem:v18+s26+$0x0], $0xffff  }
0xe8: {  	v18 =	vadd.s32 v14, v20  }
0xe9: {  	v18 =	vor.u32 v19, v18;
	_ =	sdelay $0x3  }
0xea: {  	[tilespmem:s17+$0x10] =	vst v17  }
0xeb: {  	v18 =	vld.idx.msk [tilespmem:v18+s26+$0x0], $0xffff  }
.Ltmp1:
0xec: {  	v17 =	vadd.s32 v15, v20;
	(pc) =	sbr.rel @p0 .LBB2_4-.Ltmp1, $2  }
0xed: {  	v17 =	vor.u32 v19, v17;
	_ =	sdelay $0x2  }
0xee: {  	v19 =	vmov s5;
	s5 =	sadd.s32 $0x1, s5  }
0xef: {  	_ =	sdelay $0x1  }
0xf0: {  	v20 =	vshll.u32 v19, $0x8  }
0xf1: {  	[tilespmem:s17+$0x20] =	vst v18;
	v19 =	vshll.u32 v19, $0x7;
	v18 =	vand.u32 $0x3800, v20  }
0xf2: {  	v17 =	vld.idx.msk [tilespmem:v17+s26+$0x0], $0xffff;
	v19 =	vand.u32 $0x380, v19;
	v20 =	vadd.s32 v8, v18  }
0xf3: {  	v20 =	vor.u32 v19, v20;
	_ =	sdelay $0x3  }
0xf4: {  	[tilespmem:s17+$0x30] =	vst v17  }
0xf5: {  	v17 =	vld.idx.msk [tilespmem:v20+s26+$0x0], $0xffff;
	v20 =	vadd.s32 v9, v18  }
0xf6: {  	v20 =	vor.u32 v19, v20;
	_ =	sdelay $0x2  }
0xf7: {  	s5 =	sadd.s32 $0x80, s17  }
0xf8: {  	[tilespmem:s5+$0xFFFFFFC0] =	vst v17  }
0xf9: {  	v17 =	vld.idx.msk [tilespmem:v20+s26+$0x0], $0xffff;
	v20 =	vadd.s32 v10, v18  }
0xfa: {  	v20 =	vor.u32 v19, v20;
	_ =	sdelay $0x3  }
0xfb: {  	[tilespmem:s5+$0xFFFFFFD0] =	vst v17  }
0xfc: {  	v17 =	vld.idx.msk [tilespmem:v20+s26+$0x0], $0xffff;
	v20 =	vadd.s32 v11, v18  }
0xfd: {  	v20 =	vor.u32 v19, v20;
	_ =	sdelay $0x3  }
0xfe: {  	[tilespmem:s5+$0xFFFFFFE0] =	vst v17  }
0xff: {  	v17 =	vld.idx.msk [tilespmem:v20+s26+$0x0], $0xffff;
	v20 =	vadd.s32 v12, v18  }
0x100: {  	v20 =	vor.u32 v19, v20;
	_ =	sdelay $0x3  }
0x101: {  	[tilespmem:s5+$0xFFFFFFF0] =	vst v17  }
0x102: {  	v17 =	vld.idx.msk [tilespmem:v20+s26+$0x0], $0xffff;
	v20 =	vadd.s32 v13, v18  }
0x103: {  	v20 =	vor.u32 v19, v20;
	_ =	sdelay $0x3  }
0x104: {  	[tilespmem:s5+$0x0] =	vst v17  }
0x105: {  	v17 =	vld.idx.msk [tilespmem:v20+s26+$0x0], $0xffff;
	v20 =	vadd.s32 v14, v18  }
0x106: {  	v20 =	vor.u32 v19, v20;
	_ =	sdelay $0x3  }
0x107: {  	[tilespmem:s5+$0x10] =	vst v17  }
0x108: {  	v18 =	vadd.s32 v15, v18;
	v17 =	vld.idx.msk [tilespmem:v20+s26+$0x0], $0xffff  }
0x109: {  	v18 =	vor.u32 v19, v18;
	_ =	sdelay $0x3  }
0x10a: {  	[tilespmem:s5+$0x20] =	vst v17  }
0x10b: {  	v17 =	vld.idx.msk [tilespmem:v18+s26+$0x0], $0xffff;
	_ =	sdelay $0x3  }
0x10c: {  	s8 =	simm.s32 $0x0  }
0x10d: {  	[tilespmem:s5+$0x30] =	vst v17;
	v17 =	vmov s8  }
0x10e: {  	s19 =	sadd.s32 $0x800000, s16;
	v18 =	vshll.u32 v17, $0x8  }
0x10f: {  	s18 =	rddreg [dreg:$0x7];
	s5 =	sshrl.u32 s19, $0x3;
	v17 =	vshll.u32 v17, $0x7;
	v18 =	vand.u32 $0x3800, v18  }
0x110: {  	[hbm4b:s18+s8] =	stream.linear.scatter [tilespmem:s0], [sflag:$0x6], $0x2000, $0x38;
	v17 =	vand.u32 $0x380, v17;
	v19 =	vadd.s32 v8, v18;
	[tilespmem:$0x18080] =	vst v63  }
0x111: {  	s5 =	sadd.s32 s1, s5;
	v19 =	vor.u32 v17, v19  }
0x112: {  	[tilespmem:s26], [sflag:$0x2] =	stream.strided.gather [hbm4b:s5+s23], $0x4000, s24, s23, $0x38;
	[tilespmem:$0x18080] =	vst v63  }
0x113: {  	_ =	swait.ge [sflag:s2], $0x4000  }
0x114: {  	[sflag:s2] =	ssyncset.done $0x0  }
0x115: {  	[sflag:s2] =	ssyncadd.s32 $0xFFFFC000  }
0x116: {  	v20 =	vadd.s32 v9, v18;
	v19 =	vld.idx.msk [tilespmem:v19+s28+$0x0], $0xffff  }
0x117: {  	v20 =	vor.u32 v17, v20;
	_ =	sdelay $0x2  }
0x118: {  	s16 =	simm.s32 $0x140C0  }
0x119: {  	[tilespmem:s16+$0xFFFFFFC0] =	vst v19  }
0x11a: {  	v19 =	vld.idx.msk [tilespmem:v20+s28+$0x0], $0xffff;
	v20 =	vadd.s32 v10, v18  }
0x11b: {  	v20 =	vor.u32 v17, v20;
	_ =	sdelay $0x3  }
0x11c: {  	[tilespmem:s16+$0xFFFFFFD0] =	vst v19  }
0x11d: {  	v19 =	vld.idx.msk [tilespmem:v20+s28+$0x0], $0xffff;
	v20 =	vadd.s32 v11, v18  }
0x11e: {  	v20 =	vor.u32 v17, v20;
	_ =	sdelay $0x3  }
0x11f: {  	[tilespmem:s16+$0xFFFFFFE0] =	vst v19  }
0x120: {  	v19 =	vld.idx.msk [tilespmem:v20+s28+$0x0], $0xffff;
	v20 =	vadd.s32 v12, v18  }
0x121: {  	v20 =	vor.u32 v17, v20;
	_ =	sdelay $0x3  }
0x122: {  	[tilespmem:s16+$0xFFFFFFF0] =	vst v19  }
0x123: {  	v19 =	vld.idx.msk [tilespmem:v20+s28+$0x0], $0xffff;
	v20 =	vadd.s32 v13, v18  }
0x124: {  	v20 =	vor.u32 v17, v20;
	_ =	sdelay $0x3  }
0x125: {  	[tilespmem:s16+$0x0] =	vst v19  }
0x126: {  	v19 =	vld.idx.msk [tilespmem:v20+s28+$0x0], $0xffff;
	v20 =	vadd.s32 v14, v18  }
0x127: {  	v20 =	vor.u32 v17, v20;
	_ =	sdelay $0x3  }
0x128: {  	[tilespmem:s16+$0x10] =	vst v19  }
0x129: {  	v19 =	vadd.s32 v15, v18;
	v18 =	vld.idx.msk [tilespmem:v20+s28+$0x0], $0xffff  }
0x12a: {  	v17 =	vor.u32 v17, v19;
	_ =	sdelay $0x1  }
0x12b: {  	s20 =	simm.s32 $0x1  }
0x12c: {  	s5 =	simm.s32 $0x2;
	v19 =	vmov s20  }
.LBB2_6:
0x12d: {  	p0 =	sne.s32 s5, $0x3F;
	v20 =	vshll.u32 v19, $0x8;
	[tilespmem:s16+$0x20] =	vst v18  }
0x12e: {  	v18 =	vshll.u32 v19, $0x7;
	v20 =	vand.u32 $0x3800, v20;
	v17 =	vld.idx.msk [tilespmem:v17+s28+$0x0], $0xffff  }
0x12f: {  	v19 =	vand.u32 $0x380, v18;
	v18 =	vadd.s32 v8, v20  }
0x130: {  	v18 =	vor.u32 v19, v18;
	_ =	sdelay $0x3  }
0x131: {  	[tilespmem:s16+$0x30] =	vst v17  }
0x132: {  	v17 =	vld.idx.msk [tilespmem:v18+s28+$0x0], $0xffff  }
0x133: {  	v18 =	vadd.s32 v9, v20  }
0x134: {  	v18 =	vor.u32 v19, v18;
	_ =	sdelay $0x2  }
0x135: {  	s16 =	sadd.s32 $0x80, s16  }
0x136: {  	[tilespmem:s16+$0xFFFFFFC0] =	vst v17  }
0x137: {  	v17 =	vld.idx.msk [tilespmem:v18+s28+$0x0], $0xffff  }
0x138: {  	v18 =	vadd.s32 v10, v20  }
0x139: {  	v18 =	vor.u32 v19, v18;
	_ =	sdelay $0x3  }
0x13a: {  	[tilespmem:s16+$0xFFFFFFD0] =	vst v17  }
0x13b: {  	v17 =	vld.idx.msk [tilespmem:v18+s28+$0x0], $0xffff  }
0x13c: {  	v18 =	vadd.s32 v11, v20  }
0x13d: {  	v18 =	vor.u32 v19, v18;
	_ =	sdelay $0x3  }
0x13e: {  	[tilespmem:s16+$0xFFFFFFE0] =	vst v17  }
0x13f: {  	v17 =	vld.idx.msk [tilespmem:v18+s28+$0x0], $0xffff  }
0x140: {  	v18 =	vadd.s32 v12, v20  }
0x141: {  	v18 =	vor.u32 v19, v18;
	_ =	sdelay $0x3  }
0x142: {  	[tilespmem:s16+$0xFFFFFFF0] =	vst v17  }
0x143: {  	v17 =	vld.idx.msk [tilespmem:v18+s28+$0x0], $0xffff  }
0x144: {  	v18 =	vadd.s32 v13, v20  }
0x145: {  	v18 =	vor.u32 v19, v18;
	_ =	sdelay $0x3  }
0x146: {  	[tilespmem:s16+$0x0] =	vst v17  }
0x147: {  	v17 =	vld.idx.msk [tilespmem:v18+s28+$0x0], $0xffff  }
0x148: {  	v18 =	vadd.s32 v14, v20  }
0x149: {  	v18 =	vor.u32 v19, v18;
	_ =	sdelay $0x3  }
0x14a: {  	[tilespmem:s16+$0x10] =	vst v17  }
0x14b: {  	v18 =	vld.idx.msk [tilespmem:v18+s28+$0x0], $0xffff  }
.Ltmp2:
0x14c: {  	v17 =	vadd.s32 v15, v20;
	(pc) =	sbr.rel @p0 .LBB2_6-.Ltmp2, $2  }
0x14d: {  	v17 =	vor.u32 v19, v17;
	_ =	sdelay $0x2  }
0x14e: {  	v19 =	vmov s5;
	s5 =	sadd.s32 $0x1, s5  }
0x14f: {  	_ =	sdelay $0x1  }
0x150: {  	v20 =	vshll.u32 v19, $0x8  }
0x151: {  	[tilespmem:s16+$0x20] =	vst v18;
	v19 =	vshll.u32 v19, $0x7;
	v18 =	vand.u32 $0x3800, v20  }
0x152: {  	v17 =	vld.idx.msk [tilespmem:v17+s28+$0x0], $0xffff;
	v19 =	vand.u32 $0x380, v19;
	v20 =	vadd.s32 v8, v18  }
0x153: {  	v20 =	vor.u32 v19, v20;
	_ =	sdelay $0x3  }
0x154: {  	[tilespmem:s16+$0x30] =	vst v17  }
0x155: {  	v17 =	vld.idx.msk [tilespmem:v20+s28+$0x0], $0xffff;
	v20 =	vadd.s32 v9, v18  }
0x156: {  	v20 =	vor.u32 v19, v20;
	_ =	sdelay $0x2  }
0x157: {  	s5 =	sadd.s32 $0x80, s16  }
0x158: {  	[tilespmem:s5+$0xFFFFFFC0] =	vst v17  }
0x159: {  	v17 =	vld.idx.msk [tilespmem:v20+s28+$0x0], $0xffff;
	v20 =	vadd.s32 v10, v18  }
0x15a: {  	v20 =	vor.u32 v19, v20;
	_ =	sdelay $0x3  }
0x15b: {  	[tilespmem:s5+$0xFFFFFFD0] =	vst v17  }
0x15c: {  	v17 =	vld.idx.msk [tilespmem:v20+s28+$0x0], $0xffff;
	v20 =	vadd.s32 v11, v18  }
0x15d: {  	v21 =	vnsel vm3, $0x7FFFFFFF, v16;
	v20 =	vor.u32 v19, v20  }
0x15e: {  	v16 =	vnsel vm2, $0x7FFFFFFF, v16;
	(xrf0) =	vmax.scan.msk.u32 $0xffff, v21  }
0x15f: {  	(xrf0) =	vmax.scan.msk.u32 $0xffff, v16;
	_ =	sdelay $0x1  }
0x160: {  	[tilespmem:s5+$0xFFFFFFE0] =	vst v17  }
0x161: {  	v17 =	vadd.s32 v12, v18;
	v16 =	vld.idx.msk [tilespmem:v20+s28+$0x0], $0xffff  }
0x162: {  	v17 =	vor.u32 v19, v17  }
0x163: {  	v20, _, _ =	vpop (xrf0)  }
0x164: {  	(v2sf) =	vpush v20, $0xF;
	v20, _, _ =	vpop (xrf0)  }
0x165: {  	(v2sf) =	vpush v20, $0xF  }
0x166: {  	[tilespmem:s5+$0xFFFFFFF0] =	vst v16  }
0x167: {  	v16 =	vld.idx.msk [tilespmem:v17+s28+$0x0], $0xffff;
	v17 =	vadd.s32 v13, v18  }
0x168: {  	v17 =	vor.u32 v19, v17;
	_ =	sdelay $0x3  }
0x169: {  	[tilespmem:s5+$0x0] =	vst v16  }
0x16a: {  	v16 =	vld.idx.msk [tilespmem:v17+s28+$0x0], $0xffff;
	v17 =	vadd.s32 v14, v18  }
0x16b: {  	v17 =	vor.u32 v19, v17;
	_ =	sdelay $0x3  }
0x16c: {  	[tilespmem:s5+$0x10] =	vst v16  }
0x16d: {  	s8 =	spop (v2sf);
	v16 =	vld.idx.msk [tilespmem:v17+s28+$0x0], $0xffff;
	v17 =	vadd.s32 v15, v18  }
0x16e: {  	s19 =	spop (v2sf);
	v17 =	vor.u32 v19, v17  }
0x16f: {  	s18 =	sxor.u32 $0x80000000, s19  }
0x170: {  	p1 =	sgt.s32 s19, $0xFFFFFFFF;
	s16 =	sand.u32 $0x7F, s19;
	p0 =	slt.s32 s18, $0x1  }
0x171: {  	s17 =	sshra.s32 s18, $0x1F;
	p6 =	sne.s32 s16, $0x0;
	p0 =	por p1, p0  }
0x172: {  	s20 =	sshrl.u32 s17, $0x19;
	p0 =	por !p6, !p0;
	[tilespmem:s5+$0x20] =	vst v16  }
0x173: {  	s17 =	simm.s32 $0x1;
	s16 =	sadd.s32 s20, s18;
	p0 =	por !p0, !p0;
	v16 =	vld.idx.msk [tilespmem:v17+s28+$0x0], $0xffff  }
0x174: {  	s16 =	sshrl.u32 s16, $0x7;
	s17 =	simm.s32 @!p0 $0x0  }
0x175: {  	s16 =	ssub.s32 s16, s17  }
0x176: {  	s19 =	sshll.u32 s16, $0x7  }
0x177: {  	p0 =	slt.s32 s19, $0x700  }
0x178: {  	s20 =	rddreg [dreg:$0x8];
	s17 =	simm.s32 $0x0;
	s19 =	simm.s32 @!p0 $0x700;
	[tilespmem:s5+$0x30] =	vst v16  }
0x179: {  	[hbm4b:s20+s17] =	stream.linear.scatter [tilespmem:s4], [sflag:$0x7], $0x2000, $0x38;
	[tilespmem:$0x18080] =	vst v63  }
0x17a: {  	s16 =	sshll.u32 s19, $0x3;
	v16 =	vmov s17;
	s20 =	sshll.u32 s8, $0xB  }
0x17b: {  	s17 =	sadd.s32 s6, s16;
	v17 =	vshll.u32 v16, $0x8;
	s8 =	sand.u32 $0x7FFFC000, s20  }
0x17c: {  	v16 =	vshll.u32 v16, $0x7;
	v17 =	vand.u32 $0x3800, v17;
	s17 =	sadd.s32 s8, s17  }
0x17d: {  	v16 =	vand.u32 $0x380, v16;
	v18 =	vadd.s32 v8, v17;
	s5 =	sshrl.u32 s17, $0x3  }
0x17e: {  	v18 =	vor.u32 v16, v18;
	s5 =	sadd.s32 s1, s5  }
0x17f: {  	[tilespmem:s28], [sflag:$0x3] =	stream.strided.gather [hbm4b:s5+s23], $0x4000, s24, s23, $0x38;
	[tilespmem:$0x18080] =	vst v63  }
0x180: {  	_ =	swait.ge [sflag:s9], $0x4000  }
0x181: {  	[sflag:s9] =	ssyncset.done $0x0  }
0x182: {  	[sflag:s9] =	ssyncadd.s32 $0xFFFFC000  }
0x183: {  	v19 =	vadd.s32 v9, v17;
	v18 =	vld.idx.msk [tilespmem:v18+s29+$0x0], $0xffff  }
0x184: {  	v19 =	vor.u32 v16, v19;
	_ =	sdelay $0x2  }
0x185: {  	s5 =	simm.s32 $0x160C0  }
0x186: {  	[tilespmem:s5+$0xFFFFFFC0] =	vst v18  }
0x187: {  	v18 =	vld.idx.msk [tilespmem:v19+s29+$0x0], $0xffff;
	v19 =	vadd.s32 v10, v17  }
0x188: {  	v19 =	vor.u32 v16, v19;
	_ =	sdelay $0x3  }
0x189: {  	[tilespmem:s5+$0xFFFFFFD0] =	vst v18  }
0x18a: {  	v18 =	vld.idx.msk [tilespmem:v19+s29+$0x0], $0xffff;
	v19 =	vadd.s32 v11, v17  }
0x18b: {  	v19 =	vor.u32 v16, v19;
	_ =	sdelay $0x3  }
0x18c: {  	[tilespmem:s5+$0xFFFFFFE0] =	vst v18  }
0x18d: {  	v18 =	vld.idx.msk [tilespmem:v19+s29+$0x0], $0xffff;
	v19 =	vadd.s32 v12, v17  }
0x18e: {  	v19 =	vor.u32 v16, v19;
	_ =	sdelay $0x3  }
0x18f: {  	[tilespmem:s5+$0xFFFFFFF0] =	vst v18  }
0x190: {  	v18 =	vld.idx.msk [tilespmem:v19+s29+$0x0], $0xffff;
	v19 =	vadd.s32 v13, v17  }
0x191: {  	v19 =	vor.u32 v16, v19;
	_ =	sdelay $0x3  }
0x192: {  	[tilespmem:s5+$0x0] =	vst v18  }
0x193: {  	v18 =	vld.idx.msk [tilespmem:v19+s29+$0x0], $0xffff;
	v19 =	vadd.s32 v14, v17  }
0x194: {  	v19 =	vor.u32 v16, v19;
	_ =	sdelay $0x3  }
0x195: {  	[tilespmem:s5+$0x10] =	vst v18  }
0x196: {  	v18 =	vadd.s32 v15, v17;
	v17 =	vld.idx.msk [tilespmem:v19+s29+$0x0], $0xffff  }
0x197: {  	v16 =	vor.u32 v16, v18;
	_ =	sdelay $0x1  }
0x198: {  	s8 =	simm.s32 $0x1  }
0x199: {  	v18 =	vmov s8;
	s8 =	simm.s32 $0x2  }
.LBB2_8:
0x19a: {  	p0 =	sne.s32 s8, $0x3F;
	v19 =	vshll.u32 v18, $0x8;
	[tilespmem:s5+$0x20] =	vst v17  }
0x19b: {  	v17 =	vshll.u32 v18, $0x7;
	v19 =	vand.u32 $0x3800, v19;
	v16 =	vld.idx.msk [tilespmem:v16+s29+$0x0], $0xffff  }
0x19c: {  	v18 =	vand.u32 $0x380, v17;
	v17 =	vadd.s32 v8, v19  }
0x19d: {  	v17 =	vor.u32 v18, v17;
	_ =	sdelay $0x3  }
0x19e: {  	[tilespmem:s5+$0x30] =	vst v16  }
0x19f: {  	v16 =	vld.idx.msk [tilespmem:v17+s29+$0x0], $0xffff  }
0x1a0: {  	v17 =	vadd.s32 v9, v19  }
0x1a1: {  	v17 =	vor.u32 v18, v17;
	_ =	sdelay $0x2  }
0x1a2: {  	s5 =	sadd.s32 $0x80, s5  }
0x1a3: {  	[tilespmem:s5+$0xFFFFFFC0] =	vst v16  }
0x1a4: {  	v16 =	vld.idx.msk [tilespmem:v17+s29+$0x0], $0xffff  }
0x1a5: {  	v17 =	vadd.s32 v10, v19  }
0x1a6: {  	v17 =	vor.u32 v18, v17;
	_ =	sdelay $0x3  }
0x1a7: {  	[tilespmem:s5+$0xFFFFFFD0] =	vst v16  }
0x1a8: {  	v16 =	vld.idx.msk [tilespmem:v17+s29+$0x0], $0xffff  }
0x1a9: {  	v17 =	vadd.s32 v11, v19  }
0x1aa: {  	v17 =	vor.u32 v18, v17;
	_ =	sdelay $0x3  }
0x1ab: {  	[tilespmem:s5+$0xFFFFFFE0] =	vst v16  }
0x1ac: {  	v16 =	vld.idx.msk [tilespmem:v17+s29+$0x0], $0xffff  }
0x1ad: {  	v17 =	vadd.s32 v12, v19  }
0x1ae: {  	v17 =	vor.u32 v18, v17;
	_ =	sdelay $0x3  }
0x1af: {  	[tilespmem:s5+$0xFFFFFFF0] =	vst v16  }
0x1b0: {  	v16 =	vld.idx.msk [tilespmem:v17+s29+$0x0], $0xffff  }
0x1b1: {  	v17 =	vadd.s32 v13, v19  }
0x1b2: {  	v17 =	vor.u32 v18, v17;
	_ =	sdelay $0x3  }
0x1b3: {  	[tilespmem:s5+$0x0] =	vst v16  }
0x1b4: {  	v16 =	vld.idx.msk [tilespmem:v17+s29+$0x0], $0xffff  }
0x1b5: {  	v17 =	vadd.s32 v14, v19  }
0x1b6: {  	v17 =	vor.u32 v18, v17;
	_ =	sdelay $0x3  }
0x1b7: {  	[tilespmem:s5+$0x10] =	vst v16  }
0x1b8: {  	v17 =	vld.idx.msk [tilespmem:v17+s29+$0x0], $0xffff  }
.Ltmp3:
0x1b9: {  	v16 =	vadd.s32 v15, v19;
	(pc) =	sbr.rel @p0 .LBB2_8-.Ltmp3, $2  }
0x1ba: {  	v16 =	vor.u32 v18, v16;
	_ =	sdelay $0x2  }
0x1bb: {  	v18 =	vmov s8;
	s8 =	sadd.s32 $0x1, s8  }
0x1bc: {  	_ =	sdelay $0x1  }
0x1bd: {  	v19 =	vshll.u32 v18, $0x8  }
0x1be: {  	[tilespmem:s5+$0x20] =	vst v17;
	v18 =	vshll.u32 v18, $0x7;
	v17 =	vand.u32 $0x3800, v19  }
0x1bf: {  	v16 =	vld.idx.msk [tilespmem:v16+s29+$0x0], $0xffff;
	v18 =	vand.u32 $0x380, v18;
	v19 =	vadd.s32 v8, v17  }
0x1c0: {  	v19 =	vor.u32 v18, v19;
	_ =	sdelay $0x3  }
0x1c1: {  	[tilespmem:s5+$0x30] =	vst v16  }
0x1c2: {  	v16 =	vld.idx.msk [tilespmem:v19+s29+$0x0], $0xffff;
	v19 =	vadd.s32 v9, v17  }
0x1c3: {  	v19 =	vor.u32 v18, v19;
	_ =	sdelay $0x2  }
0x1c4: {  	s8 =	sadd.s32 $0x80, s5  }
0x1c5: {  	[tilespmem:s8+$0xFFFFFFC0] =	vst v16  }
0x1c6: {  	v16 =	vld.idx.msk [tilespmem:v19+s29+$0x0], $0xffff;
	v19 =	vadd.s32 v10, v17  }
0x1c7: {  	v19 =	vor.u32 v18, v19;
	_ =	sdelay $0x3  }
0x1c8: {  	[tilespmem:s8+$0xFFFFFFD0] =	vst v16  }
0x1c9: {  	v16 =	vld.idx.msk [tilespmem:v19+s29+$0x0], $0xffff;
	v19 =	vadd.s32 v11, v17  }
0x1ca: {  	v19 =	vor.u32 v18, v19;
	_ =	sdelay $0x3  }
0x1cb: {  	[tilespmem:s8+$0xFFFFFFE0] =	vst v16  }
0x1cc: {  	v16 =	vld.idx.msk [tilespmem:v19+s29+$0x0], $0xffff;
	v19 =	vadd.s32 v12, v17  }
0x1cd: {  	v19 =	vor.u32 v18, v19;
	_ =	sdelay $0x3  }
0x1ce: {  	[tilespmem:s8+$0xFFFFFFF0] =	vst v16  }
0x1cf: {  	v16 =	vld.idx.msk [tilespmem:v19+s29+$0x0], $0xffff;
	v19 =	vadd.s32 v13, v17  }
0x1d0: {  	v19 =	vor.u32 v18, v19;
	_ =	sdelay $0x3  }
0x1d1: {  	[tilespmem:s8+$0x0] =	vst v16  }
0x1d2: {  	v16 =	vld.idx.msk [tilespmem:v19+s29+$0x0], $0xffff;
	v19 =	vadd.s32 v14, v17  }
0x1d3: {  	v19 =	vor.u32 v18, v19;
	_ =	sdelay $0x3  }
0x1d4: {  	[tilespmem:s8+$0x10] =	vst v16  }
0x1d5: {  	v17 =	vadd.s32 v15, v17;
	v16 =	vld.idx.msk [tilespmem:v19+s29+$0x0], $0xffff  }
0x1d6: {  	v17 =	vor.u32 v18, v17;
	_ =	sdelay $0x3  }
0x1d7: {  	[tilespmem:s8+$0x20] =	vst v16  }
0x1d8: {  	v16 =	vld.idx.msk [tilespmem:v17+s29+$0x0], $0xffff;
	_ =	sdelay $0x4  }
0x1d9: {  	s20 =	sand.u32 $0xFFFFC000, s20;
	s5 =	simm.s32 $0x0;
	[tilespmem:s8+$0x30] =	vst v16;
	s8 =	rddreg [dreg:$0x9]  }
0x1da: {  	[hbm4b:s8+s5] =	stream.linear.scatter [tilespmem:s10], [sflag:$0x8], $0x2000, $0x38;
	[tilespmem:$0x18080] =	vst v63  }
0x1db: {  	s8 =	sadd.s32 s20, s7  }
0x1dc: {  	s16 =	sadd.s32 s16, s8  }
0x1dd: {  	v16 =	vmov s5;
	s8 =	sshrl.u32 s16, $0x3  }
0x1de: {  	v17 =	vshll.u32 v16, $0x8;
	s8 =	sadd.s32 s1, s8  }
0x1df: {  	v16 =	vshll.u32 v16, $0x7;
	v17 =	vand.u32 $0x3800, v17;
	[tilespmem:s29], [sflag:$0x4] =	stream.strided.gather [hbm4b:s8+s23], $0x4000, s24, s23, $0x38;
	[tilespmem:$0x18080] =	vst v63  }
0x1e0: {  	v16 =	vand.u32 $0x380, v16;
	v18 =	vadd.s32 v8, v17;
	_ =	swait.ge [sflag:s22], $0x4000  }
0x1e1: {  	v18 =	vor.u32 v16, v18;
	[sflag:s22] =	ssyncset.done $0x0  }
0x1e2: {  	[sflag:s22] =	ssyncadd.s32 $0xFFFFC000  }
0x1e3: {  	_ =	swait.ge [sflag:s11], $0x2000  }
0x1e4: {  	[sflag:s11] =	ssyncset.done $0x0  }
0x1e5: {  	[sflag:s11] =	ssyncadd.s32 $0xFFFFE000  }
0x1e6: {  	v19 =	vadd.s32 v9, v17;
	v18 =	vld.idx.msk [tilespmem:v18+s25+$0x0], $0xffff  }
0x1e7: {  	v19 =	vor.u32 v16, v19;
	_ =	sdelay $0x2  }
0x1e8: {  	s5 =	simm.s32 $0x100C0  }
0x1e9: {  	[tilespmem:s5+$0xFFFFFFC0] =	vst v18  }
0x1ea: {  	v18 =	vld.idx.msk [tilespmem:v19+s25+$0x0], $0xffff;
	v19 =	vadd.s32 v10, v17  }
0x1eb: {  	v19 =	vor.u32 v16, v19;
	_ =	sdelay $0x3  }
0x1ec: {  	[tilespmem:s5+$0xFFFFFFD0] =	vst v18  }
0x1ed: {  	v18 =	vld.idx.msk [tilespmem:v19+s25+$0x0], $0xffff;
	v19 =	vadd.s32 v11, v17  }
0x1ee: {  	v19 =	vor.u32 v16, v19;
	_ =	sdelay $0x3  }
0x1ef: {  	[tilespmem:s5+$0xFFFFFFE0] =	vst v18  }
0x1f0: {  	v18 =	vld.idx.msk [tilespmem:v19+s25+$0x0], $0xffff;
	v19 =	vadd.s32 v12, v17  }
0x1f1: {  	v19 =	vor.u32 v16, v19;
	_ =	sdelay $0x3  }
0x1f2: {  	[tilespmem:s5+$0xFFFFFFF0] =	vst v18  }
0x1f3: {  	v18 =	vld.idx.msk [tilespmem:v19+s25+$0x0], $0xffff;
	v19 =	vadd.s32 v13, v17  }
0x1f4: {  	v19 =	vor.u32 v16, v19;
	_ =	sdelay $0x3  }
0x1f5: {  	[tilespmem:s5+$0x0] =	vst v18  }
0x1f6: {  	v18 =	vld.idx.msk [tilespmem:v19+s25+$0x0], $0xffff;
	v19 =	vadd.s32 v14, v17  }
0x1f7: {  	v19 =	vor.u32 v16, v19;
	_ =	sdelay $0x3  }
0x1f8: {  	[tilespmem:s5+$0x10] =	vst v18  }
0x1f9: {  	v18 =	vadd.s32 v15, v17;
	v17 =	vld.idx.msk [tilespmem:v19+s25+$0x0], $0xffff  }
0x1fa: {  	v16 =	vor.u32 v16, v18;
	_ =	sdelay $0x1  }
0x1fb: {  	s20 =	simm.s32 $0x1  }
0x1fc: {  	s8 =	simm.s32 $0x2;
	v18 =	vmov s20  }
.LBB2_10:
0x1fd: {  	p0 =	sne.s32 s8, $0x3F;
	v19 =	vshll.u32 v18, $0x8;
	[tilespmem:s5+$0x20] =	vst v17  }
0x1fe: {  	v17 =	vshll.u32 v18, $0x7;
	v19 =	vand.u32 $0x3800, v19;
	v16 =	vld.idx.msk [tilespmem:v16+s25+$0x0], $0xffff  }
0x1ff: {  	v18 =	vand.u32 $0x380, v17;
	v17 =	vadd.s32 v8, v19  }
0x200: {  	v17 =	vor.u32 v18, v17;
	_ =	sdelay $0x3  }
0x201: {  	[tilespmem:s5+$0x30] =	vst v16  }
0x202: {  	v16 =	vld.idx.msk [tilespmem:v17+s25+$0x0], $0xffff  }
0x203: {  	v17 =	vadd.s32 v9, v19  }
0x204: {  	v17 =	vor.u32 v18, v17;
	_ =	sdelay $0x2  }
0x205: {  	s5 =	sadd.s32 $0x80, s5  }
0x206: {  	[tilespmem:s5+$0xFFFFFFC0] =	vst v16  }
0x207: {  	v16 =	vld.idx.msk [tilespmem:v17+s25+$0x0], $0xffff  }
0x208: {  	v17 =	vadd.s32 v10, v19  }
0x209: {  	v17 =	vor.u32 v18, v17;
	_ =	sdelay $0x3  }
0x20a: {  	[tilespmem:s5+$0xFFFFFFD0] =	vst v16  }
0x20b: {  	v16 =	vld.idx.msk [tilespmem:v17+s25+$0x0], $0xffff  }
0x20c: {  	v17 =	vadd.s32 v11, v19  }
0x20d: {  	v17 =	vor.u32 v18, v17;
	_ =	sdelay $0x3  }
0x20e: {  	[tilespmem:s5+$0xFFFFFFE0] =	vst v16  }
0x20f: {  	v16 =	vld.idx.msk [tilespmem:v17+s25+$0x0], $0xffff  }
0x210: {  	v17 =	vadd.s32 v12, v19  }
0x211: {  	v17 =	vor.u32 v18, v17;
	_ =	sdelay $0x3  }
0x212: {  	[tilespmem:s5+$0xFFFFFFF0] =	vst v16  }
0x213: {  	v16 =	vld.idx.msk [tilespmem:v17+s25+$0x0], $0xffff  }
0x214: {  	v17 =	vadd.s32 v13, v19  }
0x215: {  	v17 =	vor.u32 v18, v17;
	_ =	sdelay $0x3  }
0x216: {  	[tilespmem:s5+$0x0] =	vst v16  }
0x217: {  	v16 =	vld.idx.msk [tilespmem:v17+s25+$0x0], $0xffff  }
0x218: {  	v17 =	vadd.s32 v14, v19  }
0x219: {  	v17 =	vor.u32 v18, v17;
	_ =	sdelay $0x3  }
0x21a: {  	[tilespmem:s5+$0x10] =	vst v16  }
0x21b: {  	v17 =	vld.idx.msk [tilespmem:v17+s25+$0x0], $0xffff  }
.Ltmp4:
0x21c: {  	v16 =	vadd.s32 v15, v19;
	(pc) =	sbr.rel @p0 .LBB2_10-.Ltmp4, $2  }
0x21d: {  	v16 =	vor.u32 v18, v16;
	_ =	sdelay $0x2  }
0x21e: {  	v18 =	vmov s8;
	s8 =	sadd.s32 $0x1, s8  }
0x21f: {  	_ =	sdelay $0x1  }
0x220: {  	v19 =	vshll.u32 v18, $0x8  }
0x221: {  	[tilespmem:s5+$0x20] =	vst v17;
	v18 =	vshll.u32 v18, $0x7;
	v17 =	vand.u32 $0x3800, v19  }
0x222: {  	v16 =	vld.idx.msk [tilespmem:v16+s25+$0x0], $0xffff;
	v18 =	vand.u32 $0x380, v18;
	v19 =	vadd.s32 v8, v17  }
0x223: {  	v19 =	vor.u32 v18, v19;
	_ =	sdelay $0x3  }
0x224: {  	[tilespmem:s5+$0x30] =	vst v16  }
0x225: {  	v16 =	vld.idx.msk [tilespmem:v19+s25+$0x0], $0xffff;
	v19 =	vadd.s32 v9, v17  }
0x226: {  	v19 =	vor.u32 v18, v19;
	_ =	sdelay $0x2  }
0x227: {  	s8 =	sadd.s32 $0x80, s5  }
0x228: {  	[tilespmem:s8+$0xFFFFFFC0] =	vst v16  }
0x229: {  	v16 =	vld.idx.msk [tilespmem:v19+s25+$0x0], $0xffff;
	v19 =	vadd.s32 v10, v17  }
0x22a: {  	v19 =	vor.u32 v18, v19;
	_ =	sdelay $0x3  }
0x22b: {  	[tilespmem:s8+$0xFFFFFFD0] =	vst v16  }
0x22c: {  	v16 =	vld.idx.msk [tilespmem:v19+s25+$0x0], $0xffff;
	v19 =	vadd.s32 v11, v17  }
0x22d: {  	v19 =	vor.u32 v18, v19;
	_ =	sdelay $0x3  }
0x22e: {  	[tilespmem:s8+$0xFFFFFFE0] =	vst v16  }
0x22f: {  	v16 =	vld.idx.msk [tilespmem:v19+s25+$0x0], $0xffff;
	v19 =	vadd.s32 v12, v17  }
0x230: {  	v19 =	vor.u32 v18, v19;
	_ =	sdelay $0x3  }
0x231: {  	[tilespmem:s8+$0xFFFFFFF0] =	vst v16  }
0x232: {  	v16 =	vld.idx.msk [tilespmem:v19+s25+$0x0], $0xffff;
	v19 =	vadd.s32 v13, v17  }
0x233: {  	v19 =	vor.u32 v18, v19;
	_ =	sdelay $0x3  }
0x234: {  	[tilespmem:s8+$0x0] =	vst v16  }
0x235: {  	v16 =	vld.idx.msk [tilespmem:v19+s25+$0x0], $0xffff;
	v19 =	vadd.s32 v14, v17  }
0x236: {  	v19 =	vor.u32 v18, v19;
	_ =	sdelay $0x3  }
0x237: {  	[tilespmem:s8+$0x10] =	vst v16  }
0x238: {  	v17 =	vadd.s32 v15, v17;
	v16 =	vld.idx.msk [tilespmem:v19+s25+$0x0], $0xffff  }
0x239: {  	v17 =	vor.u32 v18, v17;
	_ =	sdelay $0x3  }
0x23a: {  	[tilespmem:s8+$0x20] =	vst v16  }
0x23b: {  	v16 =	vld.idx.msk [tilespmem:v17+s25+$0x0], $0xffff;
	_ =	sdelay $0x4  }
0x23c: {  	s20 =	sadd.s32 $0x400000, s17;
	s5 =	simm.s32 $0x0;
	[tilespmem:s8+$0x30] =	vst v16;
	s8 =	rddreg [dreg:$0xa]  }
0x23d: {  	[hbm4b:s8+s5] =	stream.linear.scatter [tilespmem:s30], [sflag:$0x5], $0x2000, $0x38;
	[tilespmem:$0x18080] =	vst v63  }
0x23e: {  	v16 =	vmov s5;
	s8 =	sshrl.u32 s20, $0x3  }
0x23f: {  	v17 =	vshll.u32 v16, $0x8;
	s8 =	sadd.s32 s1, s8  }
0x240: {  	v16 =	vshll.u32 v16, $0x7;
	v17 =	vand.u32 $0x3800, v17;
	[tilespmem:s25], [sflag:$0x1] =	stream.strided.gather [hbm4b:s8+s23], $0x4000, s24, s23, $0x38;
	[tilespmem:$0x18080] =	vst v63  }
0x241: {  	v16 =	vand.u32 $0x380, v16;
	v18 =	vadd.s32 v8, v17;
	_ =	swait.ge [sflag:s31], $0x4000  }
0x242: {  	v18 =	vor.u32 v16, v18;
	[sflag:s31] =	ssyncset.done $0x0  }
0x243: {  	[sflag:s31] =	ssyncadd.s32 $0xFFFFC000  }
0x244: {  	_ =	swait.ge [sflag:s12], $0x2000  }
0x245: {  	[sflag:s12] =	ssyncset.done $0x0  }
0x246: {  	[sflag:s12] =	ssyncadd.s32 $0xFFFFE000  }
0x247: {  	v19 =	vadd.s32 v9, v17;
	v18 =	vld.idx.msk [tilespmem:v18+s26+$0x0], $0xffff  }
0x248: {  	v19 =	vor.u32 v16, v19;
	_ =	sdelay $0x2  }
0x249: {  	s5 =	simm.s32 $0x120C0  }
0x24a: {  	[tilespmem:s5+$0xFFFFFFC0] =	vst v18  }
0x24b: {  	v18 =	vld.idx.msk [tilespmem:v19+s26+$0x0], $0xffff;
	v19 =	vadd.s32 v10, v17  }
0x24c: {  	v19 =	vor.u32 v16, v19;
	_ =	sdelay $0x3  }
0x24d: {  	[tilespmem:s5+$0xFFFFFFD0] =	vst v18  }
0x24e: {  	v18 =	vld.idx.msk [tilespmem:v19+s26+$0x0], $0xffff;
	v19 =	vadd.s32 v11, v17  }
0x24f: {  	v19 =	vor.u32 v16, v19;
	_ =	sdelay $0x3  }
0x250: {  	[tilespmem:s5+$0xFFFFFFE0] =	vst v18  }
0x251: {  	v18 =	vld.idx.msk [tilespmem:v19+s26+$0x0], $0xffff;
	v19 =	vadd.s32 v12, v17  }
0x252: {  	v19 =	vor.u32 v16, v19;
	_ =	sdelay $0x3  }
0x253: {  	[tilespmem:s5+$0xFFFFFFF0] =	vst v18  }
0x254: {  	v18 =	vld.idx.msk [tilespmem:v19+s26+$0x0], $0xffff;
	v19 =	vadd.s32 v13, v17  }
0x255: {  	v19 =	vor.u32 v16, v19;
	_ =	sdelay $0x3  }
0x256: {  	[tilespmem:s5+$0x0] =	vst v18  }
0x257: {  	v18 =	vld.idx.msk [tilespmem:v19+s26+$0x0], $0xffff;
	v19 =	vadd.s32 v14, v17  }
0x258: {  	v19 =	vor.u32 v16, v19;
	_ =	sdelay $0x3  }
0x259: {  	[tilespmem:s5+$0x10] =	vst v18  }
0x25a: {  	v18 =	vadd.s32 v15, v17;
	v17 =	vld.idx.msk [tilespmem:v19+s26+$0x0], $0xffff  }
0x25b: {  	v16 =	vor.u32 v16, v18;
	_ =	sdelay $0x1  }
0x25c: {  	s20 =	simm.s32 $0x1  }
0x25d: {  	s8 =	simm.s32 $0x2;
	v18 =	vmov s20  }
.LBB2_12:
0x25e: {  	p0 =	sne.s32 s8, $0x3F;
	v19 =	vshll.u32 v18, $0x8;
	[tilespmem:s5+$0x20] =	vst v17  }
0x25f: {  	v17 =	vshll.u32 v18, $0x7;
	v19 =	vand.u32 $0x3800, v19;
	v16 =	vld.idx.msk [tilespmem:v16+s26+$0x0], $0xffff  }
0x260: {  	v18 =	vand.u32 $0x380, v17;
	v17 =	vadd.s32 v8, v19  }
0x261: {  	v17 =	vor.u32 v18, v17;
	_ =	sdelay $0x3  }
0x262: {  	[tilespmem:s5+$0x30] =	vst v16  }
0x263: {  	v16 =	vld.idx.msk [tilespmem:v17+s26+$0x0], $0xffff  }
0x264: {  	v17 =	vadd.s32 v9, v19  }
0x265: {  	v17 =	vor.u32 v18, v17;
	_ =	sdelay $0x2  }
0x266: {  	s5 =	sadd.s32 $0x80, s5  }
0x267: {  	[tilespmem:s5+$0xFFFFFFC0] =	vst v16  }
0x268: {  	v16 =	vld.idx.msk [tilespmem:v17+s26+$0x0], $0xffff  }
0x269: {  	v17 =	vadd.s32 v10, v19  }
0x26a: {  	v17 =	vor.u32 v18, v17;
	_ =	sdelay $0x3  }
0x26b: {  	[tilespmem:s5+$0xFFFFFFD0] =	vst v16  }
0x26c: {  	v16 =	vld.idx.msk [tilespmem:v17+s26+$0x0], $0xffff  }
0x26d: {  	v17 =	vadd.s32 v11, v19  }
0x26e: {  	v17 =	vor.u32 v18, v17;
	_ =	sdelay $0x3  }
0x26f: {  	[tilespmem:s5+$0xFFFFFFE0] =	vst v16  }
0x270: {  	v16 =	vld.idx.msk [tilespmem:v17+s26+$0x0], $0xffff  }
0x271: {  	v17 =	vadd.s32 v12, v19  }
0x272: {  	v17 =	vor.u32 v18, v17;
	_ =	sdelay $0x3  }
0x273: {  	[tilespmem:s5+$0xFFFFFFF0] =	vst v16  }
0x274: {  	v16 =	vld.idx.msk [tilespmem:v17+s26+$0x0], $0xffff  }
0x275: {  	v17 =	vadd.s32 v13, v19  }
0x276: {  	v17 =	vor.u32 v18, v17;
	_ =	sdelay $0x3  }
0x277: {  	[tilespmem:s5+$0x0] =	vst v16  }
0x278: {  	v16 =	vld.idx.msk [tilespmem:v17+s26+$0x0], $0xffff  }
0x279: {  	v17 =	vadd.s32 v14, v19  }
0x27a: {  	v17 =	vor.u32 v18, v17;
	_ =	sdelay $0x3  }
0x27b: {  	[tilespmem:s5+$0x10] =	vst v16  }
0x27c: {  	v17 =	vld.idx.msk [tilespmem:v17+s26+$0x0], $0xffff  }
.Ltmp5:
0x27d: {  	v16 =	vadd.s32 v15, v19;
	(pc) =	sbr.rel @p0 .LBB2_12-.Ltmp5, $2  }
0x27e: {  	v16 =	vor.u32 v18, v16;
	_ =	sdelay $0x2  }
0x27f: {  	v18 =	vmov s8;
	s8 =	sadd.s32 $0x1, s8  }
0x280: {  	_ =	sdelay $0x1  }
0x281: {  	v19 =	vshll.u32 v18, $0x8  }
0x282: {  	[tilespmem:s5+$0x20] =	vst v17;
	v18 =	vshll.u32 v18, $0x7;
	v17 =	vand.u32 $0x3800, v19  }
0x283: {  	v16 =	vld.idx.msk [tilespmem:v16+s26+$0x0], $0xffff;
	v18 =	vand.u32 $0x380, v18;
	v8 =	vadd.s32 v8, v17  }
0x284: {  	v8 =	vor.u32 v18, v8;
	_ =	sdelay $0x3  }
0x285: {  	[tilespmem:s5+$0x30] =	vst v16  }
0x286: {  	v9 =	vadd.s32 v9, v17;
	v8 =	vld.idx.msk [tilespmem:v8+s26+$0x0], $0xffff  }
0x287: {  	v9 =	vor.u32 v18, v9;
	_ =	sdelay $0x2  }
0x288: {  	s8 =	sadd.s32 $0x80, s5  }
0x289: {  	[tilespmem:s8+$0xFFFFFFC0] =	vst v8  }
0x28a: {  	v8 =	vld.idx.msk [tilespmem:v9+s26+$0x0], $0xffff;
	v9 =	vadd.s32 v10, v17  }
0x28b: {  	v9 =	vor.u32 v18, v9;
	_ =	sdelay $0x3  }
0x28c: {  	[tilespmem:s8+$0xFFFFFFD0] =	vst v8  }
0x28d: {  	v8 =	vld.idx.msk [tilespmem:v9+s26+$0x0], $0xffff;
	v9 =	vadd.s32 v11, v17  }
0x28e: {  	v9 =	vor.u32 v18, v9;
	_ =	sdelay $0x3  }
0x28f: {  	[tilespmem:s8+$0xFFFFFFE0] =	vst v8  }
0x290: {  	v8 =	vld.idx.msk [tilespmem:v9+s26+$0x0], $0xffff;
	v9 =	vadd.s32 v12, v17  }
0x291: {  	v9 =	vor.u32 v18, v9;
	_ =	sdelay $0x3  }
0x292: {  	[tilespmem:s8+$0xFFFFFFF0] =	vst v8  }
0x293: {  	v8 =	vld.idx.msk [tilespmem:v9+s26+$0x0], $0xffff;
	v9 =	vadd.s32 v13, v17  }
0x294: {  	v9 =	vor.u32 v18, v9;
	_ =	sdelay $0x3  }
0x295: {  	[tilespmem:s8+$0x0] =	vst v8  }
0x296: {  	v8 =	vld.idx.msk [tilespmem:v9+s26+$0x0], $0xffff;
	v9 =	vadd.s32 v14, v17  }
0x297: {  	v9 =	vor.u32 v18, v9;
	_ =	sdelay $0x3  }
0x298: {  	[tilespmem:s8+$0x10] =	vst v8  }
0x299: {  	v8 =	vld.idx.msk [tilespmem:v9+s26+$0x0], $0xffff;
	v9 =	vadd.s32 v15, v17  }
0x29a: {  	v9 =	vor.u32 v18, v9;
	_ =	sdelay $0x3  }
0x29b: {  	[tilespmem:s8+$0x20] =	vst v8  }
0x29c: {  	v8 =	vld.idx.msk [tilespmem:v9+s26+$0x0], $0xffff;
	_ =	sdelay $0x3  }
0x29d: {  	s20 =	sadd.s32 $0x400000, s16;
	s5 =	ssub.s32 s18, s19  }
0x29e: {  	s19 =	rddreg [dreg:$0xb];
	s18 =	sshrl.u32 s20, $0x3;
	[tilespmem:s8+$0x30] =	vst v8;
	s8 =	simm.s32 $0x0;
	v8 =	vadd.s32 s5, v0  }
0x29f: {  	[hbm4b:s19+s8] =	stream.linear.scatter [tilespmem:s0], [sflag:$0x6], $0x2000, $0x38;
	v9 =	vshll.u32 v8, $0x3;
	v10 =	vmov s8;
	[tilespmem:$0x18080] =	vst v63  }
0x2a0: {  	s19 =	sadd.s32 s1, s18;
	v8 =	vand.u32 $0x7F, v8;
	v9 =	vand.u32 $0xFFFFFC00, v9;
	v11 =	vshll.u32 v10, $0x8  }
0x2a1: {  	[tilespmem:s26], [sflag:$0x2] =	stream.strided.gather [hbm4b:s19+s23], $0x4000, s24, s23, $0x38;
	v8 =	vor.u32 v8, v9;
	v16 =	vand.u32 $0x3800, v11;
	v9 =	vshll.u32 v10, $0x7;
	[tilespmem:$0x18080] =	vst v63  }
0x2a2: {  	_ =	swait.ge [sflag:s2], $0x4000;
	v18 =	vand.u32 $0x380, v9;
	v9 =	vadd.s32 v8, v16  }
0x2a3: {  	[sflag:s2] =	ssyncset.done $0x0;
	v10 =	vor.u32 v18, v9  }
0x2a4: {  	v9 =	vadd.s32 s5, v1;
	[sflag:s2] =	ssyncadd.s32 $0xFFFFC000  }
0x2a5: {  	v11 =	vshll.u32 v9, $0x3;
	_ =	swait.ge [sflag:s13], $0x2000  }
0x2a6: {  	v9 =	vand.u32 $0x7F, v9;
	v11 =	vand.u32 $0xFFFFFC00, v11;
	[sflag:s13] =	ssyncset.done $0x0  }
0x2a7: {  	v9 =	vor.u32 v9, v11;
	[sflag:s13] =	ssyncadd.s32 $0xFFFFE000  }
0x2a8: {  	v11 =	vld.idx.msk [tilespmem:v10+s28+$0x0], $0xffff;
	v10 =	vadd.s32 v9, v16  }
0x2a9: {  	v12 =	vor.u32 v18, v10  }
0x2aa: {  	v10 =	vadd.s32 s5, v2  }
0x2ab: {  	v13 =	vshll.u32 v10, $0x3  }
0x2ac: {  	s18 =	simm.s32 $0x140C0;
	v10 =	vand.u32 $0x7F, v10;
	v13 =	vand.u32 $0xFFFFFC00, v13  }
0x2ad: {  	v10 =	vor.u32 v10, v13;
	[tilespmem:s18+$0xFFFFFFC0] =	vst v11  }
0x2ae: {  	v11 =	vadd.s32 v10, v16;
	v12 =	vld.idx.msk [tilespmem:v12+s28+$0x0], $0xffff  }
0x2af: {  	v13 =	vor.u32 v18, v11  }
0x2b0: {  	v11 =	vadd.s32 s5, v3  }
0x2b1: {  	v14 =	vshll.u32 v11, $0x3  }
0x2b2: {  	v11 =	vand.u32 $0x7F, v11;
	v14 =	vand.u32 $0xFFFFFC00, v14  }
0x2b3: {  	v11 =	vor.u32 v11, v14;
	[tilespmem:s18+$0xFFFFFFD0] =	vst v12  }
0x2b4: {  	v12 =	vadd.s32 v11, v16;
	v13 =	vld.idx.msk [tilespmem:v13+s28+$0x0], $0xffff  }
0x2b5: {  	v14 =	vor.u32 v18, v12  }
0x2b6: {  	v12 =	vadd.s32 s5, v4  }
0x2b7: {  	v15 =	vshll.u32 v12, $0x3  }
0x2b8: {  	v12 =	vand.u32 $0x7F, v12;
	v15 =	vand.u32 $0xFFFFFC00, v15  }
0x2b9: {  	v12 =	vor.u32 v12, v15;
	[tilespmem:s18+$0xFFFFFFE0] =	vst v13  }
0x2ba: {  	v13 =	vadd.s32 v12, v16;
	v14 =	vld.idx.msk [tilespmem:v14+s28+$0x0], $0xffff  }
0x2bb: {  	v15 =	vor.u32 v18, v13  }
0x2bc: {  	v13 =	vadd.s32 s5, v5  }
0x2bd: {  	v17 =	vshll.u32 v13, $0x3  }
0x2be: {  	v13 =	vand.u32 $0x7F, v13;
	v17 =	vand.u32 $0xFFFFFC00, v17  }
0x2bf: {  	v13 =	vor.u32 v13, v17;
	[tilespmem:s18+$0xFFFFFFF0] =	vst v14  }
0x2c0: {  	v14 =	vadd.s32 v13, v16;
	v15 =	vld.idx.msk [tilespmem:v15+s28+$0x0], $0xffff  }
0x2c1: {  	v17 =	vor.u32 v18, v14  }
0x2c2: {  	v14 =	vadd.s32 s5, v6  }
0x2c3: {  	v19 =	vshll.u32 v14, $0x3  }
0x2c4: {  	v14 =	vand.u32 $0x7F, v14;
	v19 =	vand.u32 $0xFFFFFC00, v19  }
0x2c5: {  	v14 =	vor.u32 v14, v19;
	[tilespmem:s18+$0x0] =	vst v15  }
0x2c6: {  	v15 =	vadd.s32 v14, v16;
	v17 =	vld.idx.msk [tilespmem:v17+s28+$0x0], $0xffff  }
0x2c7: {  	v20 =	vor.u32 v18, v15  }
0x2c8: {  	v19 =	vadd.s32 s5, v7  }
0x2c9: {  	v15 =	vshll.u32 v19, $0x3  }
0x2ca: {  	v19 =	vand.u32 $0x7F, v19;
	v15 =	vand.u32 $0xFFFFFC00, v15  }
0x2cb: {  	v15 =	vor.u32 v19, v15;
	[tilespmem:s18+$0x10] =	vst v17  }
0x2cc: {  	v16 =	vadd.s32 v15, v16;
	v17 =	vld.idx.msk [tilespmem:v20+s28+$0x0], $0xffff  }
0x2cd: {  	v16 =	vor.u32 v18, v16;
	_ =	sdelay $0x1  }
0x2ce: {  	s20 =	simm.s32 $0x1  }
0x2cf: {  	s5 =	simm.s32 $0x2;
	v18 =	vmov s20  }
.LBB2_14:
0x2d0: {  	p0 =	sne.s32 s5, $0x3F;
	v19 =	vshll.u32 v18, $0x8;
	[tilespmem:s18+$0x20] =	vst v17  }
0x2d1: {  	v17 =	vshll.u32 v18, $0x7;
	v19 =	vand.u32 $0x3800, v19;
	v16 =	vld.idx.msk [tilespmem:v16+s28+$0x0], $0xffff  }
0x2d2: {  	v18 =	vand.u32 $0x380, v17;
	v17 =	vadd.s32 v8, v19  }
0x2d3: {  	v17 =	vor.u32 v18, v17;
	_ =	sdelay $0x3  }
0x2d4: {  	[tilespmem:s18+$0x30] =	vst v16  }
0x2d5: {  	v16 =	vld.idx.msk [tilespmem:v17+s28+$0x0], $0xffff  }
0x2d6: {  	v17 =	vadd.s32 v9, v19  }
0x2d7: {  	v17 =	vor.u32 v18, v17;
	_ =	sdelay $0x2  }
0x2d8: {  	s18 =	sadd.s32 $0x80, s18  }
0x2d9: {  	[tilespmem:s18+$0xFFFFFFC0] =	vst v16  }
0x2da: {  	v16 =	vld.idx.msk [tilespmem:v17+s28+$0x0], $0xffff  }
0x2db: {  	v17 =	vadd.s32 v10, v19  }
0x2dc: {  	v17 =	vor.u32 v18, v17;
	_ =	sdelay $0x3  }
0x2dd: {  	[tilespmem:s18+$0xFFFFFFD0] =	vst v16  }
0x2de: {  	v16 =	vld.idx.msk [tilespmem:v17+s28+$0x0], $0xffff  }
0x2df: {  	v17 =	vadd.s32 v11, v19  }
0x2e0: {  	v17 =	vor.u32 v18, v17;
	_ =	sdelay $0x3  }
0x2e1: {  	[tilespmem:s18+$0xFFFFFFE0] =	vst v16  }
0x2e2: {  	v16 =	vld.idx.msk [tilespmem:v17+s28+$0x0], $0xffff  }
0x2e3: {  	v17 =	vadd.s32 v12, v19  }
0x2e4: {  	v17 =	vor.u32 v18, v17;
	_ =	sdelay $0x3  }
0x2e5: {  	[tilespmem:s18+$0xFFFFFFF0] =	vst v16  }
0x2e6: {  	v16 =	vld.idx.msk [tilespmem:v17+s28+$0x0], $0xffff  }
0x2e7: {  	v17 =	vadd.s32 v13, v19  }
0x2e8: {  	v17 =	vor.u32 v18, v17;
	_ =	sdelay $0x3  }
0x2e9: {  	[tilespmem:s18+$0x0] =	vst v16  }
0x2ea: {  	v16 =	vld.idx.msk [tilespmem:v17+s28+$0x0], $0xffff  }
0x2eb: {  	v17 =	vadd.s32 v14, v19  }
0x2ec: {  	v17 =	vor.u32 v18, v17;
	_ =	sdelay $0x3  }
0x2ed: {  	[tilespmem:s18+$0x10] =	vst v16  }
0x2ee: {  	v17 =	vld.idx.msk [tilespmem:v17+s28+$0x0], $0xffff  }
.Ltmp6:
0x2ef: {  	v16 =	vadd.s32 v15, v19;
	(pc) =	sbr.rel @p0 .LBB2_14-.Ltmp6, $2  }
0x2f0: {  	v16 =	vor.u32 v18, v16;
	_ =	sdelay $0x2  }
0x2f1: {  	v18 =	vmov s5;
	s5 =	sadd.s32 $0x1, s5  }
0x2f2: {  	_ =	sdelay $0x1  }
0x2f3: {  	v19 =	vshll.u32 v18, $0x8  }
0x2f4: {  	[tilespmem:s18+$0x20] =	vst v17;
	v18 =	vshll.u32 v18, $0x7;
	v17 =	vand.u32 $0x3800, v19  }
0x2f5: {  	v16 =	vld.idx.msk [tilespmem:v16+s28+$0x0], $0xffff;
	v18 =	vand.u32 $0x380, v18;
	v19 =	vadd.s32 v8, v17  }
0x2f6: {  	v19 =	vor.u32 v18, v19;
	_ =	sdelay $0x3  }
0x2f7: {  	[tilespmem:s18+$0x30] =	vst v16  }
0x2f8: {  	v16 =	vld.idx.msk [tilespmem:v19+s28+$0x0], $0xffff;
	v19 =	vadd.s32 v9, v17  }
0x2f9: {  	v19 =	vor.u32 v18, v19;
	_ =	sdelay $0x2  }
0x2fa: {  	s5 =	sadd.s32 $0x80, s18  }
0x2fb: {  	[tilespmem:s5+$0xFFFFFFC0] =	vst v16  }
0x2fc: {  	v16 =	vld.idx.msk [tilespmem:v19+s28+$0x0], $0xffff;
	v19 =	vadd.s32 v10, v17  }
0x2fd: {  	v19 =	vor.u32 v18, v19;
	_ =	sdelay $0x3  }
0x2fe: {  	[tilespmem:s5+$0xFFFFFFD0] =	vst v16  }
0x2ff: {  	v16 =	vld.idx.msk [tilespmem:v19+s28+$0x0], $0xffff;
	v19 =	vadd.s32 v11, v17  }
0x300: {  	v19 =	vor.u32 v18, v19;
	_ =	sdelay $0x3  }
0x301: {  	[tilespmem:s5+$0xFFFFFFE0] =	vst v16  }
0x302: {  	v16 =	vld.idx.msk [tilespmem:v19+s28+$0x0], $0xffff;
	v19 =	vadd.s32 v12, v17  }
0x303: {  	v19 =	vor.u32 v18, v19;
	_ =	sdelay $0x3  }
0x304: {  	[tilespmem:s5+$0xFFFFFFF0] =	vst v16  }
0x305: {  	v16 =	vld.idx.msk [tilespmem:v19+s28+$0x0], $0xffff;
	v19 =	vadd.s32 v13, v17  }
0x306: {  	v19 =	vor.u32 v18, v19;
	_ =	sdelay $0x3  }
0x307: {  	[tilespmem:s5+$0x0] =	vst v16  }
0x308: {  	v16 =	vld.idx.msk [tilespmem:v19+s28+$0x0], $0xffff;
	v19 =	vadd.s32 v14, v17  }
0x309: {  	v19 =	vor.u32 v18, v19;
	_ =	sdelay $0x3  }
0x30a: {  	[tilespmem:s5+$0x10] =	vst v16  }
0x30b: {  	v17 =	vadd.s32 v15, v17;
	v16 =	vld.idx.msk [tilespmem:v19+s28+$0x0], $0xffff  }
0x30c: {  	v17 =	vor.u32 v18, v17;
	_ =	sdelay $0x3  }
0x30d: {  	[tilespmem:s5+$0x20] =	vst v16  }
0x30e: {  	v16 =	vld.idx.msk [tilespmem:v17+s28+$0x0], $0xffff;
	_ =	sdelay $0x4  }
0x30f: {  	s20 =	simm.s32 $0x0;
	s8 =	rddreg [dreg:$0xc];
	s18 =	sadd.s32 $0x800000, s17;
	[tilespmem:s5+$0x30] =	vst v16  }
0x310: {  	[hbm4b:s8+s20] =	stream.linear.scatter [tilespmem:s4], [sflag:$0x7], $0x2000, $0x38;
	[tilespmem:$0x18080] =	vst v63  }
0x311: {  	v16 =	vmov s20;
	s8 =	sshrl.u32 s18, $0x3  }
0x312: {  	v17 =	vshll.u32 v16, $0x8;
	s19 =	sadd.s32 s1, s8  }
0x313: {  	v16 =	vshll.u32 v16, $0x7;
	v17 =	vand.u32 $0x3800, v17;
	[tilespmem:s28], [sflag:$0x3] =	stream.strided.gather [hbm4b:s19+s23], $0x4000, s24, s23, $0x38;
	[tilespmem:$0x18080] =	vst v63  }
0x314: {  	v16 =	vand.u32 $0x380, v16;
	v18 =	vadd.s32 v8, v17;
	_ =	swait.ge [sflag:s9], $0x4000  }
0x315: {  	v18 =	vor.u32 v16, v18;
	[sflag:s9] =	ssyncset.done $0x0  }
0x316: {  	[sflag:s9] =	ssyncadd.s32 $0xFFFFC000  }
0x317: {  	_ =	swait.ge [sflag:s14], $0x2000  }
0x318: {  	[sflag:s14] =	ssyncset.done $0x0  }
0x319: {  	[sflag:s14] =	ssyncadd.s32 $0xFFFFE000  }
0x31a: {  	v19 =	vadd.s32 v9, v17;
	v18 =	vld.idx.msk [tilespmem:v18+s29+$0x0], $0xffff  }
0x31b: {  	v19 =	vor.u32 v16, v19;
	_ =	sdelay $0x2  }
0x31c: {  	s5 =	simm.s32 $0x160C0  }
0x31d: {  	[tilespmem:s5+$0xFFFFFFC0] =	vst v18  }
0x31e: {  	v18 =	vld.idx.msk [tilespmem:v19+s29+$0x0], $0xffff;
	v19 =	vadd.s32 v10, v17  }
0x31f: {  	v19 =	vor.u32 v16, v19;
	_ =	sdelay $0x3  }
0x320: {  	[tilespmem:s5+$0xFFFFFFD0] =	vst v18  }
0x321: {  	v18 =	vld.idx.msk [tilespmem:v19+s29+$0x0], $0xffff;
	v19 =	vadd.s32 v11, v17  }
0x322: {  	v19 =	vor.u32 v16, v19;
	_ =	sdelay $0x3  }
0x323: {  	[tilespmem:s5+$0xFFFFFFE0] =	vst v18  }
0x324: {  	v18 =	vld.idx.msk [tilespmem:v19+s29+$0x0], $0xffff;
	v19 =	vadd.s32 v12, v17  }
0x325: {  	v19 =	vor.u32 v16, v19;
	_ =	sdelay $0x3  }
0x326: {  	[tilespmem:s5+$0xFFFFFFF0] =	vst v18  }
0x327: {  	v18 =	vld.idx.msk [tilespmem:v19+s29+$0x0], $0xffff;
	v19 =	vadd.s32 v13, v17  }
0x328: {  	v19 =	vor.u32 v16, v19;
	_ =	sdelay $0x3  }
0x329: {  	[tilespmem:s5+$0x0] =	vst v18  }
0x32a: {  	v18 =	vld.idx.msk [tilespmem:v19+s29+$0x0], $0xffff;
	v19 =	vadd.s32 v14, v17  }
0x32b: {  	v19 =	vor.u32 v16, v19;
	_ =	sdelay $0x3  }
0x32c: {  	[tilespmem:s5+$0x10] =	vst v18  }
0x32d: {  	v18 =	vadd.s32 v15, v17;
	v17 =	vld.idx.msk [tilespmem:v19+s29+$0x0], $0xffff  }
0x32e: {  	v16 =	vor.u32 v16, v18;
	_ =	sdelay $0x1  }
0x32f: {  	s20 =	simm.s32 $0x1  }
0x330: {  	s8 =	simm.s32 $0x2;
	v18 =	vmov s20  }
.LBB2_16:
0x331: {  	p0 =	sne.s32 s8, $0x3F;
	v19 =	vshll.u32 v18, $0x8;
	[tilespmem:s5+$0x20] =	vst v17  }
0x332: {  	v17 =	vshll.u32 v18, $0x7;
	v19 =	vand.u32 $0x3800, v19;
	v16 =	vld.idx.msk [tilespmem:v16+s29+$0x0], $0xffff  }
0x333: {  	v18 =	vand.u32 $0x380, v17;
	v17 =	vadd.s32 v8, v19  }
0x334: {  	v17 =	vor.u32 v18, v17;
	_ =	sdelay $0x3  }
0x335: {  	[tilespmem:s5+$0x30] =	vst v16  }
0x336: {  	v16 =	vld.idx.msk [tilespmem:v17+s29+$0x0], $0xffff  }
0x337: {  	v17 =	vadd.s32 v9, v19  }
0x338: {  	v17 =	vor.u32 v18, v17;
	_ =	sdelay $0x2  }
0x339: {  	s5 =	sadd.s32 $0x80, s5  }
0x33a: {  	[tilespmem:s5+$0xFFFFFFC0] =	vst v16  }
0x33b: {  	v16 =	vld.idx.msk [tilespmem:v17+s29+$0x0], $0xffff  }
0x33c: {  	v17 =	vadd.s32 v10, v19  }
0x33d: {  	v17 =	vor.u32 v18, v17;
	_ =	sdelay $0x3  }
0x33e: {  	[tilespmem:s5+$0xFFFFFFD0] =	vst v16  }
0x33f: {  	v16 =	vld.idx.msk [tilespmem:v17+s29+$0x0], $0xffff  }
0x340: {  	v17 =	vadd.s32 v11, v19  }
0x341: {  	v17 =	vor.u32 v18, v17;
	_ =	sdelay $0x3  }
0x342: {  	[tilespmem:s5+$0xFFFFFFE0] =	vst v16  }
0x343: {  	v16 =	vld.idx.msk [tilespmem:v17+s29+$0x0], $0xffff  }
0x344: {  	v17 =	vadd.s32 v12, v19  }
0x345: {  	v17 =	vor.u32 v18, v17;
	_ =	sdelay $0x3  }
0x346: {  	[tilespmem:s5+$0xFFFFFFF0] =	vst v16  }
0x347: {  	v16 =	vld.idx.msk [tilespmem:v17+s29+$0x0], $0xffff  }
0x348: {  	v17 =	vadd.s32 v13, v19  }
0x349: {  	v17 =	vor.u32 v18, v17;
	_ =	sdelay $0x3  }
0x34a: {  	[tilespmem:s5+$0x0] =	vst v16  }
0x34b: {  	v16 =	vld.idx.msk [tilespmem:v17+s29+$0x0], $0xffff  }
0x34c: {  	v17 =	vadd.s32 v14, v19  }
0x34d: {  	v17 =	vor.u32 v18, v17;
	_ =	sdelay $0x3  }
0x34e: {  	[tilespmem:s5+$0x10] =	vst v16  }
0x34f: {  	v17 =	vld.idx.msk [tilespmem:v17+s29+$0x0], $0xffff  }
.Ltmp7:
0x350: {  	v16 =	vadd.s32 v15, v19;
	(pc) =	sbr.rel @p0 .LBB2_16-.Ltmp7, $2  }
0x351: {  	v16 =	vor.u32 v18, v16;
	_ =	sdelay $0x2  }
0x352: {  	v18 =	vmov s8;
	s8 =	sadd.s32 $0x1, s8  }
0x353: {  	_ =	sdelay $0x1  }
0x354: {  	v19 =	vshll.u32 v18, $0x8  }
0x355: {  	[tilespmem:s5+$0x20] =	vst v17;
	v18 =	vshll.u32 v18, $0x7;
	v17 =	vand.u32 $0x3800, v19  }
0x356: {  	v16 =	vld.idx.msk [tilespmem:v16+s29+$0x0], $0xffff;
	v18 =	vand.u32 $0x380, v18;
	v19 =	vadd.s32 v8, v17  }
0x357: {  	v19 =	vor.u32 v18, v19;
	_ =	sdelay $0x3  }
0x358: {  	[tilespmem:s5+$0x30] =	vst v16  }
0x359: {  	v16 =	vld.idx.msk [tilespmem:v19+s29+$0x0], $0xffff;
	v19 =	vadd.s32 v9, v17  }
0x35a: {  	v19 =	vor.u32 v18, v19;
	_ =	sdelay $0x2  }
0x35b: {  	s8 =	sadd.s32 $0x80, s5  }
0x35c: {  	[tilespmem:s8+$0xFFFFFFC0] =	vst v16  }
0x35d: {  	v16 =	vld.idx.msk [tilespmem:v19+s29+$0x0], $0xffff;
	v19 =	vadd.s32 v10, v17  }
0x35e: {  	v19 =	vor.u32 v18, v19;
	_ =	sdelay $0x3  }
0x35f: {  	[tilespmem:s8+$0xFFFFFFD0] =	vst v16  }
0x360: {  	v16 =	vld.idx.msk [tilespmem:v19+s29+$0x0], $0xffff;
	v19 =	vadd.s32 v11, v17  }
0x361: {  	v19 =	vor.u32 v18, v19;
	_ =	sdelay $0x3  }
0x362: {  	[tilespmem:s8+$0xFFFFFFE0] =	vst v16  }
0x363: {  	v16 =	vld.idx.msk [tilespmem:v19+s29+$0x0], $0xffff;
	v19 =	vadd.s32 v12, v17  }
0x364: {  	v19 =	vor.u32 v18, v19;
	_ =	sdelay $0x3  }
0x365: {  	[tilespmem:s8+$0xFFFFFFF0] =	vst v16  }
0x366: {  	v16 =	vld.idx.msk [tilespmem:v19+s29+$0x0], $0xffff;
	v19 =	vadd.s32 v13, v17  }
0x367: {  	v19 =	vor.u32 v18, v19;
	_ =	sdelay $0x3  }
0x368: {  	[tilespmem:s8+$0x0] =	vst v16  }
0x369: {  	v16 =	vld.idx.msk [tilespmem:v19+s29+$0x0], $0xffff;
	v19 =	vadd.s32 v14, v17  }
0x36a: {  	v19 =	vor.u32 v18, v19;
	_ =	sdelay $0x3  }
0x36b: {  	[tilespmem:s8+$0x10] =	vst v16  }
0x36c: {  	v17 =	vadd.s32 v15, v17;
	v16 =	vld.idx.msk [tilespmem:v19+s29+$0x0], $0xffff  }
0x36d: {  	v17 =	vor.u32 v18, v17;
	_ =	sdelay $0x3  }
0x36e: {  	[tilespmem:s8+$0x20] =	vst v16  }
0x36f: {  	v16 =	vld.idx.msk [tilespmem:v17+s29+$0x0], $0xffff;
	_ =	sdelay $0x4  }
0x370: {  	s17 =	simm.s32 $0x0;
	s18 =	sadd.s32 $0x800000, s16;
	[tilespmem:s8+$0x30] =	vst v16;
	s8 =	rddreg [dreg:$0xd]  }
0x371: {  	[hbm4b:s8+s17] =	stream.linear.scatter [tilespmem:s10], [sflag:$0x8], $0x2000, $0x38;
	[tilespmem:$0x18080] =	vst v63  }
0x372: {  	v16 =	vmov s17;
	s8 =	sshrl.u32 s18, $0x3  }
0x373: {  	v17 =	vshll.u32 v16, $0x8;
	s19 =	sadd.s32 s1, s8  }
0x374: {  	v16 =	vshll.u32 v16, $0x7;
	v17 =	vand.u32 $0x3800, v17;
	[tilespmem:s29], [sflag:$0x4] =	stream.strided.gather [hbm4b:s19+s23], $0x4000, s24, s23, $0x38;
	[tilespmem:$0x18080] =	vst v63  }
0x375: {  	v16 =	vand.u32 $0x380, v16;
	v18 =	vadd.s32 v8, v17;
	_ =	swait.ge [sflag:s22], $0x4000  }
0x376: {  	v18 =	vor.u32 v16, v18;
	[sflag:s22] =	ssyncset.done $0x0  }
0x377: {  	[sflag:s22] =	ssyncadd.s32 $0xFFFFC000  }
0x378: {  	_ =	swait.ge [sflag:s11], $0x2000  }
0x379: {  	[sflag:s11] =	ssyncset.done $0x0  }
0x37a: {  	[sflag:s11] =	ssyncadd.s32 $0xFFFFE000  }
0x37b: {  	v19 =	vadd.s32 v9, v17;
	v18 =	vld.idx.msk [tilespmem:v18+s25+$0x0], $0xffff  }
0x37c: {  	v19 =	vor.u32 v16, v19;
	_ =	sdelay $0x2  }
0x37d: {  	s5 =	simm.s32 $0x100C0  }
0x37e: {  	[tilespmem:s5+$0xFFFFFFC0] =	vst v18  }
0x37f: {  	v18 =	vld.idx.msk [tilespmem:v19+s25+$0x0], $0xffff;
	v19 =	vadd.s32 v10, v17  }
0x380: {  	v19 =	vor.u32 v16, v19;
	_ =	sdelay $0x3  }
0x381: {  	[tilespmem:s5+$0xFFFFFFD0] =	vst v18  }
0x382: {  	v18 =	vld.idx.msk [tilespmem:v19+s25+$0x0], $0xffff;
	v19 =	vadd.s32 v11, v17  }
0x383: {  	v19 =	vor.u32 v16, v19;
	_ =	sdelay $0x3  }
0x384: {  	[tilespmem:s5+$0xFFFFFFE0] =	vst v18  }
0x385: {  	v18 =	vld.idx.msk [tilespmem:v19+s25+$0x0], $0xffff;
	v19 =	vadd.s32 v12, v17  }
0x386: {  	v19 =	vor.u32 v16, v19;
	_ =	sdelay $0x3  }
0x387: {  	[tilespmem:s5+$0xFFFFFFF0] =	vst v18  }
0x388: {  	v18 =	vld.idx.msk [tilespmem:v19+s25+$0x0], $0xffff;
	v19 =	vadd.s32 v13, v17  }
0x389: {  	v19 =	vor.u32 v16, v19;
	_ =	sdelay $0x3  }
0x38a: {  	[tilespmem:s5+$0x0] =	vst v18  }
0x38b: {  	v18 =	vld.idx.msk [tilespmem:v19+s25+$0x0], $0xffff;
	v19 =	vadd.s32 v14, v17  }
0x38c: {  	v19 =	vor.u32 v16, v19;
	_ =	sdelay $0x3  }
0x38d: {  	[tilespmem:s5+$0x10] =	vst v18  }
0x38e: {  	v18 =	vadd.s32 v15, v17;
	v17 =	vld.idx.msk [tilespmem:v19+s25+$0x0], $0xffff  }
0x38f: {  	v16 =	vor.u32 v16, v18;
	_ =	sdelay $0x1  }
0x390: {  	s20 =	simm.s32 $0x1  }
0x391: {  	s8 =	simm.s32 $0x2;
	v18 =	vmov s20  }
.LBB2_18:
0x392: {  	p0 =	sne.s32 s8, $0x3F;
	v19 =	vshll.u32 v18, $0x8;
	[tilespmem:s5+$0x20] =	vst v17  }
0x393: {  	v17 =	vshll.u32 v18, $0x7;
	v19 =	vand.u32 $0x3800, v19;
	v16 =	vld.idx.msk [tilespmem:v16+s25+$0x0], $0xffff  }
0x394: {  	v18 =	vand.u32 $0x380, v17;
	v17 =	vadd.s32 v8, v19  }
0x395: {  	v17 =	vor.u32 v18, v17;
	_ =	sdelay $0x3  }
0x396: {  	[tilespmem:s5+$0x30] =	vst v16  }
0x397: {  	v16 =	vld.idx.msk [tilespmem:v17+s25+$0x0], $0xffff  }
0x398: {  	v17 =	vadd.s32 v9, v19  }
0x399: {  	v17 =	vor.u32 v18, v17;
	_ =	sdelay $0x2  }
0x39a: {  	s5 =	sadd.s32 $0x80, s5  }
0x39b: {  	[tilespmem:s5+$0xFFFFFFC0] =	vst v16  }
0x39c: {  	v16 =	vld.idx.msk [tilespmem:v17+s25+$0x0], $0xffff  }
0x39d: {  	v17 =	vadd.s32 v10, v19  }
0x39e: {  	v17 =	vor.u32 v18, v17;
	_ =	sdelay $0x3  }
0x39f: {  	[tilespmem:s5+$0xFFFFFFD0] =	vst v16  }
0x3a0: {  	v16 =	vld.idx.msk [tilespmem:v17+s25+$0x0], $0xffff  }
0x3a1: {  	v17 =	vadd.s32 v11, v19  }
0x3a2: {  	v17 =	vor.u32 v18, v17;
	_ =	sdelay $0x3  }
0x3a3: {  	[tilespmem:s5+$0xFFFFFFE0] =	vst v16  }
0x3a4: {  	v16 =	vld.idx.msk [tilespmem:v17+s25+$0x0], $0xffff  }
0x3a5: {  	v17 =	vadd.s32 v12, v19  }
0x3a6: {  	v17 =	vor.u32 v18, v17;
	_ =	sdelay $0x3  }
0x3a7: {  	[tilespmem:s5+$0xFFFFFFF0] =	vst v16  }
0x3a8: {  	v16 =	vld.idx.msk [tilespmem:v17+s25+$0x0], $0xffff  }
0x3a9: {  	v17 =	vadd.s32 v13, v19  }
0x3aa: {  	v17 =	vor.u32 v18, v17;
	_ =	sdelay $0x3  }
0x3ab: {  	[tilespmem:s5+$0x0] =	vst v16  }
0x3ac: {  	v16 =	vld.idx.msk [tilespmem:v17+s25+$0x0], $0xffff  }
0x3ad: {  	v17 =	vadd.s32 v14, v19  }
0x3ae: {  	v17 =	vor.u32 v18, v17;
	_ =	sdelay $0x3  }
0x3af: {  	[tilespmem:s5+$0x10] =	vst v16  }
0x3b0: {  	v17 =	vld.idx.msk [tilespmem:v17+s25+$0x0], $0xffff  }
.Ltmp8:
0x3b1: {  	v16 =	vadd.s32 v15, v19;
	(pc) =	sbr.rel @p0 .LBB2_18-.Ltmp8, $2  }
0x3b2: {  	v16 =	vor.u32 v18, v16;
	_ =	sdelay $0x2  }
0x3b3: {  	v18 =	vmov s8;
	s8 =	sadd.s32 $0x1, s8  }
0x3b4: {  	_ =	sdelay $0x1  }
0x3b5: {  	v19 =	vshll.u32 v18, $0x8  }
0x3b6: {  	[tilespmem:s5+$0x20] =	vst v17;
	v18 =	vshll.u32 v18, $0x7;
	v17 =	vand.u32 $0x3800, v19  }
0x3b7: {  	v16 =	vld.idx.msk [tilespmem:v16+s25+$0x0], $0xffff;
	v18 =	vand.u32 $0x380, v18;
	v19 =	vadd.s32 v8, v17  }
0x3b8: {  	v19 =	vor.u32 v18, v19;
	_ =	sdelay $0x3  }
0x3b9: {  	[tilespmem:s5+$0x30] =	vst v16  }
0x3ba: {  	v16 =	vld.idx.msk [tilespmem:v19+s25+$0x0], $0xffff;
	v19 =	vadd.s32 v9, v17  }
0x3bb: {  	v19 =	vor.u32 v18, v19;
	_ =	sdelay $0x2  }
0x3bc: {  	s18 =	sadd.s32 $0x80, s5  }
0x3bd: {  	[tilespmem:s18+$0xFFFFFFC0] =	vst v16  }
0x3be: {  	v16 =	vld.idx.msk [tilespmem:v19+s25+$0x0], $0xffff;
	v19 =	vadd.s32 v10, v17  }
0x3bf: {  	v19 =	vor.u32 v18, v19;
	_ =	sdelay $0x3  }
0x3c0: {  	[tilespmem:s18+$0xFFFFFFD0] =	vst v16  }
0x3c1: {  	v16 =	vld.idx.msk [tilespmem:v19+s25+$0x0], $0xffff;
	v19 =	vadd.s32 v11, v17  }
0x3c2: {  	v19 =	vor.u32 v18, v19;
	_ =	sdelay $0x3  }
0x3c3: {  	[tilespmem:s18+$0xFFFFFFE0] =	vst v16  }
0x3c4: {  	v16 =	vld.idx.msk [tilespmem:v19+s25+$0x0], $0xffff;
	v19 =	vadd.s32 v12, v17  }
0x3c5: {  	v19 =	vor.u32 v18, v19;
	_ =	sdelay $0x3  }
0x3c6: {  	[tilespmem:s18+$0xFFFFFFF0] =	vst v16  }
0x3c7: {  	v16 =	vld.idx.msk [tilespmem:v19+s25+$0x0], $0xffff;
	v19 =	vadd.s32 v13, v17  }
0x3c8: {  	v19 =	vor.u32 v18, v19;
	_ =	sdelay $0x3  }
0x3c9: {  	[tilespmem:s18+$0x0] =	vst v16  }
0x3ca: {  	v16 =	vld.idx.msk [tilespmem:v19+s25+$0x0], $0xffff;
	v19 =	vadd.s32 v14, v17  }
0x3cb: {  	v19 =	vor.u32 v18, v19;
	_ =	sdelay $0x3  }
0x3cc: {  	[tilespmem:s18+$0x10] =	vst v16  }
0x3cd: {  	v17 =	vadd.s32 v15, v17;
	v16 =	vld.idx.msk [tilespmem:v19+s25+$0x0], $0xffff  }
0x3ce: {  	v17 =	vor.u32 v18, v17;
	_ =	sdelay $0x3  }
0x3cf: {  	[tilespmem:s18+$0x20] =	vst v16  }
0x3d0: {  	v16 =	vld.idx.msk [tilespmem:v17+s25+$0x0], $0xffff;
	_ =	sdelay $0x2  }
0x3d1: {  	s8 =	simm.s32 $0x0  }
0x3d2: {  	v17 =	vmov s8  }
0x3d3: {  	s19 =	rddreg [dreg:$0xe];
	[tilespmem:s18+$0x30] =	vst v16;
	v16 =	vshll.u32 v17, $0x8  }
0x3d4: {  	v17 =	vshll.u32 v17, $0x7;
	[hbm4b:s19+s8] =	stream.linear.scatter [tilespmem:s30], [sflag:$0x5], $0x2000, $0x38;
	v16 =	vand.u32 $0x3800, v16;
	[tilespmem:$0x18080] =	vst v63  }
0x3d5: {  	v18 =	vand.u32 $0x380, v17;
	_ =	swait.ge [sflag:s31], $0x4000;
	v17 =	vadd.s32 v8, v16  }
0x3d6: {  	[sflag:s31] =	ssyncset.done $0x0;
	v17 =	vor.u32 v18, v17  }
0x3d7: {  	[sflag:s31] =	ssyncadd.s32 $0xFFFFC000  }
0x3d8: {  	_ =	swait.ge [sflag:s12], $0x2000  }
0x3d9: {  	[sflag:s12] =	ssyncset.done $0x0  }
0x3da: {  	[sflag:s12] =	ssyncadd.s32 $0xFFFFE000  }
0x3db: {  	v19 =	vadd.s32 v9, v16;
	v17 =	vld.idx.msk [tilespmem:v17+s26+$0x0], $0xffff  }
0x3dc: {  	v19 =	vor.u32 v18, v19;
	_ =	sdelay $0x2  }
0x3dd: {  	s5 =	simm.s32 $0x120C0  }
0x3de: {  	[tilespmem:s5+$0xFFFFFFC0] =	vst v17  }
0x3df: {  	v17 =	vld.idx.msk [tilespmem:v19+s26+$0x0], $0xffff;
	v19 =	vadd.s32 v10, v16  }
0x3e0: {  	v19 =	vor.u32 v18, v19;
	_ =	sdelay $0x3  }
0x3e1: {  	[tilespmem:s5+$0xFFFFFFD0] =	vst v17  }
0x3e2: {  	v17 =	vld.idx.msk [tilespmem:v19+s26+$0x0], $0xffff;
	v19 =	vadd.s32 v11, v16  }
0x3e3: {  	v19 =	vor.u32 v18, v19;
	_ =	sdelay $0x3  }
0x3e4: {  	[tilespmem:s5+$0xFFFFFFE0] =	vst v17  }
0x3e5: {  	v17 =	vld.idx.msk [tilespmem:v19+s26+$0x0], $0xffff;
	v19 =	vadd.s32 v12, v16  }
0x3e6: {  	v19 =	vor.u32 v18, v19;
	_ =	sdelay $0x3  }
0x3e7: {  	[tilespmem:s5+$0xFFFFFFF0] =	vst v17  }
0x3e8: {  	v17 =	vld.idx.msk [tilespmem:v19+s26+$0x0], $0xffff;
	v19 =	vadd.s32 v13, v16  }
0x3e9: {  	v19 =	vor.u32 v18, v19;
	_ =	sdelay $0x3  }
0x3ea: {  	[tilespmem:s5+$0x0] =	vst v17  }
0x3eb: {  	v17 =	vld.idx.msk [tilespmem:v19+s26+$0x0], $0xffff;
	v19 =	vadd.s32 v14, v16  }
0x3ec: {  	v19 =	vor.u32 v18, v19;
	_ =	sdelay $0x3  }
0x3ed: {  	[tilespmem:s5+$0x10] =	vst v17  }
0x3ee: {  	v16 =	vadd.s32 v15, v16;
	v17 =	vld.idx.msk [tilespmem:v19+s26+$0x0], $0xffff  }
0x3ef: {  	v16 =	vor.u32 v18, v16;
	_ =	sdelay $0x1  }
0x3f0: {  	s20 =	simm.s32 $0x1  }
0x3f1: {  	s8 =	simm.s32 $0x2;
	v18 =	vmov s20  }
.LBB2_20:
0x3f2: {  	p0 =	sne.s32 s8, $0x3F;
	v19 =	vshll.u32 v18, $0x8;
	[tilespmem:s5+$0x20] =	vst v17  }
0x3f3: {  	v17 =	vshll.u32 v18, $0x7;
	v19 =	vand.u32 $0x3800, v19;
	v16 =	vld.idx.msk [tilespmem:v16+s26+$0x0], $0xffff  }
0x3f4: {  	v18 =	vand.u32 $0x380, v17;
	v17 =	vadd.s32 v8, v19  }
0x3f5: {  	v17 =	vor.u32 v18, v17;
	_ =	sdelay $0x3  }
0x3f6: {  	[tilespmem:s5+$0x30] =	vst v16  }
0x3f7: {  	v16 =	vld.idx.msk [tilespmem:v17+s26+$0x0], $0xffff  }
0x3f8: {  	v17 =	vadd.s32 v9, v19  }
0x3f9: {  	v17 =	vor.u32 v18, v17;
	_ =	sdelay $0x2  }
0x3fa: {  	s5 =	sadd.s32 $0x80, s5  }
0x3fb: {  	[tilespmem:s5+$0xFFFFFFC0] =	vst v16  }
0x3fc: {  	v16 =	vld.idx.msk [tilespmem:v17+s26+$0x0], $0xffff  }
0x3fd: {  	v17 =	vadd.s32 v10, v19  }
0x3fe: {  	v17 =	vor.u32 v18, v17;
	_ =	sdelay $0x3  }
0x3ff: {  	[tilespmem:s5+$0xFFFFFFD0] =	vst v16  }
0x400: {  	v16 =	vld.idx.msk [tilespmem:v17+s26+$0x0], $0xffff  }
0x401: {  	v17 =	vadd.s32 v11, v19  }
0x402: {  	v17 =	vor.u32 v18, v17;
	_ =	sdelay $0x3  }
0x403: {  	[tilespmem:s5+$0xFFFFFFE0] =	vst v16  }
0x404: {  	v16 =	vld.idx.msk [tilespmem:v17+s26+$0x0], $0xffff  }
0x405: {  	v17 =	vadd.s32 v12, v19  }
0x406: {  	v17 =	vor.u32 v18, v17;
	_ =	sdelay $0x3  }
0x407: {  	[tilespmem:s5+$0xFFFFFFF0] =	vst v16  }
0x408: {  	v16 =	vld.idx.msk [tilespmem:v17+s26+$0x0], $0xffff  }
0x409: {  	v17 =	vadd.s32 v13, v19  }
0x40a: {  	v17 =	vor.u32 v18, v17;
	_ =	sdelay $0x3  }
0x40b: {  	[tilespmem:s5+$0x0] =	vst v16  }
0x40c: {  	v16 =	vld.idx.msk [tilespmem:v17+s26+$0x0], $0xffff  }
0x40d: {  	v17 =	vadd.s32 v14, v19  }
0x40e: {  	v17 =	vor.u32 v18, v17;
	_ =	sdelay $0x3  }
0x40f: {  	[tilespmem:s5+$0x10] =	vst v16  }
0x410: {  	v17 =	vld.idx.msk [tilespmem:v17+s26+$0x0], $0xffff  }
.Ltmp9:
0x411: {  	v16 =	vadd.s32 v15, v19;
	(pc) =	sbr.rel @p0 .LBB2_20-.Ltmp9, $2  }
0x412: {  	v16 =	vor.u32 v18, v16;
	_ =	sdelay $0x2  }
0x413: {  	v18 =	vmov s8;
	s8 =	sadd.s32 $0x1, s8  }
0x414: {  	_ =	sdelay $0x1  }
0x415: {  	v19 =	vshll.u32 v18, $0x8  }
0x416: {  	[tilespmem:s5+$0x20] =	vst v17;
	v18 =	vshll.u32 v18, $0x7;
	v17 =	vand.u32 $0x3800, v19  }
0x417: {  	v16 =	vld.idx.msk [tilespmem:v16+s26+$0x0], $0xffff;
	v18 =	vand.u32 $0x380, v18;
	v19 =	vadd.s32 v8, v17  }
0x418: {  	v19 =	vor.u32 v18, v19;
	_ =	sdelay $0x3  }
0x419: {  	[tilespmem:s5+$0x30] =	vst v16  }
0x41a: {  	v16 =	vld.idx.msk [tilespmem:v19+s26+$0x0], $0xffff;
	v19 =	vadd.s32 v9, v17  }
0x41b: {  	v19 =	vor.u32 v18, v19;
	_ =	sdelay $0x2  }
0x41c: {  	s18 =	sadd.s32 $0x80, s5  }
0x41d: {  	[tilespmem:s18+$0xFFFFFFC0] =	vst v16  }
0x41e: {  	v16 =	vld.idx.msk [tilespmem:v19+s26+$0x0], $0xffff;
	v19 =	vadd.s32 v10, v17  }
0x41f: {  	v19 =	vor.u32 v18, v19;
	_ =	sdelay $0x3  }
0x420: {  	[tilespmem:s18+$0xFFFFFFD0] =	vst v16  }
0x421: {  	v16 =	vld.idx.msk [tilespmem:v19+s26+$0x0], $0xffff;
	v19 =	vadd.s32 v11, v17  }
0x422: {  	v19 =	vor.u32 v18, v19;
	_ =	sdelay $0x3  }
0x423: {  	[tilespmem:s18+$0xFFFFFFE0] =	vst v16  }
0x424: {  	v16 =	vld.idx.msk [tilespmem:v19+s26+$0x0], $0xffff;
	v19 =	vadd.s32 v12, v17  }
0x425: {  	v19 =	vor.u32 v18, v19;
	_ =	sdelay $0x3  }
0x426: {  	[tilespmem:s18+$0xFFFFFFF0] =	vst v16  }
0x427: {  	v16 =	vld.idx.msk [tilespmem:v19+s26+$0x0], $0xffff;
	v19 =	vadd.s32 v13, v17  }
0x428: {  	v19 =	vor.u32 v18, v19;
	_ =	sdelay $0x3  }
0x429: {  	[tilespmem:s18+$0x0] =	vst v16  }
0x42a: {  	v16 =	vld.idx.msk [tilespmem:v19+s26+$0x0], $0xffff;
	v19 =	vadd.s32 v14, v17  }
0x42b: {  	v19 =	vor.u32 v18, v19;
	_ =	sdelay $0x3  }
0x42c: {  	[tilespmem:s18+$0x10] =	vst v16  }
0x42d: {  	v17 =	vadd.s32 v15, v17;
	v16 =	vld.idx.msk [tilespmem:v19+s26+$0x0], $0xffff  }
0x42e: {  	v17 =	vor.u32 v18, v17;
	_ =	sdelay $0x3  }
0x42f: {  	[tilespmem:s18+$0x20] =	vst v16  }
0x430: {  	v16 =	vld.idx.msk [tilespmem:v17+s26+$0x0], $0xffff;
	_ =	sdelay $0x2  }
0x431: {  	s8 =	simm.s32 $0x0  }
0x432: {  	v17 =	vmov s8  }
0x433: {  	s19 =	rddreg [dreg:$0xf];
	[tilespmem:s18+$0x30] =	vst v16;
	v16 =	vshll.u32 v17, $0x8  }
0x434: {  	v17 =	vshll.u32 v17, $0x7;
	[hbm4b:s19+s8] =	stream.linear.scatter [tilespmem:s0], [sflag:$0x6], $0x2000, $0x38;
	v16 =	vand.u32 $0x3800, v16;
	[tilespmem:$0x18080] =	vst v63  }
0x435: {  	v18 =	vand.u32 $0x380, v17;
	_ =	swait.ge [sflag:s2], $0x4000;
	v17 =	vadd.s32 v8, v16  }
0x436: {  	[sflag:s2] =	ssyncset.done $0x0;
	v17 =	vor.u32 v18, v17  }
0x437: {  	[sflag:s2] =	ssyncadd.s32 $0xFFFFC000  }
0x438: {  	_ =	swait.ge [sflag:s13], $0x2000  }
0x439: {  	[sflag:s13] =	ssyncset.done $0x0  }
0x43a: {  	[sflag:s13] =	ssyncadd.s32 $0xFFFFE000  }
0x43b: {  	v19 =	vadd.s32 v9, v16;
	v17 =	vld.idx.msk [tilespmem:v17+s28+$0x0], $0xffff  }
0x43c: {  	v19 =	vor.u32 v18, v19;
	_ =	sdelay $0x2  }
0x43d: {  	s5 =	simm.s32 $0x140C0  }
0x43e: {  	[tilespmem:s5+$0xFFFFFFC0] =	vst v17  }
0x43f: {  	v17 =	vld.idx.msk [tilespmem:v19+s28+$0x0], $0xffff;
	v19 =	vadd.s32 v10, v16  }
0x440: {  	v19 =	vor.u32 v18, v19;
	_ =	sdelay $0x3  }
0x441: {  	[tilespmem:s5+$0xFFFFFFD0] =	vst v17  }
0x442: {  	v17 =	vld.idx.msk [tilespmem:v19+s28+$0x0], $0xffff;
	v19 =	vadd.s32 v11, v16  }
0x443: {  	v19 =	vor.u32 v18, v19;
	_ =	sdelay $0x3  }
0x444: {  	[tilespmem:s5+$0xFFFFFFE0] =	vst v17  }
0x445: {  	v17 =	vld.idx.msk [tilespmem:v19+s28+$0x0], $0xffff;
	v19 =	vadd.s32 v12, v16  }
0x446: {  	v19 =	vor.u32 v18, v19;
	_ =	sdelay $0x3  }
0x447: {  	[tilespmem:s5+$0xFFFFFFF0] =	vst v17  }
0x448: {  	v17 =	vld.idx.msk [tilespmem:v19+s28+$0x0], $0xffff;
	v19 =	vadd.s32 v13, v16  }
0x449: {  	v19 =	vor.u32 v18, v19;
	_ =	sdelay $0x3  }
0x44a: {  	[tilespmem:s5+$0x0] =	vst v17  }
0x44b: {  	v17 =	vld.idx.msk [tilespmem:v19+s28+$0x0], $0xffff;
	v19 =	vadd.s32 v14, v16  }
0x44c: {  	v19 =	vor.u32 v18, v19;
	_ =	sdelay $0x3  }
0x44d: {  	[tilespmem:s5+$0x10] =	vst v17  }
0x44e: {  	v16 =	vadd.s32 v15, v16;
	v17 =	vld.idx.msk [tilespmem:v19+s28+$0x0], $0xffff  }
0x44f: {  	v16 =	vor.u32 v18, v16;
	_ =	sdelay $0x1  }
0x450: {  	s20 =	simm.s32 $0x1  }
0x451: {  	s8 =	simm.s32 $0x2;
	v18 =	vmov s20  }
.LBB2_22:
0x452: {  	p0 =	sne.s32 s8, $0x3F;
	v19 =	vshll.u32 v18, $0x8;
	[tilespmem:s5+$0x20] =	vst v17  }
0x453: {  	v17 =	vshll.u32 v18, $0x7;
	v19 =	vand.u32 $0x3800, v19;
	v16 =	vld.idx.msk [tilespmem:v16+s28+$0x0], $0xffff  }
0x454: {  	v18 =	vand.u32 $0x380, v17;
	v17 =	vadd.s32 v8, v19  }
0x455: {  	v17 =	vor.u32 v18, v17;
	_ =	sdelay $0x3  }
0x456: {  	[tilespmem:s5+$0x30] =	vst v16  }
0x457: {  	v16 =	vld.idx.msk [tilespmem:v17+s28+$0x0], $0xffff  }
0x458: {  	v17 =	vadd.s32 v9, v19  }
0x459: {  	v17 =	vor.u32 v18, v17;
	_ =	sdelay $0x2  }
0x45a: {  	s5 =	sadd.s32 $0x80, s5  }
0x45b: {  	[tilespmem:s5+$0xFFFFFFC0] =	vst v16  }
0x45c: {  	v16 =	vld.idx.msk [tilespmem:v17+s28+$0x0], $0xffff  }
0x45d: {  	v17 =	vadd.s32 v10, v19  }
0x45e: {  	v17 =	vor.u32 v18, v17;
	_ =	sdelay $0x3  }
0x45f: {  	[tilespmem:s5+$0xFFFFFFD0] =	vst v16  }
0x460: {  	v16 =	vld.idx.msk [tilespmem:v17+s28+$0x0], $0xffff  }
0x461: {  	v17 =	vadd.s32 v11, v19  }
0x462: {  	v17 =	vor.u32 v18, v17;
	_ =	sdelay $0x3  }
0x463: {  	[tilespmem:s5+$0xFFFFFFE0] =	vst v16  }
0x464: {  	v16 =	vld.idx.msk [tilespmem:v17+s28+$0x0], $0xffff  }
0x465: {  	v17 =	vadd.s32 v12, v19  }
0x466: {  	v17 =	vor.u32 v18, v17;
	_ =	sdelay $0x3  }
0x467: {  	[tilespmem:s5+$0xFFFFFFF0] =	vst v16  }
0x468: {  	v16 =	vld.idx.msk [tilespmem:v17+s28+$0x0], $0xffff  }
0x469: {  	v17 =	vadd.s32 v13, v19  }
0x46a: {  	v17 =	vor.u32 v18, v17;
	_ =	sdelay $0x3  }
0x46b: {  	[tilespmem:s5+$0x0] =	vst v16  }
0x46c: {  	v16 =	vld.idx.msk [tilespmem:v17+s28+$0x0], $0xffff  }
0x46d: {  	v17 =	vadd.s32 v14, v19  }
0x46e: {  	v17 =	vor.u32 v18, v17;
	_ =	sdelay $0x3  }
0x46f: {  	[tilespmem:s5+$0x10] =	vst v16  }
0x470: {  	v17 =	vld.idx.msk [tilespmem:v17+s28+$0x0], $0xffff  }
.Ltmp10:
0x471: {  	v16 =	vadd.s32 v15, v19;
	(pc) =	sbr.rel @p0 .LBB2_22-.Ltmp10, $2  }
0x472: {  	v16 =	vor.u32 v18, v16;
	_ =	sdelay $0x2  }
0x473: {  	v18 =	vmov s8;
	s8 =	sadd.s32 $0x1, s8  }
0x474: {  	_ =	sdelay $0x1  }
0x475: {  	v19 =	vshll.u32 v18, $0x8  }
0x476: {  	[tilespmem:s5+$0x20] =	vst v17;
	v18 =	vshll.u32 v18, $0x7;
	v17 =	vand.u32 $0x3800, v19  }
0x477: {  	v16 =	vld.idx.msk [tilespmem:v16+s28+$0x0], $0xffff;
	v18 =	vand.u32 $0x380, v18;
	v19 =	vadd.s32 v8, v17  }
0x478: {  	v19 =	vor.u32 v18, v19;
	_ =	sdelay $0x3  }
0x479: {  	[tilespmem:s5+$0x30] =	vst v16  }
0x47a: {  	v16 =	vld.idx.msk [tilespmem:v19+s28+$0x0], $0xffff;
	v19 =	vadd.s32 v9, v17  }
0x47b: {  	v19 =	vor.u32 v18, v19;
	_ =	sdelay $0x2  }
0x47c: {  	s18 =	sadd.s32 $0x80, s5  }
0x47d: {  	[tilespmem:s18+$0xFFFFFFC0] =	vst v16  }
0x47e: {  	v16 =	vld.idx.msk [tilespmem:v19+s28+$0x0], $0xffff;
	v19 =	vadd.s32 v10, v17  }
0x47f: {  	v19 =	vor.u32 v18, v19;
	_ =	sdelay $0x3  }
0x480: {  	[tilespmem:s18+$0xFFFFFFD0] =	vst v16  }
0x481: {  	v16 =	vld.idx.msk [tilespmem:v19+s28+$0x0], $0xffff;
	v19 =	vadd.s32 v11, v17  }
0x482: {  	v19 =	vor.u32 v18, v19;
	_ =	sdelay $0x3  }
0x483: {  	[tilespmem:s18+$0xFFFFFFE0] =	vst v16  }
0x484: {  	v16 =	vld.idx.msk [tilespmem:v19+s28+$0x0], $0xffff;
	v19 =	vadd.s32 v12, v17  }
0x485: {  	v19 =	vor.u32 v18, v19;
	_ =	sdelay $0x3  }
0x486: {  	[tilespmem:s18+$0xFFFFFFF0] =	vst v16  }
0x487: {  	v16 =	vld.idx.msk [tilespmem:v19+s28+$0x0], $0xffff;
	v19 =	vadd.s32 v13, v17  }
0x488: {  	v19 =	vor.u32 v18, v19;
	_ =	sdelay $0x3  }
0x489: {  	[tilespmem:s18+$0x0] =	vst v16  }
0x48a: {  	v16 =	vld.idx.msk [tilespmem:v19+s28+$0x0], $0xffff;
	v19 =	vadd.s32 v14, v17  }
0x48b: {  	v19 =	vor.u32 v18, v19;
	_ =	sdelay $0x3  }
0x48c: {  	[tilespmem:s18+$0x10] =	vst v16  }
0x48d: {  	v17 =	vadd.s32 v15, v17;
	v16 =	vld.idx.msk [tilespmem:v19+s28+$0x0], $0xffff  }
0x48e: {  	v17 =	vor.u32 v18, v17;
	_ =	sdelay $0x3  }
0x48f: {  	[tilespmem:s18+$0x20] =	vst v16  }
0x490: {  	v16 =	vld.idx.msk [tilespmem:v17+s28+$0x0], $0xffff;
	_ =	sdelay $0x2  }
0x491: {  	s8 =	simm.s32 $0x0  }
0x492: {  	v17 =	vmov s8  }
0x493: {  	s19 =	rddreg [dreg:$0x10];
	[tilespmem:s18+$0x30] =	vst v16;
	v16 =	vshll.u32 v17, $0x8  }
0x494: {  	v17 =	vshll.u32 v17, $0x7;
	[hbm4b:s19+s8] =	stream.linear.scatter [tilespmem:s4], [sflag:$0x7], $0x2000, $0x38;
	v16 =	vand.u32 $0x3800, v16;
	[tilespmem:$0x18080] =	vst v63  }
0x495: {  	v18 =	vand.u32 $0x380, v17;
	_ =	swait.ge [sflag:s9], $0x4000;
	v17 =	vadd.s32 v8, v16  }
0x496: {  	[sflag:s9] =	ssyncset.done $0x0;
	v17 =	vor.u32 v18, v17  }
0x497: {  	[sflag:s9] =	ssyncadd.s32 $0xFFFFC000  }
0x498: {  	_ =	swait.ge [sflag:s14], $0x2000  }
0x499: {  	[sflag:s14] =	ssyncset.done $0x0  }
0x49a: {  	[sflag:s14] =	ssyncadd.s32 $0xFFFFE000  }
0x49b: {  	v19 =	vadd.s32 v9, v16;
	v17 =	vld.idx.msk [tilespmem:v17+s29+$0x0], $0xffff  }
0x49c: {  	v19 =	vor.u32 v18, v19;
	_ =	sdelay $0x2  }
0x49d: {  	s5 =	simm.s32 $0x160C0  }
0x49e: {  	[tilespmem:s5+$0xFFFFFFC0] =	vst v17  }
0x49f: {  	v17 =	vld.idx.msk [tilespmem:v19+s29+$0x0], $0xffff;
	v19 =	vadd.s32 v10, v16  }
0x4a0: {  	v19 =	vor.u32 v18, v19;
	_ =	sdelay $0x3  }
0x4a1: {  	[tilespmem:s5+$0xFFFFFFD0] =	vst v17  }
0x4a2: {  	v17 =	vld.idx.msk [tilespmem:v19+s29+$0x0], $0xffff;
	v19 =	vadd.s32 v11, v16  }
0x4a3: {  	v19 =	vor.u32 v18, v19;
	_ =	sdelay $0x3  }
0x4a4: {  	[tilespmem:s5+$0xFFFFFFE0] =	vst v17  }
0x4a5: {  	v17 =	vld.idx.msk [tilespmem:v19+s29+$0x0], $0xffff;
	v19 =	vadd.s32 v12, v16  }
0x4a6: {  	v19 =	vor.u32 v18, v19;
	_ =	sdelay $0x3  }
0x4a7: {  	[tilespmem:s5+$0xFFFFFFF0] =	vst v17  }
0x4a8: {  	v17 =	vld.idx.msk [tilespmem:v19+s29+$0x0], $0xffff;
	v19 =	vadd.s32 v13, v16  }
0x4a9: {  	v19 =	vor.u32 v18, v19;
	_ =	sdelay $0x3  }
0x4aa: {  	[tilespmem:s5+$0x0] =	vst v17  }
0x4ab: {  	v17 =	vld.idx.msk [tilespmem:v19+s29+$0x0], $0xffff;
	v19 =	vadd.s32 v14, v16  }
0x4ac: {  	v19 =	vor.u32 v18, v19;
	_ =	sdelay $0x3  }
0x4ad: {  	[tilespmem:s5+$0x10] =	vst v17  }
0x4ae: {  	v16 =	vadd.s32 v15, v16;
	v17 =	vld.idx.msk [tilespmem:v19+s29+$0x0], $0xffff  }
0x4af: {  	v16 =	vor.u32 v18, v16;
	_ =	sdelay $0x1  }
0x4b0: {  	s20 =	simm.s32 $0x1  }
0x4b1: {  	s8 =	simm.s32 $0x2;
	v18 =	vmov s20  }
.LBB2_24:
0x4b2: {  	p0 =	sne.s32 s8, $0x3F;
	v19 =	vshll.u32 v18, $0x8;
	[tilespmem:s5+$0x20] =	vst v17  }
0x4b3: {  	v17 =	vshll.u32 v18, $0x7;
	v19 =	vand.u32 $0x3800, v19;
	v16 =	vld.idx.msk [tilespmem:v16+s29+$0x0], $0xffff  }
0x4b4: {  	v18 =	vand.u32 $0x380, v17;
	v17 =	vadd.s32 v8, v19  }
0x4b5: {  	v17 =	vor.u32 v18, v17;
	_ =	sdelay $0x3  }
0x4b6: {  	[tilespmem:s5+$0x30] =	vst v16  }
0x4b7: {  	v16 =	vld.idx.msk [tilespmem:v17+s29+$0x0], $0xffff  }
0x4b8: {  	v17 =	vadd.s32 v9, v19  }
0x4b9: {  	v17 =	vor.u32 v18, v17;
	_ =	sdelay $0x2  }
0x4ba: {  	s5 =	sadd.s32 $0x80, s5  }
0x4bb: {  	[tilespmem:s5+$0xFFFFFFC0] =	vst v16  }
0x4bc: {  	v16 =	vld.idx.msk [tilespmem:v17+s29+$0x0], $0xffff  }
0x4bd: {  	v17 =	vadd.s32 v10, v19  }
0x4be: {  	v17 =	vor.u32 v18, v17;
	_ =	sdelay $0x3  }
0x4bf: {  	[tilespmem:s5+$0xFFFFFFD0] =	vst v16  }
0x4c0: {  	v16 =	vld.idx.msk [tilespmem:v17+s29+$0x0], $0xffff  }
0x4c1: {  	v17 =	vadd.s32 v11, v19  }
0x4c2: {  	v17 =	vor.u32 v18, v17;
	_ =	sdelay $0x3  }
0x4c3: {  	[tilespmem:s5+$0xFFFFFFE0] =	vst v16  }
0x4c4: {  	v16 =	vld.idx.msk [tilespmem:v17+s29+$0x0], $0xffff  }
0x4c5: {  	v17 =	vadd.s32 v12, v19  }
0x4c6: {  	v17 =	vor.u32 v18, v17;
	_ =	sdelay $0x3  }
0x4c7: {  	[tilespmem:s5+$0xFFFFFFF0] =	vst v16  }
0x4c8: {  	v16 =	vld.idx.msk [tilespmem:v17+s29+$0x0], $0xffff  }
0x4c9: {  	v17 =	vadd.s32 v13, v19  }
0x4ca: {  	v17 =	vor.u32 v18, v17;
	_ =	sdelay $0x3  }
0x4cb: {  	[tilespmem:s5+$0x0] =	vst v16  }
0x4cc: {  	v16 =	vld.idx.msk [tilespmem:v17+s29+$0x0], $0xffff  }
0x4cd: {  	v17 =	vadd.s32 v14, v19  }
0x4ce: {  	v17 =	vor.u32 v18, v17;
	_ =	sdelay $0x3  }
0x4cf: {  	[tilespmem:s5+$0x10] =	vst v16  }
0x4d0: {  	v17 =	vld.idx.msk [tilespmem:v17+s29+$0x0], $0xffff  }
.Ltmp11:
0x4d1: {  	v16 =	vadd.s32 v15, v19;
	(pc) =	sbr.rel @p0 .LBB2_24-.Ltmp11, $2  }
0x4d2: {  	v16 =	vor.u32 v18, v16;
	_ =	sdelay $0x2  }
0x4d3: {  	v18 =	vmov s8;
	s8 =	sadd.s32 $0x1, s8  }
0x4d4: {  	_ =	sdelay $0x1  }
0x4d5: {  	v19 =	vshll.u32 v18, $0x8  }
0x4d6: {  	[tilespmem:s5+$0x20] =	vst v17;
	v57 =	vshll.u32 v18, $0x7;
	v56 =	vand.u32 $0x3800, v19  }
0x4d7: {  	v16 =	vld.idx.msk [tilespmem:v16+s29+$0x0], $0xffff;
	v18 =	vand.u32 $0x380, v57;
	v8 =	vadd.s32 v8, v56  }
0x4d8: {  	v8 =	vor.u32 v18, v8;
	_ =	sdelay $0x3  }
0x4d9: {  	[tilespmem:s5+$0x30] =	vst v16  }
0x4da: {  	v9 =	vadd.s32 v9, v56;
	v8 =	vld.idx.msk [tilespmem:v8+s29+$0x0], $0xffff  }
0x4db: {  	v9 =	vor.u32 v18, v9;
	_ =	sdelay $0x2  }
0x4dc: {  	s18 =	sadd.s32 $0x80, s5  }
0x4dd: {  	[tilespmem:s18+$0xFFFFFFC0] =	vst v8  }
0x4de: {  	v58 =	vadd.s32 v10, v56;
	v8 =	vld.idx.msk [tilespmem:v9+s29+$0x0], $0xffff  }
0x4df: {  	v9 =	vor.u32 v18, v58;
	_ =	sdelay $0x3  }
0x4e0: {  	[tilespmem:s18+$0xFFFFFFD0] =	vst v8  }
0x4e1: {  	v59 =	vadd.s32 v11, v56;
	v8 =	vld.idx.msk [tilespmem:v9+s29+$0x0], $0xffff  }
0x4e2: {  	v9 =	vor.u32 v18, v59;
	_ =	sdelay $0x3  }
0x4e3: {  	[tilespmem:s18+$0xFFFFFFE0] =	vst v8  }
0x4e4: {  	v60 =	vadd.s32 v12, v56;
	v8 =	vld.idx.msk [tilespmem:v9+s29+$0x0], $0xffff  }
0x4e5: {  	v9 =	vor.u32 v18, v60;
	_ =	sdelay $0x3  }
0x4e6: {  	[tilespmem:s18+$0xFFFFFFF0] =	vst v8  }
0x4e7: {  	v61 =	vadd.s32 v13, v56;
	v8 =	vld.idx.msk [tilespmem:v9+s29+$0x0], $0xffff  }
0x4e8: {  	v9 =	vor.u32 v18, v61;
	_ =	sdelay $0x3  }
0x4e9: {  	[tilespmem:s18+$0x0] =	vst v8  }
0x4ea: {  	v62 =	vadd.s32 v14, v56;
	v8 =	vld.idx.msk [tilespmem:v9+s29+$0x0], $0xffff  }
0x4eb: {  	v9 =	vor.u32 v18, v62;
	_ =	sdelay $0x3  }
0x4ec: {  	[tilespmem:s18+$0x10] =	vst v8  }
0x4ed: {  	v63 =	vadd.s32 v15, v56;
	v8 =	vld.idx.msk [tilespmem:v9+s29+$0x0], $0xffff  }
0x4ee: {  	v9 =	vor.u32 v18, v63;
	_ =	sdelay $0x3  }
0x4ef: {  	[tilespmem:s18+$0x20] =	vst v8  }
0x4f0: {  	v8 =	vld.idx.msk [tilespmem:v9+s29+$0x0], $0xffff;
	_ =	sdelay $0x4  }
0x4f1: {  	s19 =	rddreg [dreg:$0x11];
	[tilespmem:s18+$0x30] =	vst v8  }
0x4f2: {  	[hbm4b:s19+s3] =	stream.linear.scatter [tilespmem:s10], [sflag:$0x8], $0x2000, $0x38;
	[tilespmem:$0x18080] =	vst v63  }
0x4f3: {  	_ =	swait.ge [sflag:s11], $0x2000  }
0x4f4: {  	[sflag:s11] =	ssyncset.done $0x0  }
0x4f5: {  	[sflag:s11] =	ssyncadd.s32 $0xFFFFE000  }
0x4f6: {  	_ =	swait.ge [sflag:s12], $0x2000  }
0x4f7: {  	[sflag:s12] =	ssyncset.done $0x0  }
0x4f8: {  	[sflag:s12] =	ssyncadd.s32 $0xFFFFE000  }
0x4f9: {  	_ =	swait.ge [sflag:s13], $0x2000  }
0x4fa: {  	[sflag:s13] =	ssyncset.done $0x0  }
0x4fb: {  	[sflag:s13] =	ssyncadd.s32 $0xFFFFE000  }
0x4fc: {  	_ =	swait.ge [sflag:s14], $0x2000  }
0x4fd: {  	s15 =	sadd.s32 $0x1, s15;
	s20 =	rddreg [dreg:$0x12]  }
0x4fe: {  	p0 =	sne.s32 s15, s20  }
.Ltmp12:
0x4ff: {  	_ = 	snop;
	(pc) =	sbr.rel @p0 .LBB2_1-.Ltmp12, $3  }
0x500: {  	_ =	sdelay $0x1  }
0x501: {  	[sflag:s14] =	ssyncset.done $0x0  }
0x502: {  	[sflag:s14] =	ssyncadd.s32 $0xFFFFE000  }
0x503: {  	_ =	sfence.sel $0x180000  }
0x504: {  	[bflag:$0x0] =	sbarrier.arrive $0xFFFF  }
0x505: {  	_ =	strace $0x90000047  }
0x506: {  	s0 =	stileid.u32;
	[bflag:$0x2] =	sbarrier.arrive $0xFFFF  }
0x507: {  	p0 =	sne.s32 s0, $0x0;
	s0 =	rddreg [dreg:$0x3]  }
0x508: {  	s0 =	sadd.s32 @!p0 $0x100000, s0  }
0x509: {  	[sflag:s0] =	ssyncadd.tile.s32 @!p0 $0x1;
	_ =	shalt  }
.Lfunc_end2:
_tile_overlayer_lowered:
.L_overlay_start_2:
0x50a: {  	(tag) =	ssettag $0x2  }
0x50b: {  	s0 =	rddreg [dreg:$0x0];
	s2 =	stileid.u32  }
0x50c: {  	s1 =	rddreg [dreg:$0x1];
	p0 =	sne.s32 s2, $0x0  }
0x50d: {  	s3 =	rddreg [dreg:$0x2];
	[bflag:$0x3] =	sbarrier.arrive $0xFFFF;
	s2 =	simm.s32 @!p0 $0x1C09  }
0x50e: {  	[timem:s3], [sflag:s2] =	dma.local @!p0 [hbm:s0], s1  }
0x50f: {  	s0 =	simm.s32 @!p0 $0x9  }
0x510: {  	_ =	swait.ge @!p0 [sflag:s0], s1  }
0x511: {  	s1 =	ssub.s32 @!p0 $0x0, s1;
	[sflag:s0] =	ssyncset.done @!p0 $0x0  }
0x512: {  	[sflag:s0] =	ssyncadd.s32 @!p0 s1  }
0x513: {  	[bflag:$0x3] =	sbarrier.arrive $0xFFFF  }
0x514: {  	_ =	shalt  }

</sc_bundles>
